<compile_context>
chip_gen: v7x
topology: tpu7x:2x2x1
jax: 0.10.2.dev20260603
libtpu: 0.0.44.dev20260713+nightly
codegen_flags: <defaults>
</compile_context>

<pallas_src>
import functools

import jax
import jax.numpy as jnp
from jax import lax
from jax.experimental import pallas as pl
from jax.experimental.pallas import tpu as pltpu
from jax.experimental.pallas import tpu_sc as plsc

UNITS = 4096
INPUT_DIM = 4096
BATCH = 128
CONN = 167772

NC = 2
NS = 16
LANES = 16
G = 128
NCH = 42
CONN_PER_TEC = NCH * G
C_PAD = NC * NS * CONN_PER_TEC
ROWS_PER_TEC = UNITS // NS

_GATHER_DN = lax.GatherDimensionNumbers(
    offset_dims=(), collapsed_slice_dims=(0,), start_index_map=(0,)
)


def _vbroadcast(vec, k):
  idx = jnp.full((LANES, 1), k, jnp.int32)
  return lax.gather(
      vec, idx, _GATHER_DN, slice_sizes=(1,),
      mode=lax.GatherScatterMode.PROMISE_IN_BOUNDS,
  )


def _sc_spmm(xT, w_p, rows_p, cols_p):
  mesh = plsc.VectorSubcoreMesh(
      core_axis_name="c", subcore_axis_name="s", num_cores=NC, num_subcores=NS
  )

  @functools.partial(
      pl.kernel,
      mesh=mesh,
      out_type=jax.ShapeDtypeStruct((NC * UNITS, BATCH), jnp.float32),
      scratch_types=[
          pltpu.VMEM((G,), jnp.int32),
          pltpu.VMEM((G,), jnp.int32),
          pltpu.VMEM((G,), jnp.int32),
          pltpu.VMEM((G,), jnp.int32),
          pltpu.VMEM((G,), jnp.int32),
          pltpu.VMEM((G,), jnp.int32),
          pltpu.VMEM((G,), jnp.float32),
          pltpu.VMEM((G,), jnp.float32),
          pltpu.VMEM((G,), jnp.float32),
          pltpu.VMEM((G, BATCH), jnp.float32),
          pltpu.VMEM((G, BATCH), jnp.float32),
          pltpu.VMEM((G, BATCH), jnp.float32),
          pltpu.VMEM_SHARED((UNITS, BATCH), jnp.float32),
          pltpu.SemaphoreType.DMA,
          pltpu.SemaphoreType.DMA,
          pltpu.SemaphoreType.DMA,
          pltpu.SemaphoreType.DMA,
          pltpu.SemaphoreType.DMA,
          pltpu.SemaphoreType.DMA,
          pltpu.SemaphoreType.DMA,
          pltpu.SemaphoreType.DMA,
          pltpu.SemaphoreType.DMA,
          pltpu.SemaphoreType.DMA,
          pltpu.SemaphoreType.DMA,
          pltpu.SemaphoreType.DMA,
      ],
  )
  def k(xT_hbm, w_hbm, rows_hbm, cols_hbm, out_hbm,
        rb0, rb1, rb2, cb0, cb1, cb2, wb0, wb1, wb2, xb0, xb1, xb2,
        acc,
        semr0, semr1, semr2, semcw0, semcw1, semcw2,
        semg0, semg1, semg2, sems0, sems1, sems2):
    cid = lax.axis_index("c")
    sid = lax.axis_index("s")
    rb = (rb0, rb1, rb2)
    cb = (cb0, cb1, cb2)
    wb = (wb0, wb1, wb2)
    xb = (xb0, xb1, xb2)
    semr = (semr0, semr1, semr2)
    semcw = (semcw0, semcw1, semcw2)
    semg = (semg0, semg1, semg2)
    sems = (sems0, sems1, sems2)

    base = (cid * NS + sid) * CONN_PER_TEC

    def rows_start(i, b):
      pltpu.async_copy(rows_hbm.at[pl.ds(base + i * G, G)], rb[b], semr[b])

    def rows_wait(i, b):
      pltpu.make_async_copy(
          rows_hbm.at[pl.ds(base + i * G, G)], rb[b], semr[b]
      ).wait()

    def cw_start(i, b):
      pltpu.async_copy(cols_hbm.at[pl.ds(base + i * G, G)], cb[b], semcw[b])
      pltpu.async_copy(w_hbm.at[pl.ds(base + i * G, G)], wb[b], semcw[b])

    def cw_wait(i, b):
      pltpu.make_async_copy(
          cols_hbm.at[pl.ds(base + i * G, G)], cb[b], semcw[b]
      ).wait()
      pltpu.make_async_copy(
          w_hbm.at[pl.ds(base + i * G, G)], wb[b], semcw[b]
      ).wait()

    def gather_start(i, b):
      pltpu.async_copy(xT_hbm.at[rb[b]], xb[b], semg[b])

    def gather_wait(i, b):
      pltpu.make_async_copy(xT_hbm.at[rb[b]], xb[b], semg[b]).wait()

    def scatter_start(i, b):
      pltpu.async_copy(xb[b], acc.at[cb[b]], sems[b], add=True)

    def scatter_wait(i, b):
      pltpu.make_async_copy(xb[b], acc.at[cb[b]], sems[b]).wait()

    rows_start(0, 0)
    cw_start(0, 0)

    zero16 = jnp.zeros((LANES,), jnp.float32)

    def zrow(i, carry):
      for t in range(BATCH // LANES):
        xb1[i, pl.ds(t * LANES, LANES)] = zero16
      return carry

    lax.fori_loop(0, G, zrow, 0)
    rows_wait(0, 0)
    gather_start(0, 0)
    rows_start(1, 1)
    for q in range(ROWS_PER_TEC // G):
      pltpu.sync_copy(
          xb1, acc.at[pl.ds(sid * ROWS_PER_TEC + q * G, G)]
      )
    plsc.subcore_barrier()

    def chunk(i, m):
      m1 = (m + 1) % 3
      m2 = (m + 2) % 3
      with jax.named_scope("gwait"):
        gather_wait(i, m)

      with jax.named_scope("starts"):
        @pl.when(i >= 2)
        def _():
          scatter_wait(i - 2, m1)

        @pl.when(i + 1 < NCH)
        def _():
          rows_wait(i + 1, m1)
          gather_start(i + 1, m1)
          cw_start(i + 1, m1)

        @pl.when(i + 2 < NCH)
        def _():
          rows_start(i + 2, m2)

        cw_wait(i, m)
      xbuf = xb[m]
      wbuf = wb[m]

      def scale(g, c2):
        j0 = g * LANES
        wrow = wbuf[pl.ds(j0, LANES)]
        for kk in range(LANES):
          row = j0 + kk
          wk = _vbroadcast(wrow, kk)
          for t in range(BATCH // LANES):
            sl = pl.ds(t * LANES, LANES)
            xbuf[row, sl] = xbuf[row, sl] * wk
        return c2

      with jax.named_scope("scale"):
        lax.fori_loop(0, G // LANES, scale, 0)
      with jax.named_scope("scatter"):
        scatter_start(i, m)

    def triple(i3, carry):
      for u in range(3):
        chunk(i3 * 3 + u, u)
      return carry

    lax.fori_loop(0, NCH // 3, triple, 0)
    scatter_wait(NCH - 2, (NCH - 2) % 3)
    scatter_wait(NCH - 1, (NCH - 1) % 3)

    plsc.subcore_barrier()
    pltpu.sync_copy(
        acc.at[pl.ds(sid * ROWS_PER_TEC, ROWS_PER_TEC)],
        out_hbm.at[pl.ds(cid * UNITS + sid * ROWS_PER_TEC, ROWS_PER_TEC)],
    )

  return k(xT, w_p, rows_p, cols_p)


_UBLK = 512


def _combine_body(eye_ref, p_ref, b_ref, o_ref):
  p = p_ref[0].astype(jnp.float32) + p_ref[1].astype(jnp.float32)
  t = lax.dot_general(
      eye_ref[...], p, (((1,), (1,)), ((), ())),
      preferred_element_type=jnp.float32,
  )
  o_ref[...] = t + b_ref[...]


def _combine(partials, bias):
  eye = jnp.eye(BATCH, dtype=jnp.float32)
  return pl.pallas_call(
      _combine_body,
      grid=(UNITS // _UBLK,),
      in_specs=[
          pl.BlockSpec((BATCH, BATCH), lambda i: (0, 0)),
          pl.BlockSpec((NC, _UBLK, BATCH), lambda i: (0, i, 0)),
          pl.BlockSpec((1, _UBLK), lambda i: (0, i)),
      ],
      out_specs=pl.BlockSpec((BATCH, _UBLK), lambda i: (0, i)),
      out_shape=jax.ShapeDtypeStruct((BATCH, UNITS), jnp.float32),
  )(eye, partials, bias.reshape(1, UNITS))


def kernel(inputs, kernel_weights, rows, cols, bias):
  pad = C_PAD - CONN
  pad_idx = jnp.arange(CONN, C_PAD, dtype=jnp.int32)
  xT = inputs.T
  w_p = jnp.pad(kernel_weights, (0, pad))
  rows_p = jnp.concatenate([rows, pad_idx % INPUT_DIM])
  cols_p = jnp.concatenate([cols, pad_idx % UNITS])
  partials = _sc_spmm(xT, w_p, rows_p, cols_p)
  return _combine(partials.reshape(NC, UNITS, BATCH), bias)

# --- scband reference (transcript-rebuilt; emitter-appended) ---
"""Pipeline reference for scband-rewire-layer-base-52089363366056 (READ-ONLY COPY).

The authoritative reference and input builder live on the scoring server;
editing this copy changes nothing except your own understanding.
"""

import jax, jax.numpy as jnp
import numpy as np

UNITS = 4096
INPUT_DIM = 4096
SPARSITY = 0.99
CONNECTIONS = int(UNITS * INPUT_DIM * (1.0 - SPARSITY))  # 167772
BATCH = 128


def setup_inputs(seed: int = 0) -> dict:
    key = jax.random.key(seed)
    k1, k2, k3, k4 = jax.random.split(key, 4)
    inputs = jax.random.normal(k1, (BATCH, INPUT_DIM), dtype=jnp.float32)
    # glorot_uniform init for the sparse kernel weight values
    limit = float(np.sqrt(6.0 / (INPUT_DIM + UNITS)))
    kernel_weights = jax.random.uniform(
        k2, (CONNECTIONS,), minval=-limit, maxval=limit, dtype=jnp.float32
    )
    # COO connection indices: (row in input_dim, col in units)
    rows = jax.random.randint(k3, (CONNECTIONS,), 0, INPUT_DIM, dtype=jnp.int32)
    cols = jax.random.randint(k4, (CONNECTIONS,), 0, UNITS, dtype=jnp.int32)
    bias = jnp.zeros((UNITS,), dtype=jnp.float32)
    return {
        "inputs": inputs,
        "kernel_weights": kernel_weights,
        "rows": rows,
        "cols": cols,
        "bias": bias,
    }


def reference(inputs, kernel_weights, rows, cols, bias):
    # Faithful sparse matmul: y[b, u] = sum_{c : cols[c]==u} x[b, rows[c]] * w[c]
    # (the concrete realization of RewireLayerBase._sparse_matmul with a COO kernel)
    contrib = inputs[:, rows] * kernel_weights[None, :]  # gather: [B, C]
    out = jnp.zeros((inputs.shape[0], UNITS), dtype=inputs.dtype)
    out = out.at[:, cols].add(contrib)  # scatter-add over connections
    out = out + bias[None, :]  # tf.nn.bias_add
    return out

if __name__ == "__main__":
    import jax
    _d = setup_inputs()
    print(jax.jit(kernel)(*tuple(_d.values())))

</pallas_src>

<mosaic_0001>
#map = affine_map<(d0, d1) -> (0, 0)>
#map1 = affine_map<(d0, d1) -> (0)>
module attributes {stable_mosaic.version = 14 : i64} {
  func.func @k(%arg0: i32, %arg1: i32, %arg2: memref<4096x128xf32, #tpu.memory_space<hbm>>, %arg3: memref<172032xf32, #tpu.memory_space<hbm>>, %arg4: memref<172032xi32, #tpu.memory_space<hbm>>, %arg5: memref<172032xi32, #tpu.memory_space<hbm>>, %arg6: memref<8192x128xf32, #tpu.memory_space<hbm>>, %arg7: memref<128xi32, #tpu.memory_space<vmem>>, %arg8: memref<128xi32, #tpu.memory_space<vmem>>, %arg9: memref<128xi32, #tpu.memory_space<vmem>>, %arg10: memref<128xi32, #tpu.memory_space<vmem>>, %arg11: memref<128xi32, #tpu.memory_space<vmem>>, %arg12: memref<128xi32, #tpu.memory_space<vmem>>, %arg13: memref<128xf32, #tpu.memory_space<vmem>>, %arg14: memref<128xf32, #tpu.memory_space<vmem>>, %arg15: memref<128xf32, #tpu.memory_space<vmem>>, %arg16: memref<128x128xf32, #tpu.memory_space<vmem>>, %arg17: memref<128x128xf32, #tpu.memory_space<vmem>>, %arg18: memref<128x128xf32, #tpu.memory_space<vmem>>, %arg19: memref<4096x128xf32, #tpu.memory_space<vmem_shared>>, %arg20: memref<!tpu.dma_semaphore, #tpu.memory_space<semaphore_mem>>, %arg21: memref<!tpu.dma_semaphore, #tpu.memory_space<semaphore_mem>>, %arg22: memref<!tpu.dma_semaphore, #tpu.memory_space<semaphore_mem>>, %arg23: memref<!tpu.dma_semaphore, #tpu.memory_space<semaphore_mem>>, %arg24: memref<!tpu.dma_semaphore, #tpu.memory_space<semaphore_mem>>, %arg25: memref<!tpu.dma_semaphore, #tpu.memory_space<semaphore_mem>>, %arg26: memref<!tpu.dma_semaphore, #tpu.memory_space<semaphore_mem>>, %arg27: memref<!tpu.dma_semaphore, #tpu.memory_space<semaphore_mem>>, %arg28: memref<!tpu.dma_semaphore, #tpu.memory_space<semaphore_mem>>, %arg29: memref<!tpu.dma_semaphore, #tpu.memory_space<semaphore_mem>>, %arg30: memref<!tpu.dma_semaphore, #tpu.memory_space<semaphore_mem>>, %arg31: memref<!tpu.dma_semaphore, #tpu.memory_space<semaphore_mem>>) attributes {dimension_semantics = [#tpu.dimension_semantics<core_parallel>, #tpu.dimension_semantics<subcore_parallel>], iteration_bounds = array<i64: 2, 16>, scalar_prefetch = 0 : i64, scratch_operands = 25 : i64, tpu.core_type = #tpu.core_type<sc_vector_subcore>, window_params = [{transform_indices = #map}, {transform_indices = #map1}, {transform_indices = #map1}, {transform_indices = #map1}, {transform_indices = #map}]} {
    %mul3A = arith.constant 16 : i32
    %mul3A_0 = arith.muli %arg0, %mul3A : i32
    %add3A = arith.addi %mul3A_0, %arg1 : i32
    %mul3A_1 = arith.constant 5376 : i32
    %mul3A_2 = arith.muli %add3A, %mul3A_1 : i32
    %add3A_3 = arith.constant 0 : i32
    %add3A_4 = arith.addi %mul3A_2, %add3A_3 : i32
    %dma_start3A = tpu.memref_slice %arg4[%add3A_4] : memref<172032xi32, #tpu.memory_space<hbm>> -> memref<128xi32, #tpu.memory_space<hbm>>
    %dma_start3A_5 = tpu.memref_slice %arg4[%add3A_4] : memref<172032xi32, #tpu.memory_space<hbm>> -> memref<128xi32, #tpu.memory_space<hbm>>
    tpu.enqueue_dma source(%dma_start3A_5 : memref<128xi32, #tpu.memory_space<hbm>>) target(%arg7 : memref<128xi32, #tpu.memory_space<vmem>>) target_semaphore(%arg20 : memref<!tpu.dma_semaphore, #tpu.memory_space<semaphore_mem>>)
    %add3A_6 = arith.constant 0 : i32
    %add3A_7 = arith.addi %mul3A_2, %add3A_6 : i32
    %dma_start3A_8 = tpu.memref_slice %arg5[%add3A_7] : memref<172032xi32, #tpu.memory_space<hbm>> -> memref<128xi32, #tpu.memory_space<hbm>>
    %dma_start3A_9 = tpu.memref_slice %arg5[%add3A_7] : memref<172032xi32, #tpu.memory_space<hbm>> -> memref<128xi32, #tpu.memory_space<hbm>>
    tpu.enqueue_dma source(%dma_start3A_9 : memref<128xi32, #tpu.memory_space<hbm>>) target(%arg10 : memref<128xi32, #tpu.memory_space<vmem>>) target_semaphore(%arg23 : memref<!tpu.dma_semaphore, #tpu.memory_space<semaphore_mem>>)
    %add3A_10 = arith.constant 0 : i32
    %add3A_11 = arith.addi %mul3A_2, %add3A_10 : i32
    %dma_start3A_12 = tpu.memref_slice %arg3[%add3A_11] : memref<172032xf32, #tpu.memory_space<hbm>> -> memref<128xf32, #tpu.memory_space<hbm>>
    %dma_start3A_13 = tpu.memref_slice %arg3[%add3A_11] : memref<172032xf32, #tpu.memory_space<hbm>> -> memref<128xf32, #tpu.memory_space<hbm>>
    tpu.enqueue_dma source(%dma_start3A_13 : memref<128xf32, #tpu.memory_space<hbm>>) target(%arg13 : memref<128xf32, #tpu.memory_space<vmem>>) target_semaphore(%arg23 : memref<!tpu.dma_semaphore, #tpu.memory_space<semaphore_mem>>)
    %broadcast_in_dim3A = arith.constant 0.000000e+00 : f32
    %broadcast_in_dim3A_14 = vector.broadcast %broadcast_in_dim3A : f32 to vector<16xf32>
    %scan3A = arith.constant 0 : i32
    %scan3A_15 = arith.constant 0 : i32
    %scan3A_16 = arith.constant 128 : i32
    %scan3A_17 = arith.addi %scan3A_15, %scan3A_16 : i32
    %scan3A_18 = arith.constant 1 : i32
    scf.for %scan3A_58 = %scan3A_15 to %scan3A_17 step %scan3A_18  : i32 {
      %swap3A = arith.index_cast %scan3A_58 : i32 to index
      %swap3A_59 = arith.constant 0 : index
      %swap3A_60 = tpu.vector_load %arg17[%swap3A, %swap3A_59] {strides = array<i32>} : memref<128x128xf32, #tpu.memory_space<vmem>>, vector<1x16xf32>,
      %swap3A_61 = vector.shape_cast %swap3A_60 : vector<1x16xf32> to vector<16xf32>
      %swap3A_62 = vector.shape_cast %broadcast_in_dim3A_14 : vector<16xf32> to vector<1x16xf32>
      tpu.vector_store %arg17[%swap3A, %swap3A_59], %swap3A_62 {strides = array<i32>} : memref<128x128xf32, #tpu.memory_space<vmem>>, vector<1x16xf32>,
      %swap3A_63 = arith.index_cast %scan3A_58 : i32 to index
      %swap3A_64 = arith.constant 16 : index
      %swap3A_65 = tpu.vector_load %arg17[%swap3A_63, %swap3A_64] {strides = array<i32>} : memref<128x128xf32, #tpu.memory_space<vmem>>, vector<1x16xf32>,
      %swap3A_66 = vector.shape_cast %swap3A_65 : vector<1x16xf32> to vector<16xf32>
      %swap3A_67 = vector.shape_cast %broadcast_in_dim3A_14 : vector<16xf32> to vector<1x16xf32>
      tpu.vector_store %arg17[%swap3A_63, %swap3A_64], %swap3A_67 {strides = array<i32>} : memref<128x128xf32, #tpu.memory_space<vmem>>, vector<1x16xf32>,
      %swap3A_68 = arith.index_cast %scan3A_58 : i32 to index
      %swap3A_69 = arith.constant 32 : index
      %swap3A_70 = tpu.vector_load %arg17[%swap3A_68, %swap3A_69] {strides = array<i32>} : memref<128x128xf32, #tpu.memory_space<vmem>>, vector<1x16xf32>,
      %swap3A_71 = vector.shape_cast %swap3A_70 : vector<1x16xf32> to vector<16xf32>
      %swap3A_72 = vector.shape_cast %broadcast_in_dim3A_14 : vector<16xf32> to vector<1x16xf32>
      tpu.vector_store %arg17[%swap3A_68, %swap3A_69], %swap3A_72 {strides = array<i32>} : memref<128x128xf32, #tpu.memory_space<vmem>>, vector<1x16xf32>,
      %swap3A_73 = arith.index_cast %scan3A_58 : i32 to index
      %swap3A_74 = arith.constant 48 : index
      %swap3A_75 = tpu.vector_load %arg17[%swap3A_73, %swap3A_74] {strides = array<i32>} : memref<128x128xf32, #tpu.memory_space<vmem>>, vector<1x16xf32>,
      %swap3A_76 = vector.shape_cast %swap3A_75 : vector<1x16xf32> to vector<16xf32>
      %swap3A_77 = vector.shape_cast %broadcast_in_dim3A_14 : vector<16xf32> to vector<1x16xf32>
      tpu.vector_store %arg17[%swap3A_73, %swap3A_74], %swap3A_77 {strides = array<i32>} : memref<128x128xf32, #tpu.memory_space<vmem>>, vector<1x16xf32>,
      %swap3A_78 = arith.index_cast %scan3A_58 : i32 to index
      %swap3A_79 = arith.constant 64 : index
      %swap3A_80 = tpu.vector_load %arg17[%swap3A_78, %swap3A_79] {strides = array<i32>} : memref<128x128xf32, #tpu.memory_space<vmem>>, vector<1x16xf32>,
      %swap3A_81 = vector.shape_cast %swap3A_80 : vector<1x16xf32> to vector<16xf32>
      %swap3A_82 = vector.shape_cast %broadcast_in_dim3A_14 : vector<16xf32> to vector<1x16xf32>
      tpu.vector_store %arg17[%swap3A_78, %swap3A_79], %swap3A_82 {strides = array<i32>} : memref<128x128xf32, #tpu.memory_space<vmem>>, vector<1x16xf32>,
      %swap3A_83 = arith.index_cast %scan3A_58 : i32 to index
      %swap3A_84 = arith.constant 80 : index
      %swap3A_85 = tpu.vector_load %arg17[%swap3A_83, %swap3A_84] {strides = array<i32>} : memref<128x128xf32, #tpu.memory_space<vmem>>, vector<1x16xf32>,
      %swap3A_86 = vector.shape_cast %swap3A_85 : vector<1x16xf32> to vector<16xf32>
      %swap3A_87 = vector.shape_cast %broadcast_in_dim3A_14 : vector<16xf32> to vector<1x16xf32>
      tpu.vector_store %arg17[%swap3A_83, %swap3A_84], %swap3A_87 {strides = array<i32>} : memref<128x128xf32, #tpu.memory_space<vmem>>, vector<1x16xf32>,
      %swap3A_88 = arith.index_cast %scan3A_58 : i32 to index
      %swap3A_89 = arith.constant 96 : index
      %swap3A_90 = tpu.vector_load %arg17[%swap3A_88, %swap3A_89] {strides = array<i32>} : memref<128x128xf32, #tpu.memory_space<vmem>>, vector<1x16xf32>,
      %swap3A_91 = vector.shape_cast %swap3A_90 : vector<1x16xf32> to vector<16xf32>
      %swap3A_92 = vector.shape_cast %broadcast_in_dim3A_14 : vector<16xf32> to vector<1x16xf32>
      tpu.vector_store %arg17[%swap3A_88, %swap3A_89], %swap3A_92 {strides = array<i32>} : memref<128x128xf32, #tpu.memory_space<vmem>>, vector<1x16xf32>,
      %swap3A_93 = arith.index_cast %scan3A_58 : i32 to index
      %swap3A_94 = arith.constant 112 : index
      %swap3A_95 = tpu.vector_load %arg17[%swap3A_93, %swap3A_94] {strides = array<i32>} : memref<128x128xf32, #tpu.memory_space<vmem>>, vector<1x16xf32>,
      %swap3A_96 = vector.shape_cast %swap3A_95 : vector<1x16xf32> to vector<16xf32>
      %swap3A_97 = vector.shape_cast %broadcast_in_dim3A_14 : vector<16xf32> to vector<1x16xf32>
      tpu.vector_store %arg17[%swap3A_93, %swap3A_94], %swap3A_97 {strides = array<i32>} : memref<128x128xf32, #tpu.memory_space<vmem>>, vector<1x16xf32>,
    }
    %scan3A_19 = arith.constant 128 : i32
    %add3A_20 = arith.constant 0 : i32
    %add3A_21 = arith.addi %mul3A_2, %add3A_20 : i32
    %dma_wait3A = tpu.memref_slice %arg4[%add3A_21] : memref<172032xi32, #tpu.memory_space<hbm>> -> memref<128xi32, #tpu.memory_space<hbm>>
    %dma_wait3A_22 = tpu.memref_slice %arg4[%add3A_21] : memref<172032xi32, #tpu.memory_space<hbm>> -> memref<128xi32, #tpu.memory_space<hbm>>
    tpu.wait_dma2 semaphore(%arg20 : memref<!tpu.dma_semaphore, #tpu.memory_space<semaphore_mem>>) src(%dma_wait3A_22 : memref<128xi32, #tpu.memory_space<hbm>>) dst(%arg7 : memref<128xi32, #tpu.memory_space<vmem>>)
    %dma_start3A_23 = arith.constant 0 : i32
    %dma_start3A_24 = arith.constant 0 : i32
    %dma_start3A_25 = tpu.memref_slice %arg2[%dma_start3A_23, %dma_start3A_24] : memref<4096x128xf32, #tpu.memory_space<hbm>> -> memref<4096x128xf32, #tpu.memory_space<hbm>>
    tpu.enqueue_indirect_dma source(%dma_start3A_25 : memref<4096x128xf32, #tpu.memory_space<hbm>>) target(%arg16 : memref<128x128xf32, #tpu.memory_space<vmem>>) offsets(%arg7 : memref<128xi32, #tpu.memory_space<vmem>>) semaphore(%arg26 : memref<!tpu.dma_semaphore, #tpu.memory_space<semaphore_mem>>)
    %add3A_26 = arith.constant 128 : i32
    %add3A_27 = arith.addi %mul3A_2, %add3A_26 : i32
    %dma_start3A_28 = tpu.memref_slice %arg4[%add3A_27] : memref<172032xi32, #tpu.memory_space<hbm>> -> memref<128xi32, #tpu.memory_space<hbm>>
    %dma_start3A_29 = tpu.memref_slice %arg4[%add3A_27] : memref<172032xi32, #tpu.memory_space<hbm>> -> memref<128xi32, #tpu.memory_space<hbm>>
    tpu.enqueue_dma source(%dma_start3A_29 : memref<128xi32, #tpu.memory_space<hbm>>) target(%arg8 : memref<128xi32, #tpu.memory_space<vmem>>) target_semaphore(%arg21 : memref<!tpu.dma_semaphore, #tpu.memory_space<semaphore_mem>>)
    %mul3A_30 = arith.constant 256 : i32
    %mul3A_31 = arith.muli %arg1, %mul3A_30 : i32
    %add3A_32 = arith.constant 0 : i32
    %add3A_33 = arith.addi %mul3A_31, %add3A_32 : i32
    "tpu.region"() ({
      %run_scoped3A = tpu.sem_alloc : memref<!tpu.dma_semaphore, #tpu.memory_space<semaphore_mem>>
      %dma_start3A_58 = arith.constant 0 : i32
      %dma_start3A_59 = tpu.memref_slice %arg19[%add3A_33, %dma_start3A_58] : memref<4096x128xf32, #tpu.memory_space<vmem_shared>> -> memref<128x128xf32, #tpu.memory_space<vmem_shared>>
      %dma_start3A_60 = arith.constant 0 : i32
      %dma_start3A_61 = tpu.memref_slice %arg19[%add3A_33, %dma_start3A_60] : memref<4096x128xf32, #tpu.memory_space<vmem_shared>> -> memref<128x128xf32, #tpu.memory_space<vmem_shared>>
      tpu.enqueue_dma source(%arg17 : memref<128x128xf32, #tpu.memory_space<vmem>>) target(%dma_start3A_61 : memref<128x128xf32, #tpu.memory_space<vmem_shared>>) target_semaphore(%run_scoped3A : memref<!tpu.dma_semaphore, #tpu.memory_space<semaphore_mem>>)
      %dma_wait3A_62 = arith.constant 0 : i32
      %dma_wait3A_63 = tpu.memref_slice %arg19[%add3A_33, %dma_wait3A_62] : memref<4096x128xf32, #tpu.memory_space<vmem_shared>> -> memref<128x128xf32, #tpu.memory_space<vmem_shared>>
      %dma_wait3A_64 = arith.constant 0 : i32
      %dma_wait3A_65 = tpu.memref_slice %arg19[%add3A_33, %dma_wait3A_64] : memref<4096x128xf32, #tpu.memory_space<vmem_shared>> -> memref<128x128xf32, #tpu.memory_space<vmem_shared>>
      tpu.wait_dma2 semaphore(%run_scoped3A : memref<!tpu.dma_semaphore, #tpu.memory_space<semaphore_mem>>) src(%arg17 : memref<128x128xf32, #tpu.memory_space<vmem>>) dst(%dma_wait3A_65 : memref<128x128xf32, #tpu.memory_space<vmem_shared>>)
      tpu.yield
    }) : () -> ()
    %mul3A_34 = arith.constant 256 : i32
    %mul3A_35 = arith.muli %arg1, %mul3A_34 : i32
    %add3A_36 = arith.constant 128 : i32
    %add3A_37 = arith.addi %mul3A_35, %add3A_36 : i32
    "tpu.region"() ({
      %run_scoped3A = tpu.sem_alloc : memref<!tpu.dma_semaphore, #tpu.memory_space<semaphore_mem>>
      %dma_start3A_58 = arith.constant 0 : i32
      %dma_start3A_59 = tpu.memref_slice %arg19[%add3A_37, %dma_start3A_58] : memref<4096x128xf32, #tpu.memory_space<vmem_shared>> -> memref<128x128xf32, #tpu.memory_space<vmem_shared>>
      %dma_start3A_60 = arith.constant 0 : i32
      %dma_start3A_61 = tpu.memref_slice %arg19[%add3A_37, %dma_start3A_60] : memref<4096x128xf32, #tpu.memory_space<vmem_shared>> -> memref<128x128xf32, #tpu.memory_space<vmem_shared>>
      tpu.enqueue_dma source(%arg17 : memref<128x128xf32, #tpu.memory_space<vmem>>) target(%dma_start3A_61 : memref<128x128xf32, #tpu.memory_space<vmem_shared>>) target_semaphore(%run_scoped3A : memref<!tpu.dma_semaphore, #tpu.memory_space<semaphore_mem>>)
      %dma_wait3A_62 = arith.constant 0 : i32
      %dma_wait3A_63 = tpu.memref_slice %arg19[%add3A_37, %dma_wait3A_62] : memref<4096x128xf32, #tpu.memory_space<vmem_shared>> -> memref<128x128xf32, #tpu.memory_space<vmem_shared>>
      %dma_wait3A_64 = arith.constant 0 : i32
      %dma_wait3A_65 = tpu.memref_slice %arg19[%add3A_37, %dma_wait3A_64] : memref<4096x128xf32, #tpu.memory_space<vmem_shared>> -> memref<128x128xf32, #tpu.memory_space<vmem_shared>>
      tpu.wait_dma2 semaphore(%run_scoped3A : memref<!tpu.dma_semaphore, #tpu.memory_space<semaphore_mem>>) src(%arg17 : memref<128x128xf32, #tpu.memory_space<vmem>>) dst(%dma_wait3A_65 : memref<128x128xf32, #tpu.memory_space<vmem_shared>>)
      tpu.yield
    }) : () -> ()
    %barrier3A = arith.constant 0 : index
    tpu.barrier barrier_id(%barrier3A)
    %scan3A_38 = arith.constant 0 : i32
    %scan3A_39 = arith.constant 0 : i32
    %scan3A_40 = arith.constant 14 : i32
    %scan3A_41 = arith.addi %scan3A_39, %scan3A_40 : i32
    %scan3A_42 = arith.constant 1 : i32
    scf.for %scan3A_58 = %scan3A_39 to %scan3A_41 step %scan3A_42  : i32 {
      %mul3A_59 = arith.constant 3 : i32
      %mul3A_60 = arith.muli %scan3A_58, %mul3A_59 : i32
      %add3A_61 = arith.constant 0 : i32
      %add3A_62 = arith.addi %mul3A_60, %add3A_61 : i32
      "tpu.trace_start"() <{level = 10 : i32, message = "gwait"}> : () -> ()
      %dma_wait3A_63 = arith.constant 0 : i32
      %dma_wait3A_64 = arith.constant 0 : i32
      %dma_wait3A_65 = tpu.memref_slice %arg2[%dma_wait3A_63, %dma_wait3A_64] : memref<4096x128xf32, #tpu.memory_space<hbm>> -> memref<4096x128xf32, #tpu.memory_space<hbm>>
      tpu.wait_indirect_dma semaphore(%arg26 : memref<!tpu.dma_semaphore, #tpu.memory_space<semaphore_mem>>) src(%dma_wait3A_65 : memref<4096x128xf32, #tpu.memory_space<hbm>>) dst(%arg16 : memref<128x128xf32, #tpu.memory_space<vmem>>)
      %ge3A = arith.constant 2 : i32
      "tpu.trace_stop"() : () -> ()
      "tpu.trace_start"() <{level = 10 : i32, message = "starts"}> : () -> ()
      %ge3A_66 = arith.cmpi sge, %add3A_62, %ge3A : i32
      %convert_element_type3A = arith.extui %ge3A_66 : i1 to i32
      %cond3A = arith.constant 0 : i32
      %cond3A_67 = arith.cmpi ne, %convert_element_type3A, %cond3A : i32
      scf.if %cond3A_67 {
        %sub3A = arith.constant 2 : i32
        %sub3A_190 = arith.subi %add3A_62, %sub3A : i32
        %dma_wait3A_191 = arith.constant 0 : i32
        %dma_wait3A_192 = arith.constant 0 : i32
        %dma_wait3A_193 = tpu.memref_slice %arg19[%dma_wait3A_191, %dma_wait3A_192] : memref<4096x128xf32, #tpu.memory_space<vmem_shared>> -> memref<4096x128xf32, #tpu.memory_space<vmem_shared>>
        tpu.wait_indirect_dma semaphore(%arg30 : memref<!tpu.dma_semaphore, #tpu.memory_space<semaphore_mem>>) src(%arg17 : memref<128x128xf32, #tpu.memory_space<vmem>>) dst(%dma_wait3A_193 : memref<4096x128xf32, #tpu.memory_space<vmem_shared>>)
      } else {
      }
      %add3A_68 = arith.constant 1 : i32
      %add3A_69 = arith.addi %add3A_62, %add3A_68 : i32
      %lt3A = arith.constant 42 : i32
      %lt3A_70 = arith.cmpi slt, %add3A_69, %lt3A : i32
      %convert_element_type3A_71 = arith.extui %lt3A_70 : i1 to i32
      %cond3A_72 = arith.constant 0 : i32
      %cond3A_73 = arith.cmpi ne, %convert_element_type3A_71, %cond3A_72 : i32
      scf.if %cond3A_73 {
        %add3A_190 = arith.constant 1 : i32
        %add3A_191 = arith.addi %add3A_62, %add3A_190 : i32
        %mul3A_192 = arith.constant 128 : i32
        %mul3A_193 = arith.muli %add3A_191, %mul3A_192 : i32
        %add3A_194 = arith.addi %mul3A_2, %mul3A_193 : i32
        %dma_wait3A_195 = tpu.memref_slice %arg4[%add3A_194] : memref<172032xi32, #tpu.memory_space<hbm>> -> memref<128xi32, #tpu.memory_space<hbm>>
        %dma_wait3A_196 = tpu.memref_slice %arg4[%add3A_194] : memref<172032xi32, #tpu.memory_space<hbm>> -> memref<128xi32, #tpu.memory_space<hbm>>
        tpu.wait_dma2 semaphore(%arg21 : memref<!tpu.dma_semaphore, #tpu.memory_space<semaphore_mem>>) src(%dma_wait3A_196 : memref<128xi32, #tpu.memory_space<hbm>>) dst(%arg8 : memref<128xi32, #tpu.memory_space<vmem>>)
        %add3A_197 = arith.constant 1 : i32
        %add3A_198 = arith.addi %add3A_62, %add3A_197 : i32
        %dma_start3A_199 = arith.constant 0 : i32
        %dma_start3A_200 = arith.constant 0 : i32
        %dma_start3A_201 = tpu.memref_slice %arg2[%dma_start3A_199, %dma_start3A_200] : memref<4096x128xf32, #tpu.memory_space<hbm>> -> memref<4096x128xf32, #tpu.memory_space<hbm>>
        tpu.enqueue_indirect_dma source(%dma_start3A_201 : memref<4096x128xf32, #tpu.memory_space<hbm>>) target(%arg17 : memref<128x128xf32, #tpu.memory_space<vmem>>) offsets(%arg8 : memref<128xi32, #tpu.memory_space<vmem>>) semaphore(%arg27 : memref<!tpu.dma_semaphore, #tpu.memory_space<semaphore_mem>>)
        %add3A_202 = arith.constant 1 : i32
        %add3A_203 = arith.addi %add3A_62, %add3A_202 : i32
        %mul3A_204 = arith.constant 128 : i32
        %mul3A_205 = arith.muli %add3A_203, %mul3A_204 : i32
        %add3A_206 = arith.addi %mul3A_2, %mul3A_205 : i32
        %dma_start3A_207 = tpu.memref_slice %arg5[%add3A_206] : memref<172032xi32, #tpu.memory_space<hbm>> -> memref<128xi32, #tpu.memory_space<hbm>>
        %dma_start3A_208 = tpu.memref_slice %arg5[%add3A_206] : memref<172032xi32, #tpu.memory_space<hbm>> -> memref<128xi32, #tpu.memory_space<hbm>>
        tpu.enqueue_dma source(%dma_start3A_208 : memref<128xi32, #tpu.memory_space<hbm>>) target(%arg11 : memref<128xi32, #tpu.memory_space<vmem>>) target_semaphore(%arg24 : memref<!tpu.dma_semaphore, #tpu.memory_space<semaphore_mem>>)
        %mul3A_209 = arith.constant 128 : i32
        %mul3A_210 = arith.muli %add3A_203, %mul3A_209 : i32
        %add3A_211 = arith.addi %mul3A_2, %mul3A_210 : i32
        %dma_start3A_212 = tpu.memref_slice %arg3[%add3A_211] : memref<172032xf32, #tpu.memory_space<hbm>> -> memref<128xf32, #tpu.memory_space<hbm>>
        %dma_start3A_213 = tpu.memref_slice %arg3[%add3A_211] : memref<172032xf32, #tpu.memory_space<hbm>> -> memref<128xf32, #tpu.memory_space<hbm>>
        tpu.enqueue_dma source(%dma_start3A_213 : memref<128xf32, #tpu.memory_space<hbm>>) target(%arg14 : memref<128xf32, #tpu.memory_space<vmem>>) target_semaphore(%arg24 : memref<!tpu.dma_semaphore, #tpu.memory_space<semaphore_mem>>)
      } else {
      }
      %add3A_74 = arith.constant 2 : i32
      %add3A_75 = arith.addi %add3A_62, %add3A_74 : i32
      %lt3A_76 = arith.constant 42 : i32
      %lt3A_77 = arith.cmpi slt, %add3A_75, %lt3A_76 : i32
      %convert_element_type3A_78 = arith.extui %lt3A_77 : i1 to i32
      %cond3A_79 = arith.constant 0 : i32
      %cond3A_80 = arith.cmpi ne, %convert_element_type3A_78, %cond3A_79 : i32
      scf.if %cond3A_80 {
        %add3A_190 = arith.constant 2 : i32
        %add3A_191 = arith.addi %add3A_62, %add3A_190 : i32
        %mul3A_192 = arith.constant 128 : i32
        %mul3A_193 = arith.muli %add3A_191, %mul3A_192 : i32
        %add3A_194 = arith.addi %mul3A_2, %mul3A_193 : i32
        %dma_start3A_195 = tpu.memref_slice %arg4[%add3A_194] : memref<172032xi32, #tpu.memory_space<hbm>> -> memref<128xi32, #tpu.memory_space<hbm>>
        %dma_start3A_196 = tpu.memref_slice %arg4[%add3A_194] : memref<172032xi32, #tpu.memory_space<hbm>> -> memref<128xi32, #tpu.memory_space<hbm>>
        tpu.enqueue_dma source(%dma_start3A_196 : memref<128xi32, #tpu.memory_space<hbm>>) target(%arg9 : memref<128xi32, #tpu.memory_space<vmem>>) target_semaphore(%arg22 : memref<!tpu.dma_semaphore, #tpu.memory_space<semaphore_mem>>)
      } else {
      }
      %mul3A_81 = arith.constant 128 : i32
      %mul3A_82 = arith.muli %add3A_62, %mul3A_81 : i32
      %add3A_83 = arith.addi %mul3A_2, %mul3A_82 : i32
      %dma_wait3A_84 = tpu.memref_slice %arg5[%add3A_83] : memref<172032xi32, #tpu.memory_space<hbm>> -> memref<128xi32, #tpu.memory_space<hbm>>
      %dma_wait3A_85 = tpu.memref_slice %arg5[%add3A_83] : memref<172032xi32, #tpu.memory_space<hbm>> -> memref<128xi32, #tpu.memory_space<hbm>>
      tpu.wait_dma2 semaphore(%arg23 : memref<!tpu.dma_semaphore, #tpu.memory_space<semaphore_mem>>) src(%dma_wait3A_85 : memref<128xi32, #tpu.memory_space<hbm>>) dst(%arg10 : memref<128xi32, #tpu.memory_space<vmem>>)
      %mul3A_86 = arith.constant 128 : i32
      %mul3A_87 = arith.muli %add3A_62, %mul3A_86 : i32
      %add3A_88 = arith.addi %mul3A_2, %mul3A_87 : i32
      %dma_wait3A_89 = tpu.memref_slice %arg3[%add3A_88] : memref<172032xf32, #tpu.memory_space<hbm>> -> memref<128xf32, #tpu.memory_space<hbm>>
      %dma_wait3A_90 = tpu.memref_slice %arg3[%add3A_88] : memref<172032xf32, #tpu.memory_space<hbm>> -> memref<128xf32, #tpu.memory_space<hbm>>
      tpu.wait_dma2 semaphore(%arg23 : memref<!tpu.dma_semaphore, #tpu.memory_space<semaphore_mem>>) src(%dma_wait3A_90 : memref<128xf32, #tpu.memory_space<hbm>>) dst(%arg13 : memref<128xf32, #tpu.memory_space<vmem>>)
      "tpu.trace_stop"() : () -> ()
      "tpu.trace_start"() <{level = 10 : i32, message = "scale"}> : () -> ()
      %scan3A_91 = arith.constant 0 : i32
      %scan3A_92 = arith.constant 0 : i32
      %scan3A_93 = arith.constant 8 : i32
      %scan3A_94 = arith.addi %scan3A_92, %scan3A_93 : i32
      %scan3A_95 = arith.constant 1 : i32
      scf.for %scan3A_190 = %scan3A_92 to %scan3A_94 step %scan3A_95  : i32 {
        %mul3A_191 = arith.constant 16 : i32
        %mul3A_192 = arith.muli %scan3A_190, %mul3A_191 : i32
        %get3A = arith.index_cast %mul3A_192 : i32 to index
        %get3A_193 = tpu.vector_load %arg13[%get3A] {strides = array<i32>} : memref<128xf32, #tpu.memory_space<vmem>>, vector<16xf32>,
        %get3A_194 = vector.shape_cast %get3A_193 : vector<16xf32> to vector<16xf32>
        %add3A_195 = arith.constant 0 : i32
        %add3A_196 = arith.addi %mul3A_192, %add3A_195 : i32
        %broadcast_in_dim3A_197 = arith.constant 0 : i32
        %broadcast_in_dim3A_198 = vector.broadcast %broadcast_in_dim3A_197 : i32 to vector<16x1xi32>
        %gather3A = vector.shape_cast %broadcast_in_dim3A_198 : vector<16x1xi32> to vector<16xi32>
        %gather3A_199 = tpu.dynamic_gather %get3A_194[%gather3A] in [0] : vector<16xf32>, vector<16xi32> -> vector<16xf32>
        %get3A_200 = arith.index_cast %add3A_196 : i32 to index
        %get3A_201 = arith.constant 0 : index
        %get3A_202 = tpu.vector_load %arg16[%get3A_200, %get3A_201] {strides = array<i32>} : memref<128x128xf32, #tpu.memory_space<vmem>>, vector<1x16xf32>,
        %get3A_203 = vector.shape_cast %get3A_202 : vector<1x16xf32> to vector<16xf32>
        %mul3A_204 = arith.mulf %get3A_203, %gather3A_199 : vector<16xf32>
        %swap3A = arith.index_cast %add3A_196 : i32 to index
        %swap3A_205 = arith.constant 0 : index
        %swap3A_206 = tpu.vector_load %arg16[%swap3A, %swap3A_205] {strides = array<i32>} : memref<128x128xf32, #tpu.memory_space<vmem>>, vector<1x16xf32>,
        %swap3A_207 = vector.shape_cast %swap3A_206 : vector<1x16xf32> to vector<16xf32>
        %swap3A_208 = vector.shape_cast %mul3A_204 : vector<16xf32> to vector<1x16xf32>
        tpu.vector_store %arg16[%swap3A, %swap3A_205], %swap3A_208 {strides = array<i32>} : memref<128x128xf32, #tpu.memory_space<vmem>>, vector<1x16xf32>,
        %get3A_209 = arith.index_cast %add3A_196 : i32 to index
        %get3A_210 = arith.constant 16 : index
        %get3A_211 = tpu.vector_load %arg16[%get3A_209, %get3A_210] {strides = array<i32>} : memref<128x128xf32, #tpu.memory_space<vmem>>, vector<1x16xf32>,
        %get3A_212 = vector.shape_cast %get3A_211 : vector<1x16xf32> to vector<16xf32>
        %mul3A_213 = arith.mulf %get3A_212, %gather3A_199 : vector<16xf32>
        %swap3A_214 = arith.index_cast %add3A_196 : i32 to index
        %swap3A_215 = arith.constant 16 : index
        %swap3A_216 = tpu.vector_load %arg16[%swap3A_214, %swap3A_215] {strides = array<i32>} : memref<128x128xf32, #tpu.memory_space<vmem>>, vector<1x16xf32>,
        %swap3A_217 = vector.shape_cast %swap3A_216 : vector<1x16xf32> to vector<16xf32>
        %swap3A_218 = vector.shape_cast %mul3A_213 : vector<16xf32> to vector<1x16xf32>
        tpu.vector_store %arg16[%swap3A_214, %swap3A_215], %swap3A_218 {strides = array<i32>} : memref<128x128xf32, #tpu.memory_space<vmem>>, vector<1x16xf32>,
        %get3A_219 = arith.index_cast %add3A_196 : i32 to index
        %get3A_220 = arith.constant 32 : index
        %get3A_221 = tpu.vector_load %arg16[%get3A_219, %get3A_220] {strides = array<i32>} : memref<128x128xf32, #tpu.memory_space<vmem>>, vector<1x16xf32>,
        %get3A_222 = vector.shape_cast %get3A_221 : vector<1x16xf32> to vector<16xf32>
        %mul3A_223 = arith.mulf %get3A_222, %gather3A_199 : vector<16xf32>
        %swap3A_224 = arith.index_cast %add3A_196 : i32 to index
        %swap3A_225 = arith.constant 32 : index
        %swap3A_226 = tpu.vector_load %arg16[%swap3A_224, %swap3A_225] {strides = array<i32>} : memref<128x128xf32, #tpu.memory_space<vmem>>, vector<1x16xf32>,
        %swap3A_227 = vector.shape_cast %swap3A_226 : vector<1x16xf32> to vector<16xf32>
        %swap3A_228 = vector.shape_cast %mul3A_223 : vector<16xf32> to vector<1x16xf32>
        tpu.vector_store %arg16[%swap3A_224, %swap3A_225], %swap3A_228 {strides = array<i32>} : memref<128x128xf32, #tpu.memory_space<vmem>>, vector<1x16xf32>,
        %get3A_229 = arith.index_cast %add3A_196 : i32 to index
        %get3A_230 = arith.constant 48 : index
        %get3A_231 = tpu.vector_load %arg16[%get3A_229, %get3A_230] {strides = array<i32>} : memref<128x128xf32, #tpu.memory_space<vmem>>, vector<1x16xf32>,
        %get3A_232 = vector.shape_cast %get3A_231 : vector<1x16xf32> to vector<16xf32>
        %mul3A_233 = arith.mulf %get3A_232, %gather3A_199 : vector<16xf32>
        %swap3A_234 = arith.index_cast %add3A_196 : i32 to index
        %swap3A_235 = arith.constant 48 : index
        %swap3A_236 = tpu.vector_load %arg16[%swap3A_234, %swap3A_235] {strides = array<i32>} : memref<128x128xf32, #tpu.memory_space<vmem>>, vector<1x16xf32>,
        %swap3A_237 = vector.shape_cast %swap3A_236 : vector<1x16xf32> to vector<16xf32>
        %swap3A_238 = vector.shape_cast %mul3A_233 : vector<16xf32> to vector<1x16xf32>
        tpu.vector_store %arg16[%swap3A_234, %swap3A_235], %swap3A_238 {strides = array<i32>} : memref<128x128xf32, #tpu.memory_space<vmem>>, vector<1x16xf32>,
        %get3A_239 = arith.index_cast %add3A_196 : i32 to index
        %get3A_240 = arith.constant 64 : index
        %get3A_241 = tpu.vector_load %arg16[%get3A_239, %get3A_240] {strides = array<i32>} : memref<128x128xf32, #tpu.memory_space<vmem>>, vector<1x16xf32>,
        %get3A_242 = vector.shape_cast %get3A_241 : vector<1x16xf32> to vector<16xf32>
        %mul3A_243 = arith.mulf %get3A_242, %gather3A_199 : vector<16xf32>
        %swap3A_244 = arith.index_cast %add3A_196 : i32 to index
        %swap3A_245 = arith.constant 64 : index
        %swap3A_246 = tpu.vector_load %arg16[%swap3A_244, %swap3A_245] {strides = array<i32>} : memref<128x128xf32, #tpu.memory_space<vmem>>, vector<1x16xf32>,
        %swap3A_247 = vector.shape_cast %swap3A_246 : vector<1x16xf32> to vector<16xf32>
        %swap3A_248 = vector.shape_cast %mul3A_243 : vector<16xf32> to vector<1x16xf32>
        tpu.vector_store %arg16[%swap3A_244, %swap3A_245], %swap3A_248 {strides = array<i32>} : memref<128x128xf32, #tpu.memory_space<vmem>>, vector<1x16xf32>,
        %get3A_249 = arith.index_cast %add3A_196 : i32 to index
        %get3A_250 = arith.constant 80 : index
        %get3A_251 = tpu.vector_load %arg16[%get3A_249, %get3A_250] {strides = array<i32>} : memref<128x128xf32, #tpu.memory_space<vmem>>, vector<1x16xf32>,
        %get3A_252 = vector.shape_cast %get3A_251 : vector<1x16xf32> to vector<16xf32>
        %mul3A_253 = arith.mulf %get3A_252, %gather3A_199 : vector<16xf32>
        %swap3A_254 = arith.index_cast %add3A_196 : i32 to index
        %swap3A_255 = arith.constant 80 : index
        %swap3A_256 = tpu.vector_load %arg16[%swap3A_254, %swap3A_255] {strides = array<i32>} : memref<128x128xf32, #tpu.memory_space<vmem>>, vector<1x16xf32>,
        %swap3A_257 = vector.shape_cast %swap3A_256 : vector<1x16xf32> to vector<16xf32>
        %swap3A_258 = vector.shape_cast %mul3A_253 : vector<16xf32> to vector<1x16xf32>
        tpu.vector_store %arg16[%swap3A_254, %swap3A_255], %swap3A_258 {strides = array<i32>} : memref<128x128xf32, #tpu.memory_space<vmem>>, vector<1x16xf32>,
        %get3A_259 = arith.index_cast %add3A_196 : i32 to index
        %get3A_260 = arith.constant 96 : index
        %get3A_261 = tpu.vector_load %arg16[%get3A_259, %get3A_260] {strides = array<i32>} : memref<128x128xf32, #tpu.memory_space<vmem>>, vector<1x16xf32>,
        %get3A_262 = vector.shape_cast %get3A_261 : vector<1x16xf32> to vector<16xf32>
        %mul3A_263 = arith.mulf %get3A_262, %gather3A_199 : vector<16xf32>
        %swap3A_264 = arith.index_cast %add3A_196 : i32 to index
        %swap3A_265 = arith.constant 96 : index
        %swap3A_266 = tpu.vector_load %arg16[%swap3A_264, %swap3A_265] {strides = array<i32>} : memref<128x128xf32, #tpu.memory_space<vmem>>, vector<1x16xf32>,
        %swap3A_267 = vector.shape_cast %swap3A_266 : vector<1x16xf32> to vector<16xf32>
        %swap3A_268 = vector.shape_cast %mul3A_263 : vector<16xf32> to vector<1x16xf32>
        tpu.vector_store %arg16[%swap3A_264, %swap3A_265], %swap3A_268 {strides = array<i32>} : memref<128x128xf32, #tpu.memory_space<vmem>>, vector<1x16xf32>,
        %get3A_269 = arith.index_cast %add3A_196 : i32 to index
        %get3A_270 = arith.constant 112 : index
        %get3A_271 = tpu.vector_load %arg16[%get3A_269, %get3A_270] {strides = array<i32>} : memref<128x128xf32, #tpu.memory_space<vmem>>, vector<1x16xf32>,
        %get3A_272 = vector.shape_cast %get3A_271 : vector<1x16xf32> to vector<16xf32>
        %mul3A_273 = arith.mulf %get3A_272, %gather3A_199 : vector<16xf32>
        %swap3A_274 = arith.index_cast %add3A_196 : i32 to index
        %swap3A_275 = arith.constant 112 : index
        %swap3A_276 = tpu.vector_load %arg16[%swap3A_274, %swap3A_275] {strides = array<i32>} : memref<128x128xf32, #tpu.memory_space<vmem>>, vector<1x16xf32>,
        %swap3A_277 = vector.shape_cast %swap3A_276 : vector<1x16xf32> to vector<16xf32>
        %swap3A_278 = vector.shape_cast %mul3A_273 : vector<16xf32> to vector<1x16xf32>
        tpu.vector_store %arg16[%swap3A_274, %swap3A_275], %swap3A_278 {strides = array<i32>} : memref<128x128xf32, #tpu.memory_space<vmem>>, vector<1x16xf32>,
        %add3A_279 = arith.constant 1 : i32
        %add3A_280 = arith.addi %mul3A_192, %add3A_279 : i32
        %broadcast_in_dim3A_281 = arith.constant 1 : i32
        %broadcast_in_dim3A_282 = vector.broadcast %broadcast_in_dim3A_281 : i32 to vector<16x1xi32>
        %gather3A_283 = vector.shape_cast %broadcast_in_dim3A_282 : vector<16x1xi32> to vector<16xi32>
        %gather3A_284 = tpu.dynamic_gather %get3A_194[%gather3A_283] in [0] : vector<16xf32>, vector<16xi32> -> vector<16xf32>
        %get3A_285 = arith.index_cast %add3A_280 : i32 to index
        %get3A_286 = arith.constant 0 : index
        %get3A_287 = tpu.vector_load %arg16[%get3A_285, %get3A_286] {strides = array<i32>} : memref<128x128xf32, #tpu.memory_space<vmem>>, vector<1x16xf32>,
        %get3A_288 = vector.shape_cast %get3A_287 : vector<1x16xf32> to vector<16xf32>
        %mul3A_289 = arith.mulf %get3A_288, %gather3A_284 : vector<16xf32>
        %swap3A_290 = arith.index_cast %add3A_280 : i32 to index
        %swap3A_291 = arith.constant 0 : index
        %swap3A_292 = tpu.vector_load %arg16[%swap3A_290, %swap3A_291] {strides = array<i32>} : memref<128x128xf32, #tpu.memory_space<vmem>>, vector<1x16xf32>,
        %swap3A_293 = vector.shape_cast %swap3A_292 : vector<1x16xf32> to vector<16xf32>
        %swap3A_294 = vector.shape_cast %mul3A_289 : vector<16xf32> to vector<1x16xf32>
        tpu.vector_store %arg16[%swap3A_290, %swap3A_291], %swap3A_294 {strides = array<i32>} : memref<128x128xf32, #tpu.memory_space<vmem>>, vector<1x16xf32>,
        %get3A_295 = arith.index_cast %add3A_280 : i32 to index
        %get3A_296 = arith.constant 16 : index
        %get3A_297 = tpu.vector_load %arg16[%get3A_295, %get3A_296] {strides = array<i32>} : memref<128x128xf32, #tpu.memory_space<vmem>>, vector<1x16xf32>,
        %get3A_298 = vector.shape_cast %get3A_297 : vector<1x16xf32> to vector<16xf32>
        %mul3A_299 = arith.mulf %get3A_298, %gather3A_284 : vector<16xf32>
        %swap3A_300 = arith.index_cast %add3A_280 : i32 to index
        %swap3A_301 = arith.constant 16 : index
        %swap3A_302 = tpu.vector_load %arg16[%swap3A_300, %swap3A_301] {strides = array<i32>} : memref<128x128xf32, #tpu.memory_space<vmem>>, vector<1x16xf32>,
        %swap3A_303 = vector.shape_cast %swap3A_302 : vector<1x16xf32> to vector<16xf32>
        %swap3A_304 = vector.shape_cast %mul3A_299 : vector<16xf32> to vector<1x16xf32>
        tpu.vector_store %arg16[%swap3A_300, %swap3A_301], %swap3A_304 {strides = array<i32>} : memref<128x128xf32, #tpu.memory_space<vmem>>, vector<1x16xf32>,
        %get3A_305 = arith.index_cast %add3A_280 : i32 to index
        %get3A_306 = arith.constant 32 : index
        %get3A_307 = tpu.vector_load %arg16[%get3A_305, %get3A_306] {strides = array<i32>} : memref<128x128xf32, #tpu.memory_space<vmem>>, vector<1x16xf32>,
        %get3A_308 = vector.shape_cast %get3A_307 : vector<1x16xf32> to vector<16xf32>
        %mul3A_309 = arith.mulf %get3A_308, %gather3A_284 : vector<16xf32>
        %swap3A_310 = arith.index_cast %add3A_280 : i32 to index
        %swap3A_311 = arith.constant 32 : index
        %swap3A_312 = tpu.vector_load %arg16[%swap3A_310, %swap3A_311] {strides = array<i32>} : memref<128x128xf32, #tpu.memory_space<vmem>>, vector<1x16xf32>,
        %swap3A_313 = vector.shape_cast %swap3A_312 : vector<1x16xf32> to vector<16xf32>
        %swap3A_314 = vector.shape_cast %mul3A_309 : vector<16xf32> to vector<1x16xf32>
        tpu.vector_store %arg16[%swap3A_310, %swap3A_311], %swap3A_314 {strides = array<i32>} : memref<128x128xf32, #tpu.memory_space<vmem>>, vector<1x16xf32>,
        %get3A_315 = arith.index_cast %add3A_280 : i32 to index
        %get3A_316 = arith.constant 48 : index
        %get3A_317 = tpu.vector_load %arg16[%get3A_315, %get3A_316] {strides = array<i32>} : memref<128x128xf32, #tpu.memory_space<vmem>>, vector<1x16xf32>,
        %get3A_318 = vector.shape_cast %get3A_317 : vector<1x16xf32> to vector<16xf32>
        %mul3A_319 = arith.mulf %get3A_318, %gather3A_284 : vector<16xf32>
        %swap3A_320 = arith.index_cast %add3A_280 : i32 to index
        %swap3A_321 = arith.constant 48 : index
        %swap3A_322 = tpu.vector_load %arg16[%swap3A_320, %swap3A_321] {strides = array<i32>} : memref<128x128xf32, #tpu.memory_space<vmem>>, vector<1x16xf32>,
        %swap3A_323 = vector.shape_cast %swap3A_322 : vector<1x16xf32> to vector<16xf32>
        %swap3A_324 = vector.shape_cast %mul3A_319 : vector<16xf32> to vector<1x16xf32>
        tpu.vector_store %arg16[%swap3A_320, %swap3A_321], %swap3A_324 {strides = array<i32>} : memref<128x128xf32, #tpu.memory_space<vmem>>, vector<1x16xf32>,
        %get3A_325 = arith.index_cast %add3A_280 : i32 to index
        %get3A_326 = arith.constant 64 : index
        %get3A_327 = tpu.vector_load %arg16[%get3A_325, %get3A_326] {strides = array<i32>} : memref<128x128xf32, #tpu.memory_space<vmem>>, vector<1x16xf32>,
        %get3A_328 = vector.shape_cast %get3A_327 : vector<1x16xf32> to vector<16xf32>
        %mul3A_329 = arith.mulf %get3A_328, %gather3A_284 : vector<16xf32>
        %swap3A_330 = arith.index_cast %add3A_280 : i32 to index
        %swap3A_331 = arith.constant 64 : index
        %swap3A_332 = tpu.vector_load %arg16[%swap3A_330, %swap3A_331] {strides = array<i32>} : memref<128x128xf32, #tpu.memory_space<vmem>>, vector<1x16xf32>,
        %swap3A_333 = vector.shape_cast %swap3A_332 : vector<1x16xf32> to vector<16xf32>
        %swap3A_334 = vector.shape_cast %mul3A_329 : vector<16xf32> to vector<1x16xf32>
        tpu.vector_store %arg16[%swap3A_330, %swap3A_331], %swap3A_334 {strides = array<i32>} : memref<128x128xf32, #tpu.memory_space<vmem>>, vector<1x16xf32>,
        %get3A_335 = arith.index_cast %add3A_280 : i32 to index
        %get3A_336 = arith.constant 80 : index
        %get3A_337 = tpu.vector_load %arg16[%get3A_335, %get3A_336] {strides = array<i32>} : memref<128x128xf32, #tpu.memory_space<vmem>>, vector<1x16xf32>,
        %get3A_338 = vector.shape_cast %get3A_337 : vector<1x16xf32> to vector<16xf32>
        %mul3A_339 = arith.mulf %get3A_338, %gather3A_284 : vector<16xf32>
        %swap3A_340 = arith.index_cast %add3A_280 : i32 to index
        %swap3A_341 = arith.constant 80 : index
        %swap3A_342 = tpu.vector_load %arg16[%swap3A_340, %swap3A_341] {strides = array<i32>} : memref<128x128xf32, #tpu.memory_space<vmem>>, vector<1x16xf32>,
        %swap3A_343 = vector.shape_cast %swap3A_342 : vector<1x16xf32> to vector<16xf32>
        %swap3A_344 = vector.shape_cast %mul3A_339 : vector<16xf32> to vector<1x16xf32>
        tpu.vector_store %arg16[%swap3A_340, %swap3A_341], %swap3A_344 {strides = array<i32>} : memref<128x128xf32, #tpu.memory_space<vmem>>, vector<1x16xf32>,
        %get3A_345 = arith.index_cast %add3A_280 : i32 to index
        %get3A_346 = arith.constant 96 : index
        %get3A_347 = tpu.vector_load %arg16[%get3A_345, %get3A_346] {strides = array<i32>} : memref<128x128xf32, #tpu.memory_space<vmem>>, vector<1x16xf32>,
        %get3A_348 = vector.shape_cast %get3A_347 : vector<1x16xf32> to vector<16xf32>
        %mul3A_349 = arith.mulf %get3A_348, %gather3A_284 : vector<16xf32>
        %swap3A_350 = arith.index_cast %add3A_280 : i32 to index
        %swap3A_351 = arith.constant 96 : index
        %swap3A_352 = tpu.vector_load %arg16[%swap3A_350, %swap3A_351] {strides = array<i32>} : memref<128x128xf32, #tpu.memory_space<vmem>>, vector<1x16xf32>,
        %swap3A_353 = vector.shape_cast %swap3A_352 : vector<1x16xf32> to vector<16xf32>
        %swap3A_354 = vector.shape_cast %mul3A_349 : vector<16xf32> to vector<1x16xf32>
        tpu.vector_store %arg16[%swap3A_350, %swap3A_351], %swap3A_354 {strides = array<i32>} : memref<128x128xf32, #tpu.memory_space<vmem>>, vector<1x16xf32>,
        %get3A_355 = arith.index_cast %add3A_280 : i32 to index
        %get3A_356 = arith.constant 112 : index
        %get3A_357 = tpu.vector_load %arg16[%get3A_355, %get3A_356] {strides = array<i32>} : memref<128x128xf32, #tpu.memory_space<vmem>>, vector<1x16xf32>,
        %get3A_358 = vector.shape_cast %get3A_357 : vector<1x16xf32> to vector<16xf32>
        %mul3A_359 = arith.mulf %get3A_358, %gather3A_284 : vector<16xf32>
        %swap3A_360 = arith.index_cast %add3A_280 : i32 to index
        %swap3A_361 = arith.constant 112 : index
        %swap3A_362 = tpu.vector_load %arg16[%swap3A_360, %swap3A_361] {strides = array<i32>} : memref<128x128xf32, #tpu.memory_space<vmem>>, vector<1x16xf32>,
        %swap3A_363 = vector.shape_cast %swap3A_362 : vector<1x16xf32> to vector<16xf32>
        %swap3A_364 = vector.shape_cast %mul3A_359 : vector<16xf32> to vector<1x16xf32>
        tpu.vector_store %arg16[%swap3A_360, %swap3A_361], %swap3A_364 {strides = array<i32>} : memref<128x128xf32, #tpu.memory_space<vmem>>, vector<1x16xf32>,
        %add3A_365 = arith.constant 2 : i32
        %add3A_366 = arith.addi %mul3A_192, %add3A_365 : i32
        %broadcast_in_dim3A_367 = arith.constant 2 : i32
        %broadcast_in_dim3A_368 = vector.broadcast %broadcast_in_dim3A_367 : i32 to vector<16x1xi32>
        %gather3A_369 = vector.shape_cast %broadcast_in_dim3A_368 : vector<16x1xi32> to vector<16xi32>
        %gather3A_370 = tpu.dynamic_gather %get3A_194[%gather3A_369] in [0] : vector<16xf32>, vector<16xi32> -> vector<16xf32>
        %get3A_371 = arith.index_cast %add3A_366 : i32 to index
        %get3A_372 = arith.constant 0 : index
        %get3A_373 = tpu.vector_load %arg16[%get3A_371, %get3A_372] {strides = array<i32>} : memref<128x128xf32, #tpu.memory_space<vmem>>, vector<1x16xf32>,
        %get3A_374 = vector.shape_cast %get3A_373 : vector<1x16xf32> to vector<16xf32>
        %mul3A_375 = arith.mulf %get3A_374, %gather3A_370 : vector<16xf32>
        %swap3A_376 = arith.index_cast %add3A_366 : i32 to index
        %swap3A_377 = arith.constant 0 : index
        %swap3A_378 = tpu.vector_load %arg16[%swap3A_376, %swap3A_377] {strides = array<i32>} : memref<128x128xf32, #tpu.memory_space<vmem>>, vector<1x16xf32>,
        %swap3A_379 = vector.shape_cast %swap3A_378 : vector<1x16xf32> to vector<16xf32>
        %swap3A_380 = vector.shape_cast %mul3A_375 : vector<16xf32> to vector<1x16xf32>
        tpu.vector_store %arg16[%swap3A_376, %swap3A_377], %swap3A_380 {strides = array<i32>} : memref<128x128xf32, #tpu.memory_space<vmem>>, vector<1x16xf32>,
        %get3A_381 = arith.index_cast %add3A_366 : i32 to index
        %get3A_382 = arith.constant 16 : index
        %get3A_383 = tpu.vector_load %arg16[%get3A_381, %get3A_382] {strides = array<i32>} : memref<128x128xf32, #tpu.memory_space<vmem>>, vector<1x16xf32>,
        %get3A_384 = vector.shape_cast %get3A_383 : vector<1x16xf32> to vector<16xf32>
        %mul3A_385 = arith.mulf %get3A_384, %gather3A_370 : vector<16xf32>
        %swap3A_386 = arith.index_cast %add3A_366 : i32 to index
        %swap3A_387 = arith.constant 16 : index
        %swap3A_388 = tpu.vector_load %arg16[%swap3A_386, %swap3A_387] {strides = array<i32>} : memref<128x128xf32, #tpu.memory_space<vmem>>, vector<1x16xf32>,
        %swap3A_389 = vector.shape_cast %swap3A_388 : vector<1x16xf32> to vector<16xf32>
        %swap3A_390 = vector.shape_cast %mul3A_385 : vector<16xf32> to vector<1x16xf32>
        tpu.vector_store %arg16[%swap3A_386, %swap3A_387], %swap3A_390 {strides = array<i32>} : memref<128x128xf32, #tpu.memory_space<vmem>>, vector<1x16xf32>,
        %get3A_391 = arith.index_cast %add3A_366 : i32 to index
        %get3A_392 = arith.constant 32 : index
        %get3A_393 = tpu.vector_load %arg16[%get3A_391, %get3A_392] {strides = array<i32>} : memref<128x128xf32, #tpu.memory_space<vmem>>, vector<1x16xf32>,
        %get3A_394 = vector.shape_cast %get3A_393 : vector<1x16xf32> to vector<16xf32>
        %mul3A_395 = arith.mulf %get3A_394, %gather3A_370 : vector<16xf32>
        %swap3A_396 = arith.index_cast %add3A_366 : i32 to index
        %swap3A_397 = arith.constant 32 : index
        %swap3A_398 = tpu.vector_load %arg16[%swap3A_396, %swap3A_397] {strides = array<i32>} : memref<128x128xf32, #tpu.memory_space<vmem>>, vector<1x16xf32>,
        %swap3A_399 = vector.shape_cast %swap3A_398 : vector<1x16xf32> to vector<16xf32>
        %swap3A_400 = vector.shape_cast %mul3A_395 : vector<16xf32> to vector<1x16xf32>
        tpu.vector_store %arg16[%swap3A_396, %swap3A_397], %swap3A_400 {strides = array<i32>} : memref<128x128xf32, #tpu.memory_space<vmem>>, vector<1x16xf32>,
        %get3A_401 = arith.index_cast %add3A_366 : i32 to index
        %get3A_402 = arith.constant 48 : index
        %get3A_403 = tpu.vector_load %arg16[%get3A_401, %get3A_402] {strides = array<i32>} : memref<128x128xf32, #tpu.memory_space<vmem>>, vector<1x16xf32>,
        %get3A_404 = vector.shape_cast %get3A_403 : vector<1x16xf32> to vector<16xf32>
        %mul3A_405 = arith.mulf %get3A_404, %gather3A_370 : vector<16xf32>
        %swap3A_406 = arith.index_cast %add3A_366 : i32 to index
        %swap3A_407 = arith.constant 48 : index
        %swap3A_408 = tpu.vector_load %arg16[%swap3A_406, %swap3A_407] {strides = array<i32>} : memref<128x128xf32, #tpu.memory_space<vmem>>, vector<1x16xf32>,
        %swap3A_409 = vector.shape_cast %swap3A_408 : vector<1x16xf32> to vector<16xf32>
        %swap3A_410 = vector.shape_cast %mul3A_405 : vector<16xf32> to vector<1x16xf32>
        tpu.vector_store %arg16[%swap3A_406, %swap3A_407], %swap3A_410 {strides = array<i32>} : memref<128x128xf32, #tpu.memory_space<vmem>>, vector<1x16xf32>,
        %get3A_411 = arith.index_cast %add3A_366 : i32 to index
        %get3A_412 = arith.constant 64 : index
        %get3A_413 = tpu.vector_load %arg16[%get3A_411, %get3A_412] {strides = array<i32>} : memref<128x128xf32, #tpu.memory_space<vmem>>, vector<1x16xf32>,
        %get3A_414 = vector.shape_cast %get3A_413 : vector<1x16xf32> to vector<16xf32>
        %mul3A_415 = arith.mulf %get3A_414, %gather3A_370 : vector<16xf32>
        %swap3A_416 = arith.index_cast %add3A_366 : i32 to index
        %swap3A_417 = arith.constant 64 : index
        %swap3A_418 = tpu.vector_load %arg16[%swap3A_416, %swap3A_417] {strides = array<i32>} : memref<128x128xf32, #tpu.memory_space<vmem>>, vector<1x16xf32>,
        %swap3A_419 = vector.shape_cast %swap3A_418 : vector<1x16xf32> to vector<16xf32>
        %swap3A_420 = vector.shape_cast %mul3A_415 : vector<16xf32> to vector<1x16xf32>
        tpu.vector_store %arg16[%swap3A_416, %swap3A_417], %swap3A_420 {strides = array<i32>} : memref<128x128xf32, #tpu.memory_space<vmem>>, vector<1x16xf32>,
        %get3A_421 = arith.index_cast %add3A_366 : i32 to index
        %get3A_422 = arith.constant 80 : index
        %get3A_423 = tpu.vector_load %arg16[%get3A_421, %get3A_422] {strides = array<i32>} : memref<128x128xf32, #tpu.memory_space<vmem>>, vector<1x16xf32>,
        %get3A_424 = vector.shape_cast %get3A_423 : vector<1x16xf32> to vector<16xf32>
        %mul3A_425 = arith.mulf %get3A_424, %gather3A_370 : vector<16xf32>
        %swap3A_426 = arith.index_cast %add3A_366 : i32 to index
        %swap3A_427 = arith.constant 80 : index
        %swap3A_428 = tpu.vector_load %arg16[%swap3A_426, %swap3A_427] {strides = array<i32>} : memref<128x128xf32, #tpu.memory_space<vmem>>, vector<1x16xf32>,
        %swap3A_429 = vector.shape_cast %swap3A_428 : vector<1x16xf32> to vector<16xf32>
        %swap3A_430 = vector.shape_cast %mul3A_425 : vector<16xf32> to vector<1x16xf32>
        tpu.vector_store %arg16[%swap3A_426, %swap3A_427], %swap3A_430 {strides = array<i32>} : memref<128x128xf32, #tpu.memory_space<vmem>>, vector<1x16xf32>,
        %get3A_431 = arith.index_cast %add3A_366 : i32 to index
        %get3A_432 = arith.constant 96 : index
        %get3A_433 = tpu.vector_load %arg16[%get3A_431, %get3A_432] {strides = array<i32>} : memref<128x128xf32, #tpu.memory_space<vmem>>, vector<1x16xf32>,
        %get3A_434 = vector.shape_cast %get3A_433 : vector<1x16xf32> to vector<16xf32>
        %mul3A_435 = arith.mulf %get3A_434, %gather3A_370 : vector<16xf32>
        %swap3A_436 = arith.index_cast %add3A_366 : i32 to index
        %swap3A_437 = arith.constant 96 : index
        %swap3A_438 = tpu.vector_load %arg16[%swap3A_436, %swap3A_437] {strides = array<i32>} : memref<128x128xf32, #tpu.memory_space<vmem>>, vector<1x16xf32>,
        %swap3A_439 = vector.shape_cast %swap3A_438 : vector<1x16xf32> to vector<16xf32>
        %swap3A_440 = vector.shape_cast %mul3A_435 : vector<16xf32> to vector<1x16xf32>
        tpu.vector_store %arg16[%swap3A_436, %swap3A_437], %swap3A_440 {strides = array<i32>} : memref<128x128xf32, #tpu.memory_space<vmem>>, vector<1x16xf32>,
        %get3A_441 = arith.index_cast %add3A_366 : i32 to index
        %get3A_442 = arith.constant 112 : index
        %get3A_443 = tpu.vector_load %arg16[%get3A_441, %get3A_442] {strides = array<i32>} : memref<128x128xf32, #tpu.memory_space<vmem>>, vector<1x16xf32>,
        %get3A_444 = vector.shape_cast %get3A_443 : vector<1x16xf32> to vector<16xf32>
        %mul3A_445 = arith.mulf %get3A_444, %gather3A_370 : vector<16xf32>
        %swap3A_446 = arith.index_cast %add3A_366 : i32 to index
        %swap3A_447 = arith.constant 112 : index
        %swap3A_448 = tpu.vector_load %arg16[%swap3A_446, %swap3A_447] {strides = array<i32>} : memref<128x128xf32, #tpu.memory_space<vmem>>, vector<1x16xf32>,
        %swap3A_449 = vector.shape_cast %swap3A_448 : vector<1x16xf32> to vector<16xf32>
        %swap3A_450 = vector.shape_cast %mul3A_445 : vector<16xf32> to vector<1x16xf32>
        tpu.vector_store %arg16[%swap3A_446, %swap3A_447], %swap3A_450 {strides = array<i32>} : memref<128x128xf32, #tpu.memory_space<vmem>>, vector<1x16xf32>,
        %add3A_451 = arith.constant 3 : i32
        %add3A_452 = arith.addi %mul3A_192, %add3A_451 : i32
        %broadcast_in_dim3A_453 = arith.constant 3 : i32
        %broadcast_in_dim3A_454 = vector.broadcast %broadcast_in_dim3A_453 : i32 to vector<16x1xi32>
        %gather3A_455 = vector.shape_cast %broadcast_in_dim3A_454 : vector<16x1xi32> to vector<16xi32>
        %gather3A_456 = tpu.dynamic_gather %get3A_194[%gather3A_455] in [0] : vector<16xf32>, vector<16xi32> -> vector<16xf32>
        %get3A_457 = arith.index_cast %add3A_452 : i32 to index
        %get3A_458 = arith.constant 0 : index
        %get3A_459 = tpu.vector_load %arg16[%get3A_457, %get3A_458] {strides = array<i32>} : memref<128x128xf32, #tpu.memory_space<vmem>>, vector<1x16xf32>,
        %get3A_460 = vector.shape_cast %get3A_459 : vector<1x16xf32> to vector<16xf32>
        %mul3A_461 = arith.mulf %get3A_460, %gather3A_456 : vector<16xf32>
        %swap3A_462 = arith.index_cast %add3A_452 : i32 to index
        %swap3A_463 = arith.constant 0 : index
        %swap3A_464 = tpu.vector_load %arg16[%swap3A_462, %swap3A_463] {strides = array<i32>} : memref<128x128xf32, #tpu.memory_space<vmem>>, vector<1x16xf32>,
        %swap3A_465 = vector.shape_cast %swap3A_464 : vector<1x16xf32> to vector<16xf32>
        %swap3A_466 = vector.shape_cast %mul3A_461 : vector<16xf32> to vector<1x16xf32>
        tpu.vector_store %arg16[%swap3A_462, %swap3A_463], %swap3A_466 {strides = array<i32>} : memref<128x128xf32, #tpu.memory_space<vmem>>, vector<1x16xf32>,
        %get3A_467 = arith.index_cast %add3A_452 : i32 to index
        %get3A_468 = arith.constant 16 : index
        %get3A_469 = tpu.vector_load %arg16[%get3A_467, %get3A_468] {strides = array<i32>} : memref<128x128xf32, #tpu.memory_space<vmem>>, vector<1x16xf32>,
        %get3A_470 = vector.shape_cast %get3A_469 : vector<1x16xf32> to vector<16xf32>
        %mul3A_471 = arith.mulf %get3A_470, %gather3A_456 : vector<16xf32>
        %swap3A_472 = arith.index_cast %add3A_452 : i32 to index
        %swap3A_473 = arith.constant 16 : index
        %swap3A_474 = tpu.vector_load %arg16[%swap3A_472, %swap3A_473] {strides = array<i32>} : memref<128x128xf32, #tpu.memory_space<vmem>>, vector<1x16xf32>,
        %swap3A_475 = vector.shape_cast %swap3A_474 : vector<1x16xf32> to vector<16xf32>
        %swap3A_476 = vector.shape_cast %mul3A_471 : vector<16xf32> to vector<1x16xf32>
        tpu.vector_store %arg16[%swap3A_472, %swap3A_473], %swap3A_476 {strides = array<i32>} : memref<128x128xf32, #tpu.memory_space<vmem>>, vector<1x16xf32>,
        %get3A_477 = arith.index_cast %add3A_452 : i32 to index
        %get3A_478 = arith.constant 32 : index
        %get3A_479 = tpu.vector_load %arg16[%get3A_477, %get3A_478] {strides = array<i32>} : memref<128x128xf32, #tpu.memory_space<vmem>>, vector<1x16xf32>,
        %get3A_480 = vector.shape_cast %get3A_479 : vector<1x16xf32> to vector<16xf32>
        %mul3A_481 = arith.mulf %get3A_480, %gather3A_456 : vector<16xf32>
        %swap3A_482 = arith.index_cast %add3A_452 : i32 to index
        %swap3A_483 = arith.constant 32 : index
        %swap3A_484 = tpu.vector_load %arg16[%swap3A_482, %swap3A_483] {strides = array<i32>} : memref<128x128xf32, #tpu.memory_space<vmem>>, vector<1x16xf32>,
        %swap3A_485 = vector.shape_cast %swap3A_484 : vector<1x16xf32> to vector<16xf32>
        %swap3A_486 = vector.shape_cast %mul3A_481 : vector<16xf32> to vector<1x16xf32>
        tpu.vector_store %arg16[%swap3A_482, %swap3A_483], %swap3A_486 {strides = array<i32>} : memref<128x128xf32, #tpu.memory_space<vmem>>, vector<1x16xf32>,
        %get3A_487 = arith.index_cast %add3A_452 : i32 to index
        %get3A_488 = arith.constant 48 : index
        %get3A_489 = tpu.vector_load %arg16[%get3A_487, %get3A_488] {strides = array<i32>} : memref<128x128xf32, #tpu.memory_space<vmem>>, vector<1x16xf32>,
        %get3A_490 = vector.shape_cast %get3A_489 : vector<1x16xf32> to vector<16xf32>
        %mul3A_491 = arith.mulf %get3A_490, %gather3A_456 : vector<16xf32>
        %swap3A_492 = arith.index_cast %add3A_452 : i32 to index
        %swap3A_493 = arith.constant 48 : index
        %swap3A_494 = tpu.vector_load %arg16[%swap3A_492, %swap3A_493] {strides = array<i32>} : memref<128x128xf32, #tpu.memory_space<vmem>>, vector<1x16xf32>,
        %swap3A_495 = vector.shape_cast %swap3A_494 : vector<1x16xf32> to vector<16xf32>
        %swap3A_496 = vector.shape_cast %mul3A_491 : vector<16xf32> to vector<1x16xf32>
        tpu.vector_store %arg16[%swap3A_492, %swap3A_493], %swap3A_496 {strides = array<i32>} : memref<128x128xf32, #tpu.memory_space<vmem>>, vector<1x16xf32>,
        %get3A_497 = arith.index_cast %add3A_452 : i32 to index
        %get3A_498 = arith.constant 64 : index
        %get3A_499 = tpu.vector_load %arg16[%get3A_497, %get3A_498] {strides = array<i32>} : memref<128x128xf32, #tpu.memory_space<vmem>>, vector<1x16xf32>,
        %get3A_500 = vector.shape_cast %get3A_499 : vector<1x16xf32> to vector<16xf32>
        %mul3A_501 = arith.mulf %get3A_500, %gather3A_456 : vector<16xf32>
        %swap3A_502 = arith.index_cast %add3A_452 : i32 to index
        %swap3A_503 = arith.constant 64 : index
        %swap3A_504 = tpu.vector_load %arg16[%swap3A_502, %swap3A_503] {strides = array<i32>} : memref<128x128xf32, #tpu.memory_space<vmem>>, vector<1x16xf32>,
        %swap3A_505 = vector.shape_cast %swap3A_504 : vector<1x16xf32> to vector<16xf32>
        %swap3A_506 = vector.shape_cast %mul3A_501 : vector<16xf32> to vector<1x16xf32>
        tpu.vector_store %arg16[%swap3A_502, %swap3A_503], %swap3A_506 {strides = array<i32>} : memref<128x128xf32, #tpu.memory_space<vmem>>, vector<1x16xf32>,
        %get3A_507 = arith.index_cast %add3A_452 : i32 to index
        %get3A_508 = arith.constant 80 : index
        %get3A_509 = tpu.vector_load %arg16[%get3A_507, %get3A_508] {strides = array<i32>} : memref<128x128xf32, #tpu.memory_space<vmem>>, vector<1x16xf32>,
        %get3A_510 = vector.shape_cast %get3A_509 : vector<1x16xf32> to vector<16xf32>
        %mul3A_511 = arith.mulf %get3A_510, %gather3A_456 : vector<16xf32>
        %swap3A_512 = arith.index_cast %add3A_452 : i32 to index
        %swap3A_513 = arith.constant 80 : index
        %swap3A_514 = tpu.vector_load %arg16[%swap3A_512, %swap3A_513] {strides = array<i32>} : memref<128x128xf32, #tpu.memory_space<vmem>>, vector<1x16xf32>,
        %swap3A_515 = vector.shape_cast %swap3A_514 : vector<1x16xf32> to vector<16xf32>
        %swap3A_516 = vector.shape_cast %mul3A_511 : vector<16xf32> to vector<1x16xf32>
        tpu.vector_store %arg16[%swap3A_512, %swap3A_513], %swap3A_516 {strides = array<i32>} : memref<128x128xf32, #tpu.memory_space<vmem>>, vector<1x16xf32>,
        %get3A_517 = arith.index_cast %add3A_452 : i32 to index
        %get3A_518 = arith.constant 96 : index
        %get3A_519 = tpu.vector_load %arg16[%get3A_517, %get3A_518] {strides = array<i32>} : memref<128x128xf32, #tpu.memory_space<vmem>>, vector<1x16xf32>,
        %get3A_520 = vector.shape_cast %get3A_519 : vector<1x16xf32> to vector<16xf32>
        %mul3A_521 = arith.mulf %get3A_520, %gather3A_456 : vector<16xf32>
        %swap3A_522 = arith.index_cast %add3A_452 : i32 to index
        %swap3A_523 = arith.constant 96 : index
        %swap3A_524 = tpu.vector_load %arg16[%swap3A_522, %swap3A_523] {strides = array<i32>} : memref<128x128xf32, #tpu.memory_space<vmem>>, vector<1x16xf32>,
        %swap3A_525 = vector.shape_cast %swap3A_524 : vector<1x16xf32> to vector<16xf32>
        %swap3A_526 = vector.shape_cast %mul3A_521 : vector<16xf32> to vector<1x16xf32>
        tpu.vector_store %arg16[%swap3A_522, %swap3A_523], %swap3A_526 {strides = array<i32>} : memref<128x128xf32, #tpu.memory_space<vmem>>, vector<1x16xf32>,
        %get3A_527 = arith.index_cast %add3A_452 : i32 to index
        %get3A_528 = arith.constant 112 : index
        %get3A_529 = tpu.vector_load %arg16[%get3A_527, %get3A_528] {strides = array<i32>} : memref<128x128xf32, #tpu.memory_space<vmem>>, vector<1x16xf32>,
        %get3A_530 = vector.shape_cast %get3A_529 : vector<1x16xf32> to vector<16xf32>
        %mul3A_531 = arith.mulf %get3A_530, %gather3A_456 : vector<16xf32>
        %swap3A_532 = arith.index_cast %add3A_452 : i32 to index
        %swap3A_533 = arith.constant 112 : index
        %swap3A_534 = tpu.vector_load %arg16[%swap3A_532, %swap3A_533] {strides = array<i32>} : memref<128x128xf32, #tpu.memory_space<vmem>>, vector<1x16xf32>,
        %swap3A_535 = vector.shape_cast %swap3A_534 : vector<1x16xf32> to vector<16xf32>
        %swap3A_536 = vector.shape_cast %mul3A_531 : vector<16xf32> to vector<1x16xf32>
        tpu.vector_store %arg16[%swap3A_532, %swap3A_533], %swap3A_536 {strides = array<i32>} : memref<128x128xf32, #tpu.memory_space<vmem>>, vector<1x16xf32>,
        %add3A_537 = arith.constant 4 : i32
        %add3A_538 = arith.addi %mul3A_192, %add3A_537 : i32
        %broadcast_in_dim3A_539 = arith.constant 4 : i32
        %broadcast_in_dim3A_540 = vector.broadcast %broadcast_in_dim3A_539 : i32 to vector<16x1xi32>
        %gather3A_541 = vector.shape_cast %broadcast_in_dim3A_540 : vector<16x1xi32> to vector<16xi32>
        %gather3A_542 = tpu.dynamic_gather %get3A_194[%gather3A_541] in [0] : vector<16xf32>, vector<16xi32> -> vector<16xf32>
        %get3A_543 = arith.index_cast %add3A_538 : i32 to index
        %get3A_544 = arith.constant 0 : index
        %get3A_545 = tpu.vector_load %arg16[%get3A_543, %get3A_544] {strides = array<i32>} : memref<128x128xf32, #tpu.memory_space<vmem>>, vector<1x16xf32>,
        %get3A_546 = vector.shape_cast %get3A_545 : vector<1x16xf32> to vector<16xf32>
        %mul3A_547 = arith.mulf %get3A_546, %gather3A_542 : vector<16xf32>
        %swap3A_548 = arith.index_cast %add3A_538 : i32 to index
        %swap3A_549 = arith.constant 0 : index
        %swap3A_550 = tpu.vector_load %arg16[%swap3A_548, %swap3A_549] {strides = array<i32>} : memref<128x128xf32, #tpu.memory_space<vmem>>, vector<1x16xf32>,
        %swap3A_551 = vector.shape_cast %swap3A_550 : vector<1x16xf32> to vector<16xf32>
        %swap3A_552 = vector.shape_cast %mul3A_547 : vector<16xf32> to vector<1x16xf32>
        tpu.vector_store %arg16[%swap3A_548, %swap3A_549], %swap3A_552 {strides = array<i32>} : memref<128x128xf32, #tpu.memory_space<vmem>>, vector<1x16xf32>,
        %get3A_553 = arith.index_cast %add3A_538 : i32 to index
        %get3A_554 = arith.constant 16 : index
        %get3A_555 = tpu.vector_load %arg16[%get3A_553, %get3A_554] {strides = array<i32>} : memref<128x128xf32, #tpu.memory_space<vmem>>, vector<1x16xf32>,
        %get3A_556 = vector.shape_cast %get3A_555 : vector<1x16xf32> to vector<16xf32>
        %mul3A_557 = arith.mulf %get3A_556, %gather3A_542 : vector<16xf32>
        %swap3A_558 = arith.index_cast %add3A_538 : i32 to index
        %swap3A_559 = arith.constant 16 : index
        %swap3A_560 = tpu.vector_load %arg16[%swap3A_558, %swap3A_559] {strides = array<i32>} : memref<128x128xf32, #tpu.memory_space<vmem>>, vector<1x16xf32>,
        %swap3A_561 = vector.shape_cast %swap3A_560 : vector<1x16xf32> to vector<16xf32>
        %swap3A_562 = vector.shape_cast %mul3A_557 : vector<16xf32> to vector<1x16xf32>
        tpu.vector_store %arg16[%swap3A_558, %swap3A_559], %swap3A_562 {strides = array<i32>} : memref<128x128xf32, #tpu.memory_space<vmem>>, vector<1x16xf32>,
        %get3A_563 = arith.index_cast %add3A_538 : i32 to index
        %get3A_564 = arith.constant 32 : index
        %get3A_565 = tpu.vector_load %arg16[%get3A_563, %get3A_564] {strides = array<i32>} : memref<128x128xf32, #tpu.memory_space<vmem>>, vector<1x16xf32>,
        %get3A_566 = vector.shape_cast %get3A_565 : vector<1x16xf32> to vector<16xf32>
        %mul3A_567 = arith.mulf %get3A_566, %gather3A_542 : vector<16xf32>
        %swap3A_568 = arith.index_cast %add3A_538 : i32 to index
        %swap3A_569 = arith.constant 32 : index
        %swap3A_570 = tpu.vector_load %arg16[%swap3A_568, %swap3A_569] {strides = array<i32>} : memref<128x128xf32, #tpu.memory_space<vmem>>, vector<1x16xf32>,
        %swap3A_571 = vector.shape_cast %swap3A_570 : vector<1x16xf32> to vector<16xf32>
        %swap3A_572 = vector.shape_cast %mul3A_567 : vector<16xf32> to vector<1x16xf32>
        tpu.vector_store %arg16[%swap3A_568, %swap3A_569], %swap3A_572 {strides = array<i32>} : memref<128x128xf32, #tpu.memory_space<vmem>>, vector<1x16xf32>,
        %get3A_573 = arith.index_cast %add3A_538 : i32 to index
        %get3A_574 = arith.constant 48 : index
        %get3A_575 = tpu.vector_load %arg16[%get3A_573, %get3A_574] {strides = array<i32>} : memref<128x128xf32, #tpu.memory_space<vmem>>, vector<1x16xf32>,
        %get3A_576 = vector.shape_cast %get3A_575 : vector<1x16xf32> to vector<16xf32>
        %mul3A_577 = arith.mulf %get3A_576, %gather3A_542 : vector<16xf32>
        %swap3A_578 = arith.index_cast %add3A_538 : i32 to index
        %swap3A_579 = arith.constant 48 : index
        %swap3A_580 = tpu.vector_load %arg16[%swap3A_578, %swap3A_579] {strides = array<i32>} : memref<128x128xf32, #tpu.memory_space<vmem>>, vector<1x16xf32>,
        %swap3A_581 = vector.shape_cast %swap3A_580 : vector<1x16xf32> to vector<16xf32>
        %swap3A_582 = vector.shape_cast %mul3A_577 : vector<16xf32> to vector<1x16xf32>
        tpu.vector_store %arg16[%swap3A_578, %swap3A_579], %swap3A_582 {strides = array<i32>} : memref<128x128xf32, #tpu.memory_space<vmem>>, vector<1x16xf32>,
        %get3A_583 = arith.index_cast %add3A_538 : i32 to index
        %get3A_584 = arith.constant 64 : index
        %get3A_585 = tpu.vector_load %arg16[%get3A_583, %get3A_584] {strides = array<i32>} : memref<128x128xf32, #tpu.memory_space<vmem>>, vector<1x16xf32>,
        %get3A_586 = vector.shape_cast %get3A_585 : vector<1x16xf32> to vector<16xf32>
        %mul3A_587 = arith.mulf %get3A_586, %gather3A_542 : vector<16xf32>
        %swap3A_588 = arith.index_cast %add3A_538 : i32 to index
        %swap3A_589 = arith.constant 64 : index
        %swap3A_590 = tpu.vector_load %arg16[%swap3A_588, %swap3A_589] {strides = array<i32>} : memref<128x128xf32, #tpu.memory_space<vmem>>, vector<1x16xf32>,
        %swap3A_591 = vector.shape_cast %swap3A_590 : vector<1x16xf32> to vector<16xf32>
        %swap3A_592 = vector.shape_cast %mul3A_587 : vector<16xf32> to vector<1x16xf32>
        tpu.vector_store %arg16[%swap3A_588, %swap3A_589], %swap3A_592 {strides = array<i32>} : memref<128x128xf32, #tpu.memory_space<vmem>>, vector<1x16xf32>,
        %get3A_593 = arith.index_cast %add3A_538 : i32 to index
        %get3A_594 = arith.constant 80 : index
        %get3A_595 = tpu.vector_load %arg16[%get3A_593, %get3A_594] {strides = array<i32>} : memref<128x128xf32, #tpu.memory_space<vmem>>, vector<1x16xf32>,
        %get3A_596 = vector.shape_cast %get3A_595 : vector<1x16xf32> to vector<16xf32>
        %mul3A_597 = arith.mulf %get3A_596, %gather3A_542 : vector<16xf32>
        %swap3A_598 = arith.index_cast %add3A_538 : i32 to index
        %swap3A_599 = arith.constant 80 : index
        %swap3A_600 = tpu.vector_load %arg16[%swap3A_598, %swap3A_599] {strides = array<i32>} : memref<128x128xf32, #tpu.memory_space<vmem>>, vector<1x16xf32>,
        %swap3A_601 = vector.shape_cast %swap3A_600 : vector<1x16xf32> to vector<16xf32>
        %swap3A_602 = vector.shape_cast %mul3A_597 : vector<16xf32> to vector<1x16xf32>
        tpu.vector_store %arg16[%swap3A_598, %swap3A_599], %swap3A_602 {strides = array<i32>} : memref<128x128xf32, #tpu.memory_space<vmem>>, vector<1x16xf32>,
        %get3A_603 = arith.index_cast %add3A_538 : i32 to index
        %get3A_604 = arith.constant 96 : index
        %get3A_605 = tpu.vector_load %arg16[%get3A_603, %get3A_604] {strides = array<i32>} : memref<128x128xf32, #tpu.memory_space<vmem>>, vector<1x16xf32>,
        %get3A_606 = vector.shape_cast %get3A_605 : vector<1x16xf32> to vector<16xf32>
        %mul3A_607 = arith.mulf %get3A_606, %gather3A_542 : vector<16xf32>
        %swap3A_608 = arith.index_cast %add3A_538 : i32 to index
        %swap3A_609 = arith.constant 96 : index
        %swap3A_610 = tpu.vector_load %arg16[%swap3A_608, %swap3A_609] {strides = array<i32>} : memref<128x128xf32, #tpu.memory_space<vmem>>, vector<1x16xf32>,
        %swap3A_611 = vector.shape_cast %swap3A_610 : vector<1x16xf32> to vector<16xf32>
        %swap3A_612 = vector.shape_cast %mul3A_607 : vector<16xf32> to vector<1x16xf32>
        tpu.vector_store %arg16[%swap3A_608, %swap3A_609], %swap3A_612 {strides = array<i32>} : memref<128x128xf32, #tpu.memory_space<vmem>>, vector<1x16xf32>,
        %get3A_613 = arith.index_cast %add3A_538 : i32 to index
        %get3A_614 = arith.constant 112 : index
        %get3A_615 = tpu.vector_load %arg16[%get3A_613, %get3A_614] {strides = array<i32>} : memref<128x128xf32, #tpu.memory_space<vmem>>, vector<1x16xf32>,
        %get3A_616 = vector.shape_cast %get3A_615 : vector<1x16xf32> to vector<16xf32>
        %mul3A_617 = arith.mulf %get3A_616, %gather3A_542 : vector<16xf32>
        %swap3A_618 = arith.index_cast %add3A_538 : i32 to index
        %swap3A_619 = arith.constant 112 : index
        %swap3A_620 = tpu.vector_load %arg16[%swap3A_618, %swap3A_619] {strides = array<i32>} : memref<128x128xf32, #tpu.memory_space<vmem>>, vector<1x16xf32>,
        %swap3A_621 = vector.shape_cast %swap3A_620 : vector<1x16xf32> to vector<16xf32>
        %swap3A_622 = vector.shape_cast %mul3A_617 : vector<16xf32> to vector<1x16xf32>
        tpu.vector_store %arg16[%swap3A_618, %swap3A_619], %swap3A_622 {strides = array<i32>} : memref<128x128xf32, #tpu.memory_space<vmem>>, vector<1x16xf32>,
        %add3A_623 = arith.constant 5 : i32
        %add3A_624 = arith.addi %mul3A_192, %add3A_623 : i32
        %broadcast_in_dim3A_625 = arith.constant 5 : i32
        %broadcast_in_dim3A_626 = vector.broadcast %broadcast_in_dim3A_625 : i32 to vector<16x1xi32>
        %gather3A_627 = vector.shape_cast %broadcast_in_dim3A_626 : vector<16x1xi32> to vector<16xi32>
        %gather3A_628 = tpu.dynamic_gather %get3A_194[%gather3A_627] in [0] : vector<16xf32>, vector<16xi32> -> vector<16xf32>
        %get3A_629 = arith.index_cast %add3A_624 : i32 to index
        %get3A_630 = arith.constant 0 : index
        %get3A_631 = tpu.vector_load %arg16[%get3A_629, %get3A_630] {strides = array<i32>} : memref<128x128xf32, #tpu.memory_space<vmem>>, vector<1x16xf32>,
        %get3A_632 = vector.shape_cast %get3A_631 : vector<1x16xf32> to vector<16xf32>
        %mul3A_633 = arith.mulf %get3A_632, %gather3A_628 : vector<16xf32>
        %swap3A_634 = arith.index_cast %add3A_624 : i32 to index
        %swap3A_635 = arith.constant 0 : index
        %swap3A_636 = tpu.vector_load %arg16[%swap3A_634, %swap3A_635] {strides = array<i32>} : memref<128x128xf32, #tpu.memory_space<vmem>>, vector<1x16xf32>,
        %swap3A_637 = vector.shape_cast %swap3A_636 : vector<1x16xf32> to vector<16xf32>
        %swap3A_638 = vector.shape_cast %mul3A_633 : vector<16xf32> to vector<1x16xf32>
        tpu.vector_store %arg16[%swap3A_634, %swap3A_635], %swap3A_638 {strides = array<i32>} : memref<128x128xf32, #tpu.memory_space<vmem>>, vector<1x16xf32>,
        %get3A_639 = arith.index_cast %add3A_624 : i32 to index
        %get3A_640 = arith.constant 16 : index
        %get3A_641 = tpu.vector_load %arg16[%get3A_639, %get3A_640] {strides = array<i32>} : memref<128x128xf32, #tpu.memory_space<vmem>>, vector<1x16xf32>,
        %get3A_642 = vector.shape_cast %get3A_641 : vector<1x16xf32> to vector<16xf32>
        %mul3A_643 = arith.mulf %get3A_642, %gather3A_628 : vector<16xf32>
        %swap3A_644 = arith.index_cast %add3A_624 : i32 to index
        %swap3A_645 = arith.constant 16 : index
        %swap3A_646 = tpu.vector_load %arg16[%swap3A_644, %swap3A_645] {strides = array<i32>} : memref<128x128xf32, #tpu.memory_space<vmem>>, vector<1x16xf32>,
        %swap3A_647 = vector.shape_cast %swap3A_646 : vector<1x16xf32> to vector<16xf32>
        %swap3A_648 = vector.shape_cast %mul3A_643 : vector<16xf32> to vector<1x16xf32>
        tpu.vector_store %arg16[%swap3A_644, %swap3A_645], %swap3A_648 {strides = array<i32>} : memref<128x128xf32, #tpu.memory_space<vmem>>, vector<1x16xf32>,
        %get3A_649 = arith.index_cast %add3A_624 : i32 to index
        %get3A_650 = arith.constant 32 : index
        %get3A_651 = tpu.vector_load %arg16[%get3A_649, %get3A_650] {strides = array<i32>} : memref<128x128xf32, #tpu.memory_space<vmem>>, vector<1x16xf32>,
        %get3A_652 = vector.shape_cast %get3A_651 : vector<1x16xf32> to vector<16xf32>
        %mul3A_653 = arith.mulf %get3A_652, %gather3A_628 : vector<16xf32>
        %swap3A_654 = arith.index_cast %add3A_624 : i32 to index
        %swap3A_655 = arith.constant 32 : index
        %swap3A_656 = tpu.vector_load %arg16[%swap3A_654, %swap3A_655] {strides = array<i32>} : memref<128x128xf32, #tpu.memory_space<vmem>>, vector<1x16xf32>,
        %swap3A_657 = vector.shape_cast %swap3A_656 : vector<1x16xf32> to vector<16xf32>
        %swap3A_658 = vector.shape_cast %mul3A_653 : vector<16xf32> to vector<1x16xf32>
        tpu.vector_store %arg16[%swap3A_654, %swap3A_655], %swap3A_658 {strides = array<i32>} : memref<128x128xf32, #tpu.memory_space<vmem>>, vector<1x16xf32>,
        %get3A_659 = arith.index_cast %add3A_624 : i32 to index
        %get3A_660 = arith.constant 48 : index
        %get3A_661 = tpu.vector_load %arg16[%get3A_659, %get3A_660] {strides = array<i32>} : memref<128x128xf32, #tpu.memory_space<vmem>>, vector<1x16xf32>,
        %get3A_662 = vector.shape_cast %get3A_661 : vector<1x16xf32> to vector<16xf32>
        %mul3A_663 = arith.mulf %get3A_662, %gather3A_628 : vector<16xf32>
        %swap3A_664 = arith.index_cast %add3A_624 : i32 to index
        %swap3A_665 = arith.constant 48 : index
        %swap3A_666 = tpu.vector_load %arg16[%swap3A_664, %swap3A_665] {strides = array<i32>} : memref<128x128xf32, #tpu.memory_space<vmem>>, vector<1x16xf32>,
        %swap3A_667 = vector.shape_cast %swap3A_666 : vector<1x16xf32> to vector<16xf32>
        %swap3A_668 = vector.shape_cast %mul3A_663 : vector<16xf32> to vector<1x16xf32>
        tpu.vector_store %arg16[%swap3A_664, %swap3A_665], %swap3A_668 {strides = array<i32>} : memref<128x128xf32, #tpu.memory_space<vmem>>, vector<1x16xf32>,
        %get3A_669 = arith.index_cast %add3A_624 : i32 to index
        %get3A_670 = arith.constant 64 : index
        %get3A_671 = tpu.vector_load %arg16[%get3A_669, %get3A_670] {strides = array<i32>} : memref<128x128xf32, #tpu.memory_space<vmem>>, vector<1x16xf32>,
        %get3A_672 = vector.shape_cast %get3A_671 : vector<1x16xf32> to vector<16xf32>
        %mul3A_673 = arith.mulf %get3A_672, %gather3A_628 : vector<16xf32>
        %swap3A_674 = arith.index_cast %add3A_624 : i32 to index
        %swap3A_675 = arith.constant 64 : index
        %swap3A_676 = tpu.vector_load %arg16[%swap3A_674, %swap3A_675] {strides = array<i32>} : memref<128x128xf32, #tpu.memory_space<vmem>>, vector<1x16xf32>,
        %swap3A_677 = vector.shape_cast %swap3A_676 : vector<1x16xf32> to vector<16xf32>
        %swap3A_678 = vector.shape_cast %mul3A_673 : vector<16xf32> to vector<1x16xf32>
        tpu.vector_store %arg16[%swap3A_674, %swap3A_675], %swap3A_678 {strides = array<i32>} : memref<128x128xf32, #tpu.memory_space<vmem>>, vector<1x16xf32>,
        %get3A_679 = arith.index_cast %add3A_624 : i32 to index
        %get3A_680 = arith.constant 80 : index
        %get3A_681 = tpu.vector_load %arg16[%get3A_679, %get3A_680] {strides = array<i32>} : memref<128x128xf32, #tpu.memory_space<vmem>>, vector<1x16xf32>,
        %get3A_682 = vector.shape_cast %get3A_681 : vector<1x16xf32> to vector<16xf32>
        %mul3A_683 = arith.mulf %get3A_682, %gather3A_628 : vector<16xf32>
        %swap3A_684 = arith.index_cast %add3A_624 : i32 to index
        %swap3A_685 = arith.constant 80 : index
        %swap3A_686 = tpu.vector_load %arg16[%swap3A_684, %swap3A_685] {strides = array<i32>} : memref<128x128xf32, #tpu.memory_space<vmem>>, vector<1x16xf32>,
        %swap3A_687 = vector.shape_cast %swap3A_686 : vector<1x16xf32> to vector<16xf32>
        %swap3A_688 = vector.shape_cast %mul3A_683 : vector<16xf32> to vector<1x16xf32>
        tpu.vector_store %arg16[%swap3A_684, %swap3A_685], %swap3A_688 {strides = array<i32>} : memref<128x128xf32, #tpu.memory_space<vmem>>, vector<1x16xf32>,
        %get3A_689 = arith.index_cast %add3A_624 : i32 to index
        %get3A_690 = arith.constant 96 : index
        %get3A_691 = tpu.vector_load %arg16[%get3A_689, %get3A_690] {strides = array<i32>} : memref<128x128xf32, #tpu.memory_space<vmem>>, vector<1x16xf32>,
        %get3A_692 = vector.shape_cast %get3A_691 : vector<1x16xf32> to vector<16xf32>
        %mul3A_693 = arith.mulf %get3A_692, %gather3A_628 : vector<16xf32>
        %swap3A_694 = arith.index_cast %add3A_624 : i32 to index
        %swap3A_695 = arith.constant 96 : index
        %swap3A_696 = tpu.vector_load %arg16[%swap3A_694, %swap3A_695] {strides = array<i32>} : memref<128x128xf32, #tpu.memory_space<vmem>>, vector<1x16xf32>,
        %swap3A_697 = vector.shape_cast %swap3A_696 : vector<1x16xf32> to vector<16xf32>
        %swap3A_698 = vector.shape_cast %mul3A_693 : vector<16xf32> to vector<1x16xf32>
        tpu.vector_store %arg16[%swap3A_694, %swap3A_695], %swap3A_698 {strides = array<i32>} : memref<128x128xf32, #tpu.memory_space<vmem>>, vector<1x16xf32>,
        %get3A_699 = arith.index_cast %add3A_624 : i32 to index
        %get3A_700 = arith.constant 112 : index
        %get3A_701 = tpu.vector_load %arg16[%get3A_699, %get3A_700] {strides = array<i32>} : memref<128x128xf32, #tpu.memory_space<vmem>>, vector<1x16xf32>,
        %get3A_702 = vector.shape_cast %get3A_701 : vector<1x16xf32> to vector<16xf32>
        %mul3A_703 = arith.mulf %get3A_702, %gather3A_628 : vector<16xf32>
        %swap3A_704 = arith.index_cast %add3A_624 : i32 to index
        %swap3A_705 = arith.constant 112 : index
        %swap3A_706 = tpu.vector_load %arg16[%swap3A_704, %swap3A_705] {strides = array<i32>} : memref<128x128xf32, #tpu.memory_space<vmem>>, vector<1x16xf32>,
        %swap3A_707 = vector.shape_cast %swap3A_706 : vector<1x16xf32> to vector<16xf32>
        %swap3A_708 = vector.shape_cast %mul3A_703 : vector<16xf32> to vector<1x16xf32>
        tpu.vector_store %arg16[%swap3A_704, %swap3A_705], %swap3A_708 {strides = array<i32>} : memref<128x128xf32, #tpu.memory_space<vmem>>, vector<1x16xf32>,
        %add3A_709 = arith.constant 6 : i32
        %add3A_710 = arith.addi %mul3A_192, %add3A_709 : i32
        %broadcast_in_dim3A_711 = arith.constant 6 : i32
        %broadcast_in_dim3A_712 = vector.broadcast %broadcast_in_dim3A_711 : i32 to vector<16x1xi32>
        %gather3A_713 = vector.shape_cast %broadcast_in_dim3A_712 : vector<16x1xi32> to vector<16xi32>
        %gather3A_714 = tpu.dynamic_gather %get3A_194[%gather3A_713] in [0] : vector<16xf32>, vector<16xi32> -> vector<16xf32>
        %get3A_715 = arith.index_cast %add3A_710 : i32 to index
        %get3A_716 = arith.constant 0 : index
        %get3A_717 = tpu.vector_load %arg16[%get3A_715, %get3A_716] {strides = array<i32>} : memref<128x128xf32, #tpu.memory_space<vmem>>, vector<1x16xf32>,
        %get3A_718 = vector.shape_cast %get3A_717 : vector<1x16xf32> to vector<16xf32>
        %mul3A_719 = arith.mulf %get3A_718, %gather3A_714 : vector<16xf32>
        %swap3A_720 = arith.index_cast %add3A_710 : i32 to index
        %swap3A_721 = arith.constant 0 : index
        %swap3A_722 = tpu.vector_load %arg16[%swap3A_720, %swap3A_721] {strides = array<i32>} : memref<128x128xf32, #tpu.memory_space<vmem>>, vector<1x16xf32>,
        %swap3A_723 = vector.shape_cast %swap3A_722 : vector<1x16xf32> to vector<16xf32>
        %swap3A_724 = vector.shape_cast %mul3A_719 : vector<16xf32> to vector<1x16xf32>
        tpu.vector_store %arg16[%swap3A_720, %swap3A_721], %swap3A_724 {strides = array<i32>} : memref<128x128xf32, #tpu.memory_space<vmem>>, vector<1x16xf32>,
        %get3A_725 = arith.index_cast %add3A_710 : i32 to index
        %get3A_726 = arith.constant 16 : index
        %get3A_727 = tpu.vector_load %arg16[%get3A_725, %get3A_726] {strides = array<i32>} : memref<128x128xf32, #tpu.memory_space<vmem>>, vector<1x16xf32>,
        %get3A_728 = vector.shape_cast %get3A_727 : vector<1x16xf32> to vector<16xf32>
        %mul3A_729 = arith.mulf %get3A_728, %gather3A_714 : vector<16xf32>
        %swap3A_730 = arith.index_cast %add3A_710 : i32 to index
        %swap3A_731 = arith.constant 16 : index
        %swap3A_732 = tpu.vector_load %arg16[%swap3A_730, %swap3A_731] {strides = array<i32>} : memref<128x128xf32, #tpu.memory_space<vmem>>, vector<1x16xf32>,
        %swap3A_733 = vector.shape_cast %swap3A_732 : vector<1x16xf32> to vector<16xf32>
        %swap3A_734 = vector.shape_cast %mul3A_729 : vector<16xf32> to vector<1x16xf32>
        tpu.vector_store %arg16[%swap3A_730, %swap3A_731], %swap3A_734 {strides = array<i32>} : memref<128x128xf32, #tpu.memory_space<vmem>>, vector<1x16xf32>,
        %get3A_735 = arith.index_cast %add3A_710 : i32 to index
        %get3A_736 = arith.constant 32 : index
        %get3A_737 = tpu.vector_load %arg16[%get3A_735, %get3A_736] {strides = array<i32>} : memref<128x128xf32, #tpu.memory_space<vmem>>, vector<1x16xf32>,
        %get3A_738 = vector.shape_cast %get3A_737 : vector<1x16xf32> to vector<16xf32>
        %mul3A_739 = arith.mulf %get3A_738, %gather3A_714 : vector<16xf32>
        %swap3A_740 = arith.index_cast %add3A_710 : i32 to index
        %swap3A_741 = arith.constant 32 : index
        %swap3A_742 = tpu.vector_load %arg16[%swap3A_740, %swap3A_741] {strides = array<i32>} : memref<128x128xf32, #tpu.memory_space<vmem>>, vector<1x16xf32>,
        %swap3A_743 = vector.shape_cast %swap3A_742 : vector<1x16xf32> to vector<16xf32>
        %swap3A_744 = vector.shape_cast %mul3A_739 : vector<16xf32> to vector<1x16xf32>
        tpu.vector_store %arg16[%swap3A_740, %swap3A_741], %swap3A_744 {strides = array<i32>} : memref<128x128xf32, #tpu.memory_space<vmem>>, vector<1x16xf32>,
        %get3A_745 = arith.index_cast %add3A_710 : i32 to index
        %get3A_746 = arith.constant 48 : index
        %get3A_747 = tpu.vector_load %arg16[%get3A_745, %get3A_746] {strides = array<i32>} : memref<128x128xf32, #tpu.memory_space<vmem>>, vector<1x16xf32>,
        %get3A_748 = vector.shape_cast %get3A_747 : vector<1x16xf32> to vector<16xf32>
        %mul3A_749 = arith.mulf %get3A_748, %gather3A_714 : vector<16xf32>
        %swap3A_750 = arith.index_cast %add3A_710 : i32 to index
        %swap3A_751 = arith.constant 48 : index
        %swap3A_752 = tpu.vector_load %arg16[%swap3A_750, %swap3A_751] {strides = array<i32>} : memref<128x128xf32, #tpu.memory_space<vmem>>, vector<1x16xf32>,
        %swap3A_753 = vector.shape_cast %swap3A_752 : vector<1x16xf32> to vector<16xf32>
        %swap3A_754 = vector.shape_cast %mul3A_749 : vector<16xf32> to vector<1x16xf32>
        tpu.vector_store %arg16[%swap3A_750, %swap3A_751], %swap3A_754 {strides = array<i32>} : memref<128x128xf32, #tpu.memory_space<vmem>>, vector<1x16xf32>,
        %get3A_755 = arith.index_cast %add3A_710 : i32 to index
        %get3A_756 = arith.constant 64 : index
        %get3A_757 = tpu.vector_load %arg16[%get3A_755, %get3A_756] {strides = array<i32>} : memref<128x128xf32, #tpu.memory_space<vmem>>, vector<1x16xf32>,
        %get3A_758 = vector.shape_cast %get3A_757 : vector<1x16xf32> to vector<16xf32>
        %mul3A_759 = arith.mulf %get3A_758, %gather3A_714 : vector<16xf32>
        %swap3A_760 = arith.index_cast %add3A_710 : i32 to index
        %swap3A_761 = arith.constant 64 : index
        %swap3A_762 = tpu.vector_load %arg16[%swap3A_760, %swap3A_761] {strides = array<i32>} : memref<128x128xf32, #tpu.memory_space<vmem>>, vector<1x16xf32>,
        %swap3A_763 = vector.shape_cast %swap3A_762 : vector<1x16xf32> to vector<16xf32>
        %swap3A_764 = vector.shape_cast %mul3A_759 : vector<16xf32> to vector<1x16xf32>
        tpu.vector_store %arg16[%swap3A_760, %swap3A_761], %swap3A_764 {strides = array<i32>} : memref<128x128xf32, #tpu.memory_space<vmem>>, vector<1x16xf32>,
        %get3A_765 = arith.index_cast %add3A_710 : i32 to index
        %get3A_766 = arith.constant 80 : index
        %get3A_767 = tpu.vector_load %arg16[%get3A_765, %get3A_766] {strides = array<i32>} : memref<128x128xf32, #tpu.memory_space<vmem>>, vector<1x16xf32>,
        %get3A_768 = vector.shape_cast %get3A_767 : vector<1x16xf32> to vector<16xf32>
        %mul3A_769 = arith.mulf %get3A_768, %gather3A_714 : vector<16xf32>
        %swap3A_770 = arith.index_cast %add3A_710 : i32 to index
        %swap3A_771 = arith.constant 80 : index
        %swap3A_772 = tpu.vector_load %arg16[%swap3A_770, %swap3A_771] {strides = array<i32>} : memref<128x128xf32, #tpu.memory_space<vmem>>, vector<1x16xf32>,
        %swap3A_773 = vector.shape_cast %swap3A_772 : vector<1x16xf32> to vector<16xf32>
        %swap3A_774 = vector.shape_cast %mul3A_769 : vector<16xf32> to vector<1x16xf32>
        tpu.vector_store %arg16[%swap3A_770, %swap3A_771], %swap3A_774 {strides = array<i32>} : memref<128x128xf32, #tpu.memory_space<vmem>>, vector<1x16xf32>,
        %get3A_775 = arith.index_cast %add3A_710 : i32 to index
        %get3A_776 = arith.constant 96 : index
        %get3A_777 = tpu.vector_load %arg16[%get3A_775, %get3A_776] {strides = array<i32>} : memref<128x128xf32, #tpu.memory_space<vmem>>, vector<1x16xf32>,
        %get3A_778 = vector.shape_cast %get3A_777 : vector<1x16xf32> to vector<16xf32>
        %mul3A_779 = arith.mulf %get3A_778, %gather3A_714 : vector<16xf32>
        %swap3A_780 = arith.index_cast %add3A_710 : i32 to index
        %swap3A_781 = arith.constant 96 : index
        %swap3A_782 = tpu.vector_load %arg16[%swap3A_780, %swap3A_781] {strides = array<i32>} : memref<128x128xf32, #tpu.memory_space<vmem>>, vector<1x16xf32>,
        %swap3A_783 = vector.shape_cast %swap3A_782 : vector<1x16xf32> to vector<16xf32>
        %swap3A_784 = vector.shape_cast %mul3A_779 : vector<16xf32> to vector<1x16xf32>
        tpu.vector_store %arg16[%swap3A_780, %swap3A_781], %swap3A_784 {strides = array<i32>} : memref<128x128xf32, #tpu.memory_space<vmem>>, vector<1x16xf32>,
        %get3A_785 = arith.index_cast %add3A_710 : i32 to index
        %get3A_786 = arith.constant 112 : index
        %get3A_787 = tpu.vector_load %arg16[%get3A_785, %get3A_786] {strides = array<i32>} : memref<128x128xf32, #tpu.memory_space<vmem>>, vector<1x16xf32>,
        %get3A_788 = vector.shape_cast %get3A_787 : vector<1x16xf32> to vector<16xf32>
        %mul3A_789 = arith.mulf %get3A_788, %gather3A_714 : vector<16xf32>
        %swap3A_790 = arith.index_cast %add3A_710 : i32 to index
        %swap3A_791 = arith.constant 112 : index
        %swap3A_792 = tpu.vector_load %arg16[%swap3A_790, %swap3A_791] {strides = array<i32>} : memref<128x128xf32, #tpu.memory_space<vmem>>, vector<1x16xf32>,
        %swap3A_793 = vector.shape_cast %swap3A_792 : vector<1x16xf32> to vector<16xf32>
        %swap3A_794 = vector.shape_cast %mul3A_789 : vector<16xf32> to vector<1x16xf32>
        tpu.vector_store %arg16[%swap3A_790, %swap3A_791], %swap3A_794 {strides = array<i32>} : memref<128x128xf32, #tpu.memory_space<vmem>>, vector<1x16xf32>,
        %add3A_795 = arith.constant 7 : i32
        %add3A_796 = arith.addi %mul3A_192, %add3A_795 : i32
        %broadcast_in_dim3A_797 = arith.constant 7 : i32
        %broadcast_in_dim3A_798 = vector.broadcast %broadcast_in_dim3A_797 : i32 to vector<16x1xi32>
        %gather3A_799 = vector.shape_cast %broadcast_in_dim3A_798 : vector<16x1xi32> to vector<16xi32>
        %gather3A_800 = tpu.dynamic_gather %get3A_194[%gather3A_799] in [0] : vector<16xf32>, vector<16xi32> -> vector<16xf32>
        %get3A_801 = arith.index_cast %add3A_796 : i32 to index
        %get3A_802 = arith.constant 0 : index
        %get3A_803 = tpu.vector_load %arg16[%get3A_801, %get3A_802] {strides = array<i32>} : memref<128x128xf32, #tpu.memory_space<vmem>>, vector<1x16xf32>,
        %get3A_804 = vector.shape_cast %get3A_803 : vector<1x16xf32> to vector<16xf32>
        %mul3A_805 = arith.mulf %get3A_804, %gather3A_800 : vector<16xf32>
        %swap3A_806 = arith.index_cast %add3A_796 : i32 to index
        %swap3A_807 = arith.constant 0 : index
        %swap3A_808 = tpu.vector_load %arg16[%swap3A_806, %swap3A_807] {strides = array<i32>} : memref<128x128xf32, #tpu.memory_space<vmem>>, vector<1x16xf32>,
        %swap3A_809 = vector.shape_cast %swap3A_808 : vector<1x16xf32> to vector<16xf32>
        %swap3A_810 = vector.shape_cast %mul3A_805 : vector<16xf32> to vector<1x16xf32>
        tpu.vector_store %arg16[%swap3A_806, %swap3A_807], %swap3A_810 {strides = array<i32>} : memref<128x128xf32, #tpu.memory_space<vmem>>, vector<1x16xf32>,
        %get3A_811 = arith.index_cast %add3A_796 : i32 to index
        %get3A_812 = arith.constant 16 : index
        %get3A_813 = tpu.vector_load %arg16[%get3A_811, %get3A_812] {strides = array<i32>} : memref<128x128xf32, #tpu.memory_space<vmem>>, vector<1x16xf32>,
        %get3A_814 = vector.shape_cast %get3A_813 : vector<1x16xf32> to vector<16xf32>
        %mul3A_815 = arith.mulf %get3A_814, %gather3A_800 : vector<16xf32>
        %swap3A_816 = arith.index_cast %add3A_796 : i32 to index
        %swap3A_817 = arith.constant 16 : index
        %swap3A_818 = tpu.vector_load %arg16[%swap3A_816, %swap3A_817] {strides = array<i32>} : memref<128x128xf32, #tpu.memory_space<vmem>>, vector<1x16xf32>,
        %swap3A_819 = vector.shape_cast %swap3A_818 : vector<1x16xf32> to vector<16xf32>
        %swap3A_820 = vector.shape_cast %mul3A_815 : vector<16xf32> to vector<1x16xf32>
        tpu.vector_store %arg16[%swap3A_816, %swap3A_817], %swap3A_820 {strides = array<i32>} : memref<128x128xf32, #tpu.memory_space<vmem>>, vector<1x16xf32>,
        %get3A_821 = arith.index_cast %add3A_796 : i32 to index
        %get3A_822 = arith.constant 32 : index
        %get3A_823 = tpu.vector_load %arg16[%get3A_821, %get3A_822] {strides = array<i32>} : memref<128x128xf32, #tpu.memory_space<vmem>>, vector<1x16xf32>,
        %get3A_824 = vector.shape_cast %get3A_823 : vector<1x16xf32> to vector<16xf32>
        %mul3A_825 = arith.mulf %get3A_824, %gather3A_800 : vector<16xf32>
        %swap3A_826 = arith.index_cast %add3A_796 : i32 to index
        %swap3A_827 = arith.constant 32 : index
        %swap3A_828 = tpu.vector_load %arg16[%swap3A_826, %swap3A_827] {strides = array<i32>} : memref<128x128xf32, #tpu.memory_space<vmem>>, vector<1x16xf32>,
        %swap3A_829 = vector.shape_cast %swap3A_828 : vector<1x16xf32> to vector<16xf32>
        %swap3A_830 = vector.shape_cast %mul3A_825 : vector<16xf32> to vector<1x16xf32>
        tpu.vector_store %arg16[%swap3A_826, %swap3A_827], %swap3A_830 {strides = array<i32>} : memref<128x128xf32, #tpu.memory_space<vmem>>, vector<1x16xf32>,
        %get3A_831 = arith.index_cast %add3A_796 : i32 to index
        %get3A_832 = arith.constant 48 : index
        %get3A_833 = tpu.vector_load %arg16[%get3A_831, %get3A_832] {strides = array<i32>} : memref<128x128xf32, #tpu.memory_space<vmem>>, vector<1x16xf32>,
        %get3A_834 = vector.shape_cast %get3A_833 : vector<1x16xf32> to vector<16xf32>
        %mul3A_835 = arith.mulf %get3A_834, %gather3A_800 : vector<16xf32>
        %swap3A_836 = arith.index_cast %add3A_796 : i32 to index
        %swap3A_837 = arith.constant 48 : index
        %swap3A_838 = tpu.vector_load %arg16[%swap3A_836, %swap3A_837] {strides = array<i32>} : memref<128x128xf32, #tpu.memory_space<vmem>>, vector<1x16xf32>,
        %swap3A_839 = vector.shape_cast %swap3A_838 : vector<1x16xf32> to vector<16xf32>
        %swap3A_840 = vector.shape_cast %mul3A_835 : vector<16xf32> to vector<1x16xf32>
        tpu.vector_store %arg16[%swap3A_836, %swap3A_837], %swap3A_840 {strides = array<i32>} : memref<128x128xf32, #tpu.memory_space<vmem>>, vector<1x16xf32>,
        %get3A_841 = arith.index_cast %add3A_796 : i32 to index
        %get3A_842 = arith.constant 64 : index
        %get3A_843 = tpu.vector_load %arg16[%get3A_841, %get3A_842] {strides = array<i32>} : memref<128x128xf32, #tpu.memory_space<vmem>>, vector<1x16xf32>,
        %get3A_844 = vector.shape_cast %get3A_843 : vector<1x16xf32> to vector<16xf32>
        %mul3A_845 = arith.mulf %get3A_844, %gather3A_800 : vector<16xf32>
        %swap3A_846 = arith.index_cast %add3A_796 : i32 to index
        %swap3A_847 = arith.constant 64 : index
        %swap3A_848 = tpu.vector_load %arg16[%swap3A_846, %swap3A_847] {strides = array<i32>} : memref<128x128xf32, #tpu.memory_space<vmem>>, vector<1x16xf32>,
        %swap3A_849 = vector.shape_cast %swap3A_848 : vector<1x16xf32> to vector<16xf32>
        %swap3A_850 = vector.shape_cast %mul3A_845 : vector<16xf32> to vector<1x16xf32>
        tpu.vector_store %arg16[%swap3A_846, %swap3A_847], %swap3A_850 {strides = array<i32>} : memref<128x128xf32, #tpu.memory_space<vmem>>, vector<1x16xf32>,
        %get3A_851 = arith.index_cast %add3A_796 : i32 to index
        %get3A_852 = arith.constant 80 : index
        %get3A_853 = tpu.vector_load %arg16[%get3A_851, %get3A_852] {strides = array<i32>} : memref<128x128xf32, #tpu.memory_space<vmem>>, vector<1x16xf32>,
        %get3A_854 = vector.shape_cast %get3A_853 : vector<1x16xf32> to vector<16xf32>
        %mul3A_855 = arith.mulf %get3A_854, %gather3A_800 : vector<16xf32>
        %swap3A_856 = arith.index_cast %add3A_796 : i32 to index
        %swap3A_857 = arith.constant 80 : index
        %swap3A_858 = tpu.vector_load %arg16[%swap3A_856, %swap3A_857] {strides = array<i32>} : memref<128x128xf32, #tpu.memory_space<vmem>>, vector<1x16xf32>,
        %swap3A_859 = vector.shape_cast %swap3A_858 : vector<1x16xf32> to vector<16xf32>
        %swap3A_860 = vector.shape_cast %mul3A_855 : vector<16xf32> to vector<1x16xf32>
        tpu.vector_store %arg16[%swap3A_856, %swap3A_857], %swap3A_860 {strides = array<i32>} : memref<128x128xf32, #tpu.memory_space<vmem>>, vector<1x16xf32>,
        %get3A_861 = arith.index_cast %add3A_796 : i32 to index
        %get3A_862 = arith.constant 96 : index
        %get3A_863 = tpu.vector_load %arg16[%get3A_861, %get3A_862] {strides = array<i32>} : memref<128x128xf32, #tpu.memory_space<vmem>>, vector<1x16xf32>,
        %get3A_864 = vector.shape_cast %get3A_863 : vector<1x16xf32> to vector<16xf32>
        %mul3A_865 = arith.mulf %get3A_864, %gather3A_800 : vector<16xf32>
        %swap3A_866 = arith.index_cast %add3A_796 : i32 to index
        %swap3A_867 = arith.constant 96 : index
        %swap3A_868 = tpu.vector_load %arg16[%swap3A_866, %swap3A_867] {strides = array<i32>} : memref<128x128xf32, #tpu.memory_space<vmem>>, vector<1x16xf32>,
        %swap3A_869 = vector.shape_cast %swap3A_868 : vector<1x16xf32> to vector<16xf32>
        %swap3A_870 = vector.shape_cast %mul3A_865 : vector<16xf32> to vector<1x16xf32>
        tpu.vector_store %arg16[%swap3A_866, %swap3A_867], %swap3A_870 {strides = array<i32>} : memref<128x128xf32, #tpu.memory_space<vmem>>, vector<1x16xf32>,
        %get3A_871 = arith.index_cast %add3A_796 : i32 to index
        %get3A_872 = arith.constant 112 : index
        %get3A_873 = tpu.vector_load %arg16[%get3A_871, %get3A_872] {strides = array<i32>} : memref<128x128xf32, #tpu.memory_space<vmem>>, vector<1x16xf32>,
        %get3A_874 = vector.shape_cast %get3A_873 : vector<1x16xf32> to vector<16xf32>
        %mul3A_875 = arith.mulf %get3A_874, %gather3A_800 : vector<16xf32>
        %swap3A_876 = arith.index_cast %add3A_796 : i32 to index
        %swap3A_877 = arith.constant 112 : index
        %swap3A_878 = tpu.vector_load %arg16[%swap3A_876, %swap3A_877] {strides = array<i32>} : memref<128x128xf32, #tpu.memory_space<vmem>>, vector<1x16xf32>,
        %swap3A_879 = vector.shape_cast %swap3A_878 : vector<1x16xf32> to vector<16xf32>
        %swap3A_880 = vector.shape_cast %mul3A_875 : vector<16xf32> to vector<1x16xf32>
        tpu.vector_store %arg16[%swap3A_876, %swap3A_877], %swap3A_880 {strides = array<i32>} : memref<128x128xf32, #tpu.memory_space<vmem>>, vector<1x16xf32>,
        %add3A_881 = arith.constant 8 : i32
        %add3A_882 = arith.addi %mul3A_192, %add3A_881 : i32
        %broadcast_in_dim3A_883 = arith.constant 8 : i32
        %broadcast_in_dim3A_884 = vector.broadcast %broadcast_in_dim3A_883 : i32 to vector<16x1xi32>
        %gather3A_885 = vector.shape_cast %broadcast_in_dim3A_884 : vector<16x1xi32> to vector<16xi32>
        %gather3A_886 = tpu.dynamic_gather %get3A_194[%gather3A_885] in [0] : vector<16xf32>, vector<16xi32> -> vector<16xf32>
        %get3A_887 = arith.index_cast %add3A_882 : i32 to index
        %get3A_888 = arith.constant 0 : index
        %get3A_889 = tpu.vector_load %arg16[%get3A_887, %get3A_888] {strides = array<i32>} : memref<128x128xf32, #tpu.memory_space<vmem>>, vector<1x16xf32>,
        %get3A_890 = vector.shape_cast %get3A_889 : vector<1x16xf32> to vector<16xf32>
        %mul3A_891 = arith.mulf %get3A_890, %gather3A_886 : vector<16xf32>
        %swap3A_892 = arith.index_cast %add3A_882 : i32 to index
        %swap3A_893 = arith.constant 0 : index
        %swap3A_894 = tpu.vector_load %arg16[%swap3A_892, %swap3A_893] {strides = array<i32>} : memref<128x128xf32, #tpu.memory_space<vmem>>, vector<1x16xf32>,
        %swap3A_895 = vector.shape_cast %swap3A_894 : vector<1x16xf32> to vector<16xf32>
        %swap3A_896 = vector.shape_cast %mul3A_891 : vector<16xf32> to vector<1x16xf32>
        tpu.vector_store %arg16[%swap3A_892, %swap3A_893], %swap3A_896 {strides = array<i32>} : memref<128x128xf32, #tpu.memory_space<vmem>>, vector<1x16xf32>,
        %get3A_897 = arith.index_cast %add3A_882 : i32 to index
        %get3A_898 = arith.constant 16 : index
        %get3A_899 = tpu.vector_load %arg16[%get3A_897, %get3A_898] {strides = array<i32>} : memref<128x128xf32, #tpu.memory_space<vmem>>, vector<1x16xf32>,
        %get3A_900 = vector.shape_cast %get3A_899 : vector<1x16xf32> to vector<16xf32>
        %mul3A_901 = arith.mulf %get3A_900, %gather3A_886 : vector<16xf32>
        %swap3A_902 = arith.index_cast %add3A_882 : i32 to index
        %swap3A_903 = arith.constant 16 : index
        %swap3A_904 = tpu.vector_load %arg16[%swap3A_902, %swap3A_903] {strides = array<i32>} : memref<128x128xf32, #tpu.memory_space<vmem>>, vector<1x16xf32>,
        %swap3A_905 = vector.shape_cast %swap3A_904 : vector<1x16xf32> to vector<16xf32>
        %swap3A_906 = vector.shape_cast %mul3A_901 : vector<16xf32> to vector<1x16xf32>
        tpu.vector_store %arg16[%swap3A_902, %swap3A_903], %swap3A_906 {strides = array<i32>} : memref<128x128xf32, #tpu.memory_space<vmem>>, vector<1x16xf32>,
        %get3A_907 = arith.index_cast %add3A_882 : i32 to index
        %get3A_908 = arith.constant 32 : index
        %get3A_909 = tpu.vector_load %arg16[%get3A_907, %get3A_908] {strides = array<i32>} : memref<128x128xf32, #tpu.memory_space<vmem>>, vector<1x16xf32>,
        %get3A_910 = vector.shape_cast %get3A_909 : vector<1x16xf32> to vector<16xf32>
        %mul3A_911 = arith.mulf %get3A_910, %gather3A_886 : vector<16xf32>
        %swap3A_912 = arith.index_cast %add3A_882 : i32 to index
        %swap3A_913 = arith.constant 32 : index
        %swap3A_914 = tpu.vector_load %arg16[%swap3A_912, %swap3A_913] {strides = array<i32>} : memref<128x128xf32, #tpu.memory_space<vmem>>, vector<1x16xf32>,
        %swap3A_915 = vector.shape_cast %swap3A_914 : vector<1x16xf32> to vector<16xf32>
        %swap3A_916 = vector.shape_cast %mul3A_911 : vector<16xf32> to vector<1x16xf32>
        tpu.vector_store %arg16[%swap3A_912, %swap3A_913], %swap3A_916 {strides = array<i32>} : memref<128x128xf32, #tpu.memory_space<vmem>>, vector<1x16xf32>,
        %get3A_917 = arith.index_cast %add3A_882 : i32 to index
        %get3A_918 = arith.constant 48 : index
        %get3A_919 = tpu.vector_load %arg16[%get3A_917, %get3A_918] {strides = array<i32>} : memref<128x128xf32, #tpu.memory_space<vmem>>, vector<1x16xf32>,
        %get3A_920 = vector.shape_cast %get3A_919 : vector<1x16xf32> to vector<16xf32>
        %mul3A_921 = arith.mulf %get3A_920, %gather3A_886 : vector<16xf32>
        %swap3A_922 = arith.index_cast %add3A_882 : i32 to index
        %swap3A_923 = arith.constant 48 : index
        %swap3A_924 = tpu.vector_load %arg16[%swap3A_922, %swap3A_923] {strides = array<i32>} : memref<128x128xf32, #tpu.memory_space<vmem>>, vector<1x16xf32>,
        %swap3A_925 = vector.shape_cast %swap3A_924 : vector<1x16xf32> to vector<16xf32>
        %swap3A_926 = vector.shape_cast %mul3A_921 : vector<16xf32> to vector<1x16xf32>
        tpu.vector_store %arg16[%swap3A_922, %swap3A_923], %swap3A_926 {strides = array<i32>} : memref<128x128xf32, #tpu.memory_space<vmem>>, vector<1x16xf32>,
        %get3A_927 = arith.index_cast %add3A_882 : i32 to index
        %get3A_928 = arith.constant 64 : index
        %get3A_929 = tpu.vector_load %arg16[%get3A_927, %get3A_928] {strides = array<i32>} : memref<128x128xf32, #tpu.memory_space<vmem>>, vector<1x16xf32>,
        %get3A_930 = vector.shape_cast %get3A_929 : vector<1x16xf32> to vector<16xf32>
        %mul3A_931 = arith.mulf %get3A_930, %gather3A_886 : vector<16xf32>
        %swap3A_932 = arith.index_cast %add3A_882 : i32 to index
        %swap3A_933 = arith.constant 64 : index
        %swap3A_934 = tpu.vector_load %arg16[%swap3A_932, %swap3A_933] {strides = array<i32>} : memref<128x128xf32, #tpu.memory_space<vmem>>, vector<1x16xf32>,
        %swap3A_935 = vector.shape_cast %swap3A_934 : vector<1x16xf32> to vector<16xf32>
        %swap3A_936 = vector.shape_cast %mul3A_931 : vector<16xf32> to vector<1x16xf32>
        tpu.vector_store %arg16[%swap3A_932, %swap3A_933], %swap3A_936 {strides = array<i32>} : memref<128x128xf32, #tpu.memory_space<vmem>>, vector<1x16xf32>,
        %get3A_937 = arith.index_cast %add3A_882 : i32 to index
        %get3A_938 = arith.constant 80 : index
        %get3A_939 = tpu.vector_load %arg16[%get3A_937, %get3A_938] {strides = array<i32>} : memref<128x128xf32, #tpu.memory_space<vmem>>, vector<1x16xf32>,
        %get3A_940 = vector.shape_cast %get3A_939 : vector<1x16xf32> to vector<16xf32>
        %mul3A_941 = arith.mulf %get3A_940, %gather3A_886 : vector<16xf32>
        %swap3A_942 = arith.index_cast %add3A_882 : i32 to index
        %swap3A_943 = arith.constant 80 : index
        %swap3A_944 = tpu.vector_load %arg16[%swap3A_942, %swap3A_943] {strides = array<i32>} : memref<128x128xf32, #tpu.memory_space<vmem>>, vector<1x16xf32>,
        %swap3A_945 = vector.shape_cast %swap3A_944 : vector<1x16xf32> to vector<16xf32>
        %swap3A_946 = vector.shape_cast %mul3A_941 : vector<16xf32> to vector<1x16xf32>
        tpu.vector_store %arg16[%swap3A_942, %swap3A_943], %swap3A_946 {strides = array<i32>} : memref<128x128xf32, #tpu.memory_space<vmem>>, vector<1x16xf32>,
        %get3A_947 = arith.index_cast %add3A_882 : i32 to index
        %get3A_948 = arith.constant 96 : index
        %get3A_949 = tpu.vector_load %arg16[%get3A_947, %get3A_948] {strides = array<i32>} : memref<128x128xf32, #tpu.memory_space<vmem>>, vector<1x16xf32>,
        %get3A_950 = vector.shape_cast %get3A_949 : vector<1x16xf32> to vector<16xf32>
        %mul3A_951 = arith.mulf %get3A_950, %gather3A_886 : vector<16xf32>
        %swap3A_952 = arith.index_cast %add3A_882 : i32 to index
        %swap3A_953 = arith.constant 96 : index
        %swap3A_954 = tpu.vector_load %arg16[%swap3A_952, %swap3A_953] {strides = array<i32>} : memref<128x128xf32, #tpu.memory_space<vmem>>, vector<1x16xf32>,
        %swap3A_955 = vector.shape_cast %swap3A_954 : vector<1x16xf32> to vector<16xf32>
        %swap3A_956 = vector.shape_cast %mul3A_951 : vector<16xf32> to vector<1x16xf32>
        tpu.vector_store %arg16[%swap3A_952, %swap3A_953], %swap3A_956 {strides = array<i32>} : memref<128x128xf32, #tpu.memory_space<vmem>>, vector<1x16xf32>,
        %get3A_957 = arith.index_cast %add3A_882 : i32 to index
        %get3A_958 = arith.constant 112 : index
        %get3A_959 = tpu.vector_load %arg16[%get3A_957, %get3A_958] {strides = array<i32>} : memref<128x128xf32, #tpu.memory_space<vmem>>, vector<1x16xf32>,
        %get3A_960 = vector.shape_cast %get3A_959 : vector<1x16xf32> to vector<16xf32>
        %mul3A_961 = arith.mulf %get3A_960, %gather3A_886 : vector<16xf32>
        %swap3A_962 = arith.index_cast %add3A_882 : i32 to index
        %swap3A_963 = arith.constant 112 : index
        %swap3A_964 = tpu.vector_load %arg16[%swap3A_962, %swap3A_963] {strides = array<i32>} : memref<128x128xf32, #tpu.memory_space<vmem>>, vector<1x16xf32>,
        %swap3A_965 = vector.shape_cast %swap3A_964 : vector<1x16xf32> to vector<16xf32>
        %swap3A_966 = vector.shape_cast %mul3A_961 : vector<16xf32> to vector<1x16xf32>
        tpu.vector_store %arg16[%swap3A_962, %swap3A_963], %swap3A_966 {strides = array<i32>} : memref<128x128xf32, #tpu.memory_space<vmem>>, vector<1x16xf32>,
        %add3A_967 = arith.constant 9 : i32
        %add3A_968 = arith.addi %mul3A_192, %add3A_967 : i32
        %broadcast_in_dim3A_969 = arith.constant 9 : i32
        %broadcast_in_dim3A_970 = vector.broadcast %broadcast_in_dim3A_969 : i32 to vector<16x1xi32>
        %gather3A_971 = vector.shape_cast %broadcast_in_dim3A_970 : vector<16x1xi32> to vector<16xi32>
        %gather3A_972 = tpu.dynamic_gather %get3A_194[%gather3A_971] in [0] : vector<16xf32>, vector<16xi32> -> vector<16xf32>
        %get3A_973 = arith.index_cast %add3A_968 : i32 to index
        %get3A_974 = arith.constant 0 : index
        %get3A_975 = tpu.vector_load %arg16[%get3A_973, %get3A_974] {strides = array<i32>} : memref<128x128xf32, #tpu.memory_space<vmem>>, vector<1x16xf32>,
        %get3A_976 = vector.shape_cast %get3A_975 : vector<1x16xf32> to vector<16xf32>
        %mul3A_977 = arith.mulf %get3A_976, %gather3A_972 : vector<16xf32>
        %swap3A_978 = arith.index_cast %add3A_968 : i32 to index
        %swap3A_979 = arith.constant 0 : index
        %swap3A_980 = tpu.vector_load %arg16[%swap3A_978, %swap3A_979] {strides = array<i32>} : memref<128x128xf32, #tpu.memory_space<vmem>>, vector<1x16xf32>,
        %swap3A_981 = vector.shape_cast %swap3A_980 : vector<1x16xf32> to vector<16xf32>
        %swap3A_982 = vector.shape_cast %mul3A_977 : vector<16xf32> to vector<1x16xf32>
        tpu.vector_store %arg16[%swap3A_978, %swap3A_979], %swap3A_982 {strides = array<i32>} : memref<128x128xf32, #tpu.memory_space<vmem>>, vector<1x16xf32>,
        %get3A_983 = arith.index_cast %add3A_968 : i32 to index
        %get3A_984 = arith.constant 16 : index
        %get3A_985 = tpu.vector_load %arg16[%get3A_983, %get3A_984] {strides = array<i32>} : memref<128x128xf32, #tpu.memory_space<vmem>>, vector<1x16xf32>,
        %get3A_986 = vector.shape_cast %get3A_985 : vector<1x16xf32> to vector<16xf32>
        %mul3A_987 = arith.mulf %get3A_986, %gather3A_972 : vector<16xf32>
        %swap3A_988 = arith.index_cast %add3A_968 : i32 to index
        %swap3A_989 = arith.constant 16 : index
        %swap3A_990 = tpu.vector_load %arg16[%swap3A_988, %swap3A_989] {strides = array<i32>} : memref<128x128xf32, #tpu.memory_space<vmem>>, vector<1x16xf32>,
        %swap3A_991 = vector.shape_cast %swap3A_990 : vector<1x16xf32> to vector<16xf32>
        %swap3A_992 = vector.shape_cast %mul3A_987 : vector<16xf32> to vector<1x16xf32>
        tpu.vector_store %arg16[%swap3A_988, %swap3A_989], %swap3A_992 {strides = array<i32>} : memref<128x128xf32, #tpu.memory_space<vmem>>, vector<1x16xf32>,
        %get3A_993 = arith.index_cast %add3A_968 : i32 to index
        %get3A_994 = arith.constant 32 : index
        %get3A_995 = tpu.vector_load %arg16[%get3A_993, %get3A_994] {strides = array<i32>} : memref<128x128xf32, #tpu.memory_space<vmem>>, vector<1x16xf32>,
        %get3A_996 = vector.shape_cast %get3A_995 : vector<1x16xf32> to vector<16xf32>
        %mul3A_997 = arith.mulf %get3A_996, %gather3A_972 : vector<16xf32>
        %swap3A_998 = arith.index_cast %add3A_968 : i32 to index
        %swap3A_999 = arith.constant 32 : index
        %swap3A_1000 = tpu.vector_load %arg16[%swap3A_998, %swap3A_999] {strides = array<i32>} : memref<128x128xf32, #tpu.memory_space<vmem>>, vector<1x16xf32>,
        %swap3A_1001 = vector.shape_cast %swap3A_1000 : vector<1x16xf32> to vector<16xf32>
        %swap3A_1002 = vector.shape_cast %mul3A_997 : vector<16xf32> to vector<1x16xf32>
        tpu.vector_store %arg16[%swap3A_998, %swap3A_999], %swap3A_1002 {strides = array<i32>} : memref<128x128xf32, #tpu.memory_space<vmem>>, vector<1x16xf32>,
        %get3A_1003 = arith.index_cast %add3A_968 : i32 to index
        %get3A_1004 = arith.constant 48 : index
        %get3A_1005 = tpu.vector_load %arg16[%get3A_1003, %get3A_1004] {strides = array<i32>} : memref<128x128xf32, #tpu.memory_space<vmem>>, vector<1x16xf32>,
        %get3A_1006 = vector.shape_cast %get3A_1005 : vector<1x16xf32> to vector<16xf32>
        %mul3A_1007 = arith.mulf %get3A_1006, %gather3A_972 : vector<16xf32>
        %swap3A_1008 = arith.index_cast %add3A_968 : i32 to index
        %swap3A_1009 = arith.constant 48 : index
        %swap3A_1010 = tpu.vector_load %arg16[%swap3A_1008, %swap3A_1009] {strides = array<i32>} : memref<128x128xf32, #tpu.memory_space<vmem>>, vector<1x16xf32>,
        %swap3A_1011 = vector.shape_cast %swap3A_1010 : vector<1x16xf32> to vector<16xf32>
        %swap3A_1012 = vector.shape_cast %mul3A_1007 : vector<16xf32> to vector<1x16xf32>
        tpu.vector_store %arg16[%swap3A_1008, %swap3A_1009], %swap3A_1012 {strides = array<i32>} : memref<128x128xf32, #tpu.memory_space<vmem>>, vector<1x16xf32>,
        %get3A_1013 = arith.index_cast %add3A_968 : i32 to index
        %get3A_1014 = arith.constant 64 : index
        %get3A_1015 = tpu.vector_load %arg16[%get3A_1013, %get3A_1014] {strides = array<i32>} : memref<128x128xf32, #tpu.memory_space<vmem>>, vector<1x16xf32>,
        %get3A_1016 = vector.shape_cast %get3A_1015 : vector<1x16xf32> to vector<16xf32>
        %mul3A_1017 = arith.mulf %get3A_1016, %gather3A_972 : vector<16xf32>
        %swap3A_1018 = arith.index_cast %add3A_968 : i32 to index
        %swap3A_1019 = arith.constant 64 : index
        %swap3A_1020 = tpu.vector_load %arg16[%swap3A_1018, %swap3A_1019] {strides = array<i32>} : memref<128x128xf32, #tpu.memory_space<vmem>>, vector<1x16xf32>,
        %swap3A_1021 = vector.shape_cast %swap3A_1020 : vector<1x16xf32> to vector<16xf32>
        %swap3A_1022 = vector.shape_cast %mul3A_1017 : vector<16xf32> to vector<1x16xf32>
        tpu.vector_store %arg16[%swap3A_1018, %swap3A_1019], %swap3A_1022 {strides = array<i32>} : memref<128x128xf32, #tpu.memory_space<vmem>>, vector<1x16xf32>,
        %get3A_1023 = arith.index_cast %add3A_968 : i32 to index
        %get3A_1024 = arith.constant 80 : index
        %get3A_1025 = tpu.vector_load %arg16[%get3A_1023, %get3A_1024] {strides = array<i32>} : memref<128x128xf32, #tpu.memory_space<vmem>>, vector<1x16xf32>,
        %get3A_1026 = vector.shape_cast %get3A_1025 : vector<1x16xf32> to vector<16xf32>
        %mul3A_1027 = arith.mulf %get3A_1026, %gather3A_972 : vector<16xf32>
        %swap3A_1028 = arith.index_cast %add3A_968 : i32 to index
        %swap3A_1029 = arith.constant 80 : index
        %swap3A_1030 = tpu.vector_load %arg16[%swap3A_1028, %swap3A_1029] {strides = array<i32>} : memref<128x128xf32, #tpu.memory_space<vmem>>, vector<1x16xf32>,
        %swap3A_1031 = vector.shape_cast %swap3A_1030 : vector<1x16xf32> to vector<16xf32>
        %swap3A_1032 = vector.shape_cast %mul3A_1027 : vector<16xf32> to vector<1x16xf32>
        tpu.vector_store %arg16[%swap3A_1028, %swap3A_1029], %swap3A_1032 {strides = array<i32>} : memref<128x128xf32, #tpu.memory_space<vmem>>, vector<1x16xf32>,
        %get3A_1033 = arith.index_cast %add3A_968 : i32 to index
        %get3A_1034 = arith.constant 96 : index
        %get3A_1035 = tpu.vector_load %arg16[%get3A_1033, %get3A_1034] {strides = array<i32>} : memref<128x128xf32, #tpu.memory_space<vmem>>, vector<1x16xf32>,
        %get3A_1036 = vector.shape_cast %get3A_1035 : vector<1x16xf32> to vector<16xf32>
        %mul3A_1037 = arith.mulf %get3A_1036, %gather3A_972 : vector<16xf32>
        %swap3A_1038 = arith.index_cast %add3A_968 : i32 to index
        %swap3A_1039 = arith.constant 96 : index
        %swap3A_1040 = tpu.vector_load %arg16[%swap3A_1038, %swap3A_1039] {strides = array<i32>} : memref<128x128xf32, #tpu.memory_space<vmem>>, vector<1x16xf32>,
        %swap3A_1041 = vector.shape_cast %swap3A_1040 : vector<1x16xf32> to vector<16xf32>
        %swap3A_1042 = vector.shape_cast %mul3A_1037 : vector<16xf32> to vector<1x16xf32>
        tpu.vector_store %arg16[%swap3A_1038, %swap3A_1039], %swap3A_1042 {strides = array<i32>} : memref<128x128xf32, #tpu.memory_space<vmem>>, vector<1x16xf32>,
        %get3A_1043 = arith.index_cast %add3A_968 : i32 to index
        %get3A_1044 = arith.constant 112 : index
        %get3A_1045 = tpu.vector_load %arg16[%get3A_1043, %get3A_1044] {strides = array<i32>} : memref<128x128xf32, #tpu.memory_space<vmem>>, vector<1x16xf32>,
        %get3A_1046 = vector.shape_cast %get3A_1045 : vector<1x16xf32> to vector<16xf32>
        %mul3A_1047 = arith.mulf %get3A_1046, %gather3A_972 : vector<16xf32>
        %swap3A_1048 = arith.index_cast %add3A_968 : i32 to index
        %swap3A_1049 = arith.constant 112 : index
        %swap3A_1050 = tpu.vector_load %arg16[%swap3A_1048, %swap3A_1049] {strides = array<i32>} : memref<128x128xf32, #tpu.memory_space<vmem>>, vector<1x16xf32>,
        %swap3A_1051 = vector.shape_cast %swap3A_1050 : vector<1x16xf32> to vector<16xf32>
        %swap3A_1052 = vector.shape_cast %mul3A_1047 : vector<16xf32> to vector<1x16xf32>
        tpu.vector_store %arg16[%swap3A_1048, %swap3A_1049], %swap3A_1052 {strides = array<i32>} : memref<128x128xf32, #tpu.memory_space<vmem>>, vector<1x16xf32>,
        %add3A_1053 = arith.constant 10 : i32
        %add3A_1054 = arith.addi %mul3A_192, %add3A_1053 : i32
        %broadcast_in_dim3A_1055 = arith.constant 10 : i32
        %broadcast_in_dim3A_1056 = vector.broadcast %broadcast_in_dim3A_1055 : i32 to vector<16x1xi32>
        %gather3A_1057 = vector.shape_cast %broadcast_in_dim3A_1056 : vector<16x1xi32> to vector<16xi32>
        %gather3A_1058 = tpu.dynamic_gather %get3A_194[%gather3A_1057] in [0] : vector<16xf32>, vector<16xi32> -> vector<16xf32>
        %get3A_1059 = arith.index_cast %add3A_1054 : i32 to index
        %get3A_1060 = arith.constant 0 : index
        %get3A_1061 = tpu.vector_load %arg16[%get3A_1059, %get3A_1060] {strides = array<i32>} : memref<128x128xf32, #tpu.memory_space<vmem>>, vector<1x16xf32>,
        %get3A_1062 = vector.shape_cast %get3A_1061 : vector<1x16xf32> to vector<16xf32>
        %mul3A_1063 = arith.mulf %get3A_1062, %gather3A_1058 : vector<16xf32>
        %swap3A_1064 = arith.index_cast %add3A_1054 : i32 to index
        %swap3A_1065 = arith.constant 0 : index
        %swap3A_1066 = tpu.vector_load %arg16[%swap3A_1064, %swap3A_1065] {strides = array<i32>} : memref<128x128xf32, #tpu.memory_space<vmem>>, vector<1x16xf32>,
        %swap3A_1067 = vector.shape_cast %swap3A_1066 : vector<1x16xf32> to vector<16xf32>
        %swap3A_1068 = vector.shape_cast %mul3A_1063 : vector<16xf32> to vector<1x16xf32>
        tpu.vector_store %arg16[%swap3A_1064, %swap3A_1065], %swap3A_1068 {strides = array<i32>} : memref<128x128xf32, #tpu.memory_space<vmem>>, vector<1x16xf32>,
        %get3A_1069 = arith.index_cast %add3A_1054 : i32 to index
        %get3A_1070 = arith.constant 16 : index
        %get3A_1071 = tpu.vector_load %arg16[%get3A_1069, %get3A_1070] {strides = array<i32>} : memref<128x128xf32, #tpu.memory_space<vmem>>, vector<1x16xf32>,
        %get3A_1072 = vector.shape_cast %get3A_1071 : vector<1x16xf32> to vector<16xf32>
        %mul3A_1073 = arith.mulf %get3A_1072, %gather3A_1058 : vector<16xf32>
        %swap3A_1074 = arith.index_cast %add3A_1054 : i32 to index
        %swap3A_1075 = arith.constant 16 : index
        %swap3A_1076 = tpu.vector_load %arg16[%swap3A_1074, %swap3A_1075] {strides = array<i32>} : memref<128x128xf32, #tpu.memory_space<vmem>>, vector<1x16xf32>,
        %swap3A_1077 = vector.shape_cast %swap3A_1076 : vector<1x16xf32> to vector<16xf32>
        %swap3A_1078 = vector.shape_cast %mul3A_1073 : vector<16xf32> to vector<1x16xf32>
        tpu.vector_store %arg16[%swap3A_1074, %swap3A_1075], %swap3A_1078 {strides = array<i32>} : memref<128x128xf32, #tpu.memory_space<vmem>>, vector<1x16xf32>,
        %get3A_1079 = arith.index_cast %add3A_1054 : i32 to index
        %get3A_1080 = arith.constant 32 : index
        %get3A_1081 = tpu.vector_load %arg16[%get3A_1079, %get3A_1080] {strides = array<i32>} : memref<128x128xf32, #tpu.memory_space<vmem>>, vector<1x16xf32>,
        %get3A_1082 = vector.shape_cast %get3A_1081 : vector<1x16xf32> to vector<16xf32>
        %mul3A_1083 = arith.mulf %get3A_1082, %gather3A_1058 : vector<16xf32>
        %swap3A_1084 = arith.index_cast %add3A_1054 : i32 to index
        %swap3A_1085 = arith.constant 32 : index
        %swap3A_1086 = tpu.vector_load %arg16[%swap3A_1084, %swap3A_1085] {strides = array<i32>} : memref<128x128xf32, #tpu.memory_space<vmem>>, vector<1x16xf32>,
        %swap3A_1087 = vector.shape_cast %swap3A_1086 : vector<1x16xf32> to vector<16xf32>
        %swap3A_1088 = vector.shape_cast %mul3A_1083 : vector<16xf32> to vector<1x16xf32>
        tpu.vector_store %arg16[%swap3A_1084, %swap3A_1085], %swap3A_1088 {strides = array<i32>} : memref<128x128xf32, #tpu.memory_space<vmem>>, vector<1x16xf32>,
        %get3A_1089 = arith.index_cast %add3A_1054 : i32 to index
        %get3A_1090 = arith.constant 48 : index
        %get3A_1091 = tpu.vector_load %arg16[%get3A_1089, %get3A_1090] {strides = array<i32>} : memref<128x128xf32, #tpu.memory_space<vmem>>, vector<1x16xf32>,
        %get3A_1092 = vector.shape_cast %get3A_1091 : vector<1x16xf32> to vector<16xf32>
        %mul3A_1093 = arith.mulf %get3A_1092, %gather3A_1058 : vector<16xf32>
        %swap3A_1094 = arith.index_cast %add3A_1054 : i32 to index
        %swap3A_1095 = arith.constant 48 : index
        %swap3A_1096 = tpu.vector_load %arg16[%swap3A_1094, %swap3A_1095] {strides = array<i32>} : memref<128x128xf32, #tpu.memory_space<vmem>>, vector<1x16xf32>,
        %swap3A_1097 = vector.shape_cast %swap3A_1096 : vector<1x16xf32> to vector<16xf32>
        %swap3A_1098 = vector.shape_cast %mul3A_1093 : vector<16xf32> to vector<1x16xf32>
        tpu.vector_store %arg16[%swap3A_1094, %swap3A_1095], %swap3A_1098 {strides = array<i32>} : memref<128x128xf32, #tpu.memory_space<vmem>>, vector<1x16xf32>,
        %get3A_1099 = arith.index_cast %add3A_1054 : i32 to index
        %get3A_1100 = arith.constant 64 : index
        %get3A_1101 = tpu.vector_load %arg16[%get3A_1099, %get3A_1100] {strides = array<i32>} : memref<128x128xf32, #tpu.memory_space<vmem>>, vector<1x16xf32>,
        %get3A_1102 = vector.shape_cast %get3A_1101 : vector<1x16xf32> to vector<16xf32>
        %mul3A_1103 = arith.mulf %get3A_1102, %gather3A_1058 : vector<16xf32>
        %swap3A_1104 = arith.index_cast %add3A_1054 : i32 to index
        %swap3A_1105 = arith.constant 64 : index
        %swap3A_1106 = tpu.vector_load %arg16[%swap3A_1104, %swap3A_1105] {strides = array<i32>} : memref<128x128xf32, #tpu.memory_space<vmem>>, vector<1x16xf32>,
        %swap3A_1107 = vector.shape_cast %swap3A_1106 : vector<1x16xf32> to vector<16xf32>
        %swap3A_1108 = vector.shape_cast %mul3A_1103 : vector<16xf32> to vector<1x16xf32>
        tpu.vector_store %arg16[%swap3A_1104, %swap3A_1105], %swap3A_1108 {strides = array<i32>} : memref<128x128xf32, #tpu.memory_space<vmem>>, vector<1x16xf32>,
        %get3A_1109 = arith.index_cast %add3A_1054 : i32 to index
        %get3A_1110 = arith.constant 80 : index
        %get3A_1111 = tpu.vector_load %arg16[%get3A_1109, %get3A_1110] {strides = array<i32>} : memref<128x128xf32, #tpu.memory_space<vmem>>, vector<1x16xf32>,
        %get3A_1112 = vector.shape_cast %get3A_1111 : vector<1x16xf32> to vector<16xf32>
        %mul3A_1113 = arith.mulf %get3A_1112, %gather3A_1058 : vector<16xf32>
        %swap3A_1114 = arith.index_cast %add3A_1054 : i32 to index
        %swap3A_1115 = arith.constant 80 : index
        %swap3A_1116 = tpu.vector_load %arg16[%swap3A_1114, %swap3A_1115] {strides = array<i32>} : memref<128x128xf32, #tpu.memory_space<vmem>>, vector<1x16xf32>,
        %swap3A_1117 = vector.shape_cast %swap3A_1116 : vector<1x16xf32> to vector<16xf32>
        %swap3A_1118 = vector.shape_cast %mul3A_1113 : vector<16xf32> to vector<1x16xf32>
        tpu.vector_store %arg16[%swap3A_1114, %swap3A_1115], %swap3A_1118 {strides = array<i32>} : memref<128x128xf32, #tpu.memory_space<vmem>>, vector<1x16xf32>,
        %get3A_1119 = arith.index_cast %add3A_1054 : i32 to index
        %get3A_1120 = arith.constant 96 : index
        %get3A_1121 = tpu.vector_load %arg16[%get3A_1119, %get3A_1120] {strides = array<i32>} : memref<128x128xf32, #tpu.memory_space<vmem>>, vector<1x16xf32>,
        %get3A_1122 = vector.shape_cast %get3A_1121 : vector<1x16xf32> to vector<16xf32>
        %mul3A_1123 = arith.mulf %get3A_1122, %gather3A_1058 : vector<16xf32>
        %swap3A_1124 = arith.index_cast %add3A_1054 : i32 to index
        %swap3A_1125 = arith.constant 96 : index
        %swap3A_1126 = tpu.vector_load %arg16[%swap3A_1124, %swap3A_1125] {strides = array<i32>} : memref<128x128xf32, #tpu.memory_space<vmem>>, vector<1x16xf32>,
        %swap3A_1127 = vector.shape_cast %swap3A_1126 : vector<1x16xf32> to vector<16xf32>
        %swap3A_1128 = vector.shape_cast %mul3A_1123 : vector<16xf32> to vector<1x16xf32>
        tpu.vector_store %arg16[%swap3A_1124, %swap3A_1125], %swap3A_1128 {strides = array<i32>} : memref<128x128xf32, #tpu.memory_space<vmem>>, vector<1x16xf32>,
        %get3A_1129 = arith.index_cast %add3A_1054 : i32 to index
        %get3A_1130 = arith.constant 112 : index
        %get3A_1131 = tpu.vector_load %arg16[%get3A_1129, %get3A_1130] {strides = array<i32>} : memref<128x128xf32, #tpu.memory_space<vmem>>, vector<1x16xf32>,
        %get3A_1132 = vector.shape_cast %get3A_1131 : vector<1x16xf32> to vector<16xf32>
        %mul3A_1133 = arith.mulf %get3A_1132, %gather3A_1058 : vector<16xf32>
        %swap3A_1134 = arith.index_cast %add3A_1054 : i32 to index
        %swap3A_1135 = arith.constant 112 : index
        %swap3A_1136 = tpu.vector_load %arg16[%swap3A_1134, %swap3A_1135] {strides = array<i32>} : memref<128x128xf32, #tpu.memory_space<vmem>>, vector<1x16xf32>,
        %swap3A_1137 = vector.shape_cast %swap3A_1136 : vector<1x16xf32> to vector<16xf32>
        %swap3A_1138 = vector.shape_cast %mul3A_1133 : vector<16xf32> to vector<1x16xf32>
        tpu.vector_store %arg16[%swap3A_1134, %swap3A_1135], %swap3A_1138 {strides = array<i32>} : memref<128x128xf32, #tpu.memory_space<vmem>>, vector<1x16xf32>,
        %add3A_1139 = arith.constant 11 : i32
        %add3A_1140 = arith.addi %mul3A_192, %add3A_1139 : i32
        %broadcast_in_dim3A_1141 = arith.constant 11 : i32
        %broadcast_in_dim3A_1142 = vector.broadcast %broadcast_in_dim3A_1141 : i32 to vector<16x1xi32>
        %gather3A_1143 = vector.shape_cast %broadcast_in_dim3A_1142 : vector<16x1xi32> to vector<16xi32>
        %gather3A_1144 = tpu.dynamic_gather %get3A_194[%gather3A_1143] in [0] : vector<16xf32>, vector<16xi32> -> vector<16xf32>
        %get3A_1145 = arith.index_cast %add3A_1140 : i32 to index
        %get3A_1146 = arith.constant 0 : index
        %get3A_1147 = tpu.vector_load %arg16[%get3A_1145, %get3A_1146] {strides = array<i32>} : memref<128x128xf32, #tpu.memory_space<vmem>>, vector<1x16xf32>,
        %get3A_1148 = vector.shape_cast %get3A_1147 : vector<1x16xf32> to vector<16xf32>
        %mul3A_1149 = arith.mulf %get3A_1148, %gather3A_1144 : vector<16xf32>
        %swap3A_1150 = arith.index_cast %add3A_1140 : i32 to index
        %swap3A_1151 = arith.constant 0 : index
        %swap3A_1152 = tpu.vector_load %arg16[%swap3A_1150, %swap3A_1151] {strides = array<i32>} : memref<128x128xf32, #tpu.memory_space<vmem>>, vector<1x16xf32>,
        %swap3A_1153 = vector.shape_cast %swap3A_1152 : vector<1x16xf32> to vector<16xf32>
        %swap3A_1154 = vector.shape_cast %mul3A_1149 : vector<16xf32> to vector<1x16xf32>
        tpu.vector_store %arg16[%swap3A_1150, %swap3A_1151], %swap3A_1154 {strides = array<i32>} : memref<128x128xf32, #tpu.memory_space<vmem>>, vector<1x16xf32>,
        %get3A_1155 = arith.index_cast %add3A_1140 : i32 to index
        %get3A_1156 = arith.constant 16 : index
        %get3A_1157 = tpu.vector_load %arg16[%get3A_1155, %get3A_1156] {strides = array<i32>} : memref<128x128xf32, #tpu.memory_space<vmem>>, vector<1x16xf32>,
        %get3A_1158 = vector.shape_cast %get3A_1157 : vector<1x16xf32> to vector<16xf32>
        %mul3A_1159 = arith.mulf %get3A_1158, %gather3A_1144 : vector<16xf32>
        %swap3A_1160 = arith.index_cast %add3A_1140 : i32 to index
        %swap3A_1161 = arith.constant 16 : index
        %swap3A_1162 = tpu.vector_load %arg16[%swap3A_1160, %swap3A_1161] {strides = array<i32>} : memref<128x128xf32, #tpu.memory_space<vmem>>, vector<1x16xf32>,
        %swap3A_1163 = vector.shape_cast %swap3A_1162 : vector<1x16xf32> to vector<16xf32>
        %swap3A_1164 = vector.shape_cast %mul3A_1159 : vector<16xf32> to vector<1x16xf32>
        tpu.vector_store %arg16[%swap3A_1160, %swap3A_1161], %swap3A_1164 {strides = array<i32>} : memref<128x128xf32, #tpu.memory_space<vmem>>, vector<1x16xf32>,
        %get3A_1165 = arith.index_cast %add3A_1140 : i32 to index
        %get3A_1166 = arith.constant 32 : index
        %get3A_1167 = tpu.vector_load %arg16[%get3A_1165, %get3A_1166] {strides = array<i32>} : memref<128x128xf32, #tpu.memory_space<vmem>>, vector<1x16xf32>,
        %get3A_1168 = vector.shape_cast %get3A_1167 : vector<1x16xf32> to vector<16xf32>
        %mul3A_1169 = arith.mulf %get3A_1168, %gather3A_1144 : vector<16xf32>
        %swap3A_1170 = arith.index_cast %add3A_1140 : i32 to index
        %swap3A_1171 = arith.constant 32 : index
        %swap3A_1172 = tpu.vector_load %arg16[%swap3A_1170, %swap3A_1171] {strides = array<i32>} : memref<128x128xf32, #tpu.memory_space<vmem>>, vector<1x16xf32>,
        %swap3A_1173 = vector.shape_cast %swap3A_1172 : vector<1x16xf32> to vector<16xf32>
        %swap3A_1174 = vector.shape_cast %mul3A_1169 : vector<16xf32> to vector<1x16xf32>
        tpu.vector_store %arg16[%swap3A_1170, %swap3A_1171], %swap3A_1174 {strides = array<i32>} : memref<128x128xf32, #tpu.memory_space<vmem>>, vector<1x16xf32>,
        %get3A_1175 = arith.index_cast %add3A_1140 : i32 to index
        %get3A_1176 = arith.constant 48 : index
        %get3A_1177 = tpu.vector_load %arg16[%get3A_1175, %get3A_1176] {strides = array<i32>} : memref<128x128xf32, #tpu.memory_space<vmem>>, vector<1x16xf32>,
        %get3A_1178 = vector.shape_cast %get3A_1177 : vector<1x16xf32> to vector<16xf32>
        %mul3A_1179 = arith.mulf %get3A_1178, %gather3A_1144 : vector<16xf32>
        %swap3A_1180 = arith.index_cast %add3A_1140 : i32 to index
        %swap3A_1181 = arith.constant 48 : index
        %swap3A_1182 = tpu.vector_load %arg16[%swap3A_1180, %swap3A_1181] {strides = array<i32>} : memref<128x128xf32, #tpu.memory_space<vmem>>, vector<1x16xf32>,
        %swap3A_1183 = vector.shape_cast %swap3A_1182 : vector<1x16xf32> to vector<16xf32>
        %swap3A_1184 = vector.shape_cast %mul3A_1179 : vector<16xf32> to vector<1x16xf32>
        tpu.vector_store %arg16[%swap3A_1180, %swap3A_1181], %swap3A_1184 {strides = array<i32>} : memref<128x128xf32, #tpu.memory_space<vmem>>, vector<1x16xf32>,
        %get3A_1185 = arith.index_cast %add3A_1140 : i32 to index
        %get3A_1186 = arith.constant 64 : index
        %get3A_1187 = tpu.vector_load %arg16[%get3A_1185, %get3A_1186] {strides = array<i32>} : memref<128x128xf32, #tpu.memory_space<vmem>>, vector<1x16xf32>,
        %get3A_1188 = vector.shape_cast %get3A_1187 : vector<1x16xf32> to vector<16xf32>
        %mul3A_1189 = arith.mulf %get3A_1188, %gather3A_1144 : vector<16xf32>
        %swap3A_1190 = arith.index_cast %add3A_1140 : i32 to index
        %swap3A_1191 = arith.constant 64 : index
        %swap3A_1192 = tpu.vector_load %arg16[%swap3A_1190, %swap3A_1191] {strides = array<i32>} : memref<128x128xf32, #tpu.memory_space<vmem>>, vector<1x16xf32>,
        %swap3A_1193 = vector.shape_cast %swap3A_1192 : vector<1x16xf32> to vector<16xf32>
        %swap3A_1194 = vector.shape_cast %mul3A_1189 : vector<16xf32> to vector<1x16xf32>
        tpu.vector_store %arg16[%swap3A_1190, %swap3A_1191], %swap3A_1194 {strides = array<i32>} : memref<128x128xf32, #tpu.memory_space<vmem>>, vector<1x16xf32>,
        %get3A_1195 = arith.index_cast %add3A_1140 : i32 to index
        %get3A_1196 = arith.constant 80 : index
        %get3A_1197 = tpu.vector_load %arg16[%get3A_1195, %get3A_1196] {strides = array<i32>} : memref<128x128xf32, #tpu.memory_space<vmem>>, vector<1x16xf32>,
        %get3A_1198 = vector.shape_cast %get3A_1197 : vector<1x16xf32> to vector<16xf32>
        %mul3A_1199 = arith.mulf %get3A_1198, %gather3A_1144 : vector<16xf32>
        %swap3A_1200 = arith.index_cast %add3A_1140 : i32 to index
        %swap3A_1201 = arith.constant 80 : index
        %swap3A_1202 = tpu.vector_load %arg16[%swap3A_1200, %swap3A_1201] {strides = array<i32>} : memref<128x128xf32, #tpu.memory_space<vmem>>, vector<1x16xf32>,
        %swap3A_1203 = vector.shape_cast %swap3A_1202 : vector<1x16xf32> to vector<16xf32>
        %swap3A_1204 = vector.shape_cast %mul3A_1199 : vector<16xf32> to vector<1x16xf32>
        tpu.vector_store %arg16[%swap3A_1200, %swap3A_1201], %swap3A_1204 {strides = array<i32>} : memref<128x128xf32, #tpu.memory_space<vmem>>, vector<1x16xf32>,
        %get3A_1205 = arith.index_cast %add3A_1140 : i32 to index
        %get3A_1206 = arith.constant 96 : index
        %get3A_1207 = tpu.vector_load %arg16[%get3A_1205, %get3A_1206] {strides = array<i32>} : memref<128x128xf32, #tpu.memory_space<vmem>>, vector<1x16xf32>,
        %get3A_1208 = vector.shape_cast %get3A_1207 : vector<1x16xf32> to vector<16xf32>
        %mul3A_1209 = arith.mulf %get3A_1208, %gather3A_1144 : vector<16xf32>
        %swap3A_1210 = arith.index_cast %add3A_1140 : i32 to index
        %swap3A_1211 = arith.constant 96 : index
        %swap3A_1212 = tpu.vector_load %arg16[%swap3A_1210, %swap3A_1211] {strides = array<i32>} : memref<128x128xf32, #tpu.memory_space<vmem>>, vector<1x16xf32>,
        %swap3A_1213 = vector.shape_cast %swap3A_1212 : vector<1x16xf32> to vector<16xf32>
        %swap3A_1214 = vector.shape_cast %mul3A_1209 : vector<16xf32> to vector<1x16xf32>
        tpu.vector_store %arg16[%swap3A_1210, %swap3A_1211], %swap3A_1214 {strides = array<i32>} : memref<128x128xf32, #tpu.memory_space<vmem>>, vector<1x16xf32>,
        %get3A_1215 = arith.index_cast %add3A_1140 : i32 to index
        %get3A_1216 = arith.constant 112 : index
        %get3A_1217 = tpu.vector_load %arg16[%get3A_1215, %get3A_1216] {strides = array<i32>} : memref<128x128xf32, #tpu.memory_space<vmem>>, vector<1x16xf32>,
        %get3A_1218 = vector.shape_cast %get3A_1217 : vector<1x16xf32> to vector<16xf32>
        %mul3A_1219 = arith.mulf %get3A_1218, %gather3A_1144 : vector<16xf32>
        %swap3A_1220 = arith.index_cast %add3A_1140 : i32 to index
        %swap3A_1221 = arith.constant 112 : index
        %swap3A_1222 = tpu.vector_load %arg16[%swap3A_1220, %swap3A_1221] {strides = array<i32>} : memref<128x128xf32, #tpu.memory_space<vmem>>, vector<1x16xf32>,
        %swap3A_1223 = vector.shape_cast %swap3A_1222 : vector<1x16xf32> to vector<16xf32>
        %swap3A_1224 = vector.shape_cast %mul3A_1219 : vector<16xf32> to vector<1x16xf32>
        tpu.vector_store %arg16[%swap3A_1220, %swap3A_1221], %swap3A_1224 {strides = array<i32>} : memref<128x128xf32, #tpu.memory_space<vmem>>, vector<1x16xf32>,
        %add3A_1225 = arith.constant 12 : i32
        %add3A_1226 = arith.addi %mul3A_192, %add3A_1225 : i32
        %broadcast_in_dim3A_1227 = arith.constant 12 : i32
        %broadcast_in_dim3A_1228 = vector.broadcast %broadcast_in_dim3A_1227 : i32 to vector<16x1xi32>
        %gather3A_1229 = vector.shape_cast %broadcast_in_dim3A_1228 : vector<16x1xi32> to vector<16xi32>
        %gather3A_1230 = tpu.dynamic_gather %get3A_194[%gather3A_1229] in [0] : vector<16xf32>, vector<16xi32> -> vector<16xf32>
        %get3A_1231 = arith.index_cast %add3A_1226 : i32 to index
        %get3A_1232 = arith.constant 0 : index
        %get3A_1233 = tpu.vector_load %arg16[%get3A_1231, %get3A_1232] {strides = array<i32>} : memref<128x128xf32, #tpu.memory_space<vmem>>, vector<1x16xf32>,
        %get3A_1234 = vector.shape_cast %get3A_1233 : vector<1x16xf32> to vector<16xf32>
        %mul3A_1235 = arith.mulf %get3A_1234, %gather3A_1230 : vector<16xf32>
        %swap3A_1236 = arith.index_cast %add3A_1226 : i32 to index
        %swap3A_1237 = arith.constant 0 : index
        %swap3A_1238 = tpu.vector_load %arg16[%swap3A_1236, %swap3A_1237] {strides = array<i32>} : memref<128x128xf32, #tpu.memory_space<vmem>>, vector<1x16xf32>,
        %swap3A_1239 = vector.shape_cast %swap3A_1238 : vector<1x16xf32> to vector<16xf32>
        %swap3A_1240 = vector.shape_cast %mul3A_1235 : vector<16xf32> to vector<1x16xf32>
        tpu.vector_store %arg16[%swap3A_1236, %swap3A_1237], %swap3A_1240 {strides = array<i32>} : memref<128x128xf32, #tpu.memory_space<vmem>>, vector<1x16xf32>,
        %get3A_1241 = arith.index_cast %add3A_1226 : i32 to index
        %get3A_1242 = arith.constant 16 : index
        %get3A_1243 = tpu.vector_load %arg16[%get3A_1241, %get3A_1242] {strides = array<i32>} : memref<128x128xf32, #tpu.memory_space<vmem>>, vector<1x16xf32>,
        %get3A_1244 = vector.shape_cast %get3A_1243 : vector<1x16xf32> to vector<16xf32>
        %mul3A_1245 = arith.mulf %get3A_1244, %gather3A_1230 : vector<16xf32>
        %swap3A_1246 = arith.index_cast %add3A_1226 : i32 to index
        %swap3A_1247 = arith.constant 16 : index
        %swap3A_1248 = tpu.vector_load %arg16[%swap3A_1246, %swap3A_1247] {strides = array<i32>} : memref<128x128xf32, #tpu.memory_space<vmem>>, vector<1x16xf32>,
        %swap3A_1249 = vector.shape_cast %swap3A_1248 : vector<1x16xf32> to vector<16xf32>
        %swap3A_1250 = vector.shape_cast %mul3A_1245 : vector<16xf32> to vector<1x16xf32>
        tpu.vector_store %arg16[%swap3A_1246, %swap3A_1247], %swap3A_1250 {strides = array<i32>} : memref<128x128xf32, #tpu.memory_space<vmem>>, vector<1x16xf32>,
        %get3A_1251 = arith.index_cast %add3A_1226 : i32 to index
        %get3A_1252 = arith.constant 32 : index
        %get3A_1253 = tpu.vector_load %arg16[%get3A_1251, %get3A_1252] {strides = array<i32>} : memref<128x128xf32, #tpu.memory_space<vmem>>, vector<1x16xf32>,
        %get3A_1254 = vector.shape_cast %get3A_1253 : vector<1x16xf32> to vector<16xf32>
        %mul3A_1255 = arith.mulf %get3A_1254, %gather3A_1230 : vector<16xf32>
        %swap3A_1256 = arith.index_cast %add3A_1226 : i32 to index
        %swap3A_1257 = arith.constant 32 : index
        %swap3A_1258 = tpu.vector_load %arg16[%swap3A_1256, %swap3A_1257] {strides = array<i32>} : memref<128x128xf32, #tpu.memory_space<vmem>>, vector<1x16xf32>,
        %swap3A_1259 = vector.shape_cast %swap3A_1258 : vector<1x16xf32> to vector<16xf32>
        %swap3A_1260 = vector.shape_cast %mul3A_1255 : vector<16xf32> to vector<1x16xf32>
        tpu.vector_store %arg16[%swap3A_1256, %swap3A_1257], %swap3A_1260 {strides = array<i32>} : memref<128x128xf32, #tpu.memory_space<vmem>>, vector<1x16xf32>,
        %get3A_1261 = arith.index_cast %add3A_1226 : i32 to index
        %get3A_1262 = arith.constant 48 : index
        %get3A_1263 = tpu.vector_load %arg16[%get3A_1261, %get3A_1262] {strides = array<i32>} : memref<128x128xf32, #tpu.memory_space<vmem>>, vector<1x16xf32>,
        %get3A_1264 = vector.shape_cast %get3A_1263 : vector<1x16xf32> to vector<16xf32>
        %mul3A_1265 = arith.mulf %get3A_1264, %gather3A_1230 : vector<16xf32>
        %swap3A_1266 = arith.index_cast %add3A_1226 : i32 to index
        %swap3A_1267 = arith.constant 48 : index
        %swap3A_1268 = tpu.vector_load %arg16[%swap3A_1266, %swap3A_1267] {strides = array<i32>} : memref<128x128xf32, #tpu.memory_space<vmem>>, vector<1x16xf32>,
        %swap3A_1269 = vector.shape_cast %swap3A_1268 : vector<1x16xf32> to vector<16xf32>
        %swap3A_1270 = vector.shape_cast %mul3A_1265 : vector<16xf32> to vector<1x16xf32>
        tpu.vector_store %arg16[%swap3A_1266, %swap3A_1267], %swap3A_1270 {strides = array<i32>} : memref<128x128xf32, #tpu.memory_space<vmem>>, vector<1x16xf32>,
        %get3A_1271 = arith.index_cast %add3A_1226 : i32 to index
        %get3A_1272 = arith.constant 64 : index
        %get3A_1273 = tpu.vector_load %arg16[%get3A_1271, %get3A_1272] {strides = array<i32>} : memref<128x128xf32, #tpu.memory_space<vmem>>, vector<1x16xf32>,
        %get3A_1274 = vector.shape_cast %get3A_1273 : vector<1x16xf32> to vector<16xf32>
        %mul3A_1275 = arith.mulf %get3A_1274, %gather3A_1230 : vector<16xf32>
        %swap3A_1276 = arith.index_cast %add3A_1226 : i32 to index
        %swap3A_1277 = arith.constant 64 : index
        %swap3A_1278 = tpu.vector_load %arg16[%swap3A_1276, %swap3A_1277] {strides = array<i32>} : memref<128x128xf32, #tpu.memory_space<vmem>>, vector<1x16xf32>,
        %swap3A_1279 = vector.shape_cast %swap3A_1278 : vector<1x16xf32> to vector<16xf32>
        %swap3A_1280 = vector.shape_cast %mul3A_1275 : vector<16xf32> to vector<1x16xf32>
        tpu.vector_store %arg16[%swap3A_1276, %swap3A_1277], %swap3A_1280 {strides = array<i32>} : memref<128x128xf32, #tpu.memory_space<vmem>>, vector<1x16xf32>,
        %get3A_1281 = arith.index_cast %add3A_1226 : i32 to index
        %get3A_1282 = arith.constant 80 : index
        %get3A_1283 = tpu.vector_load %arg16[%get3A_1281, %get3A_1282] {strides = array<i32>} : memref<128x128xf32, #tpu.memory_space<vmem>>, vector<1x16xf32>,
        %get3A_1284 = vector.shape_cast %get3A_1283 : vector<1x16xf32> to vector<16xf32>
        %mul3A_1285 = arith.mulf %get3A_1284, %gather3A_1230 : vector<16xf32>
        %swap3A_1286 = arith.index_cast %add3A_1226 : i32 to index
        %swap3A_1287 = arith.constant 80 : index
        %swap3A_1288 = tpu.vector_load %arg16[%swap3A_1286, %swap3A_1287] {strides = array<i32>} : memref<128x128xf32, #tpu.memory_space<vmem>>, vector<1x16xf32>,
        %swap3A_1289 = vector.shape_cast %swap3A_1288 : vector<1x16xf32> to vector<16xf32>
        %swap3A_1290 = vector.shape_cast %mul3A_1285 : vector<16xf32> to vector<1x16xf32>
        tpu.vector_store %arg16[%swap3A_1286, %swap3A_1287], %swap3A_1290 {strides = array<i32>} : memref<128x128xf32, #tpu.memory_space<vmem>>, vector<1x16xf32>,
        %get3A_1291 = arith.index_cast %add3A_1226 : i32 to index
        %get3A_1292 = arith.constant 96 : index
        %get3A_1293 = tpu.vector_load %arg16[%get3A_1291, %get3A_1292] {strides = array<i32>} : memref<128x128xf32, #tpu.memory_space<vmem>>, vector<1x16xf32>,
        %get3A_1294 = vector.shape_cast %get3A_1293 : vector<1x16xf32> to vector<16xf32>
        %mul3A_1295 = arith.mulf %get3A_1294, %gather3A_1230 : vector<16xf32>
        %swap3A_1296 = arith.index_cast %add3A_1226 : i32 to index
        %swap3A_1297 = arith.constant 96 : index
        %swap3A_1298 = tpu.vector_load %arg16[%swap3A_1296, %swap3A_1297] {strides = array<i32>} : memref<128x128xf32, #tpu.memory_space<vmem>>, vector<1x16xf32>,
        %swap3A_1299 = vector.shape_cast %swap3A_1298 : vector<1x16xf32> to vector<16xf32>
        %swap3A_1300 = vector.shape_cast %mul3A_1295 : vector<16xf32> to vector<1x16xf32>
        tpu.vector_store %arg16[%swap3A_1296, %swap3A_1297], %swap3A_1300 {strides = array<i32>} : memref<128x128xf32, #tpu.memory_space<vmem>>, vector<1x16xf32>,
        %get3A_1301 = arith.index_cast %add3A_1226 : i32 to index
        %get3A_1302 = arith.constant 112 : index
        %get3A_1303 = tpu.vector_load %arg16[%get3A_1301, %get3A_1302] {strides = array<i32>} : memref<128x128xf32, #tpu.memory_space<vmem>>, vector<1x16xf32>,
        %get3A_1304 = vector.shape_cast %get3A_1303 : vector<1x16xf32> to vector<16xf32>
        %mul3A_1305 = arith.mulf %get3A_1304, %gather3A_1230 : vector<16xf32>
        %swap3A_1306 = arith.index_cast %add3A_1226 : i32 to index
        %swap3A_1307 = arith.constant 112 : index
        %swap3A_1308 = tpu.vector_load %arg16[%swap3A_1306, %swap3A_1307] {strides = array<i32>} : memref<128x128xf32, #tpu.memory_space<vmem>>, vector<1x16xf32>,
        %swap3A_1309 = vector.shape_cast %swap3A_1308 : vector<1x16xf32> to vector<16xf32>
        %swap3A_1310 = vector.shape_cast %mul3A_1305 : vector<16xf32> to vector<1x16xf32>
        tpu.vector_store %arg16[%swap3A_1306, %swap3A_1307], %swap3A_1310 {strides = array<i32>} : memref<128x128xf32, #tpu.memory_space<vmem>>, vector<1x16xf32>,
        %add3A_1311 = arith.constant 13 : i32
        %add3A_1312 = arith.addi %mul3A_192, %add3A_1311 : i32
        %broadcast_in_dim3A_1313 = arith.constant 13 : i32
        %broadcast_in_dim3A_1314 = vector.broadcast %broadcast_in_dim3A_1313 : i32 to vector<16x1xi32>
        %gather3A_1315 = vector.shape_cast %broadcast_in_dim3A_1314 : vector<16x1xi32> to vector<16xi32>
        %gather3A_1316 = tpu.dynamic_gather %get3A_194[%gather3A_1315] in [0] : vector<16xf32>, vector<16xi32> -> vector<16xf32>
        %get3A_1317 = arith.index_cast %add3A_1312 : i32 to index
        %get3A_1318 = arith.constant 0 : index
        %get3A_1319 = tpu.vector_load %arg16[%get3A_1317, %get3A_1318] {strides = array<i32>} : memref<128x128xf32, #tpu.memory_space<vmem>>, vector<1x16xf32>,
        %get3A_1320 = vector.shape_cast %get3A_1319 : vector<1x16xf32> to vector<16xf32>
        %mul3A_1321 = arith.mulf %get3A_1320, %gather3A_1316 : vector<16xf32>
        %swap3A_1322 = arith.index_cast %add3A_1312 : i32 to index
        %swap3A_1323 = arith.constant 0 : index
        %swap3A_1324 = tpu.vector_load %arg16[%swap3A_1322, %swap3A_1323] {strides = array<i32>} : memref<128x128xf32, #tpu.memory_space<vmem>>, vector<1x16xf32>,
        %swap3A_1325 = vector.shape_cast %swap3A_1324 : vector<1x16xf32> to vector<16xf32>
        %swap3A_1326 = vector.shape_cast %mul3A_1321 : vector<16xf32> to vector<1x16xf32>
        tpu.vector_store %arg16[%swap3A_1322, %swap3A_1323], %swap3A_1326 {strides = array<i32>} : memref<128x128xf32, #tpu.memory_space<vmem>>, vector<1x16xf32>,
        %get3A_1327 = arith.index_cast %add3A_1312 : i32 to index
        %get3A_1328 = arith.constant 16 : index
        %get3A_1329 = tpu.vector_load %arg16[%get3A_1327, %get3A_1328] {strides = array<i32>} : memref<128x128xf32, #tpu.memory_space<vmem>>, vector<1x16xf32>,
        %get3A_1330 = vector.shape_cast %get3A_1329 : vector<1x16xf32> to vector<16xf32>
        %mul3A_1331 = arith.mulf %get3A_1330, %gather3A_1316 : vector<16xf32>
        %swap3A_1332 = arith.index_cast %add3A_1312 : i32 to index
        %swap3A_1333 = arith.constant 16 : index
        %swap3A_1334 = tpu.vector_load %arg16[%swap3A_1332, %swap3A_1333] {strides = array<i32>} : memref<128x128xf32, #tpu.memory_space<vmem>>, vector<1x16xf32>,
        %swap3A_1335 = vector.shape_cast %swap3A_1334 : vector<1x16xf32> to vector<16xf32>
        %swap3A_1336 = vector.shape_cast %mul3A_1331 : vector<16xf32> to vector<1x16xf32>
        tpu.vector_store %arg16[%swap3A_1332, %swap3A_1333], %swap3A_1336 {strides = array<i32>} : memref<128x128xf32, #tpu.memory_space<vmem>>, vector<1x16xf32>,
        %get3A_1337 = arith.index_cast %add3A_1312 : i32 to index
        %get3A_1338 = arith.constant 32 : index
        %get3A_1339 = tpu.vector_load %arg16[%get3A_1337, %get3A_1338] {strides = array<i32>} : memref<128x128xf32, #tpu.memory_space<vmem>>, vector<1x16xf32>,
        %get3A_1340 = vector.shape_cast %get3A_1339 : vector<1x16xf32> to vector<16xf32>
        %mul3A_1341 = arith.mulf %get3A_1340, %gather3A_1316 : vector<16xf32>
        %swap3A_1342 = arith.index_cast %add3A_1312 : i32 to index
        %swap3A_1343 = arith.constant 32 : index
        %swap3A_1344 = tpu.vector_load %arg16[%swap3A_1342, %swap3A_1343] {strides = array<i32>} : memref<128x128xf32, #tpu.memory_space<vmem>>, vector<1x16xf32>,
        %swap3A_1345 = vector.shape_cast %swap3A_1344 : vector<1x16xf32> to vector<16xf32>
        %swap3A_1346 = vector.shape_cast %mul3A_1341 : vector<16xf32> to vector<1x16xf32>
        tpu.vector_store %arg16[%swap3A_1342, %swap3A_1343], %swap3A_1346 {strides = array<i32>} : memref<128x128xf32, #tpu.memory_space<vmem>>, vector<1x16xf32>,
        %get3A_1347 = arith.index_cast %add3A_1312 : i32 to index
        %get3A_1348 = arith.constant 48 : index
        %get3A_1349 = tpu.vector_load %arg16[%get3A_1347, %get3A_1348] {strides = array<i32>} : memref<128x128xf32, #tpu.memory_space<vmem>>, vector<1x16xf32>,
        %get3A_1350 = vector.shape_cast %get3A_1349 : vector<1x16xf32> to vector<16xf32>
        %mul3A_1351 = arith.mulf %get3A_1350, %gather3A_1316 : vector<16xf32>
        %swap3A_1352 = arith.index_cast %add3A_1312 : i32 to index
        %swap3A_1353 = arith.constant 48 : index
        %swap3A_1354 = tpu.vector_load %arg16[%swap3A_1352, %swap3A_1353] {strides = array<i32>} : memref<128x128xf32, #tpu.memory_space<vmem>>, vector<1x16xf32>,
        %swap3A_1355 = vector.shape_cast %swap3A_1354 : vector<1x16xf32> to vector<16xf32>
        %swap3A_1356 = vector.shape_cast %mul3A_1351 : vector<16xf32> to vector<1x16xf32>
        tpu.vector_store %arg16[%swap3A_1352, %swap3A_1353], %swap3A_1356 {strides = array<i32>} : memref<128x128xf32, #tpu.memory_space<vmem>>, vector<1x16xf32>,
        %get3A_1357 = arith.index_cast %add3A_1312 : i32 to index
        %get3A_1358 = arith.constant 64 : index
        %get3A_1359 = tpu.vector_load %arg16[%get3A_1357, %get3A_1358] {strides = array<i32>} : memref<128x128xf32, #tpu.memory_space<vmem>>, vector<1x16xf32>,
        %get3A_1360 = vector.shape_cast %get3A_1359 : vector<1x16xf32> to vector<16xf32>
        %mul3A_1361 = arith.mulf %get3A_1360, %gather3A_1316 : vector<16xf32>
        %swap3A_1362 = arith.index_cast %add3A_1312 : i32 to index
        %swap3A_1363 = arith.constant 64 : index
        %swap3A_1364 = tpu.vector_load %arg16[%swap3A_1362, %swap3A_1363] {strides = array<i32>} : memref<128x128xf32, #tpu.memory_space<vmem>>, vector<1x16xf32>,
        %swap3A_1365 = vector.shape_cast %swap3A_1364 : vector<1x16xf32> to vector<16xf32>
        %swap3A_1366 = vector.shape_cast %mul3A_1361 : vector<16xf32> to vector<1x16xf32>
        tpu.vector_store %arg16[%swap3A_1362, %swap3A_1363], %swap3A_1366 {strides = array<i32>} : memref<128x128xf32, #tpu.memory_space<vmem>>, vector<1x16xf32>,
        %get3A_1367 = arith.index_cast %add3A_1312 : i32 to index
        %get3A_1368 = arith.constant 80 : index
        %get3A_1369 = tpu.vector_load %arg16[%get3A_1367, %get3A_1368] {strides = array<i32>} : memref<128x128xf32, #tpu.memory_space<vmem>>, vector<1x16xf32>,
        %get3A_1370 = vector.shape_cast %get3A_1369 : vector<1x16xf32> to vector<16xf32>
        %mul3A_1371 = arith.mulf %get3A_1370, %gather3A_1316 : vector<16xf32>
        %swap3A_1372 = arith.index_cast %add3A_1312 : i32 to index
        %swap3A_1373 = arith.constant 80 : index
        %swap3A_1374 = tpu.vector_load %arg16[%swap3A_1372, %swap3A_1373] {strides = array<i32>} : memref<128x128xf32, #tpu.memory_space<vmem>>, vector<1x16xf32>,
        %swap3A_1375 = vector.shape_cast %swap3A_1374 : vector<1x16xf32> to vector<16xf32>
        %swap3A_1376 = vector.shape_cast %mul3A_1371 : vector<16xf32> to vector<1x16xf32>
        tpu.vector_store %arg16[%swap3A_1372, %swap3A_1373], %swap3A_1376 {strides = array<i32>} : memref<128x128xf32, #tpu.memory_space<vmem>>, vector<1x16xf32>,
        %get3A_1377 = arith.index_cast %add3A_1312 : i32 to index
        %get3A_1378 = arith.constant 96 : index
        %get3A_1379 = tpu.vector_load %arg16[%get3A_1377, %get3A_1378] {strides = array<i32>} : memref<128x128xf32, #tpu.memory_space<vmem>>, vector<1x16xf32>,
        %get3A_1380 = vector.shape_cast %get3A_1379 : vector<1x16xf32> to vector<16xf32>
        %mul3A_1381 = arith.mulf %get3A_1380, %gather3A_1316 : vector<16xf32>
        %swap3A_1382 = arith.index_cast %add3A_1312 : i32 to index
        %swap3A_1383 = arith.constant 96 : index
        %swap3A_1384 = tpu.vector_load %arg16[%swap3A_1382, %swap3A_1383] {strides = array<i32>} : memref<128x128xf32, #tpu.memory_space<vmem>>, vector<1x16xf32>,
        %swap3A_1385 = vector.shape_cast %swap3A_1384 : vector<1x16xf32> to vector<16xf32>
        %swap3A_1386 = vector.shape_cast %mul3A_1381 : vector<16xf32> to vector<1x16xf32>
        tpu.vector_store %arg16[%swap3A_1382, %swap3A_1383], %swap3A_1386 {strides = array<i32>} : memref<128x128xf32, #tpu.memory_space<vmem>>, vector<1x16xf32>,
        %get3A_1387 = arith.index_cast %add3A_1312 : i32 to index
        %get3A_1388 = arith.constant 112 : index
        %get3A_1389 = tpu.vector_load %arg16[%get3A_1387, %get3A_1388] {strides = array<i32>} : memref<128x128xf32, #tpu.memory_space<vmem>>, vector<1x16xf32>,
        %get3A_1390 = vector.shape_cast %get3A_1389 : vector<1x16xf32> to vector<16xf32>
        %mul3A_1391 = arith.mulf %get3A_1390, %gather3A_1316 : vector<16xf32>
        %swap3A_1392 = arith.index_cast %add3A_1312 : i32 to index
        %swap3A_1393 = arith.constant 112 : index
        %swap3A_1394 = tpu.vector_load %arg16[%swap3A_1392, %swap3A_1393] {strides = array<i32>} : memref<128x128xf32, #tpu.memory_space<vmem>>, vector<1x16xf32>,
        %swap3A_1395 = vector.shape_cast %swap3A_1394 : vector<1x16xf32> to vector<16xf32>
        %swap3A_1396 = vector.shape_cast %mul3A_1391 : vector<16xf32> to vector<1x16xf32>
        tpu.vector_store %arg16[%swap3A_1392, %swap3A_1393], %swap3A_1396 {strides = array<i32>} : memref<128x128xf32, #tpu.memory_space<vmem>>, vector<1x16xf32>,
        %add3A_1397 = arith.constant 14 : i32
        %add3A_1398 = arith.addi %mul3A_192, %add3A_1397 : i32
        %broadcast_in_dim3A_1399 = arith.constant 14 : i32
        %broadcast_in_dim3A_1400 = vector.broadcast %broadcast_in_dim3A_1399 : i32 to vector<16x1xi32>
        %gather3A_1401 = vector.shape_cast %broadcast_in_dim3A_1400 : vector<16x1xi32> to vector<16xi32>
        %gather3A_1402 = tpu.dynamic_gather %get3A_194[%gather3A_1401] in [0] : vector<16xf32>, vector<16xi32> -> vector<16xf32>
        %get3A_1403 = arith.index_cast %add3A_1398 : i32 to index
        %get3A_1404 = arith.constant 0 : index
        %get3A_1405 = tpu.vector_load %arg16[%get3A_1403, %get3A_1404] {strides = array<i32>} : memref<128x128xf32, #tpu.memory_space<vmem>>, vector<1x16xf32>,
        %get3A_1406 = vector.shape_cast %get3A_1405 : vector<1x16xf32> to vector<16xf32>
        %mul3A_1407 = arith.mulf %get3A_1406, %gather3A_1402 : vector<16xf32>
        %swap3A_1408 = arith.index_cast %add3A_1398 : i32 to index
        %swap3A_1409 = arith.constant 0 : index
        %swap3A_1410 = tpu.vector_load %arg16[%swap3A_1408, %swap3A_1409] {strides = array<i32>} : memref<128x128xf32, #tpu.memory_space<vmem>>, vector<1x16xf32>,
        %swap3A_1411 = vector.shape_cast %swap3A_1410 : vector<1x16xf32> to vector<16xf32>
        %swap3A_1412 = vector.shape_cast %mul3A_1407 : vector<16xf32> to vector<1x16xf32>
        tpu.vector_store %arg16[%swap3A_1408, %swap3A_1409], %swap3A_1412 {strides = array<i32>} : memref<128x128xf32, #tpu.memory_space<vmem>>, vector<1x16xf32>,
        %get3A_1413 = arith.index_cast %add3A_1398 : i32 to index
        %get3A_1414 = arith.constant 16 : index
        %get3A_1415 = tpu.vector_load %arg16[%get3A_1413, %get3A_1414] {strides = array<i32>} : memref<128x128xf32, #tpu.memory_space<vmem>>, vector<1x16xf32>,
        %get3A_1416 = vector.shape_cast %get3A_1415 : vector<1x16xf32> to vector<16xf32>
        %mul3A_1417 = arith.mulf %get3A_1416, %gather3A_1402 : vector<16xf32>
        %swap3A_1418 = arith.index_cast %add3A_1398 : i32 to index
        %swap3A_1419 = arith.constant 16 : index
        %swap3A_1420 = tpu.vector_load %arg16[%swap3A_1418, %swap3A_1419] {strides = array<i32>} : memref<128x128xf32, #tpu.memory_space<vmem>>, vector<1x16xf32>,
        %swap3A_1421 = vector.shape_cast %swap3A_1420 : vector<1x16xf32> to vector<16xf32>
        %swap3A_1422 = vector.shape_cast %mul3A_1417 : vector<16xf32> to vector<1x16xf32>
        tpu.vector_store %arg16[%swap3A_1418, %swap3A_1419], %swap3A_1422 {strides = array<i32>} : memref<128x128xf32, #tpu.memory_space<vmem>>, vector<1x16xf32>,
        %get3A_1423 = arith.index_cast %add3A_1398 : i32 to index
        %get3A_1424 = arith.constant 32 : index
        %get3A_1425 = tpu.vector_load %arg16[%get3A_1423, %get3A_1424] {strides = array<i32>} : memref<128x128xf32, #tpu.memory_space<vmem>>, vector<1x16xf32>,
        %get3A_1426 = vector.shape_cast %get3A_1425 : vector<1x16xf32> to vector<16xf32>
        %mul3A_1427 = arith.mulf %get3A_1426, %gather3A_1402 : vector<16xf32>
        %swap3A_1428 = arith.index_cast %add3A_1398 : i32 to index
        %swap3A_1429 = arith.constant 32 : index
        %swap3A_1430 = tpu.vector_load %arg16[%swap3A_1428, %swap3A_1429] {strides = array<i32>} : memref<128x128xf32, #tpu.memory_space<vmem>>, vector<1x16xf32>,
        %swap3A_1431 = vector.shape_cast %swap3A_1430 : vector<1x16xf32> to vector<16xf32>
        %swap3A_1432 = vector.shape_cast %mul3A_1427 : vector<16xf32> to vector<1x16xf32>
        tpu.vector_store %arg16[%swap3A_1428, %swap3A_1429], %swap3A_1432 {strides = array<i32>} : memref<128x128xf32, #tpu.memory_space<vmem>>, vector<1x16xf32>,
        %get3A_1433 = arith.index_cast %add3A_1398 : i32 to index
        %get3A_1434 = arith.constant 48 : index
        %get3A_1435 = tpu.vector_load %arg16[%get3A_1433, %get3A_1434] {strides = array<i32>} : memref<128x128xf32, #tpu.memory_space<vmem>>, vector<1x16xf32>,
        %get3A_1436 = vector.shape_cast %get3A_1435 : vector<1x16xf32> to vector<16xf32>
        %mul3A_1437 = arith.mulf %get3A_1436, %gather3A_1402 : vector<16xf32>
        %swap3A_1438 = arith.index_cast %add3A_1398 : i32 to index
        %swap3A_1439 = arith.constant 48 : index
        %swap3A_1440 = tpu.vector_load %arg16[%swap3A_1438, %swap3A_1439] {strides = array<i32>} : memref<128x128xf32, #tpu.memory_space<vmem>>, vector<1x16xf32>,
        %swap3A_1441 = vector.shape_cast %swap3A_1440 : vector<1x16xf32> to vector<16xf32>
        %swap3A_1442 = vector.shape_cast %mul3A_1437 : vector<16xf32> to vector<1x16xf32>
        tpu.vector_store %arg16[%swap3A_1438, %swap3A_1439], %swap3A_1442 {strides = array<i32>} : memref<128x128xf32, #tpu.memory_space<vmem>>, vector<1x16xf32>,
        %get3A_1443 = arith.index_cast %add3A_1398 : i32 to index
        %get3A_1444 = arith.constant 64 : index
        %get3A_1445 = tpu.vector_load %arg16[%get3A_1443, %get3A_1444] {strides = array<i32>} : memref<128x128xf32, #tpu.memory_space<vmem>>, vector<1x16xf32>,
        %get3A_1446 = vector.shape_cast %get3A_1445 : vector<1x16xf32> to vector<16xf32>
        %mul3A_1447 = arith.mulf %get3A_1446, %gather3A_1402 : vector<16xf32>
        %swap3A_1448 = arith.index_cast %add3A_1398 : i32 to index
        %swap3A_1449 = arith.constant 64 : index
        %swap3A_1450 = tpu.vector_load %arg16[%swap3A_1448, %swap3A_1449] {strides = array<i32>} : memref<128x128xf32, #tpu.memory_space<vmem>>, vector<1x16xf32>,
        %swap3A_1451 = vector.shape_cast %swap3A_1450 : vector<1x16xf32> to vector<16xf32>
        %swap3A_1452 = vector.shape_cast %mul3A_1447 : vector<16xf32> to vector<1x16xf32>
        tpu.vector_store %arg16[%swap3A_1448, %swap3A_1449], %swap3A_1452 {strides = array<i32>} : memref<128x128xf32, #tpu.memory_space<vmem>>, vector<1x16xf32>,
        %get3A_1453 = arith.index_cast %add3A_1398 : i32 to index
        %get3A_1454 = arith.constant 80 : index
        %get3A_1455 = tpu.vector_load %arg16[%get3A_1453, %get3A_1454] {strides = array<i32>} : memref<128x128xf32, #tpu.memory_space<vmem>>, vector<1x16xf32>,
        %get3A_1456 = vector.shape_cast %get3A_1455 : vector<1x16xf32> to vector<16xf32>
        %mul3A_1457 = arith.mulf %get3A_1456, %gather3A_1402 : vector<16xf32>
        %swap3A_1458 = arith.index_cast %add3A_1398 : i32 to index
        %swap3A_1459 = arith.constant 80 : index
        %swap3A_1460 = tpu.vector_load %arg16[%swap3A_1458, %swap3A_1459] {strides = array<i32>} : memref<128x128xf32, #tpu.memory_space<vmem>>, vector<1x16xf32>,
        %swap3A_1461 = vector.shape_cast %swap3A_1460 : vector<1x16xf32> to vector<16xf32>
        %swap3A_1462 = vector.shape_cast %mul3A_1457 : vector<16xf32> to vector<1x16xf32>
        tpu.vector_store %arg16[%swap3A_1458, %swap3A_1459], %swap3A_1462 {strides = array<i32>} : memref<128x128xf32, #tpu.memory_space<vmem>>, vector<1x16xf32>,
        %get3A_1463 = arith.index_cast %add3A_1398 : i32 to index
        %get3A_1464 = arith.constant 96 : index
        %get3A_1465 = tpu.vector_load %arg16[%get3A_1463, %get3A_1464] {strides = array<i32>} : memref<128x128xf32, #tpu.memory_space<vmem>>, vector<1x16xf32>,
        %get3A_1466 = vector.shape_cast %get3A_1465 : vector<1x16xf32> to vector<16xf32>
        %mul3A_1467 = arith.mulf %get3A_1466, %gather3A_1402 : vector<16xf32>
        %swap3A_1468 = arith.index_cast %add3A_1398 : i32 to index
        %swap3A_1469 = arith.constant 96 : index
        %swap3A_1470 = tpu.vector_load %arg16[%swap3A_1468, %swap3A_1469] {strides = array<i32>} : memref<128x128xf32, #tpu.memory_space<vmem>>, vector<1x16xf32>,
        %swap3A_1471 = vector.shape_cast %swap3A_1470 : vector<1x16xf32> to vector<16xf32>
        %swap3A_1472 = vector.shape_cast %mul3A_1467 : vector<16xf32> to vector<1x16xf32>
        tpu.vector_store %arg16[%swap3A_1468, %swap3A_1469], %swap3A_1472 {strides = array<i32>} : memref<128x128xf32, #tpu.memory_space<vmem>>, vector<1x16xf32>,
        %get3A_1473 = arith.index_cast %add3A_1398 : i32 to index
        %get3A_1474 = arith.constant 112 : index
        %get3A_1475 = tpu.vector_load %arg16[%get3A_1473, %get3A_1474] {strides = array<i32>} : memref<128x128xf32, #tpu.memory_space<vmem>>, vector<1x16xf32>,
        %get3A_1476 = vector.shape_cast %get3A_1475 : vector<1x16xf32> to vector<16xf32>
        %mul3A_1477 = arith.mulf %get3A_1476, %gather3A_1402 : vector<16xf32>
        %swap3A_1478 = arith.index_cast %add3A_1398 : i32 to index
        %swap3A_1479 = arith.constant 112 : index
        %swap3A_1480 = tpu.vector_load %arg16[%swap3A_1478, %swap3A_1479] {strides = array<i32>} : memref<128x128xf32, #tpu.memory_space<vmem>>, vector<1x16xf32>,
        %swap3A_1481 = vector.shape_cast %swap3A_1480 : vector<1x16xf32> to vector<16xf32>
        %swap3A_1482 = vector.shape_cast %mul3A_1477 : vector<16xf32> to vector<1x16xf32>
        tpu.vector_store %arg16[%swap3A_1478, %swap3A_1479], %swap3A_1482 {strides = array<i32>} : memref<128x128xf32, #tpu.memory_space<vmem>>, vector<1x16xf32>,
        %add3A_1483 = arith.constant 15 : i32
        %add3A_1484 = arith.addi %mul3A_192, %add3A_1483 : i32
        %broadcast_in_dim3A_1485 = arith.constant 15 : i32
        %broadcast_in_dim3A_1486 = vector.broadcast %broadcast_in_dim3A_1485 : i32 to vector<16x1xi32>
        %gather3A_1487 = vector.shape_cast %broadcast_in_dim3A_1486 : vector<16x1xi32> to vector<16xi32>
        %gather3A_1488 = tpu.dynamic_gather %get3A_194[%gather3A_1487] in [0] : vector<16xf32>, vector<16xi32> -> vector<16xf32>
        %get3A_1489 = arith.index_cast %add3A_1484 : i32 to index
        %get3A_1490 = arith.constant 0 : index
        %get3A_1491 = tpu.vector_load %arg16[%get3A_1489, %get3A_1490] {strides = array<i32>} : memref<128x128xf32, #tpu.memory_space<vmem>>, vector<1x16xf32>,
        %get3A_1492 = vector.shape_cast %get3A_1491 : vector<1x16xf32> to vector<16xf32>
        %mul3A_1493 = arith.mulf %get3A_1492, %gather3A_1488 : vector<16xf32>
        %swap3A_1494 = arith.index_cast %add3A_1484 : i32 to index
        %swap3A_1495 = arith.constant 0 : index
        %swap3A_1496 = tpu.vector_load %arg16[%swap3A_1494, %swap3A_1495] {strides = array<i32>} : memref<128x128xf32, #tpu.memory_space<vmem>>, vector<1x16xf32>,
        %swap3A_1497 = vector.shape_cast %swap3A_1496 : vector<1x16xf32> to vector<16xf32>
        %swap3A_1498 = vector.shape_cast %mul3A_1493 : vector<16xf32> to vector<1x16xf32>
        tpu.vector_store %arg16[%swap3A_1494, %swap3A_1495], %swap3A_1498 {strides = array<i32>} : memref<128x128xf32, #tpu.memory_space<vmem>>, vector<1x16xf32>,
        %get3A_1499 = arith.index_cast %add3A_1484 : i32 to index
        %get3A_1500 = arith.constant 16 : index
        %get3A_1501 = tpu.vector_load %arg16[%get3A_1499, %get3A_1500] {strides = array<i32>} : memref<128x128xf32, #tpu.memory_space<vmem>>, vector<1x16xf32>,
        %get3A_1502 = vector.shape_cast %get3A_1501 : vector<1x16xf32> to vector<16xf32>
        %mul3A_1503 = arith.mulf %get3A_1502, %gather3A_1488 : vector<16xf32>
        %swap3A_1504 = arith.index_cast %add3A_1484 : i32 to index
        %swap3A_1505 = arith.constant 16 : index
        %swap3A_1506 = tpu.vector_load %arg16[%swap3A_1504, %swap3A_1505] {strides = array<i32>} : memref<128x128xf32, #tpu.memory_space<vmem>>, vector<1x16xf32>,
        %swap3A_1507 = vector.shape_cast %swap3A_1506 : vector<1x16xf32> to vector<16xf32>
        %swap3A_1508 = vector.shape_cast %mul3A_1503 : vector<16xf32> to vector<1x16xf32>
        tpu.vector_store %arg16[%swap3A_1504, %swap3A_1505], %swap3A_1508 {strides = array<i32>} : memref<128x128xf32, #tpu.memory_space<vmem>>, vector<1x16xf32>,
        %get3A_1509 = arith.index_cast %add3A_1484 : i32 to index
        %get3A_1510 = arith.constant 32 : index
        %get3A_1511 = tpu.vector_load %arg16[%get3A_1509, %get3A_1510] {strides = array<i32>} : memref<128x128xf32, #tpu.memory_space<vmem>>, vector<1x16xf32>,
        %get3A_1512 = vector.shape_cast %get3A_1511 : vector<1x16xf32> to vector<16xf32>
        %mul3A_1513 = arith.mulf %get3A_1512, %gather3A_1488 : vector<16xf32>
        %swap3A_1514 = arith.index_cast %add3A_1484 : i32 to index
        %swap3A_1515 = arith.constant 32 : index
        %swap3A_1516 = tpu.vector_load %arg16[%swap3A_1514, %swap3A_1515] {strides = array<i32>} : memref<128x128xf32, #tpu.memory_space<vmem>>, vector<1x16xf32>,
        %swap3A_1517 = vector.shape_cast %swap3A_1516 : vector<1x16xf32> to vector<16xf32>
        %swap3A_1518 = vector.shape_cast %mul3A_1513 : vector<16xf32> to vector<1x16xf32>
        tpu.vector_store %arg16[%swap3A_1514, %swap3A_1515], %swap3A_1518 {strides = array<i32>} : memref<128x128xf32, #tpu.memory_space<vmem>>, vector<1x16xf32>,
        %get3A_1519 = arith.index_cast %add3A_1484 : i32 to index
        %get3A_1520 = arith.constant 48 : index
        %get3A_1521 = tpu.vector_load %arg16[%get3A_1519, %get3A_1520] {strides = array<i32>} : memref<128x128xf32, #tpu.memory_space<vmem>>, vector<1x16xf32>,
        %get3A_1522 = vector.shape_cast %get3A_1521 : vector<1x16xf32> to vector<16xf32>
        %mul3A_1523 = arith.mulf %get3A_1522, %gather3A_1488 : vector<16xf32>
        %swap3A_1524 = arith.index_cast %add3A_1484 : i32 to index
        %swap3A_1525 = arith.constant 48 : index
        %swap3A_1526 = tpu.vector_load %arg16[%swap3A_1524, %swap3A_1525] {strides = array<i32>} : memref<128x128xf32, #tpu.memory_space<vmem>>, vector<1x16xf32>,
        %swap3A_1527 = vector.shape_cast %swap3A_1526 : vector<1x16xf32> to vector<16xf32>
        %swap3A_1528 = vector.shape_cast %mul3A_1523 : vector<16xf32> to vector<1x16xf32>
        tpu.vector_store %arg16[%swap3A_1524, %swap3A_1525], %swap3A_1528 {strides = array<i32>} : memref<128x128xf32, #tpu.memory_space<vmem>>, vector<1x16xf32>,
        %get3A_1529 = arith.index_cast %add3A_1484 : i32 to index
        %get3A_1530 = arith.constant 64 : index
        %get3A_1531 = tpu.vector_load %arg16[%get3A_1529, %get3A_1530] {strides = array<i32>} : memref<128x128xf32, #tpu.memory_space<vmem>>, vector<1x16xf32>,
        %get3A_1532 = vector.shape_cast %get3A_1531 : vector<1x16xf32> to vector<16xf32>
        %mul3A_1533 = arith.mulf %get3A_1532, %gather3A_1488 : vector<16xf32>
        %swap3A_1534 = arith.index_cast %add3A_1484 : i32 to index
        %swap3A_1535 = arith.constant 64 : index
        %swap3A_1536 = tpu.vector_load %arg16[%swap3A_1534, %swap3A_1535] {strides = array<i32>} : memref<128x128xf32, #tpu.memory_space<vmem>>, vector<1x16xf32>,
        %swap3A_1537 = vector.shape_cast %swap3A_1536 : vector<1x16xf32> to vector<16xf32>
        %swap3A_1538 = vector.shape_cast %mul3A_1533 : vector<16xf32> to vector<1x16xf32>
        tpu.vector_store %arg16[%swap3A_1534, %swap3A_1535], %swap3A_1538 {strides = array<i32>} : memref<128x128xf32, #tpu.memory_space<vmem>>, vector<1x16xf32>,
        %get3A_1539 = arith.index_cast %add3A_1484 : i32 to index
        %get3A_1540 = arith.constant 80 : index
        %get3A_1541 = tpu.vector_load %arg16[%get3A_1539, %get3A_1540] {strides = array<i32>} : memref<128x128xf32, #tpu.memory_space<vmem>>, vector<1x16xf32>,
        %get3A_1542 = vector.shape_cast %get3A_1541 : vector<1x16xf32> to vector<16xf32>
        %mul3A_1543 = arith.mulf %get3A_1542, %gather3A_1488 : vector<16xf32>
        %swap3A_1544 = arith.index_cast %add3A_1484 : i32 to index
        %swap3A_1545 = arith.constant 80 : index
        %swap3A_1546 = tpu.vector_load %arg16[%swap3A_1544, %swap3A_1545] {strides = array<i32>} : memref<128x128xf32, #tpu.memory_space<vmem>>, vector<1x16xf32>,
        %swap3A_1547 = vector.shape_cast %swap3A_1546 : vector<1x16xf32> to vector<16xf32>
        %swap3A_1548 = vector.shape_cast %mul3A_1543 : vector<16xf32> to vector<1x16xf32>
        tpu.vector_store %arg16[%swap3A_1544, %swap3A_1545], %swap3A_1548 {strides = array<i32>} : memref<128x128xf32, #tpu.memory_space<vmem>>, vector<1x16xf32>,
        %get3A_1549 = arith.index_cast %add3A_1484 : i32 to index
        %get3A_1550 = arith.constant 96 : index
        %get3A_1551 = tpu.vector_load %arg16[%get3A_1549, %get3A_1550] {strides = array<i32>} : memref<128x128xf32, #tpu.memory_space<vmem>>, vector<1x16xf32>,
        %get3A_1552 = vector.shape_cast %get3A_1551 : vector<1x16xf32> to vector<16xf32>
        %mul3A_1553 = arith.mulf %get3A_1552, %gather3A_1488 : vector<16xf32>
        %swap3A_1554 = arith.index_cast %add3A_1484 : i32 to index
        %swap3A_1555 = arith.constant 96 : index
        %swap3A_1556 = tpu.vector_load %arg16[%swap3A_1554, %swap3A_1555] {strides = array<i32>} : memref<128x128xf32, #tpu.memory_space<vmem>>, vector<1x16xf32>,
        %swap3A_1557 = vector.shape_cast %swap3A_1556 : vector<1x16xf32> to vector<16xf32>
        %swap3A_1558 = vector.shape_cast %mul3A_1553 : vector<16xf32> to vector<1x16xf32>
        tpu.vector_store %arg16[%swap3A_1554, %swap3A_1555], %swap3A_1558 {strides = array<i32>} : memref<128x128xf32, #tpu.memory_space<vmem>>, vector<1x16xf32>,
        %get3A_1559 = arith.index_cast %add3A_1484 : i32 to index
        %get3A_1560 = arith.constant 112 : index
        %get3A_1561 = tpu.vector_load %arg16[%get3A_1559, %get3A_1560] {strides = array<i32>} : memref<128x128xf32, #tpu.memory_space<vmem>>, vector<1x16xf32>,
        %get3A_1562 = vector.shape_cast %get3A_1561 : vector<1x16xf32> to vector<16xf32>
        %mul3A_1563 = arith.mulf %get3A_1562, %gather3A_1488 : vector<16xf32>
        %swap3A_1564 = arith.index_cast %add3A_1484 : i32 to index
        %swap3A_1565 = arith.constant 112 : index
        %swap3A_1566 = tpu.vector_load %arg16[%swap3A_1564, %swap3A_1565] {strides = array<i32>} : memref<128x128xf32, #tpu.memory_space<vmem>>, vector<1x16xf32>,
        %swap3A_1567 = vector.shape_cast %swap3A_1566 : vector<1x16xf32> to vector<16xf32>
        %swap3A_1568 = vector.shape_cast %mul3A_1563 : vector<16xf32> to vector<1x16xf32>
        tpu.vector_store %arg16[%swap3A_1564, %swap3A_1565], %swap3A_1568 {strides = array<i32>} : memref<128x128xf32, #tpu.memory_space<vmem>>, vector<1x16xf32>,
      }
      %scan3A_96 = arith.constant 8 : i32
      "tpu.trace_stop"() : () -> ()
      "tpu.trace_start"() <{level = 10 : i32, message = "scatter"}> : () -> ()
      %dma_start3A_97 = arith.constant 0 : i32
      %dma_start3A_98 = arith.constant 0 : i32
      %dma_start3A_99 = tpu.memref_slice %arg19[%dma_start3A_97, %dma_start3A_98] : memref<4096x128xf32, #tpu.memory_space<vmem_shared>> -> memref<4096x128xf32, #tpu.memory_space<vmem_shared>>
      tpu.enqueue_indirect_dma source(%arg16 : memref<128x128xf32, #tpu.memory_space<vmem>>) target(%dma_start3A_99 : memref<4096x128xf32, #tpu.memory_space<vmem_shared>>) offsets(%arg10 : memref<128xi32, #tpu.memory_space<vmem>>) semaphore(%arg29 : memref<!tpu.dma_semaphore, #tpu.memory_space<semaphore_mem>>) {add = true}
      "tpu.trace_stop"() : () -> ()
      %mul3A_100 = arith.constant 3 : i32
      %mul3A_101 = arith.muli %scan3A_58, %mul3A_100 : i32
      %add3A_102 = arith.constant 1 : i32
      %add3A_103 = arith.addi %mul3A_101, %add3A_102 : i32
      "tpu.trace_start"() <{level = 10 : i32, message = "gwait"}> : () -> ()
      %dma_wait3A_104 = arith.constant 0 : i32
      %dma_wait3A_105 = arith.constant 0 : i32
      %dma_wait3A_106 = tpu.memref_slice %arg2[%dma_wait3A_104, %dma_wait3A_105] : memref<4096x128xf32, #tpu.memory_space<hbm>> -> memref<4096x128xf32, #tpu.memory_space<hbm>>
      tpu.wait_indirect_dma semaphore(%arg27 : memref<!tpu.dma_semaphore, #tpu.memory_space<semaphore_mem>>) src(%dma_wait3A_106 : memref<4096x128xf32, #tpu.memory_space<hbm>>) dst(%arg17 : memref<128x128xf32, #tpu.memory_space<vmem>>)
      %ge3A_107 = arith.constant 2 : i32
      "tpu.trace_stop"() : () -> ()
      "tpu.trace_start"() <{level = 10 : i32, message = "starts"}> : () -> ()
      %ge3A_108 = arith.cmpi sge, %add3A_103, %ge3A_107 : i32
      %convert_element_type3A_109 = arith.extui %ge3A_108 : i1 to i32
      %cond3A_110 = arith.constant 0 : i32
      %cond3A_111 = arith.cmpi ne, %convert_element_type3A_109, %cond3A_110 : i32
      scf.if %cond3A_111 {
        %sub3A = arith.constant 2 : i32
        %sub3A_190 = arith.subi %add3A_103, %sub3A : i32
        %dma_wait3A_191 = arith.constant 0 : i32
        %dma_wait3A_192 = arith.constant 0 : i32
        %dma_wait3A_193 = tpu.memref_slice %arg19[%dma_wait3A_191, %dma_wait3A_192] : memref<4096x128xf32, #tpu.memory_space<vmem_shared>> -> memref<4096x128xf32, #tpu.memory_space<vmem_shared>>
        tpu.wait_indirect_dma semaphore(%arg31 : memref<!tpu.dma_semaphore, #tpu.memory_space<semaphore_mem>>) src(%arg18 : memref<128x128xf32, #tpu.memory_space<vmem>>) dst(%dma_wait3A_193 : memref<4096x128xf32, #tpu.memory_space<vmem_shared>>)
      } else {
      }
      %add3A_112 = arith.constant 1 : i32
      %add3A_113 = arith.addi %add3A_103, %add3A_112 : i32
      %lt3A_114 = arith.constant 42 : i32
      %lt3A_115 = arith.cmpi slt, %add3A_113, %lt3A_114 : i32
      %convert_element_type3A_116 = arith.extui %lt3A_115 : i1 to i32
      %cond3A_117 = arith.constant 0 : i32
      %cond3A_118 = arith.cmpi ne, %convert_element_type3A_116, %cond3A_117 : i32
      scf.if %cond3A_118 {
        %add3A_190 = arith.constant 1 : i32
        %add3A_191 = arith.addi %add3A_103, %add3A_190 : i32
        %mul3A_192 = arith.constant 128 : i32
        %mul3A_193 = arith.muli %add3A_191, %mul3A_192 : i32
        %add3A_194 = arith.addi %mul3A_2, %mul3A_193 : i32
        %dma_wait3A_195 = tpu.memref_slice %arg4[%add3A_194] : memref<172032xi32, #tpu.memory_space<hbm>> -> memref<128xi32, #tpu.memory_space<hbm>>
        %dma_wait3A_196 = tpu.memref_slice %arg4[%add3A_194] : memref<172032xi32, #tpu.memory_space<hbm>> -> memref<128xi32, #tpu.memory_space<hbm>>
        tpu.wait_dma2 semaphore(%arg22 : memref<!tpu.dma_semaphore, #tpu.memory_space<semaphore_mem>>) src(%dma_wait3A_196 : memref<128xi32, #tpu.memory_space<hbm>>) dst(%arg9 : memref<128xi32, #tpu.memory_space<vmem>>)
        %add3A_197 = arith.constant 1 : i32
        %add3A_198 = arith.addi %add3A_103, %add3A_197 : i32
        %dma_start3A_199 = arith.constant 0 : i32
        %dma_start3A_200 = arith.constant 0 : i32
        %dma_start3A_201 = tpu.memref_slice %arg2[%dma_start3A_199, %dma_start3A_200] : memref<4096x128xf32, #tpu.memory_space<hbm>> -> memref<4096x128xf32, #tpu.memory_space<hbm>>
        tpu.enqueue_indirect_dma source(%dma_start3A_201 : memref<4096x128xf32, #tpu.memory_space<hbm>>) target(%arg18 : memref<128x128xf32, #tpu.memory_space<vmem>>) offsets(%arg9 : memref<128xi32, #tpu.memory_space<vmem>>) semaphore(%arg28 : memref<!tpu.dma_semaphore, #tpu.memory_space<semaphore_mem>>)
        %add3A_202 = arith.constant 1 : i32
        %add3A_203 = arith.addi %add3A_103, %add3A_202 : i32
        %mul3A_204 = arith.constant 128 : i32
        %mul3A_205 = arith.muli %add3A_203, %mul3A_204 : i32
        %add3A_206 = arith.addi %mul3A_2, %mul3A_205 : i32
        %dma_start3A_207 = tpu.memref_slice %arg5[%add3A_206] : memref<172032xi32, #tpu.memory_space<hbm>> -> memref<128xi32, #tpu.memory_space<hbm>>
        %dma_start3A_208 = tpu.memref_slice %arg5[%add3A_206] : memref<172032xi32, #tpu.memory_space<hbm>> -> memref<128xi32, #tpu.memory_space<hbm>>
        tpu.enqueue_dma source(%dma_start3A_208 : memref<128xi32, #tpu.memory_space<hbm>>) target(%arg12 : memref<128xi32, #tpu.memory_space<vmem>>) target_semaphore(%arg25 : memref<!tpu.dma_semaphore, #tpu.memory_space<semaphore_mem>>)
        %mul3A_209 = arith.constant 128 : i32
        %mul3A_210 = arith.muli %add3A_203, %mul3A_209 : i32
        %add3A_211 = arith.addi %mul3A_2, %mul3A_210 : i32
        %dma_start3A_212 = tpu.memref_slice %arg3[%add3A_211] : memref<172032xf32, #tpu.memory_space<hbm>> -> memref<128xf32, #tpu.memory_space<hbm>>
        %dma_start3A_213 = tpu.memref_slice %arg3[%add3A_211] : memref<172032xf32, #tpu.memory_space<hbm>> -> memref<128xf32, #tpu.memory_space<hbm>>
        tpu.enqueue_dma source(%dma_start3A_213 : memref<128xf32, #tpu.memory_space<hbm>>) target(%arg15 : memref<128xf32, #tpu.memory_space<vmem>>) target_semaphore(%arg25 : memref<!tpu.dma_semaphore, #tpu.memory_space<semaphore_mem>>)
      } else {
      }
      %add3A_119 = arith.constant 2 : i32
      %add3A_120 = arith.addi %add3A_103, %add3A_119 : i32
      %lt3A_121 = arith.constant 42 : i32
      %lt3A_122 = arith.cmpi slt, %add3A_120, %lt3A_121 : i32
      %convert_element_type3A_123 = arith.extui %lt3A_122 : i1 to i32
      %cond3A_124 = arith.constant 0 : i32
      %cond3A_125 = arith.cmpi ne, %convert_element_type3A_123, %cond3A_124 : i32
      scf.if %cond3A_125 {
        %add3A_190 = arith.constant 2 : i32
        %add3A_191 = arith.addi %add3A_103, %add3A_190 : i32
        %mul3A_192 = arith.constant 128 : i32
        %mul3A_193 = arith.muli %add3A_191, %mul3A_192 : i32
        %add3A_194 = arith.addi %mul3A_2, %mul3A_193 : i32
        %dma_start3A_195 = tpu.memref_slice %arg4[%add3A_194] : memref<172032xi32, #tpu.memory_space<hbm>> -> memref<128xi32, #tpu.memory_space<hbm>>
        %dma_start3A_196 = tpu.memref_slice %arg4[%add3A_194] : memref<172032xi32, #tpu.memory_space<hbm>> -> memref<128xi32, #tpu.memory_space<hbm>>
        tpu.enqueue_dma source(%dma_start3A_196 : memref<128xi32, #tpu.memory_space<hbm>>) target(%arg7 : memref<128xi32, #tpu.memory_space<vmem>>) target_semaphore(%arg20 : memref<!tpu.dma_semaphore, #tpu.memory_space<semaphore_mem>>)
      } else {
      }
      %mul3A_126 = arith.constant 128 : i32
      %mul3A_127 = arith.muli %add3A_103, %mul3A_126 : i32
      %add3A_128 = arith.addi %mul3A_2, %mul3A_127 : i32
      %dma_wait3A_129 = tpu.memref_slice %arg5[%add3A_128] : memref<172032xi32, #tpu.memory_space<hbm>> -> memref<128xi32, #tpu.memory_space<hbm>>
      %dma_wait3A_130 = tpu.memref_slice %arg5[%add3A_128] : memref<172032xi32, #tpu.memory_space<hbm>> -> memref<128xi32, #tpu.memory_space<hbm>>
      tpu.wait_dma2 semaphore(%arg24 : memref<!tpu.dma_semaphore, #tpu.memory_space<semaphore_mem>>) src(%dma_wait3A_130 : memref<128xi32, #tpu.memory_space<hbm>>) dst(%arg11 : memref<128xi32, #tpu.memory_space<vmem>>)
      %mul3A_131 = arith.constant 128 : i32
      %mul3A_132 = arith.muli %add3A_103, %mul3A_131 : i32
      %add3A_133 = arith.addi %mul3A_2, %mul3A_132 : i32
      %dma_wait3A_134 = tpu.memref_slice %arg3[%add3A_133] : memref<172032xf32, #tpu.memory_space<hbm>> -> memref<128xf32, #tpu.memory_space<hbm>>
      %dma_wait3A_135 = tpu.memref_slice %arg3[%add3A_133] : memref<172032xf32, #tpu.memory_space<hbm>> -> memref<128xf32, #tpu.memory_space<hbm>>
      tpu.wait_dma2 semaphore(%arg24 : memref<!tpu.dma_semaphore, #tpu.memory_space<semaphore_mem>>) src(%dma_wait3A_135 : memref<128xf32, #tpu.memory_space<hbm>>) dst(%arg14 : memref<128xf32, #tpu.memory_space<vmem>>)
      "tpu.trace_stop"() : () -> ()
      "tpu.trace_start"() <{level = 10 : i32, message = "scale"}> : () -> ()
      %scan3A_136 = arith.constant 0 : i32
      %scan3A_137 = arith.constant 0 : i32
      %scan3A_138 = arith.constant 8 : i32
      %scan3A_139 = arith.addi %scan3A_137, %scan3A_138 : i32
      %scan3A_140 = arith.constant 1 : i32
      scf.for %scan3A_190 = %scan3A_137 to %scan3A_139 step %scan3A_140  : i32 {
        %mul3A_191 = arith.constant 16 : i32
        %mul3A_192 = arith.muli %scan3A_190, %mul3A_191 : i32
        %get3A = arith.index_cast %mul3A_192 : i32 to index
        %get3A_193 = tpu.vector_load %arg14[%get3A] {strides = array<i32>} : memref<128xf32, #tpu.memory_space<vmem>>, vector<16xf32>,
        %get3A_194 = vector.shape_cast %get3A_193 : vector<16xf32> to vector<16xf32>
        %add3A_195 = arith.constant 0 : i32
        %add3A_196 = arith.addi %mul3A_192, %add3A_195 : i32
        %broadcast_in_dim3A_197 = arith.constant 0 : i32
        %broadcast_in_dim3A_198 = vector.broadcast %broadcast_in_dim3A_197 : i32 to vector<16x1xi32>
        %gather3A = vector.shape_cast %broadcast_in_dim3A_198 : vector<16x1xi32> to vector<16xi32>
        %gather3A_199 = tpu.dynamic_gather %get3A_194[%gather3A] in [0] : vector<16xf32>, vector<16xi32> -> vector<16xf32>
        %get3A_200 = arith.index_cast %add3A_196 : i32 to index
        %get3A_201 = arith.constant 0 : index
        %get3A_202 = tpu.vector_load %arg17[%get3A_200, %get3A_201] {strides = array<i32>} : memref<128x128xf32, #tpu.memory_space<vmem>>, vector<1x16xf32>,
        %get3A_203 = vector.shape_cast %get3A_202 : vector<1x16xf32> to vector<16xf32>
        %mul3A_204 = arith.mulf %get3A_203, %gather3A_199 : vector<16xf32>
        %swap3A = arith.index_cast %add3A_196 : i32 to index
        %swap3A_205 = arith.constant 0 : index
        %swap3A_206 = tpu.vector_load %arg17[%swap3A, %swap3A_205] {strides = array<i32>} : memref<128x128xf32, #tpu.memory_space<vmem>>, vector<1x16xf32>,
        %swap3A_207 = vector.shape_cast %swap3A_206 : vector<1x16xf32> to vector<16xf32>
        %swap3A_208 = vector.shape_cast %mul3A_204 : vector<16xf32> to vector<1x16xf32>
        tpu.vector_store %arg17[%swap3A, %swap3A_205], %swap3A_208 {strides = array<i32>} : memref<128x128xf32, #tpu.memory_space<vmem>>, vector<1x16xf32>,
        %get3A_209 = arith.index_cast %add3A_196 : i32 to index
        %get3A_210 = arith.constant 16 : index
        %get3A_211 = tpu.vector_load %arg17[%get3A_209, %get3A_210] {strides = array<i32>} : memref<128x128xf32, #tpu.memory_space<vmem>>, vector<1x16xf32>,
        %get3A_212 = vector.shape_cast %get3A_211 : vector<1x16xf32> to vector<16xf32>
        %mul3A_213 = arith.mulf %get3A_212, %gather3A_199 : vector<16xf32>
        %swap3A_214 = arith.index_cast %add3A_196 : i32 to index
        %swap3A_215 = arith.constant 16 : index
        %swap3A_216 = tpu.vector_load %arg17[%swap3A_214, %swap3A_215] {strides = array<i32>} : memref<128x128xf32, #tpu.memory_space<vmem>>, vector<1x16xf32>,
        %swap3A_217 = vector.shape_cast %swap3A_216 : vector<1x16xf32> to vector<16xf32>
        %swap3A_218 = vector.shape_cast %mul3A_213 : vector<16xf32> to vector<1x16xf32>
        tpu.vector_store %arg17[%swap3A_214, %swap3A_215], %swap3A_218 {strides = array<i32>} : memref<128x128xf32, #tpu.memory_space<vmem>>, vector<1x16xf32>,
        %get3A_219 = arith.index_cast %add3A_196 : i32 to index
        %get3A_220 = arith.constant 32 : index
        %get3A_221 = tpu.vector_load %arg17[%get3A_219, %get3A_220] {strides = array<i32>} : memref<128x128xf32, #tpu.memory_space<vmem>>, vector<1x16xf32>,
        %get3A_222 = vector.shape_cast %get3A_221 : vector<1x16xf32> to vector<16xf32>
        %mul3A_223 = arith.mulf %get3A_222, %gather3A_199 : vector<16xf32>
        %swap3A_224 = arith.index_cast %add3A_196 : i32 to index
        %swap3A_225 = arith.constant 32 : index
        %swap3A_226 = tpu.vector_load %arg17[%swap3A_224, %swap3A_225] {strides = array<i32>} : memref<128x128xf32, #tpu.memory_space<vmem>>, vector<1x16xf32>,
        %swap3A_227 = vector.shape_cast %swap3A_226 : vector<1x16xf32> to vector<16xf32>
        %swap3A_228 = vector.shape_cast %mul3A_223 : vector<16xf32> to vector<1x16xf32>
        tpu.vector_store %arg17[%swap3A_224, %swap3A_225], %swap3A_228 {strides = array<i32>} : memref<128x128xf32, #tpu.memory_space<vmem>>, vector<1x16xf32>,
        %get3A_229 = arith.index_cast %add3A_196 : i32 to index
        %get3A_230 = arith.constant 48 : index
        %get3A_231 = tpu.vector_load %arg17[%get3A_229, %get3A_230] {strides = array<i32>} : memref<128x128xf32, #tpu.memory_space<vmem>>, vector<1x16xf32>,
        %get3A_232 = vector.shape_cast %get3A_231 : vector<1x16xf32> to vector<16xf32>
        %mul3A_233 = arith.mulf %get3A_232, %gather3A_199 : vector<16xf32>
        %swap3A_234 = arith.index_cast %add3A_196 : i32 to index
        %swap3A_235 = arith.constant 48 : index
        %swap3A_236 = tpu.vector_load %arg17[%swap3A_234, %swap3A_235] {strides = array<i32>} : memref<128x128xf32, #tpu.memory_space<vmem>>, vector<1x16xf32>,
        %swap3A_237 = vector.shape_cast %swap3A_236 : vector<1x16xf32> to vector<16xf32>
        %swap3A_238 = vector.shape_cast %mul3A_233 : vector<16xf32> to vector<1x16xf32>
        tpu.vector_store %arg17[%swap3A_234, %swap3A_235], %swap3A_238 {strides = array<i32>} : memref<128x128xf32, #tpu.memory_space<vmem>>, vector<1x16xf32>,
        %get3A_239 = arith.index_cast %add3A_196 : i32 to index
        %get3A_240 = arith.constant 64 : index
        %get3A_241 = tpu.vector_load %arg17[%get3A_239, %get3A_240] {strides = array<i32>} : memref<128x128xf32, #tpu.memory_space<vmem>>, vector<1x16xf32>,
        %get3A_242 = vector.shape_cast %get3A_241 : vector<1x16xf32> to vector<16xf32>
        %mul3A_243 = arith.mulf %get3A_242, %gather3A_199 : vector<16xf32>
        %swap3A_244 = arith.index_cast %add3A_196 : i32 to index
        %swap3A_245 = arith.constant 64 : index
        %swap3A_246 = tpu.vector_load %arg17[%swap3A_244, %swap3A_245] {strides = array<i32>} : memref<128x128xf32, #tpu.memory_space<vmem>>, vector<1x16xf32>,
        %swap3A_247 = vector.shape_cast %swap3A_246 : vector<1x16xf32> to vector<16xf32>
        %swap3A_248 = vector.shape_cast %mul3A_243 : vector<16xf32> to vector<1x16xf32>
        tpu.vector_store %arg17[%swap3A_244, %swap3A_245], %swap3A_248 {strides = array<i32>} : memref<128x128xf32, #tpu.memory_space<vmem>>, vector<1x16xf32>,
        %get3A_249 = arith.index_cast %add3A_196 : i32 to index
        %get3A_250 = arith.constant 80 : index
        %get3A_251 = tpu.vector_load %arg17[%get3A_249, %get3A_250] {strides = array<i32>} : memref<128x128xf32, #tpu.memory_space<vmem>>, vector<1x16xf32>,
        %get3A_252 = vector.shape_cast %get3A_251 : vector<1x16xf32> to vector<16xf32>
        %mul3A_253 = arith.mulf %get3A_252, %gather3A_199 : vector<16xf32>
        %swap3A_254 = arith.index_cast %add3A_196 : i32 to index
        %swap3A_255 = arith.constant 80 : index
        %swap3A_256 = tpu.vector_load %arg17[%swap3A_254, %swap3A_255] {strides = array<i32>} : memref<128x128xf32, #tpu.memory_space<vmem>>, vector<1x16xf32>,
        %swap3A_257 = vector.shape_cast %swap3A_256 : vector<1x16xf32> to vector<16xf32>
        %swap3A_258 = vector.shape_cast %mul3A_253 : vector<16xf32> to vector<1x16xf32>
        tpu.vector_store %arg17[%swap3A_254, %swap3A_255], %swap3A_258 {strides = array<i32>} : memref<128x128xf32, #tpu.memory_space<vmem>>, vector<1x16xf32>,
        %get3A_259 = arith.index_cast %add3A_196 : i32 to index
        %get3A_260 = arith.constant 96 : index
        %get3A_261 = tpu.vector_load %arg17[%get3A_259, %get3A_260] {strides = array<i32>} : memref<128x128xf32, #tpu.memory_space<vmem>>, vector<1x16xf32>,
        %get3A_262 = vector.shape_cast %get3A_261 : vector<1x16xf32> to vector<16xf32>
        %mul3A_263 = arith.mulf %get3A_262, %gather3A_199 : vector<16xf32>
        %swap3A_264 = arith.index_cast %add3A_196 : i32 to index
        %swap3A_265 = arith.constant 96 : index
        %swap3A_266 = tpu.vector_load %arg17[%swap3A_264, %swap3A_265] {strides = array<i32>} : memref<128x128xf32, #tpu.memory_space<vmem>>, vector<1x16xf32>,
        %swap3A_267 = vector.shape_cast %swap3A_266 : vector<1x16xf32> to vector<16xf32>
        %swap3A_268 = vector.shape_cast %mul3A_263 : vector<16xf32> to vector<1x16xf32>
        tpu.vector_store %arg17[%swap3A_264, %swap3A_265], %swap3A_268 {strides = array<i32>} : memref<128x128xf32, #tpu.memory_space<vmem>>, vector<1x16xf32>,
        %get3A_269 = arith.index_cast %add3A_196 : i32 to index
        %get3A_270 = arith.constant 112 : index
        %get3A_271 = tpu.vector_load %arg17[%get3A_269, %get3A_270] {strides = array<i32>} : memref<128x128xf32, #tpu.memory_space<vmem>>, vector<1x16xf32>,
        %get3A_272 = vector.shape_cast %get3A_271 : vector<1x16xf32> to vector<16xf32>
        %mul3A_273 = arith.mulf %get3A_272, %gather3A_199 : vector<16xf32>
        %swap3A_274 = arith.index_cast %add3A_196 : i32 to index
        %swap3A_275 = arith.constant 112 : index
        %swap3A_276 = tpu.vector_load %arg17[%swap3A_274, %swap3A_275] {strides = array<i32>} : memref<128x128xf32, #tpu.memory_space<vmem>>, vector<1x16xf32>,
        %swap3A_277 = vector.shape_cast %swap3A_276 : vector<1x16xf32> to vector<16xf32>
        %swap3A_278 = vector.shape_cast %mul3A_273 : vector<16xf32> to vector<1x16xf32>
        tpu.vector_store %arg17[%swap3A_274, %swap3A_275], %swap3A_278 {strides = array<i32>} : memref<128x128xf32, #tpu.memory_space<vmem>>, vector<1x16xf32>,
        %add3A_279 = arith.constant 1 : i32
        %add3A_280 = arith.addi %mul3A_192, %add3A_279 : i32
        %broadcast_in_dim3A_281 = arith.constant 1 : i32
        %broadcast_in_dim3A_282 = vector.broadcast %broadcast_in_dim3A_281 : i32 to vector<16x1xi32>
        %gather3A_283 = vector.shape_cast %broadcast_in_dim3A_282 : vector<16x1xi32> to vector<16xi32>
        %gather3A_284 = tpu.dynamic_gather %get3A_194[%gather3A_283] in [0] : vector<16xf32>, vector<16xi32> -> vector<16xf32>
        %get3A_285 = arith.index_cast %add3A_280 : i32 to index
        %get3A_286 = arith.constant 0 : index
        %get3A_287 = tpu.vector_load %arg17[%get3A_285, %get3A_286] {strides = array<i32>} : memref<128x128xf32, #tpu.memory_space<vmem>>, vector<1x16xf32>,
        %get3A_288 = vector.shape_cast %get3A_287 : vector<1x16xf32> to vector<16xf32>
        %mul3A_289 = arith.mulf %get3A_288, %gather3A_284 : vector<16xf32>
        %swap3A_290 = arith.index_cast %add3A_280 : i32 to index
        %swap3A_291 = arith.constant 0 : index
        %swap3A_292 = tpu.vector_load %arg17[%swap3A_290, %swap3A_291] {strides = array<i32>} : memref<128x128xf32, #tpu.memory_space<vmem>>, vector<1x16xf32>,
        %swap3A_293 = vector.shape_cast %swap3A_292 : vector<1x16xf32> to vector<16xf32>
        %swap3A_294 = vector.shape_cast %mul3A_289 : vector<16xf32> to vector<1x16xf32>
        tpu.vector_store %arg17[%swap3A_290, %swap3A_291], %swap3A_294 {strides = array<i32>} : memref<128x128xf32, #tpu.memory_space<vmem>>, vector<1x16xf32>,
        %get3A_295 = arith.index_cast %add3A_280 : i32 to index
        %get3A_296 = arith.constant 16 : index
        %get3A_297 = tpu.vector_load %arg17[%get3A_295, %get3A_296] {strides = array<i32>} : memref<128x128xf32, #tpu.memory_space<vmem>>, vector<1x16xf32>,
        %get3A_298 = vector.shape_cast %get3A_297 : vector<1x16xf32> to vector<16xf32>
        %mul3A_299 = arith.mulf %get3A_298, %gather3A_284 : vector<16xf32>
        %swap3A_300 = arith.index_cast %add3A_280 : i32 to index
        %swap3A_301 = arith.constant 16 : index
        %swap3A_302 = tpu.vector_load %arg17[%swap3A_300, %swap3A_301] {strides = array<i32>} : memref<128x128xf32, #tpu.memory_space<vmem>>, vector<1x16xf32>,
        %swap3A_303 = vector.shape_cast %swap3A_302 : vector<1x16xf32> to vector<16xf32>
        %swap3A_304 = vector.shape_cast %mul3A_299 : vector<16xf32> to vector<1x16xf32>
        tpu.vector_store %arg17[%swap3A_300, %swap3A_301], %swap3A_304 {strides = array<i32>} : memref<128x128xf32, #tpu.memory_space<vmem>>, vector<1x16xf32>,
        %get3A_305 = arith.index_cast %add3A_280 : i32 to index
        %get3A_306 = arith.constant 32 : index
        %get3A_307 = tpu.vector_load %arg17[%get3A_305, %get3A_306] {strides = array<i32>} : memref<128x128xf32, #tpu.memory_space<vmem>>, vector<1x16xf32>,
        %get3A_308 = vector.shape_cast %get3A_307 : vector<1x16xf32> to vector<16xf32>
        %mul3A_309 = arith.mulf %get3A_308, %gather3A_284 : vector<16xf32>
        %swap3A_310 = arith.index_cast %add3A_280 : i32 to index
        %swap3A_311 = arith.constant 32 : index
        %swap3A_312 = tpu.vector_load %arg17[%swap3A_310, %swap3A_311] {strides = array<i32>} : memref<128x128xf32, #tpu.memory_space<vmem>>, vector<1x16xf32>,
        %swap3A_313 = vector.shape_cast %swap3A_312 : vector<1x16xf32> to vector<16xf32>
        %swap3A_314 = vector.shape_cast %mul3A_309 : vector<16xf32> to vector<1x16xf32>
        tpu.vector_store %arg17[%swap3A_310, %swap3A_311], %swap3A_314 {strides = array<i32>} : memref<128x128xf32, #tpu.memory_space<vmem>>, vector<1x16xf32>,
        %get3A_315 = arith.index_cast %add3A_280 : i32 to index
        %get3A_316 = arith.constant 48 : index
        %get3A_317 = tpu.vector_load %arg17[%get3A_315, %get3A_316] {strides = array<i32>} : memref<128x128xf32, #tpu.memory_space<vmem>>, vector<1x16xf32>,
        %get3A_318 = vector.shape_cast %get3A_317 : vector<1x16xf32> to vector<16xf32>
        %mul3A_319 = arith.mulf %get3A_318, %gather3A_284 : vector<16xf32>
        %swap3A_320 = arith.index_cast %add3A_280 : i32 to index
        %swap3A_321 = arith.constant 48 : index
        %swap3A_322 = tpu.vector_load %arg17[%swap3A_320, %swap3A_321] {strides = array<i32>} : memref<128x128xf32, #tpu.memory_space<vmem>>, vector<1x16xf32>,
        %swap3A_323 = vector.shape_cast %swap3A_322 : vector<1x16xf32> to vector<16xf32>
        %swap3A_324 = vector.shape_cast %mul3A_319 : vector<16xf32> to vector<1x16xf32>
        tpu.vector_store %arg17[%swap3A_320, %swap3A_321], %swap3A_324 {strides = array<i32>} : memref<128x128xf32, #tpu.memory_space<vmem>>, vector<1x16xf32>,
        %get3A_325 = arith.index_cast %add3A_280 : i32 to index
        %get3A_326 = arith.constant 64 : index
        %get3A_327 = tpu.vector_load %arg17[%get3A_325, %get3A_326] {strides = array<i32>} : memref<128x128xf32, #tpu.memory_space<vmem>>, vector<1x16xf32>,
        %get3A_328 = vector.shape_cast %get3A_327 : vector<1x16xf32> to vector<16xf32>
        %mul3A_329 = arith.mulf %get3A_328, %gather3A_284 : vector<16xf32>
        %swap3A_330 = arith.index_cast %add3A_280 : i32 to index
        %swap3A_331 = arith.constant 64 : index
        %swap3A_332 = tpu.vector_load %arg17[%swap3A_330, %swap3A_331] {strides = array<i32>} : memref<128x128xf32, #tpu.memory_space<vmem>>, vector<1x16xf32>,
        %swap3A_333 = vector.shape_cast %swap3A_332 : vector<1x16xf32> to vector<16xf32>
        %swap3A_334 = vector.shape_cast %mul3A_329 : vector<16xf32> to vector<1x16xf32>
        tpu.vector_store %arg17[%swap3A_330, %swap3A_331], %swap3A_334 {strides = array<i32>} : memref<128x128xf32, #tpu.memory_space<vmem>>, vector<1x16xf32>,
        %get3A_335 = arith.index_cast %add3A_280 : i32 to index
        %get3A_336 = arith.constant 80 : index
        %get3A_337 = tpu.vector_load %arg17[%get3A_335, %get3A_336] {strides = array<i32>} : memref<128x128xf32, #tpu.memory_space<vmem>>, vector<1x16xf32>,
        %get3A_338 = vector.shape_cast %get3A_337 : vector<1x16xf32> to vector<16xf32>
        %mul3A_339 = arith.mulf %get3A_338, %gather3A_284 : vector<16xf32>
        %swap3A_340 = arith.index_cast %add3A_280 : i32 to index
        %swap3A_341 = arith.constant 80 : index
        %swap3A_342 = tpu.vector_load %arg17[%swap3A_340, %swap3A_341] {strides = array<i32>} : memref<128x128xf32, #tpu.memory_space<vmem>>, vector<1x16xf32>,
        %swap3A_343 = vector.shape_cast %swap3A_342 : vector<1x16xf32> to vector<16xf32>
        %swap3A_344 = vector.shape_cast %mul3A_339 : vector<16xf32> to vector<1x16xf32>
        tpu.vector_store %arg17[%swap3A_340, %swap3A_341], %swap3A_344 {strides = array<i32>} : memref<128x128xf32, #tpu.memory_space<vmem>>, vector<1x16xf32>,
        %get3A_345 = arith.index_cast %add3A_280 : i32 to index
        %get3A_346 = arith.constant 96 : index
        %get3A_347 = tpu.vector_load %arg17[%get3A_345, %get3A_346] {strides = array<i32>} : memref<128x128xf32, #tpu.memory_space<vmem>>, vector<1x16xf32>,
        %get3A_348 = vector.shape_cast %get3A_347 : vector<1x16xf32> to vector<16xf32>
        %mul3A_349 = arith.mulf %get3A_348, %gather3A_284 : vector<16xf32>
        %swap3A_350 = arith.index_cast %add3A_280 : i32 to index
        %swap3A_351 = arith.constant 96 : index
        %swap3A_352 = tpu.vector_load %arg17[%swap3A_350, %swap3A_351] {strides = array<i32>} : memref<128x128xf32, #tpu.memory_space<vmem>>, vector<1x16xf32>,
        %swap3A_353 = vector.shape_cast %swap3A_352 : vector<1x16xf32> to vector<16xf32>
        %swap3A_354 = vector.shape_cast %mul3A_349 : vector<16xf32> to vector<1x16xf32>
        tpu.vector_store %arg17[%swap3A_350, %swap3A_351], %swap3A_354 {strides = array<i32>} : memref<128x128xf32, #tpu.memory_space<vmem>>, vector<1x16xf32>,
        %get3A_355 = arith.index_cast %add3A_280 : i32 to index
        %get3A_356 = arith.constant 112 : index
        %get3A_357 = tpu.vector_load %arg17[%get3A_355, %get3A_356] {strides = array<i32>} : memref<128x128xf32, #tpu.memory_space<vmem>>, vector<1x16xf32>,
        %get3A_358 = vector.shape_cast %get3A_357 : vector<1x16xf32> to vector<16xf32>
        %mul3A_359 = arith.mulf %get3A_358, %gather3A_284 : vector<16xf32>
        %swap3A_360 = arith.index_cast %add3A_280 : i32 to index
        %swap3A_361 = arith.constant 112 : index
        %swap3A_362 = tpu.vector_load %arg17[%swap3A_360, %swap3A_361] {strides = array<i32>} : memref<128x128xf32, #tpu.memory_space<vmem>>, vector<1x16xf32>,
        %swap3A_363 = vector.shape_cast %swap3A_362 : vector<1x16xf32> to vector<16xf32>
        %swap3A_364 = vector.shape_cast %mul3A_359 : vector<16xf32> to vector<1x16xf32>
        tpu.vector_store %arg17[%swap3A_360, %swap3A_361], %swap3A_364 {strides = array<i32>} : memref<128x128xf32, #tpu.memory_space<vmem>>, vector<1x16xf32>,
        %add3A_365 = arith.constant 2 : i32
        %add3A_366 = arith.addi %mul3A_192, %add3A_365 : i32
        %broadcast_in_dim3A_367 = arith.constant 2 : i32
        %broadcast_in_dim3A_368 = vector.broadcast %broadcast_in_dim3A_367 : i32 to vector<16x1xi32>
        %gather3A_369 = vector.shape_cast %broadcast_in_dim3A_368 : vector<16x1xi32> to vector<16xi32>
        %gather3A_370 = tpu.dynamic_gather %get3A_194[%gather3A_369] in [0] : vector<16xf32>, vector<16xi32> -> vector<16xf32>
        %get3A_371 = arith.index_cast %add3A_366 : i32 to index
        %get3A_372 = arith.constant 0 : index
        %get3A_373 = tpu.vector_load %arg17[%get3A_371, %get3A_372] {strides = array<i32>} : memref<128x128xf32, #tpu.memory_space<vmem>>, vector<1x16xf32>,
        %get3A_374 = vector.shape_cast %get3A_373 : vector<1x16xf32> to vector<16xf32>
        %mul3A_375 = arith.mulf %get3A_374, %gather3A_370 : vector<16xf32>
        %swap3A_376 = arith.index_cast %add3A_366 : i32 to index
        %swap3A_377 = arith.constant 0 : index
        %swap3A_378 = tpu.vector_load %arg17[%swap3A_376, %swap3A_377] {strides = array<i32>} : memref<128x128xf32, #tpu.memory_space<vmem>>, vector<1x16xf32>,
        %swap3A_379 = vector.shape_cast %swap3A_378 : vector<1x16xf32> to vector<16xf32>
        %swap3A_380 = vector.shape_cast %mul3A_375 : vector<16xf32> to vector<1x16xf32>
        tpu.vector_store %arg17[%swap3A_376, %swap3A_377], %swap3A_380 {strides = array<i32>} : memref<128x128xf32, #tpu.memory_space<vmem>>, vector<1x16xf32>,
        %get3A_381 = arith.index_cast %add3A_366 : i32 to index
        %get3A_382 = arith.constant 16 : index
        %get3A_383 = tpu.vector_load %arg17[%get3A_381, %get3A_382] {strides = array<i32>} : memref<128x128xf32, #tpu.memory_space<vmem>>, vector<1x16xf32>,
        %get3A_384 = vector.shape_cast %get3A_383 : vector<1x16xf32> to vector<16xf32>
        %mul3A_385 = arith.mulf %get3A_384, %gather3A_370 : vector<16xf32>
        %swap3A_386 = arith.index_cast %add3A_366 : i32 to index
        %swap3A_387 = arith.constant 16 : index
        %swap3A_388 = tpu.vector_load %arg17[%swap3A_386, %swap3A_387] {strides = array<i32>} : memref<128x128xf32, #tpu.memory_space<vmem>>, vector<1x16xf32>,
        %swap3A_389 = vector.shape_cast %swap3A_388 : vector<1x16xf32> to vector<16xf32>
        %swap3A_390 = vector.shape_cast %mul3A_385 : vector<16xf32> to vector<1x16xf32>
        tpu.vector_store %arg17[%swap3A_386, %swap3A_387], %swap3A_390 {strides = array<i32>} : memref<128x128xf32, #tpu.memory_space<vmem>>, vector<1x16xf32>,
        %get3A_391 = arith.index_cast %add3A_366 : i32 to index
        %get3A_392 = arith.constant 32 : index
        %get3A_393 = tpu.vector_load %arg17[%get3A_391, %get3A_392] {strides = array<i32>} : memref<128x128xf32, #tpu.memory_space<vmem>>, vector<1x16xf32>,
        %get3A_394 = vector.shape_cast %get3A_393 : vector<1x16xf32> to vector<16xf32>
        %mul3A_395 = arith.mulf %get3A_394, %gather3A_370 : vector<16xf32>
        %swap3A_396 = arith.index_cast %add3A_366 : i32 to index
        %swap3A_397 = arith.constant 32 : index
        %swap3A_398 = tpu.vector_load %arg17[%swap3A_396, %swap3A_397] {strides = array<i32>} : memref<128x128xf32, #tpu.memory_space<vmem>>, vector<1x16xf32>,
        %swap3A_399 = vector.shape_cast %swap3A_398 : vector<1x16xf32> to vector<16xf32>
        %swap3A_400 = vector.shape_cast %mul3A_395 : vector<16xf32> to vector<1x16xf32>
        tpu.vector_store %arg17[%swap3A_396, %swap3A_397], %swap3A_400 {strides = array<i32>} : memref<128x128xf32, #tpu.memory_space<vmem>>, vector<1x16xf32>,
        %get3A_401 = arith.index_cast %add3A_366 : i32 to index
        %get3A_402 = arith.constant 48 : index
        %get3A_403 = tpu.vector_load %arg17[%get3A_401, %get3A_402] {strides = array<i32>} : memref<128x128xf32, #tpu.memory_space<vmem>>, vector<1x16xf32>,
        %get3A_404 = vector.shape_cast %get3A_403 : vector<1x16xf32> to vector<16xf32>
        %mul3A_405 = arith.mulf %get3A_404, %gather3A_370 : vector<16xf32>
        %swap3A_406 = arith.index_cast %add3A_366 : i32 to index
        %swap3A_407 = arith.constant 48 : index
        %swap3A_408 = tpu.vector_load %arg17[%swap3A_406, %swap3A_407] {strides = array<i32>} : memref<128x128xf32, #tpu.memory_space<vmem>>, vector<1x16xf32>,
        %swap3A_409 = vector.shape_cast %swap3A_408 : vector<1x16xf32> to vector<16xf32>
        %swap3A_410 = vector.shape_cast %mul3A_405 : vector<16xf32> to vector<1x16xf32>
        tpu.vector_store %arg17[%swap3A_406, %swap3A_407], %swap3A_410 {strides = array<i32>} : memref<128x128xf32, #tpu.memory_space<vmem>>, vector<1x16xf32>,
        %get3A_411 = arith.index_cast %add3A_366 : i32 to index
        %get3A_412 = arith.constant 64 : index
        %get3A_413 = tpu.vector_load %arg17[%get3A_411, %get3A_412] {strides = array<i32>} : memref<128x128xf32, #tpu.memory_space<vmem>>, vector<1x16xf32>,
        %get3A_414 = vector.shape_cast %get3A_413 : vector<1x16xf32> to vector<16xf32>
        %mul3A_415 = arith.mulf %get3A_414, %gather3A_370 : vector<16xf32>
        %swap3A_416 = arith.index_cast %add3A_366 : i32 to index
        %swap3A_417 = arith.constant 64 : index
        %swap3A_418 = tpu.vector_load %arg17[%swap3A_416, %swap3A_417] {strides = array<i32>} : memref<128x128xf32, #tpu.memory_space<vmem>>, vector<1x16xf32>,
        %swap3A_419 = vector.shape_cast %swap3A_418 : vector<1x16xf32> to vector<16xf32>
        %swap3A_420 = vector.shape_cast %mul3A_415 : vector<16xf32> to vector<1x16xf32>
        tpu.vector_store %arg17[%swap3A_416, %swap3A_417], %swap3A_420 {strides = array<i32>} : memref<128x128xf32, #tpu.memory_space<vmem>>, vector<1x16xf32>,
        %get3A_421 = arith.index_cast %add3A_366 : i32 to index
        %get3A_422 = arith.constant 80 : index
        %get3A_423 = tpu.vector_load %arg17[%get3A_421, %get3A_422] {strides = array<i32>} : memref<128x128xf32, #tpu.memory_space<vmem>>, vector<1x16xf32>,
        %get3A_424 = vector.shape_cast %get3A_423 : vector<1x16xf32> to vector<16xf32>
        %mul3A_425 = arith.mulf %get3A_424, %gather3A_370 : vector<16xf32>
        %swap3A_426 = arith.index_cast %add3A_366 : i32 to index
        %swap3A_427 = arith.constant 80 : index
        %swap3A_428 = tpu.vector_load %arg17[%swap3A_426, %swap3A_427] {strides = array<i32>} : memref<128x128xf32, #tpu.memory_space<vmem>>, vector<1x16xf32>,
        %swap3A_429 = vector.shape_cast %swap3A_428 : vector<1x16xf32> to vector<16xf32>
        %swap3A_430 = vector.shape_cast %mul3A_425 : vector<16xf32> to vector<1x16xf32>
        tpu.vector_store %arg17[%swap3A_426, %swap3A_427], %swap3A_430 {strides = array<i32>} : memref<128x128xf32, #tpu.memory_space<vmem>>, vector<1x16xf32>,
        %get3A_431 = arith.index_cast %add3A_366 : i32 to index
        %get3A_432 = arith.constant 96 : index
        %get3A_433 = tpu.vector_load %arg17[%get3A_431, %get3A_432] {strides = array<i32>} : memref<128x128xf32, #tpu.memory_space<vmem>>, vector<1x16xf32>,
        %get3A_434 = vector.shape_cast %get3A_433 : vector<1x16xf32> to vector<16xf32>
        %mul3A_435 = arith.mulf %get3A_434, %gather3A_370 : vector<16xf32>
        %swap3A_436 = arith.index_cast %add3A_366 : i32 to index
        %swap3A_437 = arith.constant 96 : index
        %swap3A_438 = tpu.vector_load %arg17[%swap3A_436, %swap3A_437] {strides = array<i32>} : memref<128x128xf32, #tpu.memory_space<vmem>>, vector<1x16xf32>,
        %swap3A_439 = vector.shape_cast %swap3A_438 : vector<1x16xf32> to vector<16xf32>
        %swap3A_440 = vector.shape_cast %mul3A_435 : vector<16xf32> to vector<1x16xf32>
        tpu.vector_store %arg17[%swap3A_436, %swap3A_437], %swap3A_440 {strides = array<i32>} : memref<128x128xf32, #tpu.memory_space<vmem>>, vector<1x16xf32>,
        %get3A_441 = arith.index_cast %add3A_366 : i32 to index
        %get3A_442 = arith.constant 112 : index
        %get3A_443 = tpu.vector_load %arg17[%get3A_441, %get3A_442] {strides = array<i32>} : memref<128x128xf32, #tpu.memory_space<vmem>>, vector<1x16xf32>,
        %get3A_444 = vector.shape_cast %get3A_443 : vector<1x16xf32> to vector<16xf32>
        %mul3A_445 = arith.mulf %get3A_444, %gather3A_370 : vector<16xf32>
        %swap3A_446 = arith.index_cast %add3A_366 : i32 to index
        %swap3A_447 = arith.constant 112 : index
        %swap3A_448 = tpu.vector_load %arg17[%swap3A_446, %swap3A_447] {strides = array<i32>} : memref<128x128xf32, #tpu.memory_space<vmem>>, vector<1x16xf32>,
        %swap3A_449 = vector.shape_cast %swap3A_448 : vector<1x16xf32> to vector<16xf32>
        %swap3A_450 = vector.shape_cast %mul3A_445 : vector<16xf32> to vector<1x16xf32>
        tpu.vector_store %arg17[%swap3A_446, %swap3A_447], %swap3A_450 {strides = array<i32>} : memref<128x128xf32, #tpu.memory_space<vmem>>, vector<1x16xf32>,
        %add3A_451 = arith.constant 3 : i32
        %add3A_452 = arith.addi %mul3A_192, %add3A_451 : i32
        %broadcast_in_dim3A_453 = arith.constant 3 : i32
        %broadcast_in_dim3A_454 = vector.broadcast %broadcast_in_dim3A_453 : i32 to vector<16x1xi32>
        %gather3A_455 = vector.shape_cast %broadcast_in_dim3A_454 : vector<16x1xi32> to vector<16xi32>
        %gather3A_456 = tpu.dynamic_gather %get3A_194[%gather3A_455] in [0] : vector<16xf32>, vector<16xi32> -> vector<16xf32>
        %get3A_457 = arith.index_cast %add3A_452 : i32 to index
        %get3A_458 = arith.constant 0 : index
        %get3A_459 = tpu.vector_load %arg17[%get3A_457, %get3A_458] {strides = array<i32>} : memref<128x128xf32, #tpu.memory_space<vmem>>, vector<1x16xf32>,
        %get3A_460 = vector.shape_cast %get3A_459 : vector<1x16xf32> to vector<16xf32>
        %mul3A_461 = arith.mulf %get3A_460, %gather3A_456 : vector<16xf32>
        %swap3A_462 = arith.index_cast %add3A_452 : i32 to index
        %swap3A_463 = arith.constant 0 : index
        %swap3A_464 = tpu.vector_load %arg17[%swap3A_462, %swap3A_463] {strides = array<i32>} : memref<128x128xf32, #tpu.memory_space<vmem>>, vector<1x16xf32>,
        %swap3A_465 = vector.shape_cast %swap3A_464 : vector<1x16xf32> to vector<16xf32>
        %swap3A_466 = vector.shape_cast %mul3A_461 : vector<16xf32> to vector<1x16xf32>
        tpu.vector_store %arg17[%swap3A_462, %swap3A_463], %swap3A_466 {strides = array<i32>} : memref<128x128xf32, #tpu.memory_space<vmem>>, vector<1x16xf32>,
        %get3A_467 = arith.index_cast %add3A_452 : i32 to index
        %get3A_468 = arith.constant 16 : index
        %get3A_469 = tpu.vector_load %arg17[%get3A_467, %get3A_468] {strides = array<i32>} : memref<128x128xf32, #tpu.memory_space<vmem>>, vector<1x16xf32>,
        %get3A_470 = vector.shape_cast %get3A_469 : vector<1x16xf32> to vector<16xf32>
        %mul3A_471 = arith.mulf %get3A_470, %gather3A_456 : vector<16xf32>
        %swap3A_472 = arith.index_cast %add3A_452 : i32 to index
        %swap3A_473 = arith.constant 16 : index
        %swap3A_474 = tpu.vector_load %arg17[%swap3A_472, %swap3A_473] {strides = array<i32>} : memref<128x128xf32, #tpu.memory_space<vmem>>, vector<1x16xf32>,
        %swap3A_475 = vector.shape_cast %swap3A_474 : vector<1x16xf32> to vector<16xf32>
        %swap3A_476 = vector.shape_cast %mul3A_471 : vector<16xf32> to vector<1x16xf32>
        tpu.vector_store %arg17[%swap3A_472, %swap3A_473], %swap3A_476 {strides = array<i32>} : memref<128x128xf32, #tpu.memory_space<vmem>>, vector<1x16xf32>,
        %get3A_477 = arith.index_cast %add3A_452 : i32 to index
        %get3A_478 = arith.constant 32 : index
        %get3A_479 = tpu.vector_load %arg17[%get3A_477, %get3A_478] {strides = array<i32>} : memref<128x128xf32, #tpu.memory_space<vmem>>, vector<1x16xf32>,
        %get3A_480 = vector.shape_cast %get3A_479 : vector<1x16xf32> to vector<16xf32>
        %mul3A_481 = arith.mulf %get3A_480, %gather3A_456 : vector<16xf32>
        %swap3A_482 = arith.index_cast %add3A_452 : i32 to index
        %swap3A_483 = arith.constant 32 : index
        %swap3A_484 = tpu.vector_load %arg17[%swap3A_482, %swap3A_483] {strides = array<i32>} : memref<128x128xf32, #tpu.memory_space<vmem>>, vector<1x16xf32>,
        %swap3A_485 = vector.shape_cast %swap3A_484 : vector<1x16xf32> to vector<16xf32>
        %swap3A_486 = vector.shape_cast %mul3A_481 : vector<16xf32> to vector<1x16xf32>
        tpu.vector_store %arg17[%swap3A_482, %swap3A_483], %swap3A_486 {strides = array<i32>} : memref<128x128xf32, #tpu.memory_space<vmem>>, vector<1x16xf32>,
        %get3A_487 = arith.index_cast %add3A_452 : i32 to index
        %get3A_488 = arith.constant 48 : index
        %get3A_489 = tpu.vector_load %arg17[%get3A_487, %get3A_488] {strides = array<i32>} : memref<128x128xf32, #tpu.memory_space<vmem>>, vector<1x16xf32>,
        %get3A_490 = vector.shape_cast %get3A_489 : vector<1x16xf32> to vector<16xf32>
        %mul3A_491 = arith.mulf %get3A_490, %gather3A_456 : vector<16xf32>
        %swap3A_492 = arith.index_cast %add3A_452 : i32 to index
        %swap3A_493 = arith.constant 48 : index
        %swap3A_494 = tpu.vector_load %arg17[%swap3A_492, %swap3A_493] {strides = array<i32>} : memref<128x128xf32, #tpu.memory_space<vmem>>, vector<1x16xf32>,
        %swap3A_495 = vector.shape_cast %swap3A_494 : vector<1x16xf32> to vector<16xf32>
        %swap3A_496 = vector.shape_cast %mul3A_491 : vector<16xf32> to vector<1x16xf32>
        tpu.vector_store %arg17[%swap3A_492, %swap3A_493], %swap3A_496 {strides = array<i32>} : memref<128x128xf32, #tpu.memory_space<vmem>>, vector<1x16xf32>,
        %get3A_497 = arith.index_cast %add3A_452 : i32 to index
        %get3A_498 = arith.constant 64 : index
        %get3A_499 = tpu.vector_load %arg17[%get3A_497, %get3A_498] {strides = array<i32>} : memref<128x128xf32, #tpu.memory_space<vmem>>, vector<1x16xf32>,
        %get3A_500 = vector.shape_cast %get3A_499 : vector<1x16xf32> to vector<16xf32>
        %mul3A_501 = arith.mulf %get3A_500, %gather3A_456 : vector<16xf32>
        %swap3A_502 = arith.index_cast %add3A_452 : i32 to index
        %swap3A_503 = arith.constant 64 : index
        %swap3A_504 = tpu.vector_load %arg17[%swap3A_502, %swap3A_503] {strides = array<i32>} : memref<128x128xf32, #tpu.memory_space<vmem>>, vector<1x16xf32>,
        %swap3A_505 = vector.shape_cast %swap3A_504 : vector<1x16xf32> to vector<16xf32>
        %swap3A_506 = vector.shape_cast %mul3A_501 : vector<16xf32> to vector<1x16xf32>
        tpu.vector_store %arg17[%swap3A_502, %swap3A_503], %swap3A_506 {strides = array<i32>} : memref<128x128xf32, #tpu.memory_space<vmem>>, vector<1x16xf32>,
        %get3A_507 = arith.index_cast %add3A_452 : i32 to index
        %get3A_508 = arith.constant 80 : index
        %get3A_509 = tpu.vector_load %arg17[%get3A_507, %get3A_508] {strides = array<i32>} : memref<128x128xf32, #tpu.memory_space<vmem>>, vector<1x16xf32>,
        %get3A_510 = vector.shape_cast %get3A_509 : vector<1x16xf32> to vector<16xf32>
        %mul3A_511 = arith.mulf %get3A_510, %gather3A_456 : vector<16xf32>
        %swap3A_512 = arith.index_cast %add3A_452 : i32 to index
        %swap3A_513 = arith.constant 80 : index
        %swap3A_514 = tpu.vector_load %arg17[%swap3A_512, %swap3A_513] {strides = array<i32>} : memref<128x128xf32, #tpu.memory_space<vmem>>, vector<1x16xf32>,
        %swap3A_515 = vector.shape_cast %swap3A_514 : vector<1x16xf32> to vector<16xf32>
        %swap3A_516 = vector.shape_cast %mul3A_511 : vector<16xf32> to vector<1x16xf32>
        tpu.vector_store %arg17[%swap3A_512, %swap3A_513], %swap3A_516 {strides = array<i32>} : memref<128x128xf32, #tpu.memory_space<vmem>>, vector<1x16xf32>,
        %get3A_517 = arith.index_cast %add3A_452 : i32 to index
        %get3A_518 = arith.constant 96 : index
        %get3A_519 = tpu.vector_load %arg17[%get3A_517, %get3A_518] {strides = array<i32>} : memref<128x128xf32, #tpu.memory_space<vmem>>, vector<1x16xf32>,
        %get3A_520 = vector.shape_cast %get3A_519 : vector<1x16xf32> to vector<16xf32>
        %mul3A_521 = arith.mulf %get3A_520, %gather3A_456 : vector<16xf32>
        %swap3A_522 = arith.index_cast %add3A_452 : i32 to index
        %swap3A_523 = arith.constant 96 : index
        %swap3A_524 = tpu.vector_load %arg17[%swap3A_522, %swap3A_523] {strides = array<i32>} : memref<128x128xf32, #tpu.memory_space<vmem>>, vector<1x16xf32>,
        %swap3A_525 = vector.shape_cast %swap3A_524 : vector<1x16xf32> to vector<16xf32>
        %swap3A_526 = vector.shape_cast %mul3A_521 : vector<16xf32> to vector<1x16xf32>
        tpu.vector_store %arg17[%swap3A_522, %swap3A_523], %swap3A_526 {strides = array<i32>} : memref<128x128xf32, #tpu.memory_space<vmem>>, vector<1x16xf32>,
        %get3A_527 = arith.index_cast %add3A_452 : i32 to index
        %get3A_528 = arith.constant 112 : index
        %get3A_529 = tpu.vector_load %arg17[%get3A_527, %get3A_528] {strides = array<i32>} : memref<128x128xf32, #tpu.memory_space<vmem>>, vector<1x16xf32>,
        %get3A_530 = vector.shape_cast %get3A_529 : vector<1x16xf32> to vector<16xf32>
        %mul3A_531 = arith.mulf %get3A_530, %gather3A_456 : vector<16xf32>
        %swap3A_532 = arith.index_cast %add3A_452 : i32 to index
        %swap3A_533 = arith.constant 112 : index
        %swap3A_534 = tpu.vector_load %arg17[%swap3A_532, %swap3A_533] {strides = array<i32>} : memref<128x128xf32, #tpu.memory_space<vmem>>, vector<1x16xf32>,
        %swap3A_535 = vector.shape_cast %swap3A_534 : vector<1x16xf32> to vector<16xf32>
        %swap3A_536 = vector.shape_cast %mul3A_531 : vector<16xf32> to vector<1x16xf32>
        tpu.vector_store %arg17[%swap3A_532, %swap3A_533], %swap3A_536 {strides = array<i32>} : memref<128x128xf32, #tpu.memory_space<vmem>>, vector<1x16xf32>,
        %add3A_537 = arith.constant 4 : i32
        %add3A_538 = arith.addi %mul3A_192, %add3A_537 : i32
        %broadcast_in_dim3A_539 = arith.constant 4 : i32
        %broadcast_in_dim3A_540 = vector.broadcast %broadcast_in_dim3A_539 : i32 to vector<16x1xi32>
        %gather3A_541 = vector.shape_cast %broadcast_in_dim3A_540 : vector<16x1xi32> to vector<16xi32>
        %gather3A_542 = tpu.dynamic_gather %get3A_194[%gather3A_541] in [0] : vector<16xf32>, vector<16xi32> -> vector<16xf32>
        %get3A_543 = arith.index_cast %add3A_538 : i32 to index
        %get3A_544 = arith.constant 0 : index
        %get3A_545 = tpu.vector_load %arg17[%get3A_543, %get3A_544] {strides = array<i32>} : memref<128x128xf32, #tpu.memory_space<vmem>>, vector<1x16xf32>,
        %get3A_546 = vector.shape_cast %get3A_545 : vector<1x16xf32> to vector<16xf32>
        %mul3A_547 = arith.mulf %get3A_546, %gather3A_542 : vector<16xf32>
        %swap3A_548 = arith.index_cast %add3A_538 : i32 to index
        %swap3A_549 = arith.constant 0 : index
        %swap3A_550 = tpu.vector_load %arg17[%swap3A_548, %swap3A_549] {strides = array<i32>} : memref<128x128xf32, #tpu.memory_space<vmem>>, vector<1x16xf32>,
        %swap3A_551 = vector.shape_cast %swap3A_550 : vector<1x16xf32> to vector<16xf32>
        %swap3A_552 = vector.shape_cast %mul3A_547 : vector<16xf32> to vector<1x16xf32>
        tpu.vector_store %arg17[%swap3A_548, %swap3A_549], %swap3A_552 {strides = array<i32>} : memref<128x128xf32, #tpu.memory_space<vmem>>, vector<1x16xf32>,
        %get3A_553 = arith.index_cast %add3A_538 : i32 to index
        %get3A_554 = arith.constant 16 : index
        %get3A_555 = tpu.vector_load %arg17[%get3A_553, %get3A_554] {strides = array<i32>} : memref<128x128xf32, #tpu.memory_space<vmem>>, vector<1x16xf32>,
        %get3A_556 = vector.shape_cast %get3A_555 : vector<1x16xf32> to vector<16xf32>
        %mul3A_557 = arith.mulf %get3A_556, %gather3A_542 : vector<16xf32>
        %swap3A_558 = arith.index_cast %add3A_538 : i32 to index
        %swap3A_559 = arith.constant 16 : index
        %swap3A_560 = tpu.vector_load %arg17[%swap3A_558, %swap3A_559] {strides = array<i32>} : memref<128x128xf32, #tpu.memory_space<vmem>>, vector<1x16xf32>,
        %swap3A_561 = vector.shape_cast %swap3A_560 : vector<1x16xf32> to vector<16xf32>
        %swap3A_562 = vector.shape_cast %mul3A_557 : vector<16xf32> to vector<1x16xf32>
        tpu.vector_store %arg17[%swap3A_558, %swap3A_559], %swap3A_562 {strides = array<i32>} : memref<128x128xf32, #tpu.memory_space<vmem>>, vector<1x16xf32>,
        %get3A_563 = arith.index_cast %add3A_538 : i32 to index
        %get3A_564 = arith.constant 32 : index
        %get3A_565 = tpu.vector_load %arg17[%get3A_563, %get3A_564] {strides = array<i32>} : memref<128x128xf32, #tpu.memory_space<vmem>>, vector<1x16xf32>,
        %get3A_566 = vector.shape_cast %get3A_565 : vector<1x16xf32> to vector<16xf32>
        %mul3A_567 = arith.mulf %get3A_566, %gather3A_542 : vector<16xf32>
        %swap3A_568 = arith.index_cast %add3A_538 : i32 to index
        %swap3A_569 = arith.constant 32 : index
        %swap3A_570 = tpu.vector_load %arg17[%swap3A_568, %swap3A_569] {strides = array<i32>} : memref<128x128xf32, #tpu.memory_space<vmem>>, vector<1x16xf32>,
        %swap3A_571 = vector.shape_cast %swap3A_570 : vector<1x16xf32> to vector<16xf32>
        %swap3A_572 = vector.shape_cast %mul3A_567 : vector<16xf32> to vector<1x16xf32>
        tpu.vector_store %arg17[%swap3A_568, %swap3A_569], %swap3A_572 {strides = array<i32>} : memref<128x128xf32, #tpu.memory_space<vmem>>, vector<1x16xf32>,
        %get3A_573 = arith.index_cast %add3A_538 : i32 to index
        %get3A_574 = arith.constant 48 : index
        %get3A_575 = tpu.vector_load %arg17[%get3A_573, %get3A_574] {strides = array<i32>} : memref<128x128xf32, #tpu.memory_space<vmem>>, vector<1x16xf32>,
        %get3A_576 = vector.shape_cast %get3A_575 : vector<1x16xf32> to vector<16xf32>
        %mul3A_577 = arith.mulf %get3A_576, %gather3A_542 : vector<16xf32>
        %swap3A_578 = arith.index_cast %add3A_538 : i32 to index
        %swap3A_579 = arith.constant 48 : index
        %swap3A_580 = tpu.vector_load %arg17[%swap3A_578, %swap3A_579] {strides = array<i32>} : memref<128x128xf32, #tpu.memory_space<vmem>>, vector<1x16xf32>,
        %swap3A_581 = vector.shape_cast %swap3A_580 : vector<1x16xf32> to vector<16xf32>
        %swap3A_582 = vector.shape_cast %mul3A_577 : vector<16xf32> to vector<1x16xf32>
        tpu.vector_store %arg17[%swap3A_578, %swap3A_579], %swap3A_582 {strides = array<i32>} : memref<128x128xf32, #tpu.memory_space<vmem>>, vector<1x16xf32>,
        %get3A_583 = arith.index_cast %add3A_538 : i32 to index
        %get3A_584 = arith.constant 64 : index
        %get3A_585 = tpu.vector_load %arg17[%get3A_583, %get3A_584] {strides = array<i32>} : memref<128x128xf32, #tpu.memory_space<vmem>>, vector<1x16xf32>,
        %get3A_586 = vector.shape_cast %get3A_585 : vector<1x16xf32> to vector<16xf32>
        %mul3A_587 = arith.mulf %get3A_586, %gather3A_542 : vector<16xf32>
        %swap3A_588 = arith.index_cast %add3A_538 : i32 to index
        %swap3A_589 = arith.constant 64 : index
        %swap3A_590 = tpu.vector_load %arg17[%swap3A_588, %swap3A_589] {strides = array<i32>} : memref<128x128xf32, #tpu.memory_space<vmem>>, vector<1x16xf32>,
        %swap3A_591 = vector.shape_cast %swap3A_590 : vector<1x16xf32> to vector<16xf32>
        %swap3A_592 = vector.shape_cast %mul3A_587 : vector<16xf32> to vector<1x16xf32>
        tpu.vector_store %arg17[%swap3A_588, %swap3A_589], %swap3A_592 {strides = array<i32>} : memref<128x128xf32, #tpu.memory_space<vmem>>, vector<1x16xf32>,
        %get3A_593 = arith.index_cast %add3A_538 : i32 to index
        %get3A_594 = arith.constant 80 : index
        %get3A_595 = tpu.vector_load %arg17[%get3A_593, %get3A_594] {strides = array<i32>} : memref<128x128xf32, #tpu.memory_space<vmem>>, vector<1x16xf32>,
        %get3A_596 = vector.shape_cast %get3A_595 : vector<1x16xf32> to vector<16xf32>
        %mul3A_597 = arith.mulf %get3A_596, %gather3A_542 : vector<16xf32>
        %swap3A_598 = arith.index_cast %add3A_538 : i32 to index
        %swap3A_599 = arith.constant 80 : index
        %swap3A_600 = tpu.vector_load %arg17[%swap3A_598, %swap3A_599] {strides = array<i32>} : memref<128x128xf32, #tpu.memory_space<vmem>>, vector<1x16xf32>,
        %swap3A_601 = vector.shape_cast %swap3A_600 : vector<1x16xf32> to vector<16xf32>
        %swap3A_602 = vector.shape_cast %mul3A_597 : vector<16xf32> to vector<1x16xf32>
        tpu.vector_store %arg17[%swap3A_598, %swap3A_599], %swap3A_602 {strides = array<i32>} : memref<128x128xf32, #tpu.memory_space<vmem>>, vector<1x16xf32>,
        %get3A_603 = arith.index_cast %add3A_538 : i32 to index
        %get3A_604 = arith.constant 96 : index
        %get3A_605 = tpu.vector_load %arg17[%get3A_603, %get3A_604] {strides = array<i32>} : memref<128x128xf32, #tpu.memory_space<vmem>>, vector<1x16xf32>,
        %get3A_606 = vector.shape_cast %get3A_605 : vector<1x16xf32> to vector<16xf32>
        %mul3A_607 = arith.mulf %get3A_606, %gather3A_542 : vector<16xf32>
        %swap3A_608 = arith.index_cast %add3A_538 : i32 to index
        %swap3A_609 = arith.constant 96 : index
        %swap3A_610 = tpu.vector_load %arg17[%swap3A_608, %swap3A_609] {strides = array<i32>} : memref<128x128xf32, #tpu.memory_space<vmem>>, vector<1x16xf32>,
        %swap3A_611 = vector.shape_cast %swap3A_610 : vector<1x16xf32> to vector<16xf32>
        %swap3A_612 = vector.shape_cast %mul3A_607 : vector<16xf32> to vector<1x16xf32>
        tpu.vector_store %arg17[%swap3A_608, %swap3A_609], %swap3A_612 {strides = array<i32>} : memref<128x128xf32, #tpu.memory_space<vmem>>, vector<1x16xf32>,
        %get3A_613 = arith.index_cast %add3A_538 : i32 to index
        %get3A_614 = arith.constant 112 : index
        %get3A_615 = tpu.vector_load %arg17[%get3A_613, %get3A_614] {strides = array<i32>} : memref<128x128xf32, #tpu.memory_space<vmem>>, vector<1x16xf32>,
        %get3A_616 = vector.shape_cast %get3A_615 : vector<1x16xf32> to vector<16xf32>
        %mul3A_617 = arith.mulf %get3A_616, %gather3A_542 : vector<16xf32>
        %swap3A_618 = arith.index_cast %add3A_538 : i32 to index
        %swap3A_619 = arith.constant 112 : index
        %swap3A_620 = tpu.vector_load %arg17[%swap3A_618, %swap3A_619] {strides = array<i32>} : memref<128x128xf32, #tpu.memory_space<vmem>>, vector<1x16xf32>,
        %swap3A_621 = vector.shape_cast %swap3A_620 : vector<1x16xf32> to vector<16xf32>
        %swap3A_622 = vector.shape_cast %mul3A_617 : vector<16xf32> to vector<1x16xf32>
        tpu.vector_store %arg17[%swap3A_618, %swap3A_619], %swap3A_622 {strides = array<i32>} : memref<128x128xf32, #tpu.memory_space<vmem>>, vector<1x16xf32>,
        %add3A_623 = arith.constant 5 : i32
        %add3A_624 = arith.addi %mul3A_192, %add3A_623 : i32
        %broadcast_in_dim3A_625 = arith.constant 5 : i32
        %broadcast_in_dim3A_626 = vector.broadcast %broadcast_in_dim3A_625 : i32 to vector<16x1xi32>
        %gather3A_627 = vector.shape_cast %broadcast_in_dim3A_626 : vector<16x1xi32> to vector<16xi32>
        %gather3A_628 = tpu.dynamic_gather %get3A_194[%gather3A_627] in [0] : vector<16xf32>, vector<16xi32> -> vector<16xf32>
        %get3A_629 = arith.index_cast %add3A_624 : i32 to index
        %get3A_630 = arith.constant 0 : index
        %get3A_631 = tpu.vector_load %arg17[%get3A_629, %get3A_630] {strides = array<i32>} : memref<128x128xf32, #tpu.memory_space<vmem>>, vector<1x16xf32>,
        %get3A_632 = vector.shape_cast %get3A_631 : vector<1x16xf32> to vector<16xf32>
        %mul3A_633 = arith.mulf %get3A_632, %gather3A_628 : vector<16xf32>
        %swap3A_634 = arith.index_cast %add3A_624 : i32 to index
        %swap3A_635 = arith.constant 0 : index
        %swap3A_636 = tpu.vector_load %arg17[%swap3A_634, %swap3A_635] {strides = array<i32>} : memref<128x128xf32, #tpu.memory_space<vmem>>, vector<1x16xf32>,
        %swap3A_637 = vector.shape_cast %swap3A_636 : vector<1x16xf32> to vector<16xf32>
        %swap3A_638 = vector.shape_cast %mul3A_633 : vector<16xf32> to vector<1x16xf32>
        tpu.vector_store %arg17[%swap3A_634, %swap3A_635], %swap3A_638 {strides = array<i32>} : memref<128x128xf32, #tpu.memory_space<vmem>>, vector<1x16xf32>,
        %get3A_639 = arith.index_cast %add3A_624 : i32 to index
        %get3A_640 = arith.constant 16 : index
        %get3A_641 = tpu.vector_load %arg17[%get3A_639, %get3A_640] {strides = array<i32>} : memref<128x128xf32, #tpu.memory_space<vmem>>, vector<1x16xf32>,
        %get3A_642 = vector.shape_cast %get3A_641 : vector<1x16xf32> to vector<16xf32>
        %mul3A_643 = arith.mulf %get3A_642, %gather3A_628 : vector<16xf32>
        %swap3A_644 = arith.index_cast %add3A_624 : i32 to index
        %swap3A_645 = arith.constant 16 : index
        %swap3A_646 = tpu.vector_load %arg17[%swap3A_644, %swap3A_645] {strides = array<i32>} : memref<128x128xf32, #tpu.memory_space<vmem>>, vector<1x16xf32>,
        %swap3A_647 = vector.shape_cast %swap3A_646 : vector<1x16xf32> to vector<16xf32>
        %swap3A_648 = vector.shape_cast %mul3A_643 : vector<16xf32> to vector<1x16xf32>
        tpu.vector_store %arg17[%swap3A_644, %swap3A_645], %swap3A_648 {strides = array<i32>} : memref<128x128xf32, #tpu.memory_space<vmem>>, vector<1x16xf32>,
        %get3A_649 = arith.index_cast %add3A_624 : i32 to index
        %get3A_650 = arith.constant 32 : index
        %get3A_651 = tpu.vector_load %arg17[%get3A_649, %get3A_650] {strides = array<i32>} : memref<128x128xf32, #tpu.memory_space<vmem>>, vector<1x16xf32>,
        %get3A_652 = vector.shape_cast %get3A_651 : vector<1x16xf32> to vector<16xf32>
        %mul3A_653 = arith.mulf %get3A_652, %gather3A_628 : vector<16xf32>
        %swap3A_654 = arith.index_cast %add3A_624 : i32 to index
        %swap3A_655 = arith.constant 32 : index
        %swap3A_656 = tpu.vector_load %arg17[%swap3A_654, %swap3A_655] {strides = array<i32>} : memref<128x128xf32, #tpu.memory_space<vmem>>, vector<1x16xf32>,
        %swap3A_657 = vector.shape_cast %swap3A_656 : vector<1x16xf32> to vector<16xf32>
        %swap3A_658 = vector.shape_cast %mul3A_653 : vector<16xf32> to vector<1x16xf32>
        tpu.vector_store %arg17[%swap3A_654, %swap3A_655], %swap3A_658 {strides = array<i32>} : memref<128x128xf32, #tpu.memory_space<vmem>>, vector<1x16xf32>,
        %get3A_659 = arith.index_cast %add3A_624 : i32 to index
        %get3A_660 = arith.constant 48 : index
        %get3A_661 = tpu.vector_load %arg17[%get3A_659, %get3A_660] {strides = array<i32>} : memref<128x128xf32, #tpu.memory_space<vmem>>, vector<1x16xf32>,
        %get3A_662 = vector.shape_cast %get3A_661 : vector<1x16xf32> to vector<16xf32>
        %mul3A_663 = arith.mulf %get3A_662, %gather3A_628 : vector<16xf32>
        %swap3A_664 = arith.index_cast %add3A_624 : i32 to index
        %swap3A_665 = arith.constant 48 : index
        %swap3A_666 = tpu.vector_load %arg17[%swap3A_664, %swap3A_665] {strides = array<i32>} : memref<128x128xf32, #tpu.memory_space<vmem>>, vector<1x16xf32>,
        %swap3A_667 = vector.shape_cast %swap3A_666 : vector<1x16xf32> to vector<16xf32>
        %swap3A_668 = vector.shape_cast %mul3A_663 : vector<16xf32> to vector<1x16xf32>
        tpu.vector_store %arg17[%swap3A_664, %swap3A_665], %swap3A_668 {strides = array<i32>} : memref<128x128xf32, #tpu.memory_space<vmem>>, vector<1x16xf32>,
        %get3A_669 = arith.index_cast %add3A_624 : i32 to index
        %get3A_670 = arith.constant 64 : index
        %get3A_671 = tpu.vector_load %arg17[%get3A_669, %get3A_670] {strides = array<i32>} : memref<128x128xf32, #tpu.memory_space<vmem>>, vector<1x16xf32>,
        %get3A_672 = vector.shape_cast %get3A_671 : vector<1x16xf32> to vector<16xf32>
        %mul3A_673 = arith.mulf %get3A_672, %gather3A_628 : vector<16xf32>
        %swap3A_674 = arith.index_cast %add3A_624 : i32 to index
        %swap3A_675 = arith.constant 64 : index
        %swap3A_676 = tpu.vector_load %arg17[%swap3A_674, %swap3A_675] {strides = array<i32>} : memref<128x128xf32, #tpu.memory_space<vmem>>, vector<1x16xf32>,
        %swap3A_677 = vector.shape_cast %swap3A_676 : vector<1x16xf32> to vector<16xf32>
        %swap3A_678 = vector.shape_cast %mul3A_673 : vector<16xf32> to vector<1x16xf32>
        tpu.vector_store %arg17[%swap3A_674, %swap3A_675], %swap3A_678 {strides = array<i32>} : memref<128x128xf32, #tpu.memory_space<vmem>>, vector<1x16xf32>,
        %get3A_679 = arith.index_cast %add3A_624 : i32 to index
        %get3A_680 = arith.constant 80 : index
        %get3A_681 = tpu.vector_load %arg17[%get3A_679, %get3A_680] {strides = array<i32>} : memref<128x128xf32, #tpu.memory_space<vmem>>, vector<1x16xf32>,
        %get3A_682 = vector.shape_cast %get3A_681 : vector<1x16xf32> to vector<16xf32>
        %mul3A_683 = arith.mulf %get3A_682, %gather3A_628 : vector<16xf32>
        %swap3A_684 = arith.index_cast %add3A_624 : i32 to index
        %swap3A_685 = arith.constant 80 : index
        %swap3A_686 = tpu.vector_load %arg17[%swap3A_684, %swap3A_685] {strides = array<i32>} : memref<128x128xf32, #tpu.memory_space<vmem>>, vector<1x16xf32>,
        %swap3A_687 = vector.shape_cast %swap3A_686 : vector<1x16xf32> to vector<16xf32>
        %swap3A_688 = vector.shape_cast %mul3A_683 : vector<16xf32> to vector<1x16xf32>
        tpu.vector_store %arg17[%swap3A_684, %swap3A_685], %swap3A_688 {strides = array<i32>} : memref<128x128xf32, #tpu.memory_space<vmem>>, vector<1x16xf32>,
        %get3A_689 = arith.index_cast %add3A_624 : i32 to index
        %get3A_690 = arith.constant 96 : index
        %get3A_691 = tpu.vector_load %arg17[%get3A_689, %get3A_690] {strides = array<i32>} : memref<128x128xf32, #tpu.memory_space<vmem>>, vector<1x16xf32>,
        %get3A_692 = vector.shape_cast %get3A_691 : vector<1x16xf32> to vector<16xf32>
        %mul3A_693 = arith.mulf %get3A_692, %gather3A_628 : vector<16xf32>
        %swap3A_694 = arith.index_cast %add3A_624 : i32 to index
        %swap3A_695 = arith.constant 96 : index
        %swap3A_696 = tpu.vector_load %arg17[%swap3A_694, %swap3A_695] {strides = array<i32>} : memref<128x128xf32, #tpu.memory_space<vmem>>, vector<1x16xf32>,
        %swap3A_697 = vector.shape_cast %swap3A_696 : vector<1x16xf32> to vector<16xf32>
        %swap3A_698 = vector.shape_cast %mul3A_693 : vector<16xf32> to vector<1x16xf32>
        tpu.vector_store %arg17[%swap3A_694, %swap3A_695], %swap3A_698 {strides = array<i32>} : memref<128x128xf32, #tpu.memory_space<vmem>>, vector<1x16xf32>,
        %get3A_699 = arith.index_cast %add3A_624 : i32 to index
        %get3A_700 = arith.constant 112 : index
        %get3A_701 = tpu.vector_load %arg17[%get3A_699, %get3A_700] {strides = array<i32>} : memref<128x128xf32, #tpu.memory_space<vmem>>, vector<1x16xf32>,
        %get3A_702 = vector.shape_cast %get3A_701 : vector<1x16xf32> to vector<16xf32>
        %mul3A_703 = arith.mulf %get3A_702, %gather3A_628 : vector<16xf32>
        %swap3A_704 = arith.index_cast %add3A_624 : i32 to index
        %swap3A_705 = arith.constant 112 : index
        %swap3A_706 = tpu.vector_load %arg17[%swap3A_704, %swap3A_705] {strides = array<i32>} : memref<128x128xf32, #tpu.memory_space<vmem>>, vector<1x16xf32>,
        %swap3A_707 = vector.shape_cast %swap3A_706 : vector<1x16xf32> to vector<16xf32>
        %swap3A_708 = vector.shape_cast %mul3A_703 : vector<16xf32> to vector<1x16xf32>
        tpu.vector_store %arg17[%swap3A_704, %swap3A_705], %swap3A_708 {strides = array<i32>} : memref<128x128xf32, #tpu.memory_space<vmem>>, vector<1x16xf32>,
        %add3A_709 = arith.constant 6 : i32
        %add3A_710 = arith.addi %mul3A_192, %add3A_709 : i32
        %broadcast_in_dim3A_711 = arith.constant 6 : i32
        %broadcast_in_dim3A_712 = vector.broadcast %broadcast_in_dim3A_711 : i32 to vector<16x1xi32>
        %gather3A_713 = vector.shape_cast %broadcast_in_dim3A_712 : vector<16x1xi32> to vector<16xi32>
        %gather3A_714 = tpu.dynamic_gather %get3A_194[%gather3A_713] in [0] : vector<16xf32>, vector<16xi32> -> vector<16xf32>
        %get3A_715 = arith.index_cast %add3A_710 : i32 to index
        %get3A_716 = arith.constant 0 : index
        %get3A_717 = tpu.vector_load %arg17[%get3A_715, %get3A_716] {strides = array<i32>} : memref<128x128xf32, #tpu.memory_space<vmem>>, vector<1x16xf32>,
        %get3A_718 = vector.shape_cast %get3A_717 : vector<1x16xf32> to vector<16xf32>
        %mul3A_719 = arith.mulf %get3A_718, %gather3A_714 : vector<16xf32>
        %swap3A_720 = arith.index_cast %add3A_710 : i32 to index
        %swap3A_721 = arith.constant 0 : index
        %swap3A_722 = tpu.vector_load %arg17[%swap3A_720, %swap3A_721] {strides = array<i32>} : memref<128x128xf32, #tpu.memory_space<vmem>>, vector<1x16xf32>,
        %swap3A_723 = vector.shape_cast %swap3A_722 : vector<1x16xf32> to vector<16xf32>
        %swap3A_724 = vector.shape_cast %mul3A_719 : vector<16xf32> to vector<1x16xf32>
        tpu.vector_store %arg17[%swap3A_720, %swap3A_721], %swap3A_724 {strides = array<i32>} : memref<128x128xf32, #tpu.memory_space<vmem>>, vector<1x16xf32>,
        %get3A_725 = arith.index_cast %add3A_710 : i32 to index
        %get3A_726 = arith.constant 16 : index
        %get3A_727 = tpu.vector_load %arg17[%get3A_725, %get3A_726] {strides = array<i32>} : memref<128x128xf32, #tpu.memory_space<vmem>>, vector<1x16xf32>,
        %get3A_728 = vector.shape_cast %get3A_727 : vector<1x16xf32> to vector<16xf32>
        %mul3A_729 = arith.mulf %get3A_728, %gather3A_714 : vector<16xf32>
        %swap3A_730 = arith.index_cast %add3A_710 : i32 to index
        %swap3A_731 = arith.constant 16 : index
        %swap3A_732 = tpu.vector_load %arg17[%swap3A_730, %swap3A_731] {strides = array<i32>} : memref<128x128xf32, #tpu.memory_space<vmem>>, vector<1x16xf32>,
        %swap3A_733 = vector.shape_cast %swap3A_732 : vector<1x16xf32> to vector<16xf32>
        %swap3A_734 = vector.shape_cast %mul3A_729 : vector<16xf32> to vector<1x16xf32>
        tpu.vector_store %arg17[%swap3A_730, %swap3A_731], %swap3A_734 {strides = array<i32>} : memref<128x128xf32, #tpu.memory_space<vmem>>, vector<1x16xf32>,
        %get3A_735 = arith.index_cast %add3A_710 : i32 to index
        %get3A_736 = arith.constant 32 : index
        %get3A_737 = tpu.vector_load %arg17[%get3A_735, %get3A_736] {strides = array<i32>} : memref<128x128xf32, #tpu.memory_space<vmem>>, vector<1x16xf32>,
        %get3A_738 = vector.shape_cast %get3A_737 : vector<1x16xf32> to vector<16xf32>
        %mul3A_739 = arith.mulf %get3A_738, %gather3A_714 : vector<16xf32>
        %swap3A_740 = arith.index_cast %add3A_710 : i32 to index
        %swap3A_741 = arith.constant 32 : index
        %swap3A_742 = tpu.vector_load %arg17[%swap3A_740, %swap3A_741] {strides = array<i32>} : memref<128x128xf32, #tpu.memory_space<vmem>>, vector<1x16xf32>,
        %swap3A_743 = vector.shape_cast %swap3A_742 : vector<1x16xf32> to vector<16xf32>
        %swap3A_744 = vector.shape_cast %mul3A_739 : vector<16xf32> to vector<1x16xf32>
        tpu.vector_store %arg17[%swap3A_740, %swap3A_741], %swap3A_744 {strides = array<i32>} : memref<128x128xf32, #tpu.memory_space<vmem>>, vector<1x16xf32>,
        %get3A_745 = arith.index_cast %add3A_710 : i32 to index
        %get3A_746 = arith.constant 48 : index
        %get3A_747 = tpu.vector_load %arg17[%get3A_745, %get3A_746] {strides = array<i32>} : memref<128x128xf32, #tpu.memory_space<vmem>>, vector<1x16xf32>,
        %get3A_748 = vector.shape_cast %get3A_747 : vector<1x16xf32> to vector<16xf32>
        %mul3A_749 = arith.mulf %get3A_748, %gather3A_714 : vector<16xf32>
        %swap3A_750 = arith.index_cast %add3A_710 : i32 to index
        %swap3A_751 = arith.constant 48 : index
        %swap3A_752 = tpu.vector_load %arg17[%swap3A_750, %swap3A_751] {strides = array<i32>} : memref<128x128xf32, #tpu.memory_space<vmem>>, vector<1x16xf32>,
        %swap3A_753 = vector.shape_cast %swap3A_752 : vector<1x16xf32> to vector<16xf32>
        %swap3A_754 = vector.shape_cast %mul3A_749 : vector<16xf32> to vector<1x16xf32>
        tpu.vector_store %arg17[%swap3A_750, %swap3A_751], %swap3A_754 {strides = array<i32>} : memref<128x128xf32, #tpu.memory_space<vmem>>, vector<1x16xf32>,
        %get3A_755 = arith.index_cast %add3A_710 : i32 to index
        %get3A_756 = arith.constant 64 : index
        %get3A_757 = tpu.vector_load %arg17[%get3A_755, %get3A_756] {strides = array<i32>} : memref<128x128xf32, #tpu.memory_space<vmem>>, vector<1x16xf32>,
        %get3A_758 = vector.shape_cast %get3A_757 : vector<1x16xf32> to vector<16xf32>
        %mul3A_759 = arith.mulf %get3A_758, %gather3A_714 : vector<16xf32>
        %swap3A_760 = arith.index_cast %add3A_710 : i32 to index
        %swap3A_761 = arith.constant 64 : index
        %swap3A_762 = tpu.vector_load %arg17[%swap3A_760, %swap3A_761] {strides = array<i32>} : memref<128x128xf32, #tpu.memory_space<vmem>>, vector<1x16xf32>,
        %swap3A_763 = vector.shape_cast %swap3A_762 : vector<1x16xf32> to vector<16xf32>
        %swap3A_764 = vector.shape_cast %mul3A_759 : vector<16xf32> to vector<1x16xf32>
        tpu.vector_store %arg17[%swap3A_760, %swap3A_761], %swap3A_764 {strides = array<i32>} : memref<128x128xf32, #tpu.memory_space<vmem>>, vector<1x16xf32>,
        %get3A_765 = arith.index_cast %add3A_710 : i32 to index
        %get3A_766 = arith.constant 80 : index
        %get3A_767 = tpu.vector_load %arg17[%get3A_765, %get3A_766] {strides = array<i32>} : memref<128x128xf32, #tpu.memory_space<vmem>>, vector<1x16xf32>,
        %get3A_768 = vector.shape_cast %get3A_767 : vector<1x16xf32> to vector<16xf32>
        %mul3A_769 = arith.mulf %get3A_768, %gather3A_714 : vector<16xf32>
        %swap3A_770 = arith.index_cast %add3A_710 : i32 to index
        %swap3A_771 = arith.constant 80 : index
        %swap3A_772 = tpu.vector_load %arg17[%swap3A_770, %swap3A_771] {strides = array<i32>} : memref<128x128xf32, #tpu.memory_space<vmem>>, vector<1x16xf32>,
        %swap3A_773 = vector.shape_cast %swap3A_772 : vector<1x16xf32> to vector<16xf32>
        %swap3A_774 = vector.shape_cast %mul3A_769 : vector<16xf32> to vector<1x16xf32>
        tpu.vector_store %arg17[%swap3A_770, %swap3A_771], %swap3A_774 {strides = array<i32>} : memref<128x128xf32, #tpu.memory_space<vmem>>, vector<1x16xf32>,
        %get3A_775 = arith.index_cast %add3A_710 : i32 to index
        %get3A_776 = arith.constant 96 : index
        %get3A_777 = tpu.vector_load %arg17[%get3A_775, %get3A_776] {strides = array<i32>} : memref<128x128xf32, #tpu.memory_space<vmem>>, vector<1x16xf32>,
        %get3A_778 = vector.shape_cast %get3A_777 : vector<1x16xf32> to vector<16xf32>
        %mul3A_779 = arith.mulf %get3A_778, %gather3A_714 : vector<16xf32>
        %swap3A_780 = arith.index_cast %add3A_710 : i32 to index
        %swap3A_781 = arith.constant 96 : index
        %swap3A_782 = tpu.vector_load %arg17[%swap3A_780, %swap3A_781] {strides = array<i32>} : memref<128x128xf32, #tpu.memory_space<vmem>>, vector<1x16xf32>,
        %swap3A_783 = vector.shape_cast %swap3A_782 : vector<1x16xf32> to vector<16xf32>
        %swap3A_784 = vector.shape_cast %mul3A_779 : vector<16xf32> to vector<1x16xf32>
        tpu.vector_store %arg17[%swap3A_780, %swap3A_781], %swap3A_784 {strides = array<i32>} : memref<128x128xf32, #tpu.memory_space<vmem>>, vector<1x16xf32>,
        %get3A_785 = arith.index_cast %add3A_710 : i32 to index
        %get3A_786 = arith.constant 112 : index
        %get3A_787 = tpu.vector_load %arg17[%get3A_785, %get3A_786] {strides = array<i32>} : memref<128x128xf32, #tpu.memory_space<vmem>>, vector<1x16xf32>,
        %get3A_788 = vector.shape_cast %get3A_787 : vector<1x16xf32> to vector<16xf32>
        %mul3A_789 = arith.mulf %get3A_788, %gather3A_714 : vector<16xf32>
        %swap3A_790 = arith.index_cast %add3A_710 : i32 to index
        %swap3A_791 = arith.constant 112 : index
        %swap3A_792 = tpu.vector_load %arg17[%swap3A_790, %swap3A_791] {strides = array<i32>} : memref<128x128xf32, #tpu.memory_space<vmem>>, vector<1x16xf32>,
        %swap3A_793 = vector.shape_cast %swap3A_792 : vector<1x16xf32> to vector<16xf32>
        %swap3A_794 = vector.shape_cast %mul3A_789 : vector<16xf32> to vector<1x16xf32>
        tpu.vector_store %arg17[%swap3A_790, %swap3A_791], %swap3A_794 {strides = array<i32>} : memref<128x128xf32, #tpu.memory_space<vmem>>, vector<1x16xf32>,
        %add3A_795 = arith.constant 7 : i32
        %add3A_796 = arith.addi %mul3A_192, %add3A_795 : i32
        %broadcast_in_dim3A_797 = arith.constant 7 : i32
        %broadcast_in_dim3A_798 = vector.broadcast %broadcast_in_dim3A_797 : i32 to vector<16x1xi32>
        %gather3A_799 = vector.shape_cast %broadcast_in_dim3A_798 : vector<16x1xi32> to vector<16xi32>
        %gather3A_800 = tpu.dynamic_gather %get3A_194[%gather3A_799] in [0] : vector<16xf32>, vector<16xi32> -> vector<16xf32>
        %get3A_801 = arith.index_cast %add3A_796 : i32 to index
        %get3A_802 = arith.constant 0 : index
        %get3A_803 = tpu.vector_load %arg17[%get3A_801, %get3A_802] {strides = array<i32>} : memref<128x128xf32, #tpu.memory_space<vmem>>, vector<1x16xf32>,
        %get3A_804 = vector.shape_cast %get3A_803 : vector<1x16xf32> to vector<16xf32>
        %mul3A_805 = arith.mulf %get3A_804, %gather3A_800 : vector<16xf32>
        %swap3A_806 = arith.index_cast %add3A_796 : i32 to index
        %swap3A_807 = arith.constant 0 : index
        %swap3A_808 = tpu.vector_load %arg17[%swap3A_806, %swap3A_807] {strides = array<i32>} : memref<128x128xf32, #tpu.memory_space<vmem>>, vector<1x16xf32>,
        %swap3A_809 = vector.shape_cast %swap3A_808 : vector<1x16xf32> to vector<16xf32>
        %swap3A_810 = vector.shape_cast %mul3A_805 : vector<16xf32> to vector<1x16xf32>
        tpu.vector_store %arg17[%swap3A_806, %swap3A_807], %swap3A_810 {strides = array<i32>} : memref<128x128xf32, #tpu.memory_space<vmem>>, vector<1x16xf32>,
        %get3A_811 = arith.index_cast %add3A_796 : i32 to index
        %get3A_812 = arith.constant 16 : index
        %get3A_813 = tpu.vector_load %arg17[%get3A_811, %get3A_812] {strides = array<i32>} : memref<128x128xf32, #tpu.memory_space<vmem>>, vector<1x16xf32>,
        %get3A_814 = vector.shape_cast %get3A_813 : vector<1x16xf32> to vector<16xf32>
        %mul3A_815 = arith.mulf %get3A_814, %gather3A_800 : vector<16xf32>
        %swap3A_816 = arith.index_cast %add3A_796 : i32 to index
        %swap3A_817 = arith.constant 16 : index
        %swap3A_818 = tpu.vector_load %arg17[%swap3A_816, %swap3A_817] {strides = array<i32>} : memref<128x128xf32, #tpu.memory_space<vmem>>, vector<1x16xf32>,
        %swap3A_819 = vector.shape_cast %swap3A_818 : vector<1x16xf32> to vector<16xf32>
        %swap3A_820 = vector.shape_cast %mul3A_815 : vector<16xf32> to vector<1x16xf32>
        tpu.vector_store %arg17[%swap3A_816, %swap3A_817], %swap3A_820 {strides = array<i32>} : memref<128x128xf32, #tpu.memory_space<vmem>>, vector<1x16xf32>,
        %get3A_821 = arith.index_cast %add3A_796 : i32 to index
        %get3A_822 = arith.constant 32 : index
        %get3A_823 = tpu.vector_load %arg17[%get3A_821, %get3A_822] {strides = array<i32>} : memref<128x128xf32, #tpu.memory_space<vmem>>, vector<1x16xf32>,
        %get3A_824 = vector.shape_cast %get3A_823 : vector<1x16xf32> to vector<16xf32>
        %mul3A_825 = arith.mulf %get3A_824, %gather3A_800 : vector<16xf32>
        %swap3A_826 = arith.index_cast %add3A_796 : i32 to index
        %swap3A_827 = arith.constant 32 : index
        %swap3A_828 = tpu.vector_load %arg17[%swap3A_826, %swap3A_827] {strides = array<i32>} : memref<128x128xf32, #tpu.memory_space<vmem>>, vector<1x16xf32>,
        %swap3A_829 = vector.shape_cast %swap3A_828 : vector<1x16xf32> to vector<16xf32>
        %swap3A_830 = vector.shape_cast %mul3A_825 : vector<16xf32> to vector<1x16xf32>
        tpu.vector_store %arg17[%swap3A_826, %swap3A_827], %swap3A_830 {strides = array<i32>} : memref<128x128xf32, #tpu.memory_space<vmem>>, vector<1x16xf32>,
        %get3A_831 = arith.index_cast %add3A_796 : i32 to index
        %get3A_832 = arith.constant 48 : index
        %get3A_833 = tpu.vector_load %arg17[%get3A_831, %get3A_832] {strides = array<i32>} : memref<128x128xf32, #tpu.memory_space<vmem>>, vector<1x16xf32>,
        %get3A_834 = vector.shape_cast %get3A_833 : vector<1x16xf32> to vector<16xf32>
        %mul3A_835 = arith.mulf %get3A_834, %gather3A_800 : vector<16xf32>
        %swap3A_836 = arith.index_cast %add3A_796 : i32 to index
        %swap3A_837 = arith.constant 48 : index
        %swap3A_838 = tpu.vector_load %arg17[%swap3A_836, %swap3A_837] {strides = array<i32>} : memref<128x128xf32, #tpu.memory_space<vmem>>, vector<1x16xf32>,
        %swap3A_839 = vector.shape_cast %swap3A_838 : vector<1x16xf32> to vector<16xf32>
        %swap3A_840 = vector.shape_cast %mul3A_835 : vector<16xf32> to vector<1x16xf32>
        tpu.vector_store %arg17[%swap3A_836, %swap3A_837], %swap3A_840 {strides = array<i32>} : memref<128x128xf32, #tpu.memory_space<vmem>>, vector<1x16xf32>,
        %get3A_841 = arith.index_cast %add3A_796 : i32 to index
        %get3A_842 = arith.constant 64 : index
        %get3A_843 = tpu.vector_load %arg17[%get3A_841, %get3A_842] {strides = array<i32>} : memref<128x128xf32, #tpu.memory_space<vmem>>, vector<1x16xf32>,
        %get3A_844 = vector.shape_cast %get3A_843 : vector<1x16xf32> to vector<16xf32>
        %mul3A_845 = arith.mulf %get3A_844, %gather3A_800 : vector<16xf32>
        %swap3A_846 = arith.index_cast %add3A_796 : i32 to index
        %swap3A_847 = arith.constant 64 : index
        %swap3A_848 = tpu.vector_load %arg17[%swap3A_846, %swap3A_847] {strides = array<i32>} : memref<128x128xf32, #tpu.memory_space<vmem>>, vector<1x16xf32>,
        %swap3A_849 = vector.shape_cast %swap3A_848 : vector<1x16xf32> to vector<16xf32>
        %swap3A_850 = vector.shape_cast %mul3A_845 : vector<16xf32> to vector<1x16xf32>
        tpu.vector_store %arg17[%swap3A_846, %swap3A_847], %swap3A_850 {strides = array<i32>} : memref<128x128xf32, #tpu.memory_space<vmem>>, vector<1x16xf32>,
        %get3A_851 = arith.index_cast %add3A_796 : i32 to index
        %get3A_852 = arith.constant 80 : index
        %get3A_853 = tpu.vector_load %arg17[%get3A_851, %get3A_852] {strides = array<i32>} : memref<128x128xf32, #tpu.memory_space<vmem>>, vector<1x16xf32>,
        %get3A_854 = vector.shape_cast %get3A_853 : vector<1x16xf32> to vector<16xf32>
        %mul3A_855 = arith.mulf %get3A_854, %gather3A_800 : vector<16xf32>
        %swap3A_856 = arith.index_cast %add3A_796 : i32 to index
        %swap3A_857 = arith.constant 80 : index
        %swap3A_858 = tpu.vector_load %arg17[%swap3A_856, %swap3A_857] {strides = array<i32>} : memref<128x128xf32, #tpu.memory_space<vmem>>, vector<1x16xf32>,
        %swap3A_859 = vector.shape_cast %swap3A_858 : vector<1x16xf32> to vector<16xf32>
        %swap3A_860 = vector.shape_cast %mul3A_855 : vector<16xf32> to vector<1x16xf32>
        tpu.vector_store %arg17[%swap3A_856, %swap3A_857], %swap3A_860 {strides = array<i32>} : memref<128x128xf32, #tpu.memory_space<vmem>>, vector<1x16xf32>,
        %get3A_861 = arith.index_cast %add3A_796 : i32 to index
        %get3A_862 = arith.constant 96 : index
        %get3A_863 = tpu.vector_load %arg17[%get3A_861, %get3A_862] {strides = array<i32>} : memref<128x128xf32, #tpu.memory_space<vmem>>, vector<1x16xf32>,
        %get3A_864 = vector.shape_cast %get3A_863 : vector<1x16xf32> to vector<16xf32>
        %mul3A_865 = arith.mulf %get3A_864, %gather3A_800 : vector<16xf32>
        %swap3A_866 = arith.index_cast %add3A_796 : i32 to index
        %swap3A_867 = arith.constant 96 : index
        %swap3A_868 = tpu.vector_load %arg17[%swap3A_866, %swap3A_867] {strides = array<i32>} : memref<128x128xf32, #tpu.memory_space<vmem>>, vector<1x16xf32>,
        %swap3A_869 = vector.shape_cast %swap3A_868 : vector<1x16xf32> to vector<16xf32>
        %swap3A_870 = vector.shape_cast %mul3A_865 : vector<16xf32> to vector<1x16xf32>
        tpu.vector_store %arg17[%swap3A_866, %swap3A_867], %swap3A_870 {strides = array<i32>} : memref<128x128xf32, #tpu.memory_space<vmem>>, vector<1x16xf32>,
        %get3A_871 = arith.index_cast %add3A_796 : i32 to index
        %get3A_872 = arith.constant 112 : index
        %get3A_873 = tpu.vector_load %arg17[%get3A_871, %get3A_872] {strides = array<i32>} : memref<128x128xf32, #tpu.memory_space<vmem>>, vector<1x16xf32>,
        %get3A_874 = vector.shape_cast %get3A_873 : vector<1x16xf32> to vector<16xf32>
        %mul3A_875 = arith.mulf %get3A_874, %gather3A_800 : vector<16xf32>
        %swap3A_876 = arith.index_cast %add3A_796 : i32 to index
        %swap3A_877 = arith.constant 112 : index
        %swap3A_878 = tpu.vector_load %arg17[%swap3A_876, %swap3A_877] {strides = array<i32>} : memref<128x128xf32, #tpu.memory_space<vmem>>, vector<1x16xf32>,
        %swap3A_879 = vector.shape_cast %swap3A_878 : vector<1x16xf32> to vector<16xf32>
        %swap3A_880 = vector.shape_cast %mul3A_875 : vector<16xf32> to vector<1x16xf32>
        tpu.vector_store %arg17[%swap3A_876, %swap3A_877], %swap3A_880 {strides = array<i32>} : memref<128x128xf32, #tpu.memory_space<vmem>>, vector<1x16xf32>,
        %add3A_881 = arith.constant 8 : i32
        %add3A_882 = arith.addi %mul3A_192, %add3A_881 : i32
        %broadcast_in_dim3A_883 = arith.constant 8 : i32
        %broadcast_in_dim3A_884 = vector.broadcast %broadcast_in_dim3A_883 : i32 to vector<16x1xi32>
        %gather3A_885 = vector.shape_cast %broadcast_in_dim3A_884 : vector<16x1xi32> to vector<16xi32>
        %gather3A_886 = tpu.dynamic_gather %get3A_194[%gather3A_885] in [0] : vector<16xf32>, vector<16xi32> -> vector<16xf32>
        %get3A_887 = arith.index_cast %add3A_882 : i32 to index
        %get3A_888 = arith.constant 0 : index
        %get3A_889 = tpu.vector_load %arg17[%get3A_887, %get3A_888] {strides = array<i32>} : memref<128x128xf32, #tpu.memory_space<vmem>>, vector<1x16xf32>,
        %get3A_890 = vector.shape_cast %get3A_889 : vector<1x16xf32> to vector<16xf32>
        %mul3A_891 = arith.mulf %get3A_890, %gather3A_886 : vector<16xf32>
        %swap3A_892 = arith.index_cast %add3A_882 : i32 to index
        %swap3A_893 = arith.constant 0 : index
        %swap3A_894 = tpu.vector_load %arg17[%swap3A_892, %swap3A_893] {strides = array<i32>} : memref<128x128xf32, #tpu.memory_space<vmem>>, vector<1x16xf32>,
        %swap3A_895 = vector.shape_cast %swap3A_894 : vector<1x16xf32> to vector<16xf32>
        %swap3A_896 = vector.shape_cast %mul3A_891 : vector<16xf32> to vector<1x16xf32>
        tpu.vector_store %arg17[%swap3A_892, %swap3A_893], %swap3A_896 {strides = array<i32>} : memref<128x128xf32, #tpu.memory_space<vmem>>, vector<1x16xf32>,
        %get3A_897 = arith.index_cast %add3A_882 : i32 to index
        %get3A_898 = arith.constant 16 : index
        %get3A_899 = tpu.vector_load %arg17[%get3A_897, %get3A_898] {strides = array<i32>} : memref<128x128xf32, #tpu.memory_space<vmem>>, vector<1x16xf32>,
        %get3A_900 = vector.shape_cast %get3A_899 : vector<1x16xf32> to vector<16xf32>
        %mul3A_901 = arith.mulf %get3A_900, %gather3A_886 : vector<16xf32>
        %swap3A_902 = arith.index_cast %add3A_882 : i32 to index
        %swap3A_903 = arith.constant 16 : index
        %swap3A_904 = tpu.vector_load %arg17[%swap3A_902, %swap3A_903] {strides = array<i32>} : memref<128x128xf32, #tpu.memory_space<vmem>>, vector<1x16xf32>,
        %swap3A_905 = vector.shape_cast %swap3A_904 : vector<1x16xf32> to vector<16xf32>
        %swap3A_906 = vector.shape_cast %mul3A_901 : vector<16xf32> to vector<1x16xf32>
        tpu.vector_store %arg17[%swap3A_902, %swap3A_903], %swap3A_906 {strides = array<i32>} : memref<128x128xf32, #tpu.memory_space<vmem>>, vector<1x16xf32>,
        %get3A_907 = arith.index_cast %add3A_882 : i32 to index
        %get3A_908 = arith.constant 32 : index
        %get3A_909 = tpu.vector_load %arg17[%get3A_907, %get3A_908] {strides = array<i32>} : memref<128x128xf32, #tpu.memory_space<vmem>>, vector<1x16xf32>,
        %get3A_910 = vector.shape_cast %get3A_909 : vector<1x16xf32> to vector<16xf32>
        %mul3A_911 = arith.mulf %get3A_910, %gather3A_886 : vector<16xf32>
        %swap3A_912 = arith.index_cast %add3A_882 : i32 to index
        %swap3A_913 = arith.constant 32 : index
        %swap3A_914 = tpu.vector_load %arg17[%swap3A_912, %swap3A_913] {strides = array<i32>} : memref<128x128xf32, #tpu.memory_space<vmem>>, vector<1x16xf32>,
        %swap3A_915 = vector.shape_cast %swap3A_914 : vector<1x16xf32> to vector<16xf32>
        %swap3A_916 = vector.shape_cast %mul3A_911 : vector<16xf32> to vector<1x16xf32>
        tpu.vector_store %arg17[%swap3A_912, %swap3A_913], %swap3A_916 {strides = array<i32>} : memref<128x128xf32, #tpu.memory_space<vmem>>, vector<1x16xf32>,
        %get3A_917 = arith.index_cast %add3A_882 : i32 to index
        %get3A_918 = arith.constant 48 : index
        %get3A_919 = tpu.vector_load %arg17[%get3A_917, %get3A_918] {strides = array<i32>} : memref<128x128xf32, #tpu.memory_space<vmem>>, vector<1x16xf32>,
        %get3A_920 = vector.shape_cast %get3A_919 : vector<1x16xf32> to vector<16xf32>
        %mul3A_921 = arith.mulf %get3A_920, %gather3A_886 : vector<16xf32>
        %swap3A_922 = arith.index_cast %add3A_882 : i32 to index
        %swap3A_923 = arith.constant 48 : index
        %swap3A_924 = tpu.vector_load %arg17[%swap3A_922, %swap3A_923] {strides = array<i32>} : memref<128x128xf32, #tpu.memory_space<vmem>>, vector<1x16xf32>,
        %swap3A_925 = vector.shape_cast %swap3A_924 : vector<1x16xf32> to vector<16xf32>
        %swap3A_926 = vector.shape_cast %mul3A_921 : vector<16xf32> to vector<1x16xf32>
        tpu.vector_store %arg17[%swap3A_922, %swap3A_923], %swap3A_926 {strides = array<i32>} : memref<128x128xf32, #tpu.memory_space<vmem>>, vector<1x16xf32>,
        %get3A_927 = arith.index_cast %add3A_882 : i32 to index
        %get3A_928 = arith.constant 64 : index
        %get3A_929 = tpu.vector_load %arg17[%get3A_927, %get3A_928] {strides = array<i32>} : memref<128x128xf32, #tpu.memory_space<vmem>>, vector<1x16xf32>,
        %get3A_930 = vector.shape_cast %get3A_929 : vector<1x16xf32> to vector<16xf32>
        %mul3A_931 = arith.mulf %get3A_930, %gather3A_886 : vector<16xf32>
        %swap3A_932 = arith.index_cast %add3A_882 : i32 to index
        %swap3A_933 = arith.constant 64 : index
        %swap3A_934 = tpu.vector_load %arg17[%swap3A_932, %swap3A_933] {strides = array<i32>} : memref<128x128xf32, #tpu.memory_space<vmem>>, vector<1x16xf32>,
        %swap3A_935 = vector.shape_cast %swap3A_934 : vector<1x16xf32> to vector<16xf32>
        %swap3A_936 = vector.shape_cast %mul3A_931 : vector<16xf32> to vector<1x16xf32>
        tpu.vector_store %arg17[%swap3A_932, %swap3A_933], %swap3A_936 {strides = array<i32>} : memref<128x128xf32, #tpu.memory_space<vmem>>, vector<1x16xf32>,
        %get3A_937 = arith.index_cast %add3A_882 : i32 to index
        %get3A_938 = arith.constant 80 : index
        %get3A_939 = tpu.vector_load %arg17[%get3A_937, %get3A_938] {strides = array<i32>} : memref<128x128xf32, #tpu.memory_space<vmem>>, vector<1x16xf32>,
        %get3A_940 = vector.shape_cast %get3A_939 : vector<1x16xf32> to vector<16xf32>
        %mul3A_941 = arith.mulf %get3A_940, %gather3A_886 : vector<16xf32>
        %swap3A_942 = arith.index_cast %add3A_882 : i32 to index
        %swap3A_943 = arith.constant 80 : index
        %swap3A_944 = tpu.vector_load %arg17[%swap3A_942, %swap3A_943] {strides = array<i32>} : memref<128x128xf32, #tpu.memory_space<vmem>>, vector<1x16xf32>,
        %swap3A_945 = vector.shape_cast %swap3A_944 : vector<1x16xf32> to vector<16xf32>
        %swap3A_946 = vector.shape_cast %mul3A_941 : vector<16xf32> to vector<1x16xf32>
        tpu.vector_store %arg17[%swap3A_942, %swap3A_943], %swap3A_946 {strides = array<i32>} : memref<128x128xf32, #tpu.memory_space<vmem>>, vector<1x16xf32>,
        %get3A_947 = arith.index_cast %add3A_882 : i32 to index
        %get3A_948 = arith.constant 96 : index
        %get3A_949 = tpu.vector_load %arg17[%get3A_947, %get3A_948] {strides = array<i32>} : memref<128x128xf32, #tpu.memory_space<vmem>>, vector<1x16xf32>,
        %get3A_950 = vector.shape_cast %get3A_949 : vector<1x16xf32> to vector<16xf32>
        %mul3A_951 = arith.mulf %get3A_950, %gather3A_886 : vector<16xf32>
        %swap3A_952 = arith.index_cast %add3A_882 : i32 to index
        %swap3A_953 = arith.constant 96 : index
        %swap3A_954 = tpu.vector_load %arg17[%swap3A_952, %swap3A_953] {strides = array<i32>} : memref<128x128xf32, #tpu.memory_space<vmem>>, vector<1x16xf32>,
        %swap3A_955 = vector.shape_cast %swap3A_954 : vector<1x16xf32> to vector<16xf32>
        %swap3A_956 = vector.shape_cast %mul3A_951 : vector<16xf32> to vector<1x16xf32>
        tpu.vector_store %arg17[%swap3A_952, %swap3A_953], %swap3A_956 {strides = array<i32>} : memref<128x128xf32, #tpu.memory_space<vmem>>, vector<1x16xf32>,
        %get3A_957 = arith.index_cast %add3A_882 : i32 to index
        %get3A_958 = arith.constant 112 : index
        %get3A_959 = tpu.vector_load %arg17[%get3A_957, %get3A_958] {strides = array<i32>} : memref<128x128xf32, #tpu.memory_space<vmem>>, vector<1x16xf32>,
        %get3A_960 = vector.shape_cast %get3A_959 : vector<1x16xf32> to vector<16xf32>
        %mul3A_961 = arith.mulf %get3A_960, %gather3A_886 : vector<16xf32>
        %swap3A_962 = arith.index_cast %add3A_882 : i32 to index
        %swap3A_963 = arith.constant 112 : index
        %swap3A_964 = tpu.vector_load %arg17[%swap3A_962, %swap3A_963] {strides = array<i32>} : memref<128x128xf32, #tpu.memory_space<vmem>>, vector<1x16xf32>,
        %swap3A_965 = vector.shape_cast %swap3A_964 : vector<1x16xf32> to vector<16xf32>
        %swap3A_966 = vector.shape_cast %mul3A_961 : vector<16xf32> to vector<1x16xf32>
        tpu.vector_store %arg17[%swap3A_962, %swap3A_963], %swap3A_966 {strides = array<i32>} : memref<128x128xf32, #tpu.memory_space<vmem>>, vector<1x16xf32>,
        %add3A_967 = arith.constant 9 : i32
        %add3A_968 = arith.addi %mul3A_192, %add3A_967 : i32
        %broadcast_in_dim3A_969 = arith.constant 9 : i32
        %broadcast_in_dim3A_970 = vector.broadcast %broadcast_in_dim3A_969 : i32 to vector<16x1xi32>
        %gather3A_971 = vector.shape_cast %broadcast_in_dim3A_970 : vector<16x1xi32> to vector<16xi32>
        %gather3A_972 = tpu.dynamic_gather %get3A_194[%gather3A_971] in [0] : vector<16xf32>, vector<16xi32> -> vector<16xf32>
        %get3A_973 = arith.index_cast %add3A_968 : i32 to index
        %get3A_974 = arith.constant 0 : index
        %get3A_975 = tpu.vector_load %arg17[%get3A_973, %get3A_974] {strides = array<i32>} : memref<128x128xf32, #tpu.memory_space<vmem>>, vector<1x16xf32>,
        %get3A_976 = vector.shape_cast %get3A_975 : vector<1x16xf32> to vector<16xf32>
        %mul3A_977 = arith.mulf %get3A_976, %gather3A_972 : vector<16xf32>
        %swap3A_978 = arith.index_cast %add3A_968 : i32 to index
        %swap3A_979 = arith.constant 0 : index
        %swap3A_980 = tpu.vector_load %arg17[%swap3A_978, %swap3A_979] {strides = array<i32>} : memref<128x128xf32, #tpu.memory_space<vmem>>, vector<1x16xf32>,
        %swap3A_981 = vector.shape_cast %swap3A_980 : vector<1x16xf32> to vector<16xf32>
        %swap3A_982 = vector.shape_cast %mul3A_977 : vector<16xf32> to vector<1x16xf32>
        tpu.vector_store %arg17[%swap3A_978, %swap3A_979], %swap3A_982 {strides = array<i32>} : memref<128x128xf32, #tpu.memory_space<vmem>>, vector<1x16xf32>,
        %get3A_983 = arith.index_cast %add3A_968 : i32 to index
        %get3A_984 = arith.constant 16 : index
        %get3A_985 = tpu.vector_load %arg17[%get3A_983, %get3A_984] {strides = array<i32>} : memref<128x128xf32, #tpu.memory_space<vmem>>, vector<1x16xf32>,
        %get3A_986 = vector.shape_cast %get3A_985 : vector<1x16xf32> to vector<16xf32>
        %mul3A_987 = arith.mulf %get3A_986, %gather3A_972 : vector<16xf32>
        %swap3A_988 = arith.index_cast %add3A_968 : i32 to index
        %swap3A_989 = arith.constant 16 : index
        %swap3A_990 = tpu.vector_load %arg17[%swap3A_988, %swap3A_989] {strides = array<i32>} : memref<128x128xf32, #tpu.memory_space<vmem>>, vector<1x16xf32>,
        %swap3A_991 = vector.shape_cast %swap3A_990 : vector<1x16xf32> to vector<16xf32>
        %swap3A_992 = vector.shape_cast %mul3A_987 : vector<16xf32> to vector<1x16xf32>
        tpu.vector_store %arg17[%swap3A_988, %swap3A_989], %swap3A_992 {strides = array<i32>} : memref<128x128xf32, #tpu.memory_space<vmem>>, vector<1x16xf32>,
        %get3A_993 = arith.index_cast %add3A_968 : i32 to index
        %get3A_994 = arith.constant 32 : index
        %get3A_995 = tpu.vector_load %arg17[%get3A_993, %get3A_994] {strides = array<i32>} : memref<128x128xf32, #tpu.memory_space<vmem>>, vector<1x16xf32>,
        %get3A_996 = vector.shape_cast %get3A_995 : vector<1x16xf32> to vector<16xf32>
        %mul3A_997 = arith.mulf %get3A_996, %gather3A_972 : vector<16xf32>
        %swap3A_998 = arith.index_cast %add3A_968 : i32 to index
        %swap3A_999 = arith.constant 32 : index
        %swap3A_1000 = tpu.vector_load %arg17[%swap3A_998, %swap3A_999] {strides = array<i32>} : memref<128x128xf32, #tpu.memory_space<vmem>>, vector<1x16xf32>,
        %swap3A_1001 = vector.shape_cast %swap3A_1000 : vector<1x16xf32> to vector<16xf32>
        %swap3A_1002 = vector.shape_cast %mul3A_997 : vector<16xf32> to vector<1x16xf32>
        tpu.vector_store %arg17[%swap3A_998, %swap3A_999], %swap3A_1002 {strides = array<i32>} : memref<128x128xf32, #tpu.memory_space<vmem>>, vector<1x16xf32>,
        %get3A_1003 = arith.index_cast %add3A_968 : i32 to index
        %get3A_1004 = arith.constant 48 : index
        %get3A_1005 = tpu.vector_load %arg17[%get3A_1003, %get3A_1004] {strides = array<i32>} : memref<128x128xf32, #tpu.memory_space<vmem>>, vector<1x16xf32>,
        %get3A_1006 = vector.shape_cast %get3A_1005 : vector<1x16xf32> to vector<16xf32>
        %mul3A_1007 = arith.mulf %get3A_1006, %gather3A_972 : vector<16xf32>
        %swap3A_1008 = arith.index_cast %add3A_968 : i32 to index
        %swap3A_1009 = arith.constant 48 : index
        %swap3A_1010 = tpu.vector_load %arg17[%swap3A_1008, %swap3A_1009] {strides = array<i32>} : memref<128x128xf32, #tpu.memory_space<vmem>>, vector<1x16xf32>,
        %swap3A_1011 = vector.shape_cast %swap3A_1010 : vector<1x16xf32> to vector<16xf32>
        %swap3A_1012 = vector.shape_cast %mul3A_1007 : vector<16xf32> to vector<1x16xf32>
        tpu.vector_store %arg17[%swap3A_1008, %swap3A_1009], %swap3A_1012 {strides = array<i32>} : memref<128x128xf32, #tpu.memory_space<vmem>>, vector<1x16xf32>,
        %get3A_1013 = arith.index_cast %add3A_968 : i32 to index
        %get3A_1014 = arith.constant 64 : index
        %get3A_1015 = tpu.vector_load %arg17[%get3A_1013, %get3A_1014] {strides = array<i32>} : memref<128x128xf32, #tpu.memory_space<vmem>>, vector<1x16xf32>,
        %get3A_1016 = vector.shape_cast %get3A_1015 : vector<1x16xf32> to vector<16xf32>
        %mul3A_1017 = arith.mulf %get3A_1016, %gather3A_972 : vector<16xf32>
        %swap3A_1018 = arith.index_cast %add3A_968 : i32 to index
        %swap3A_1019 = arith.constant 64 : index
        %swap3A_1020 = tpu.vector_load %arg17[%swap3A_1018, %swap3A_1019] {strides = array<i32>} : memref<128x128xf32, #tpu.memory_space<vmem>>, vector<1x16xf32>,
        %swap3A_1021 = vector.shape_cast %swap3A_1020 : vector<1x16xf32> to vector<16xf32>
        %swap3A_1022 = vector.shape_cast %mul3A_1017 : vector<16xf32> to vector<1x16xf32>
        tpu.vector_store %arg17[%swap3A_1018, %swap3A_1019], %swap3A_1022 {strides = array<i32>} : memref<128x128xf32, #tpu.memory_space<vmem>>, vector<1x16xf32>,
        %get3A_1023 = arith.index_cast %add3A_968 : i32 to index
        %get3A_1024 = arith.constant 80 : index
        %get3A_1025 = tpu.vector_load %arg17[%get3A_1023, %get3A_1024] {strides = array<i32>} : memref<128x128xf32, #tpu.memory_space<vmem>>, vector<1x16xf32>,
        %get3A_1026 = vector.shape_cast %get3A_1025 : vector<1x16xf32> to vector<16xf32>
        %mul3A_1027 = arith.mulf %get3A_1026, %gather3A_972 : vector<16xf32>
        %swap3A_1028 = arith.index_cast %add3A_968 : i32 to index
        %swap3A_1029 = arith.constant 80 : index
        %swap3A_1030 = tpu.vector_load %arg17[%swap3A_1028, %swap3A_1029] {strides = array<i32>} : memref<128x128xf32, #tpu.memory_space<vmem>>, vector<1x16xf32>,
        %swap3A_1031 = vector.shape_cast %swap3A_1030 : vector<1x16xf32> to vector<16xf32>
        %swap3A_1032 = vector.shape_cast %mul3A_1027 : vector<16xf32> to vector<1x16xf32>
        tpu.vector_store %arg17[%swap3A_1028, %swap3A_1029], %swap3A_1032 {strides = array<i32>} : memref<128x128xf32, #tpu.memory_space<vmem>>, vector<1x16xf32>,
        %get3A_1033 = arith.index_cast %add3A_968 : i32 to index
        %get3A_1034 = arith.constant 96 : index
        %get3A_1035 = tpu.vector_load %arg17[%get3A_1033, %get3A_1034] {strides = array<i32>} : memref<128x128xf32, #tpu.memory_space<vmem>>, vector<1x16xf32>,
        %get3A_1036 = vector.shape_cast %get3A_1035 : vector<1x16xf32> to vector<16xf32>
        %mul3A_1037 = arith.mulf %get3A_1036, %gather3A_972 : vector<16xf32>
        %swap3A_1038 = arith.index_cast %add3A_968 : i32 to index
        %swap3A_1039 = arith.constant 96 : index
        %swap3A_1040 = tpu.vector_load %arg17[%swap3A_1038, %swap3A_1039] {strides = array<i32>} : memref<128x128xf32, #tpu.memory_space<vmem>>, vector<1x16xf32>,
        %swap3A_1041 = vector.shape_cast %swap3A_1040 : vector<1x16xf32> to vector<16xf32>
        %swap3A_1042 = vector.shape_cast %mul3A_1037 : vector<16xf32> to vector<1x16xf32>
        tpu.vector_store %arg17[%swap3A_1038, %swap3A_1039], %swap3A_1042 {strides = array<i32>} : memref<128x128xf32, #tpu.memory_space<vmem>>, vector<1x16xf32>,
        %get3A_1043 = arith.index_cast %add3A_968 : i32 to index
        %get3A_1044 = arith.constant 112 : index
        %get3A_1045 = tpu.vector_load %arg17[%get3A_1043, %get3A_1044] {strides = array<i32>} : memref<128x128xf32, #tpu.memory_space<vmem>>, vector<1x16xf32>,
        %get3A_1046 = vector.shape_cast %get3A_1045 : vector<1x16xf32> to vector<16xf32>
        %mul3A_1047 = arith.mulf %get3A_1046, %gather3A_972 : vector<16xf32>
        %swap3A_1048 = arith.index_cast %add3A_968 : i32 to index
        %swap3A_1049 = arith.constant 112 : index
        %swap3A_1050 = tpu.vector_load %arg17[%swap3A_1048, %swap3A_1049] {strides = array<i32>} : memref<128x128xf32, #tpu.memory_space<vmem>>, vector<1x16xf32>,
        %swap3A_1051 = vector.shape_cast %swap3A_1050 : vector<1x16xf32> to vector<16xf32>
        %swap3A_1052 = vector.shape_cast %mul3A_1047 : vector<16xf32> to vector<1x16xf32>
        tpu.vector_store %arg17[%swap3A_1048, %swap3A_1049], %swap3A_1052 {strides = array<i32>} : memref<128x128xf32, #tpu.memory_space<vmem>>, vector<1x16xf32>,
        %add3A_1053 = arith.constant 10 : i32
        %add3A_1054 = arith.addi %mul3A_192, %add3A_1053 : i32
        %broadcast_in_dim3A_1055 = arith.constant 10 : i32
        %broadcast_in_dim3A_1056 = vector.broadcast %broadcast_in_dim3A_1055 : i32 to vector<16x1xi32>
        %gather3A_1057 = vector.shape_cast %broadcast_in_dim3A_1056 : vector<16x1xi32> to vector<16xi32>
        %gather3A_1058 = tpu.dynamic_gather %get3A_194[%gather3A_1057] in [0] : vector<16xf32>, vector<16xi32> -> vector<16xf32>
        %get3A_1059 = arith.index_cast %add3A_1054 : i32 to index
        %get3A_1060 = arith.constant 0 : index
        %get3A_1061 = tpu.vector_load %arg17[%get3A_1059, %get3A_1060] {strides = array<i32>} : memref<128x128xf32, #tpu.memory_space<vmem>>, vector<1x16xf32>,
        %get3A_1062 = vector.shape_cast %get3A_1061 : vector<1x16xf32> to vector<16xf32>
        %mul3A_1063 = arith.mulf %get3A_1062, %gather3A_1058 : vector<16xf32>
        %swap3A_1064 = arith.index_cast %add3A_1054 : i32 to index
        %swap3A_1065 = arith.constant 0 : index
        %swap3A_1066 = tpu.vector_load %arg17[%swap3A_1064, %swap3A_1065] {strides = array<i32>} : memref<128x128xf32, #tpu.memory_space<vmem>>, vector<1x16xf32>,
        %swap3A_1067 = vector.shape_cast %swap3A_1066 : vector<1x16xf32> to vector<16xf32>
        %swap3A_1068 = vector.shape_cast %mul3A_1063 : vector<16xf32> to vector<1x16xf32>
        tpu.vector_store %arg17[%swap3A_1064, %swap3A_1065], %swap3A_1068 {strides = array<i32>} : memref<128x128xf32, #tpu.memory_space<vmem>>, vector<1x16xf32>,
        %get3A_1069 = arith.index_cast %add3A_1054 : i32 to index
        %get3A_1070 = arith.constant 16 : index
        %get3A_1071 = tpu.vector_load %arg17[%get3A_1069, %get3A_1070] {strides = array<i32>} : memref<128x128xf32, #tpu.memory_space<vmem>>, vector<1x16xf32>,
        %get3A_1072 = vector.shape_cast %get3A_1071 : vector<1x16xf32> to vector<16xf32>
        %mul3A_1073 = arith.mulf %get3A_1072, %gather3A_1058 : vector<16xf32>
        %swap3A_1074 = arith.index_cast %add3A_1054 : i32 to index
        %swap3A_1075 = arith.constant 16 : index
        %swap3A_1076 = tpu.vector_load %arg17[%swap3A_1074, %swap3A_1075] {strides = array<i32>} : memref<128x128xf32, #tpu.memory_space<vmem>>, vector<1x16xf32>,
        %swap3A_1077 = vector.shape_cast %swap3A_1076 : vector<1x16xf32> to vector<16xf32>
        %swap3A_1078 = vector.shape_cast %mul3A_1073 : vector<16xf32> to vector<1x16xf32>
        tpu.vector_store %arg17[%swap3A_1074, %swap3A_1075], %swap3A_1078 {strides = array<i32>} : memref<128x128xf32, #tpu.memory_space<vmem>>, vector<1x16xf32>,
        %get3A_1079 = arith.index_cast %add3A_1054 : i32 to index
        %get3A_1080 = arith.constant 32 : index
        %get3A_1081 = tpu.vector_load %arg17[%get3A_1079, %get3A_1080] {strides = array<i32>} : memref<128x128xf32, #tpu.memory_space<vmem>>, vector<1x16xf32>,
        %get3A_1082 = vector.shape_cast %get3A_1081 : vector<1x16xf32> to vector<16xf32>
        %mul3A_1083 = arith.mulf %get3A_1082, %gather3A_1058 : vector<16xf32>
        %swap3A_1084 = arith.index_cast %add3A_1054 : i32 to index
        %swap3A_1085 = arith.constant 32 : index
        %swap3A_1086 = tpu.vector_load %arg17[%swap3A_1084, %swap3A_1085] {strides = array<i32>} : memref<128x128xf32, #tpu.memory_space<vmem>>, vector<1x16xf32>,
        %swap3A_1087 = vector.shape_cast %swap3A_1086 : vector<1x16xf32> to vector<16xf32>
        %swap3A_1088 = vector.shape_cast %mul3A_1083 : vector<16xf32> to vector<1x16xf32>
        tpu.vector_store %arg17[%swap3A_1084, %swap3A_1085], %swap3A_1088 {strides = array<i32>} : memref<128x128xf32, #tpu.memory_space<vmem>>, vector<1x16xf32>,
        %get3A_1089 = arith.index_cast %add3A_1054 : i32 to index
        %get3A_1090 = arith.constant 48 : index
        %get3A_1091 = tpu.vector_load %arg17[%get3A_1089, %get3A_1090] {strides = array<i32>} : memref<128x128xf32, #tpu.memory_space<vmem>>, vector<1x16xf32>,
        %get3A_1092 = vector.shape_cast %get3A_1091 : vector<1x16xf32> to vector<16xf32>
        %mul3A_1093 = arith.mulf %get3A_1092, %gather3A_1058 : vector<16xf32>
        %swap3A_1094 = arith.index_cast %add3A_1054 : i32 to index
        %swap3A_1095 = arith.constant 48 : index
        %swap3A_1096 = tpu.vector_load %arg17[%swap3A_1094, %swap3A_1095] {strides = array<i32>} : memref<128x128xf32, #tpu.memory_space<vmem>>, vector<1x16xf32>,
        %swap3A_1097 = vector.shape_cast %swap3A_1096 : vector<1x16xf32> to vector<16xf32>
        %swap3A_1098 = vector.shape_cast %mul3A_1093 : vector<16xf32> to vector<1x16xf32>
        tpu.vector_store %arg17[%swap3A_1094, %swap3A_1095], %swap3A_1098 {strides = array<i32>} : memref<128x128xf32, #tpu.memory_space<vmem>>, vector<1x16xf32>,
        %get3A_1099 = arith.index_cast %add3A_1054 : i32 to index
        %get3A_1100 = arith.constant 64 : index
        %get3A_1101 = tpu.vector_load %arg17[%get3A_1099, %get3A_1100] {strides = array<i32>} : memref<128x128xf32, #tpu.memory_space<vmem>>, vector<1x16xf32>,
        %get3A_1102 = vector.shape_cast %get3A_1101 : vector<1x16xf32> to vector<16xf32>
        %mul3A_1103 = arith.mulf %get3A_1102, %gather3A_1058 : vector<16xf32>
        %swap3A_1104 = arith.index_cast %add3A_1054 : i32 to index
        %swap3A_1105 = arith.constant 64 : index
        %swap3A_1106 = tpu.vector_load %arg17[%swap3A_1104, %swap3A_1105] {strides = array<i32>} : memref<128x128xf32, #tpu.memory_space<vmem>>, vector<1x16xf32>,
        %swap3A_1107 = vector.shape_cast %swap3A_1106 : vector<1x16xf32> to vector<16xf32>
        %swap3A_1108 = vector.shape_cast %mul3A_1103 : vector<16xf32> to vector<1x16xf32>
        tpu.vector_store %arg17[%swap3A_1104, %swap3A_1105], %swap3A_1108 {strides = array<i32>} : memref<128x128xf32, #tpu.memory_space<vmem>>, vector<1x16xf32>,
        %get3A_1109 = arith.index_cast %add3A_1054 : i32 to index
        %get3A_1110 = arith.constant 80 : index
        %get3A_1111 = tpu.vector_load %arg17[%get3A_1109, %get3A_1110] {strides = array<i32>} : memref<128x128xf32, #tpu.memory_space<vmem>>, vector<1x16xf32>,
        %get3A_1112 = vector.shape_cast %get3A_1111 : vector<1x16xf32> to vector<16xf32>
        %mul3A_1113 = arith.mulf %get3A_1112, %gather3A_1058 : vector<16xf32>
        %swap3A_1114 = arith.index_cast %add3A_1054 : i32 to index
        %swap3A_1115 = arith.constant 80 : index
        %swap3A_1116 = tpu.vector_load %arg17[%swap3A_1114, %swap3A_1115] {strides = array<i32>} : memref<128x128xf32, #tpu.memory_space<vmem>>, vector<1x16xf32>,
        %swap3A_1117 = vector.shape_cast %swap3A_1116 : vector<1x16xf32> to vector<16xf32>
        %swap3A_1118 = vector.shape_cast %mul3A_1113 : vector<16xf32> to vector<1x16xf32>
        tpu.vector_store %arg17[%swap3A_1114, %swap3A_1115], %swap3A_1118 {strides = array<i32>} : memref<128x128xf32, #tpu.memory_space<vmem>>, vector<1x16xf32>,
        %get3A_1119 = arith.index_cast %add3A_1054 : i32 to index
        %get3A_1120 = arith.constant 96 : index
        %get3A_1121 = tpu.vector_load %arg17[%get3A_1119, %get3A_1120] {strides = array<i32>} : memref<128x128xf32, #tpu.memory_space<vmem>>, vector<1x16xf32>,
        %get3A_1122 = vector.shape_cast %get3A_1121 : vector<1x16xf32> to vector<16xf32>
        %mul3A_1123 = arith.mulf %get3A_1122, %gather3A_1058 : vector<16xf32>
        %swap3A_1124 = arith.index_cast %add3A_1054 : i32 to index
        %swap3A_1125 = arith.constant 96 : index
        %swap3A_1126 = tpu.vector_load %arg17[%swap3A_1124, %swap3A_1125] {strides = array<i32>} : memref<128x128xf32, #tpu.memory_space<vmem>>, vector<1x16xf32>,
        %swap3A_1127 = vector.shape_cast %swap3A_1126 : vector<1x16xf32> to vector<16xf32>
        %swap3A_1128 = vector.shape_cast %mul3A_1123 : vector<16xf32> to vector<1x16xf32>
        tpu.vector_store %arg17[%swap3A_1124, %swap3A_1125], %swap3A_1128 {strides = array<i32>} : memref<128x128xf32, #tpu.memory_space<vmem>>, vector<1x16xf32>,
        %get3A_1129 = arith.index_cast %add3A_1054 : i32 to index
        %get3A_1130 = arith.constant 112 : index
        %get3A_1131 = tpu.vector_load %arg17[%get3A_1129, %get3A_1130] {strides = array<i32>} : memref<128x128xf32, #tpu.memory_space<vmem>>, vector<1x16xf32>,
        %get3A_1132 = vector.shape_cast %get3A_1131 : vector<1x16xf32> to vector<16xf32>
        %mul3A_1133 = arith.mulf %get3A_1132, %gather3A_1058 : vector<16xf32>
        %swap3A_1134 = arith.index_cast %add3A_1054 : i32 to index
        %swap3A_1135 = arith.constant 112 : index
        %swap3A_1136 = tpu.vector_load %arg17[%swap3A_1134, %swap3A_1135] {strides = array<i32>} : memref<128x128xf32, #tpu.memory_space<vmem>>, vector<1x16xf32>,
        %swap3A_1137 = vector.shape_cast %swap3A_1136 : vector<1x16xf32> to vector<16xf32>
        %swap3A_1138 = vector.shape_cast %mul3A_1133 : vector<16xf32> to vector<1x16xf32>
        tpu.vector_store %arg17[%swap3A_1134, %swap3A_1135], %swap3A_1138 {strides = array<i32>} : memref<128x128xf32, #tpu.memory_space<vmem>>, vector<1x16xf32>,
        %add3A_1139 = arith.constant 11 : i32
        %add3A_1140 = arith.addi %mul3A_192, %add3A_1139 : i32
        %broadcast_in_dim3A_1141 = arith.constant 11 : i32
        %broadcast_in_dim3A_1142 = vector.broadcast %broadcast_in_dim3A_1141 : i32 to vector<16x1xi32>
        %gather3A_1143 = vector.shape_cast %broadcast_in_dim3A_1142 : vector<16x1xi32> to vector<16xi32>
        %gather3A_1144 = tpu.dynamic_gather %get3A_194[%gather3A_1143] in [0] : vector<16xf32>, vector<16xi32> -> vector<16xf32>
        %get3A_1145 = arith.index_cast %add3A_1140 : i32 to index
        %get3A_1146 = arith.constant 0 : index
        %get3A_1147 = tpu.vector_load %arg17[%get3A_1145, %get3A_1146] {strides = array<i32>} : memref<128x128xf32, #tpu.memory_space<vmem>>, vector<1x16xf32>,
        %get3A_1148 = vector.shape_cast %get3A_1147 : vector<1x16xf32> to vector<16xf32>
        %mul3A_1149 = arith.mulf %get3A_1148, %gather3A_1144 : vector<16xf32>
        %swap3A_1150 = arith.index_cast %add3A_1140 : i32 to index
        %swap3A_1151 = arith.constant 0 : index
        %swap3A_1152 = tpu.vector_load %arg17[%swap3A_1150, %swap3A_1151] {strides = array<i32>} : memref<128x128xf32, #tpu.memory_space<vmem>>, vector<1x16xf32>,
        %swap3A_1153 = vector.shape_cast %swap3A_1152 : vector<1x16xf32> to vector<16xf32>
        %swap3A_1154 = vector.shape_cast %mul3A_1149 : vector<16xf32> to vector<1x16xf32>
        tpu.vector_store %arg17[%swap3A_1150, %swap3A_1151], %swap3A_1154 {strides = array<i32>} : memref<128x128xf32, #tpu.memory_space<vmem>>, vector<1x16xf32>,
        %get3A_1155 = arith.index_cast %add3A_1140 : i32 to index
        %get3A_1156 = arith.constant 16 : index
        %get3A_1157 = tpu.vector_load %arg17[%get3A_1155, %get3A_1156] {strides = array<i32>} : memref<128x128xf32, #tpu.memory_space<vmem>>, vector<1x16xf32>,
        %get3A_1158 = vector.shape_cast %get3A_1157 : vector<1x16xf32> to vector<16xf32>
        %mul3A_1159 = arith.mulf %get3A_1158, %gather3A_1144 : vector<16xf32>
        %swap3A_1160 = arith.index_cast %add3A_1140 : i32 to index
        %swap3A_1161 = arith.constant 16 : index
        %swap3A_1162 = tpu.vector_load %arg17[%swap3A_1160, %swap3A_1161] {strides = array<i32>} : memref<128x128xf32, #tpu.memory_space<vmem>>, vector<1x16xf32>,
        %swap3A_1163 = vector.shape_cast %swap3A_1162 : vector<1x16xf32> to vector<16xf32>
        %swap3A_1164 = vector.shape_cast %mul3A_1159 : vector<16xf32> to vector<1x16xf32>
        tpu.vector_store %arg17[%swap3A_1160, %swap3A_1161], %swap3A_1164 {strides = array<i32>} : memref<128x128xf32, #tpu.memory_space<vmem>>, vector<1x16xf32>,
        %get3A_1165 = arith.index_cast %add3A_1140 : i32 to index
        %get3A_1166 = arith.constant 32 : index
        %get3A_1167 = tpu.vector_load %arg17[%get3A_1165, %get3A_1166] {strides = array<i32>} : memref<128x128xf32, #tpu.memory_space<vmem>>, vector<1x16xf32>,
        %get3A_1168 = vector.shape_cast %get3A_1167 : vector<1x16xf32> to vector<16xf32>
        %mul3A_1169 = arith.mulf %get3A_1168, %gather3A_1144 : vector<16xf32>
        %swap3A_1170 = arith.index_cast %add3A_1140 : i32 to index
        %swap3A_1171 = arith.constant 32 : index
        %swap3A_1172 = tpu.vector_load %arg17[%swap3A_1170, %swap3A_1171] {strides = array<i32>} : memref<128x128xf32, #tpu.memory_space<vmem>>, vector<1x16xf32>,
        %swap3A_1173 = vector.shape_cast %swap3A_1172 : vector<1x16xf32> to vector<16xf32>
        %swap3A_1174 = vector.shape_cast %mul3A_1169 : vector<16xf32> to vector<1x16xf32>
        tpu.vector_store %arg17[%swap3A_1170, %swap3A_1171], %swap3A_1174 {strides = array<i32>} : memref<128x128xf32, #tpu.memory_space<vmem>>, vector<1x16xf32>,
        %get3A_1175 = arith.index_cast %add3A_1140 : i32 to index
        %get3A_1176 = arith.constant 48 : index
        %get3A_1177 = tpu.vector_load %arg17[%get3A_1175, %get3A_1176] {strides = array<i32>} : memref<128x128xf32, #tpu.memory_space<vmem>>, vector<1x16xf32>,
        %get3A_1178 = vector.shape_cast %get3A_1177 : vector<1x16xf32> to vector<16xf32>
        %mul3A_1179 = arith.mulf %get3A_1178, %gather3A_1144 : vector<16xf32>
        %swap3A_1180 = arith.index_cast %add3A_1140 : i32 to index
        %swap3A_1181 = arith.constant 48 : index
        %swap3A_1182 = tpu.vector_load %arg17[%swap3A_1180, %swap3A_1181] {strides = array<i32>} : memref<128x128xf32, #tpu.memory_space<vmem>>, vector<1x16xf32>,
        %swap3A_1183 = vector.shape_cast %swap3A_1182 : vector<1x16xf32> to vector<16xf32>
        %swap3A_1184 = vector.shape_cast %mul3A_1179 : vector<16xf32> to vector<1x16xf32>
        tpu.vector_store %arg17[%swap3A_1180, %swap3A_1181], %swap3A_1184 {strides = array<i32>} : memref<128x128xf32, #tpu.memory_space<vmem>>, vector<1x16xf32>,
        %get3A_1185 = arith.index_cast %add3A_1140 : i32 to index
        %get3A_1186 = arith.constant 64 : index
        %get3A_1187 = tpu.vector_load %arg17[%get3A_1185, %get3A_1186] {strides = array<i32>} : memref<128x128xf32, #tpu.memory_space<vmem>>, vector<1x16xf32>,
        %get3A_1188 = vector.shape_cast %get3A_1187 : vector<1x16xf32> to vector<16xf32>
        %mul3A_1189 = arith.mulf %get3A_1188, %gather3A_1144 : vector<16xf32>
        %swap3A_1190 = arith.index_cast %add3A_1140 : i32 to index
        %swap3A_1191 = arith.constant 64 : index
        %swap3A_1192 = tpu.vector_load %arg17[%swap3A_1190, %swap3A_1191] {strides = array<i32>} : memref<128x128xf32, #tpu.memory_space<vmem>>, vector<1x16xf32>,
        %swap3A_1193 = vector.shape_cast %swap3A_1192 : vector<1x16xf32> to vector<16xf32>
        %swap3A_1194 = vector.shape_cast %mul3A_1189 : vector<16xf32> to vector<1x16xf32>
        tpu.vector_store %arg17[%swap3A_1190, %swap3A_1191], %swap3A_1194 {strides = array<i32>} : memref<128x128xf32, #tpu.memory_space<vmem>>, vector<1x16xf32>,
        %get3A_1195 = arith.index_cast %add3A_1140 : i32 to index
        %get3A_1196 = arith.constant 80 : index
        %get3A_1197 = tpu.vector_load %arg17[%get3A_1195, %get3A_1196] {strides = array<i32>} : memref<128x128xf32, #tpu.memory_space<vmem>>, vector<1x16xf32>,
        %get3A_1198 = vector.shape_cast %get3A_1197 : vector<1x16xf32> to vector<16xf32>
        %mul3A_1199 = arith.mulf %get3A_1198, %gather3A_1144 : vector<16xf32>
        %swap3A_1200 = arith.index_cast %add3A_1140 : i32 to index
        %swap3A_1201 = arith.constant 80 : index
        %swap3A_1202 = tpu.vector_load %arg17[%swap3A_1200, %swap3A_1201] {strides = array<i32>} : memref<128x128xf32, #tpu.memory_space<vmem>>, vector<1x16xf32>,
        %swap3A_1203 = vector.shape_cast %swap3A_1202 : vector<1x16xf32> to vector<16xf32>
        %swap3A_1204 = vector.shape_cast %mul3A_1199 : vector<16xf32> to vector<1x16xf32>
        tpu.vector_store %arg17[%swap3A_1200, %swap3A_1201], %swap3A_1204 {strides = array<i32>} : memref<128x128xf32, #tpu.memory_space<vmem>>, vector<1x16xf32>,
        %get3A_1205 = arith.index_cast %add3A_1140 : i32 to index
        %get3A_1206 = arith.constant 96 : index
        %get3A_1207 = tpu.vector_load %arg17[%get3A_1205, %get3A_1206] {strides = array<i32>} : memref<128x128xf32, #tpu.memory_space<vmem>>, vector<1x16xf32>,
        %get3A_1208 = vector.shape_cast %get3A_1207 : vector<1x16xf32> to vector<16xf32>
        %mul3A_1209 = arith.mulf %get3A_1208, %gather3A_1144 : vector<16xf32>
        %swap3A_1210 = arith.index_cast %add3A_1140 : i32 to index
        %swap3A_1211 = arith.constant 96 : index
        %swap3A_1212 = tpu.vector_load %arg17[%swap3A_1210, %swap3A_1211] {strides = array<i32>} : memref<128x128xf32, #tpu.memory_space<vmem>>, vector<1x16xf32>,
        %swap3A_1213 = vector.shape_cast %swap3A_1212 : vector<1x16xf32> to vector<16xf32>
        %swap3A_1214 = vector.shape_cast %mul3A_1209 : vector<16xf32> to vector<1x16xf32>
        tpu.vector_store %arg17[%swap3A_1210, %swap3A_1211], %swap3A_1214 {strides = array<i32>} : memref<128x128xf32, #tpu.memory_space<vmem>>, vector<1x16xf32>,
        %get3A_1215 = arith.index_cast %add3A_1140 : i32 to index
        %get3A_1216 = arith.constant 112 : index
        %get3A_1217 = tpu.vector_load %arg17[%get3A_1215, %get3A_1216] {strides = array<i32>} : memref<128x128xf32, #tpu.memory_space<vmem>>, vector<1x16xf32>,
        %get3A_1218 = vector.shape_cast %get3A_1217 : vector<1x16xf32> to vector<16xf32>
        %mul3A_1219 = arith.mulf %get3A_1218, %gather3A_1144 : vector<16xf32>
        %swap3A_1220 = arith.index_cast %add3A_1140 : i32 to index
        %swap3A_1221 = arith.constant 112 : index
        %swap3A_1222 = tpu.vector_load %arg17[%swap3A_1220, %swap3A_1221] {strides = array<i32>} : memref<128x128xf32, #tpu.memory_space<vmem>>, vector<1x16xf32>,
        %swap3A_1223 = vector.shape_cast %swap3A_1222 : vector<1x16xf32> to vector<16xf32>
        %swap3A_1224 = vector.shape_cast %mul3A_1219 : vector<16xf32> to vector<1x16xf32>
        tpu.vector_store %arg17[%swap3A_1220, %swap3A_1221], %swap3A_1224 {strides = array<i32>} : memref<128x128xf32, #tpu.memory_space<vmem>>, vector<1x16xf32>,
        %add3A_1225 = arith.constant 12 : i32
        %add3A_1226 = arith.addi %mul3A_192, %add3A_1225 : i32
        %broadcast_in_dim3A_1227 = arith.constant 12 : i32
        %broadcast_in_dim3A_1228 = vector.broadcast %broadcast_in_dim3A_1227 : i32 to vector<16x1xi32>
        %gather3A_1229 = vector.shape_cast %broadcast_in_dim3A_1228 : vector<16x1xi32> to vector<16xi32>
        %gather3A_1230 = tpu.dynamic_gather %get3A_194[%gather3A_1229] in [0] : vector<16xf32>, vector<16xi32> -> vector<16xf32>
        %get3A_1231 = arith.index_cast %add3A_1226 : i32 to index
        %get3A_1232 = arith.constant 0 : index
        %get3A_1233 = tpu.vector_load %arg17[%get3A_1231, %get3A_1232] {strides = array<i32>} : memref<128x128xf32, #tpu.memory_space<vmem>>, vector<1x16xf32>,
        %get3A_1234 = vector.shape_cast %get3A_1233 : vector<1x16xf32> to vector<16xf32>
        %mul3A_1235 = arith.mulf %get3A_1234, %gather3A_1230 : vector<16xf32>
        %swap3A_1236 = arith.index_cast %add3A_1226 : i32 to index
        %swap3A_1237 = arith.constant 0 : index
        %swap3A_1238 = tpu.vector_load %arg17[%swap3A_1236, %swap3A_1237] {strides = array<i32>} : memref<128x128xf32, #tpu.memory_space<vmem>>, vector<1x16xf32>,
        %swap3A_1239 = vector.shape_cast %swap3A_1238 : vector<1x16xf32> to vector<16xf32>
        %swap3A_1240 = vector.shape_cast %mul3A_1235 : vector<16xf32> to vector<1x16xf32>
        tpu.vector_store %arg17[%swap3A_1236, %swap3A_1237], %swap3A_1240 {strides = array<i32>} : memref<128x128xf32, #tpu.memory_space<vmem>>, vector<1x16xf32>,
        %get3A_1241 = arith.index_cast %add3A_1226 : i32 to index
        %get3A_1242 = arith.constant 16 : index
        %get3A_1243 = tpu.vector_load %arg17[%get3A_1241, %get3A_1242] {strides = array<i32>} : memref<128x128xf32, #tpu.memory_space<vmem>>, vector<1x16xf32>,
        %get3A_1244 = vector.shape_cast %get3A_1243 : vector<1x16xf32> to vector<16xf32>
        %mul3A_1245 = arith.mulf %get3A_1244, %gather3A_1230 : vector<16xf32>
        %swap3A_1246 = arith.index_cast %add3A_1226 : i32 to index
        %swap3A_1247 = arith.constant 16 : index
        %swap3A_1248 = tpu.vector_load %arg17[%swap3A_1246, %swap3A_1247] {strides = array<i32>} : memref<128x128xf32, #tpu.memory_space<vmem>>, vector<1x16xf32>,
        %swap3A_1249 = vector.shape_cast %swap3A_1248 : vector<1x16xf32> to vector<16xf32>
        %swap3A_1250 = vector.shape_cast %mul3A_1245 : vector<16xf32> to vector<1x16xf32>
        tpu.vector_store %arg17[%swap3A_1246, %swap3A_1247], %swap3A_1250 {strides = array<i32>} : memref<128x128xf32, #tpu.memory_space<vmem>>, vector<1x16xf32>,
        %get3A_1251 = arith.index_cast %add3A_1226 : i32 to index
        %get3A_1252 = arith.constant 32 : index
        %get3A_1253 = tpu.vector_load %arg17[%get3A_1251, %get3A_1252] {strides = array<i32>} : memref<128x128xf32, #tpu.memory_space<vmem>>, vector<1x16xf32>,
        %get3A_1254 = vector.shape_cast %get3A_1253 : vector<1x16xf32> to vector<16xf32>
        %mul3A_1255 = arith.mulf %get3A_1254, %gather3A_1230 : vector<16xf32>
        %swap3A_1256 = arith.index_cast %add3A_1226 : i32 to index
        %swap3A_1257 = arith.constant 32 : index
        %swap3A_1258 = tpu.vector_load %arg17[%swap3A_1256, %swap3A_1257] {strides = array<i32>} : memref<128x128xf32, #tpu.memory_space<vmem>>, vector<1x16xf32>,
        %swap3A_1259 = vector.shape_cast %swap3A_1258 : vector<1x16xf32> to vector<16xf32>
        %swap3A_1260 = vector.shape_cast %mul3A_1255 : vector<16xf32> to vector<1x16xf32>
        tpu.vector_store %arg17[%swap3A_1256, %swap3A_1257], %swap3A_1260 {strides = array<i32>} : memref<128x128xf32, #tpu.memory_space<vmem>>, vector<1x16xf32>,
        %get3A_1261 = arith.index_cast %add3A_1226 : i32 to index
        %get3A_1262 = arith.constant 48 : index
        %get3A_1263 = tpu.vector_load %arg17[%get3A_1261, %get3A_1262] {strides = array<i32>} : memref<128x128xf32, #tpu.memory_space<vmem>>, vector<1x16xf32>,
        %get3A_1264 = vector.shape_cast %get3A_1263 : vector<1x16xf32> to vector<16xf32>
        %mul3A_1265 = arith.mulf %get3A_1264, %gather3A_1230 : vector<16xf32>
        %swap3A_1266 = arith.index_cast %add3A_1226 : i32 to index
        %swap3A_1267 = arith.constant 48 : index
        %swap3A_1268 = tpu.vector_load %arg17[%swap3A_1266, %swap3A_1267] {strides = array<i32>} : memref<128x128xf32, #tpu.memory_space<vmem>>, vector<1x16xf32>,
        %swap3A_1269 = vector.shape_cast %swap3A_1268 : vector<1x16xf32> to vector<16xf32>
        %swap3A_1270 = vector.shape_cast %mul3A_1265 : vector<16xf32> to vector<1x16xf32>
        tpu.vector_store %arg17[%swap3A_1266, %swap3A_1267], %swap3A_1270 {strides = array<i32>} : memref<128x128xf32, #tpu.memory_space<vmem>>, vector<1x16xf32>,
        %get3A_1271 = arith.index_cast %add3A_1226 : i32 to index
        %get3A_1272 = arith.constant 64 : index
        %get3A_1273 = tpu.vector_load %arg17[%get3A_1271, %get3A_1272] {strides = array<i32>} : memref<128x128xf32, #tpu.memory_space<vmem>>, vector<1x16xf32>,
        %get3A_1274 = vector.shape_cast %get3A_1273 : vector<1x16xf32> to vector<16xf32>
        %mul3A_1275 = arith.mulf %get3A_1274, %gather3A_1230 : vector<16xf32>
        %swap3A_1276 = arith.index_cast %add3A_1226 : i32 to index
        %swap3A_1277 = arith.constant 64 : index
        %swap3A_1278 = tpu.vector_load %arg17[%swap3A_1276, %swap3A_1277] {strides = array<i32>} : memref<128x128xf32, #tpu.memory_space<vmem>>, vector<1x16xf32>,
        %swap3A_1279 = vector.shape_cast %swap3A_1278 : vector<1x16xf32> to vector<16xf32>
        %swap3A_1280 = vector.shape_cast %mul3A_1275 : vector<16xf32> to vector<1x16xf32>
        tpu.vector_store %arg17[%swap3A_1276, %swap3A_1277], %swap3A_1280 {strides = array<i32>} : memref<128x128xf32, #tpu.memory_space<vmem>>, vector<1x16xf32>,
        %get3A_1281 = arith.index_cast %add3A_1226 : i32 to index
        %get3A_1282 = arith.constant 80 : index
        %get3A_1283 = tpu.vector_load %arg17[%get3A_1281, %get3A_1282] {strides = array<i32>} : memref<128x128xf32, #tpu.memory_space<vmem>>, vector<1x16xf32>,
        %get3A_1284 = vector.shape_cast %get3A_1283 : vector<1x16xf32> to vector<16xf32>
        %mul3A_1285 = arith.mulf %get3A_1284, %gather3A_1230 : vector<16xf32>
        %swap3A_1286 = arith.index_cast %add3A_1226 : i32 to index
        %swap3A_1287 = arith.constant 80 : index
        %swap3A_1288 = tpu.vector_load %arg17[%swap3A_1286, %swap3A_1287] {strides = array<i32>} : memref<128x128xf32, #tpu.memory_space<vmem>>, vector<1x16xf32>,
        %swap3A_1289 = vector.shape_cast %swap3A_1288 : vector<1x16xf32> to vector<16xf32>
        %swap3A_1290 = vector.shape_cast %mul3A_1285 : vector<16xf32> to vector<1x16xf32>
        tpu.vector_store %arg17[%swap3A_1286, %swap3A_1287], %swap3A_1290 {strides = array<i32>} : memref<128x128xf32, #tpu.memory_space<vmem>>, vector<1x16xf32>,
        %get3A_1291 = arith.index_cast %add3A_1226 : i32 to index
        %get3A_1292 = arith.constant 96 : index
        %get3A_1293 = tpu.vector_load %arg17[%get3A_1291, %get3A_1292] {strides = array<i32>} : memref<128x128xf32, #tpu.memory_space<vmem>>, vector<1x16xf32>,
        %get3A_1294 = vector.shape_cast %get3A_1293 : vector<1x16xf32> to vector<16xf32>
        %mul3A_1295 = arith.mulf %get3A_1294, %gather3A_1230 : vector<16xf32>
        %swap3A_1296 = arith.index_cast %add3A_1226 : i32 to index
        %swap3A_1297 = arith.constant 96 : index
        %swap3A_1298 = tpu.vector_load %arg17[%swap3A_1296, %swap3A_1297] {strides = array<i32>} : memref<128x128xf32, #tpu.memory_space<vmem>>, vector<1x16xf32>,
        %swap3A_1299 = vector.shape_cast %swap3A_1298 : vector<1x16xf32> to vector<16xf32>
        %swap3A_1300 = vector.shape_cast %mul3A_1295 : vector<16xf32> to vector<1x16xf32>
        tpu.vector_store %arg17[%swap3A_1296, %swap3A_1297], %swap3A_1300 {strides = array<i32>} : memref<128x128xf32, #tpu.memory_space<vmem>>, vector<1x16xf32>,
        %get3A_1301 = arith.index_cast %add3A_1226 : i32 to index
        %get3A_1302 = arith.constant 112 : index
        %get3A_1303 = tpu.vector_load %arg17[%get3A_1301, %get3A_1302] {strides = array<i32>} : memref<128x128xf32, #tpu.memory_space<vmem>>, vector<1x16xf32>,
        %get3A_1304 = vector.shape_cast %get3A_1303 : vector<1x16xf32> to vector<16xf32>
        %mul3A_1305 = arith.mulf %get3A_1304, %gather3A_1230 : vector<16xf32>
        %swap3A_1306 = arith.index_cast %add3A_1226 : i32 to index
        %swap3A_1307 = arith.constant 112 : index
        %swap3A_1308 = tpu.vector_load %arg17[%swap3A_1306, %swap3A_1307] {strides = array<i32>} : memref<128x128xf32, #tpu.memory_space<vmem>>, vector<1x16xf32>,
        %swap3A_1309 = vector.shape_cast %swap3A_1308 : vector<1x16xf32> to vector<16xf32>
        %swap3A_1310 = vector.shape_cast %mul3A_1305 : vector<16xf32> to vector<1x16xf32>
        tpu.vector_store %arg17[%swap3A_1306, %swap3A_1307], %swap3A_1310 {strides = array<i32>} : memref<128x128xf32, #tpu.memory_space<vmem>>, vector<1x16xf32>,
        %add3A_1311 = arith.constant 13 : i32
        %add3A_1312 = arith.addi %mul3A_192, %add3A_1311 : i32
        %broadcast_in_dim3A_1313 = arith.constant 13 : i32
        %broadcast_in_dim3A_1314 = vector.broadcast %broadcast_in_dim3A_1313 : i32 to vector<16x1xi32>
        %gather3A_1315 = vector.shape_cast %broadcast_in_dim3A_1314 : vector<16x1xi32> to vector<16xi32>
        %gather3A_1316 = tpu.dynamic_gather %get3A_194[%gather3A_1315] in [0] : vector<16xf32>, vector<16xi32> -> vector<16xf32>
        %get3A_1317 = arith.index_cast %add3A_1312 : i32 to index
        %get3A_1318 = arith.constant 0 : index
        %get3A_1319 = tpu.vector_load %arg17[%get3A_1317, %get3A_1318] {strides = array<i32>} : memref<128x128xf32, #tpu.memory_space<vmem>>, vector<1x16xf32>,
        %get3A_1320 = vector.shape_cast %get3A_1319 : vector<1x16xf32> to vector<16xf32>
        %mul3A_1321 = arith.mulf %get3A_1320, %gather3A_1316 : vector<16xf32>
        %swap3A_1322 = arith.index_cast %add3A_1312 : i32 to index
        %swap3A_1323 = arith.constant 0 : index
        %swap3A_1324 = tpu.vector_load %arg17[%swap3A_1322, %swap3A_1323] {strides = array<i32>} : memref<128x128xf32, #tpu.memory_space<vmem>>, vector<1x16xf32>,
        %swap3A_1325 = vector.shape_cast %swap3A_1324 : vector<1x16xf32> to vector<16xf32>
        %swap3A_1326 = vector.shape_cast %mul3A_1321 : vector<16xf32> to vector<1x16xf32>
        tpu.vector_store %arg17[%swap3A_1322, %swap3A_1323], %swap3A_1326 {strides = array<i32>} : memref<128x128xf32, #tpu.memory_space<vmem>>, vector<1x16xf32>,
        %get3A_1327 = arith.index_cast %add3A_1312 : i32 to index
        %get3A_1328 = arith.constant 16 : index
        %get3A_1329 = tpu.vector_load %arg17[%get3A_1327, %get3A_1328] {strides = array<i32>} : memref<128x128xf32, #tpu.memory_space<vmem>>, vector<1x16xf32>,
        %get3A_1330 = vector.shape_cast %get3A_1329 : vector<1x16xf32> to vector<16xf32>
        %mul3A_1331 = arith.mulf %get3A_1330, %gather3A_1316 : vector<16xf32>
        %swap3A_1332 = arith.index_cast %add3A_1312 : i32 to index
        %swap3A_1333 = arith.constant 16 : index
        %swap3A_1334 = tpu.vector_load %arg17[%swap3A_1332, %swap3A_1333] {strides = array<i32>} : memref<128x128xf32, #tpu.memory_space<vmem>>, vector<1x16xf32>,
        %swap3A_1335 = vector.shape_cast %swap3A_1334 : vector<1x16xf32> to vector<16xf32>
        %swap3A_1336 = vector.shape_cast %mul3A_1331 : vector<16xf32> to vector<1x16xf32>
        tpu.vector_store %arg17[%swap3A_1332, %swap3A_1333], %swap3A_1336 {strides = array<i32>} : memref<128x128xf32, #tpu.memory_space<vmem>>, vector<1x16xf32>,
        %get3A_1337 = arith.index_cast %add3A_1312 : i32 to index
        %get3A_1338 = arith.constant 32 : index
        %get3A_1339 = tpu.vector_load %arg17[%get3A_1337, %get3A_1338] {strides = array<i32>} : memref<128x128xf32, #tpu.memory_space<vmem>>, vector<1x16xf32>,
        %get3A_1340 = vector.shape_cast %get3A_1339 : vector<1x16xf32> to vector<16xf32>
        %mul3A_1341 = arith.mulf %get3A_1340, %gather3A_1316 : vector<16xf32>
        %swap3A_1342 = arith.index_cast %add3A_1312 : i32 to index
        %swap3A_1343 = arith.constant 32 : index
        %swap3A_1344 = tpu.vector_load %arg17[%swap3A_1342, %swap3A_1343] {strides = array<i32>} : memref<128x128xf32, #tpu.memory_space<vmem>>, vector<1x16xf32>,
        %swap3A_1345 = vector.shape_cast %swap3A_1344 : vector<1x16xf32> to vector<16xf32>
        %swap3A_1346 = vector.shape_cast %mul3A_1341 : vector<16xf32> to vector<1x16xf32>
        tpu.vector_store %arg17[%swap3A_1342, %swap3A_1343], %swap3A_1346 {strides = array<i32>} : memref<128x128xf32, #tpu.memory_space<vmem>>, vector<1x16xf32>,
        %get3A_1347 = arith.index_cast %add3A_1312 : i32 to index
        %get3A_1348 = arith.constant 48 : index
        %get3A_1349 = tpu.vector_load %arg17[%get3A_1347, %get3A_1348] {strides = array<i32>} : memref<128x128xf32, #tpu.memory_space<vmem>>, vector<1x16xf32>,
        %get3A_1350 = vector.shape_cast %get3A_1349 : vector<1x16xf32> to vector<16xf32>
        %mul3A_1351 = arith.mulf %get3A_1350, %gather3A_1316 : vector<16xf32>
        %swap3A_1352 = arith.index_cast %add3A_1312 : i32 to index
        %swap3A_1353 = arith.constant 48 : index
        %swap3A_1354 = tpu.vector_load %arg17[%swap3A_1352, %swap3A_1353] {strides = array<i32>} : memref<128x128xf32, #tpu.memory_space<vmem>>, vector<1x16xf32>,
        %swap3A_1355 = vector.shape_cast %swap3A_1354 : vector<1x16xf32> to vector<16xf32>
        %swap3A_1356 = vector.shape_cast %mul3A_1351 : vector<16xf32> to vector<1x16xf32>
        tpu.vector_store %arg17[%swap3A_1352, %swap3A_1353], %swap3A_1356 {strides = array<i32>} : memref<128x128xf32, #tpu.memory_space<vmem>>, vector<1x16xf32>,
        %get3A_1357 = arith.index_cast %add3A_1312 : i32 to index
        %get3A_1358 = arith.constant 64 : index
        %get3A_1359 = tpu.vector_load %arg17[%get3A_1357, %get3A_1358] {strides = array<i32>} : memref<128x128xf32, #tpu.memory_space<vmem>>, vector<1x16xf32>,
        %get3A_1360 = vector.shape_cast %get3A_1359 : vector<1x16xf32> to vector<16xf32>
        %mul3A_1361 = arith.mulf %get3A_1360, %gather3A_1316 : vector<16xf32>
        %swap3A_1362 = arith.index_cast %add3A_1312 : i32 to index
        %swap3A_1363 = arith.constant 64 : index
        %swap3A_1364 = tpu.vector_load %arg17[%swap3A_1362, %swap3A_1363] {strides = array<i32>} : memref<128x128xf32, #tpu.memory_space<vmem>>, vector<1x16xf32>,
        %swap3A_1365 = vector.shape_cast %swap3A_1364 : vector<1x16xf32> to vector<16xf32>
        %swap3A_1366 = vector.shape_cast %mul3A_1361 : vector<16xf32> to vector<1x16xf32>
        tpu.vector_store %arg17[%swap3A_1362, %swap3A_1363], %swap3A_1366 {strides = array<i32>} : memref<128x128xf32, #tpu.memory_space<vmem>>, vector<1x16xf32>,
        %get3A_1367 = arith.index_cast %add3A_1312 : i32 to index
        %get3A_1368 = arith.constant 80 : index
        %get3A_1369 = tpu.vector_load %arg17[%get3A_1367, %get3A_1368] {strides = array<i32>} : memref<128x128xf32, #tpu.memory_space<vmem>>, vector<1x16xf32>,
        %get3A_1370 = vector.shape_cast %get3A_1369 : vector<1x16xf32> to vector<16xf32>
        %mul3A_1371 = arith.mulf %get3A_1370, %gather3A_1316 : vector<16xf32>
        %swap3A_1372 = arith.index_cast %add3A_1312 : i32 to index
        %swap3A_1373 = arith.constant 80 : index
        %swap3A_1374 = tpu.vector_load %arg17[%swap3A_1372, %swap3A_1373] {strides = array<i32>} : memref<128x128xf32, #tpu.memory_space<vmem>>, vector<1x16xf32>,
        %swap3A_1375 = vector.shape_cast %swap3A_1374 : vector<1x16xf32> to vector<16xf32>
        %swap3A_1376 = vector.shape_cast %mul3A_1371 : vector<16xf32> to vector<1x16xf32>
        tpu.vector_store %arg17[%swap3A_1372, %swap3A_1373], %swap3A_1376 {strides = array<i32>} : memref<128x128xf32, #tpu.memory_space<vmem>>, vector<1x16xf32>,
        %get3A_1377 = arith.index_cast %add3A_1312 : i32 to index
        %get3A_1378 = arith.constant 96 : index
        %get3A_1379 = tpu.vector_load %arg17[%get3A_1377, %get3A_1378] {strides = array<i32>} : memref<128x128xf32, #tpu.memory_space<vmem>>, vector<1x16xf32>,
        %get3A_1380 = vector.shape_cast %get3A_1379 : vector<1x16xf32> to vector<16xf32>
        %mul3A_1381 = arith.mulf %get3A_1380, %gather3A_1316 : vector<16xf32>
        %swap3A_1382 = arith.index_cast %add3A_1312 : i32 to index
        %swap3A_1383 = arith.constant 96 : index
        %swap3A_1384 = tpu.vector_load %arg17[%swap3A_1382, %swap3A_1383] {strides = array<i32>} : memref<128x128xf32, #tpu.memory_space<vmem>>, vector<1x16xf32>,
        %swap3A_1385 = vector.shape_cast %swap3A_1384 : vector<1x16xf32> to vector<16xf32>
        %swap3A_1386 = vector.shape_cast %mul3A_1381 : vector<16xf32> to vector<1x16xf32>
        tpu.vector_store %arg17[%swap3A_1382, %swap3A_1383], %swap3A_1386 {strides = array<i32>} : memref<128x128xf32, #tpu.memory_space<vmem>>, vector<1x16xf32>,
        %get3A_1387 = arith.index_cast %add3A_1312 : i32 to index
        %get3A_1388 = arith.constant 112 : index
        %get3A_1389 = tpu.vector_load %arg17[%get3A_1387, %get3A_1388] {strides = array<i32>} : memref<128x128xf32, #tpu.memory_space<vmem>>, vector<1x16xf32>,
        %get3A_1390 = vector.shape_cast %get3A_1389 : vector<1x16xf32> to vector<16xf32>
        %mul3A_1391 = arith.mulf %get3A_1390, %gather3A_1316 : vector<16xf32>
        %swap3A_1392 = arith.index_cast %add3A_1312 : i32 to index
        %swap3A_1393 = arith.constant 112 : index
        %swap3A_1394 = tpu.vector_load %arg17[%swap3A_1392, %swap3A_1393] {strides = array<i32>} : memref<128x128xf32, #tpu.memory_space<vmem>>, vector<1x16xf32>,
        %swap3A_1395 = vector.shape_cast %swap3A_1394 : vector<1x16xf32> to vector<16xf32>
        %swap3A_1396 = vector.shape_cast %mul3A_1391 : vector<16xf32> to vector<1x16xf32>
        tpu.vector_store %arg17[%swap3A_1392, %swap3A_1393], %swap3A_1396 {strides = array<i32>} : memref<128x128xf32, #tpu.memory_space<vmem>>, vector<1x16xf32>,
        %add3A_1397 = arith.constant 14 : i32
        %add3A_1398 = arith.addi %mul3A_192, %add3A_1397 : i32
        %broadcast_in_dim3A_1399 = arith.constant 14 : i32
        %broadcast_in_dim3A_1400 = vector.broadcast %broadcast_in_dim3A_1399 : i32 to vector<16x1xi32>
        %gather3A_1401 = vector.shape_cast %broadcast_in_dim3A_1400 : vector<16x1xi32> to vector<16xi32>
        %gather3A_1402 = tpu.dynamic_gather %get3A_194[%gather3A_1401] in [0] : vector<16xf32>, vector<16xi32> -> vector<16xf32>
        %get3A_1403 = arith.index_cast %add3A_1398 : i32 to index
        %get3A_1404 = arith.constant 0 : index
        %get3A_1405 = tpu.vector_load %arg17[%get3A_1403, %get3A_1404] {strides = array<i32>} : memref<128x128xf32, #tpu.memory_space<vmem>>, vector<1x16xf32>,
        %get3A_1406 = vector.shape_cast %get3A_1405 : vector<1x16xf32> to vector<16xf32>
        %mul3A_1407 = arith.mulf %get3A_1406, %gather3A_1402 : vector<16xf32>
        %swap3A_1408 = arith.index_cast %add3A_1398 : i32 to index
        %swap3A_1409 = arith.constant 0 : index
        %swap3A_1410 = tpu.vector_load %arg17[%swap3A_1408, %swap3A_1409] {strides = array<i32>} : memref<128x128xf32, #tpu.memory_space<vmem>>, vector<1x16xf32>,
        %swap3A_1411 = vector.shape_cast %swap3A_1410 : vector<1x16xf32> to vector<16xf32>
        %swap3A_1412 = vector.shape_cast %mul3A_1407 : vector<16xf32> to vector<1x16xf32>
        tpu.vector_store %arg17[%swap3A_1408, %swap3A_1409], %swap3A_1412 {strides = array<i32>} : memref<128x128xf32, #tpu.memory_space<vmem>>, vector<1x16xf32>,
        %get3A_1413 = arith.index_cast %add3A_1398 : i32 to index
        %get3A_1414 = arith.constant 16 : index
        %get3A_1415 = tpu.vector_load %arg17[%get3A_1413, %get3A_1414] {strides = array<i32>} : memref<128x128xf32, #tpu.memory_space<vmem>>, vector<1x16xf32>,
        %get3A_1416 = vector.shape_cast %get3A_1415 : vector<1x16xf32> to vector<16xf32>
        %mul3A_1417 = arith.mulf %get3A_1416, %gather3A_1402 : vector<16xf32>
        %swap3A_1418 = arith.index_cast %add3A_1398 : i32 to index
        %swap3A_1419 = arith.constant 16 : index
        %swap3A_1420 = tpu.vector_load %arg17[%swap3A_1418, %swap3A_1419] {strides = array<i32>} : memref<128x128xf32, #tpu.memory_space<vmem>>, vector<1x16xf32>,
        %swap3A_1421 = vector.shape_cast %swap3A_1420 : vector<1x16xf32> to vector<16xf32>
        %swap3A_1422 = vector.shape_cast %mul3A_1417 : vector<16xf32> to vector<1x16xf32>
        tpu.vector_store %arg17[%swap3A_1418, %swap3A_1419], %swap3A_1422 {strides = array<i32>} : memref<128x128xf32, #tpu.memory_space<vmem>>, vector<1x16xf32>,
        %get3A_1423 = arith.index_cast %add3A_1398 : i32 to index
        %get3A_1424 = arith.constant 32 : index
        %get3A_1425 = tpu.vector_load %arg17[%get3A_1423, %get3A_1424] {strides = array<i32>} : memref<128x128xf32, #tpu.memory_space<vmem>>, vector<1x16xf32>,
        %get3A_1426 = vector.shape_cast %get3A_1425 : vector<1x16xf32> to vector<16xf32>
        %mul3A_1427 = arith.mulf %get3A_1426, %gather3A_1402 : vector<16xf32>
        %swap3A_1428 = arith.index_cast %add3A_1398 : i32 to index
        %swap3A_1429 = arith.constant 32 : index
        %swap3A_1430 = tpu.vector_load %arg17[%swap3A_1428, %swap3A_1429] {strides = array<i32>} : memref<128x128xf32, #tpu.memory_space<vmem>>, vector<1x16xf32>,
        %swap3A_1431 = vector.shape_cast %swap3A_1430 : vector<1x16xf32> to vector<16xf32>
        %swap3A_1432 = vector.shape_cast %mul3A_1427 : vector<16xf32> to vector<1x16xf32>
        tpu.vector_store %arg17[%swap3A_1428, %swap3A_1429], %swap3A_1432 {strides = array<i32>} : memref<128x128xf32, #tpu.memory_space<vmem>>, vector<1x16xf32>,
        %get3A_1433 = arith.index_cast %add3A_1398 : i32 to index
        %get3A_1434 = arith.constant 48 : index
        %get3A_1435 = tpu.vector_load %arg17[%get3A_1433, %get3A_1434] {strides = array<i32>} : memref<128x128xf32, #tpu.memory_space<vmem>>, vector<1x16xf32>,
        %get3A_1436 = vector.shape_cast %get3A_1435 : vector<1x16xf32> to vector<16xf32>
        %mul3A_1437 = arith.mulf %get3A_1436, %gather3A_1402 : vector<16xf32>
        %swap3A_1438 = arith.index_cast %add3A_1398 : i32 to index
        %swap3A_1439 = arith.constant 48 : index
        %swap3A_1440 = tpu.vector_load %arg17[%swap3A_1438, %swap3A_1439] {strides = array<i32>} : memref<128x128xf32, #tpu.memory_space<vmem>>, vector<1x16xf32>,
        %swap3A_1441 = vector.shape_cast %swap3A_1440 : vector<1x16xf32> to vector<16xf32>
        %swap3A_1442 = vector.shape_cast %mul3A_1437 : vector<16xf32> to vector<1x16xf32>
        tpu.vector_store %arg17[%swap3A_1438, %swap3A_1439], %swap3A_1442 {strides = array<i32>} : memref<128x128xf32, #tpu.memory_space<vmem>>, vector<1x16xf32>,
        %get3A_1443 = arith.index_cast %add3A_1398 : i32 to index
        %get3A_1444 = arith.constant 64 : index
        %get3A_1445 = tpu.vector_load %arg17[%get3A_1443, %get3A_1444] {strides = array<i32>} : memref<128x128xf32, #tpu.memory_space<vmem>>, vector<1x16xf32>,
        %get3A_1446 = vector.shape_cast %get3A_1445 : vector<1x16xf32> to vector<16xf32>
        %mul3A_1447 = arith.mulf %get3A_1446, %gather3A_1402 : vector<16xf32>
        %swap3A_1448 = arith.index_cast %add3A_1398 : i32 to index
        %swap3A_1449 = arith.constant 64 : index
        %swap3A_1450 = tpu.vector_load %arg17[%swap3A_1448, %swap3A_1449] {strides = array<i32>} : memref<128x128xf32, #tpu.memory_space<vmem>>, vector<1x16xf32>,
        %swap3A_1451 = vector.shape_cast %swap3A_1450 : vector<1x16xf32> to vector<16xf32>
        %swap3A_1452 = vector.shape_cast %mul3A_1447 : vector<16xf32> to vector<1x16xf32>
        tpu.vector_store %arg17[%swap3A_1448, %swap3A_1449], %swap3A_1452 {strides = array<i32>} : memref<128x128xf32, #tpu.memory_space<vmem>>, vector<1x16xf32>,
        %get3A_1453 = arith.index_cast %add3A_1398 : i32 to index
        %get3A_1454 = arith.constant 80 : index
        %get3A_1455 = tpu.vector_load %arg17[%get3A_1453, %get3A_1454] {strides = array<i32>} : memref<128x128xf32, #tpu.memory_space<vmem>>, vector<1x16xf32>,
        %get3A_1456 = vector.shape_cast %get3A_1455 : vector<1x16xf32> to vector<16xf32>
        %mul3A_1457 = arith.mulf %get3A_1456, %gather3A_1402 : vector<16xf32>
        %swap3A_1458 = arith.index_cast %add3A_1398 : i32 to index
        %swap3A_1459 = arith.constant 80 : index
        %swap3A_1460 = tpu.vector_load %arg17[%swap3A_1458, %swap3A_1459] {strides = array<i32>} : memref<128x128xf32, #tpu.memory_space<vmem>>, vector<1x16xf32>,
        %swap3A_1461 = vector.shape_cast %swap3A_1460 : vector<1x16xf32> to vector<16xf32>
        %swap3A_1462 = vector.shape_cast %mul3A_1457 : vector<16xf32> to vector<1x16xf32>
        tpu.vector_store %arg17[%swap3A_1458, %swap3A_1459], %swap3A_1462 {strides = array<i32>} : memref<128x128xf32, #tpu.memory_space<vmem>>, vector<1x16xf32>,
        %get3A_1463 = arith.index_cast %add3A_1398 : i32 to index
        %get3A_1464 = arith.constant 96 : index
        %get3A_1465 = tpu.vector_load %arg17[%get3A_1463, %get3A_1464] {strides = array<i32>} : memref<128x128xf32, #tpu.memory_space<vmem>>, vector<1x16xf32>,
        %get3A_1466 = vector.shape_cast %get3A_1465 : vector<1x16xf32> to vector<16xf32>
        %mul3A_1467 = arith.mulf %get3A_1466, %gather3A_1402 : vector<16xf32>
        %swap3A_1468 = arith.index_cast %add3A_1398 : i32 to index
        %swap3A_1469 = arith.constant 96 : index
        %swap3A_1470 = tpu.vector_load %arg17[%swap3A_1468, %swap3A_1469] {strides = array<i32>} : memref<128x128xf32, #tpu.memory_space<vmem>>, vector<1x16xf32>,
        %swap3A_1471 = vector.shape_cast %swap3A_1470 : vector<1x16xf32> to vector<16xf32>
        %swap3A_1472 = vector.shape_cast %mul3A_1467 : vector<16xf32> to vector<1x16xf32>
        tpu.vector_store %arg17[%swap3A_1468, %swap3A_1469], %swap3A_1472 {strides = array<i32>} : memref<128x128xf32, #tpu.memory_space<vmem>>, vector<1x16xf32>,
        %get3A_1473 = arith.index_cast %add3A_1398 : i32 to index
        %get3A_1474 = arith.constant 112 : index
        %get3A_1475 = tpu.vector_load %arg17[%get3A_1473, %get3A_1474] {strides = array<i32>} : memref<128x128xf32, #tpu.memory_space<vmem>>, vector<1x16xf32>,
        %get3A_1476 = vector.shape_cast %get3A_1475 : vector<1x16xf32> to vector<16xf32>
        %mul3A_1477 = arith.mulf %get3A_1476, %gather3A_1402 : vector<16xf32>
        %swap3A_1478 = arith.index_cast %add3A_1398 : i32 to index
        %swap3A_1479 = arith.constant 112 : index
        %swap3A_1480 = tpu.vector_load %arg17[%swap3A_1478, %swap3A_1479] {strides = array<i32>} : memref<128x128xf32, #tpu.memory_space<vmem>>, vector<1x16xf32>,
        %swap3A_1481 = vector.shape_cast %swap3A_1480 : vector<1x16xf32> to vector<16xf32>
        %swap3A_1482 = vector.shape_cast %mul3A_1477 : vector<16xf32> to vector<1x16xf32>
        tpu.vector_store %arg17[%swap3A_1478, %swap3A_1479], %swap3A_1482 {strides = array<i32>} : memref<128x128xf32, #tpu.memory_space<vmem>>, vector<1x16xf32>,
        %add3A_1483 = arith.constant 15 : i32
        %add3A_1484 = arith.addi %mul3A_192, %add3A_1483 : i32
        %broadcast_in_dim3A_1485 = arith.constant 15 : i32
        %broadcast_in_dim3A_1486 = vector.broadcast %broadcast_in_dim3A_1485 : i32 to vector<16x1xi32>
        %gather3A_1487 = vector.shape_cast %broadcast_in_dim3A_1486 : vector<16x1xi32> to vector<16xi32>
        %gather3A_1488 = tpu.dynamic_gather %get3A_194[%gather3A_1487] in [0] : vector<16xf32>, vector<16xi32> -> vector<16xf32>
        %get3A_1489 = arith.index_cast %add3A_1484 : i32 to index
        %get3A_1490 = arith.constant 0 : index
        %get3A_1491 = tpu.vector_load %arg17[%get3A_1489, %get3A_1490] {strides = array<i32>} : memref<128x128xf32, #tpu.memory_space<vmem>>, vector<1x16xf32>,
        %get3A_1492 = vector.shape_cast %get3A_1491 : vector<1x16xf32> to vector<16xf32>
        %mul3A_1493 = arith.mulf %get3A_1492, %gather3A_1488 : vector<16xf32>
        %swap3A_1494 = arith.index_cast %add3A_1484 : i32 to index
        %swap3A_1495 = arith.constant 0 : index
        %swap3A_1496 = tpu.vector_load %arg17[%swap3A_1494, %swap3A_1495] {strides = array<i32>} : memref<128x128xf32, #tpu.memory_space<vmem>>, vector<1x16xf32>,
        %swap3A_1497 = vector.shape_cast %swap3A_1496 : vector<1x16xf32> to vector<16xf32>
        %swap3A_1498 = vector.shape_cast %mul3A_1493 : vector<16xf32> to vector<1x16xf32>
        tpu.vector_store %arg17[%swap3A_1494, %swap3A_1495], %swap3A_1498 {strides = array<i32>} : memref<128x128xf32, #tpu.memory_space<vmem>>, vector<1x16xf32>,
        %get3A_1499 = arith.index_cast %add3A_1484 : i32 to index
        %get3A_1500 = arith.constant 16 : index
        %get3A_1501 = tpu.vector_load %arg17[%get3A_1499, %get3A_1500] {strides = array<i32>} : memref<128x128xf32, #tpu.memory_space<vmem>>, vector<1x16xf32>,
        %get3A_1502 = vector.shape_cast %get3A_1501 : vector<1x16xf32> to vector<16xf32>
        %mul3A_1503 = arith.mulf %get3A_1502, %gather3A_1488 : vector<16xf32>
        %swap3A_1504 = arith.index_cast %add3A_1484 : i32 to index
        %swap3A_1505 = arith.constant 16 : index
        %swap3A_1506 = tpu.vector_load %arg17[%swap3A_1504, %swap3A_1505] {strides = array<i32>} : memref<128x128xf32, #tpu.memory_space<vmem>>, vector<1x16xf32>,
        %swap3A_1507 = vector.shape_cast %swap3A_1506 : vector<1x16xf32> to vector<16xf32>
        %swap3A_1508 = vector.shape_cast %mul3A_1503 : vector<16xf32> to vector<1x16xf32>
        tpu.vector_store %arg17[%swap3A_1504, %swap3A_1505], %swap3A_1508 {strides = array<i32>} : memref<128x128xf32, #tpu.memory_space<vmem>>, vector<1x16xf32>,
        %get3A_1509 = arith.index_cast %add3A_1484 : i32 to index
        %get3A_1510 = arith.constant 32 : index
        %get3A_1511 = tpu.vector_load %arg17[%get3A_1509, %get3A_1510] {strides = array<i32>} : memref<128x128xf32, #tpu.memory_space<vmem>>, vector<1x16xf32>,
        %get3A_1512 = vector.shape_cast %get3A_1511 : vector<1x16xf32> to vector<16xf32>
        %mul3A_1513 = arith.mulf %get3A_1512, %gather3A_1488 : vector<16xf32>
        %swap3A_1514 = arith.index_cast %add3A_1484 : i32 to index
        %swap3A_1515 = arith.constant 32 : index
        %swap3A_1516 = tpu.vector_load %arg17[%swap3A_1514, %swap3A_1515] {strides = array<i32>} : memref<128x128xf32, #tpu.memory_space<vmem>>, vector<1x16xf32>,
        %swap3A_1517 = vector.shape_cast %swap3A_1516 : vector<1x16xf32> to vector<16xf32>
        %swap3A_1518 = vector.shape_cast %mul3A_1513 : vector<16xf32> to vector<1x16xf32>
        tpu.vector_store %arg17[%swap3A_1514, %swap3A_1515], %swap3A_1518 {strides = array<i32>} : memref<128x128xf32, #tpu.memory_space<vmem>>, vector<1x16xf32>,
        %get3A_1519 = arith.index_cast %add3A_1484 : i32 to index
        %get3A_1520 = arith.constant 48 : index
        %get3A_1521 = tpu.vector_load %arg17[%get3A_1519, %get3A_1520] {strides = array<i32>} : memref<128x128xf32, #tpu.memory_space<vmem>>, vector<1x16xf32>,
        %get3A_1522 = vector.shape_cast %get3A_1521 : vector<1x16xf32> to vector<16xf32>
        %mul3A_1523 = arith.mulf %get3A_1522, %gather3A_1488 : vector<16xf32>
        %swap3A_1524 = arith.index_cast %add3A_1484 : i32 to index
        %swap3A_1525 = arith.constant 48 : index
        %swap3A_1526 = tpu.vector_load %arg17[%swap3A_1524, %swap3A_1525] {strides = array<i32>} : memref<128x128xf32, #tpu.memory_space<vmem>>, vector<1x16xf32>,
        %swap3A_1527 = vector.shape_cast %swap3A_1526 : vector<1x16xf32> to vector<16xf32>
        %swap3A_1528 = vector.shape_cast %mul3A_1523 : vector<16xf32> to vector<1x16xf32>
        tpu.vector_store %arg17[%swap3A_1524, %swap3A_1525], %swap3A_1528 {strides = array<i32>} : memref<128x128xf32, #tpu.memory_space<vmem>>, vector<1x16xf32>,
        %get3A_1529 = arith.index_cast %add3A_1484 : i32 to index
        %get3A_1530 = arith.constant 64 : index
        %get3A_1531 = tpu.vector_load %arg17[%get3A_1529, %get3A_1530] {strides = array<i32>} : memref<128x128xf32, #tpu.memory_space<vmem>>, vector<1x16xf32>,
        %get3A_1532 = vector.shape_cast %get3A_1531 : vector<1x16xf32> to vector<16xf32>
        %mul3A_1533 = arith.mulf %get3A_1532, %gather3A_1488 : vector<16xf32>
        %swap3A_1534 = arith.index_cast %add3A_1484 : i32 to index
        %swap3A_1535 = arith.constant 64 : index
        %swap3A_1536 = tpu.vector_load %arg17[%swap3A_1534, %swap3A_1535] {strides = array<i32>} : memref<128x128xf32, #tpu.memory_space<vmem>>, vector<1x16xf32>,
        %swap3A_1537 = vector.shape_cast %swap3A_1536 : vector<1x16xf32> to vector<16xf32>
        %swap3A_1538 = vector.shape_cast %mul3A_1533 : vector<16xf32> to vector<1x16xf32>
        tpu.vector_store %arg17[%swap3A_1534, %swap3A_1535], %swap3A_1538 {strides = array<i32>} : memref<128x128xf32, #tpu.memory_space<vmem>>, vector<1x16xf32>,
        %get3A_1539 = arith.index_cast %add3A_1484 : i32 to index
        %get3A_1540 = arith.constant 80 : index
        %get3A_1541 = tpu.vector_load %arg17[%get3A_1539, %get3A_1540] {strides = array<i32>} : memref<128x128xf32, #tpu.memory_space<vmem>>, vector<1x16xf32>,
        %get3A_1542 = vector.shape_cast %get3A_1541 : vector<1x16xf32> to vector<16xf32>
        %mul3A_1543 = arith.mulf %get3A_1542, %gather3A_1488 : vector<16xf32>
        %swap3A_1544 = arith.index_cast %add3A_1484 : i32 to index
        %swap3A_1545 = arith.constant 80 : index
        %swap3A_1546 = tpu.vector_load %arg17[%swap3A_1544, %swap3A_1545] {strides = array<i32>} : memref<128x128xf32, #tpu.memory_space<vmem>>, vector<1x16xf32>,
        %swap3A_1547 = vector.shape_cast %swap3A_1546 : vector<1x16xf32> to vector<16xf32>
        %swap3A_1548 = vector.shape_cast %mul3A_1543 : vector<16xf32> to vector<1x16xf32>
        tpu.vector_store %arg17[%swap3A_1544, %swap3A_1545], %swap3A_1548 {strides = array<i32>} : memref<128x128xf32, #tpu.memory_space<vmem>>, vector<1x16xf32>,
        %get3A_1549 = arith.index_cast %add3A_1484 : i32 to index
        %get3A_1550 = arith.constant 96 : index
        %get3A_1551 = tpu.vector_load %arg17[%get3A_1549, %get3A_1550] {strides = array<i32>} : memref<128x128xf32, #tpu.memory_space<vmem>>, vector<1x16xf32>,
        %get3A_1552 = vector.shape_cast %get3A_1551 : vector<1x16xf32> to vector<16xf32>
        %mul3A_1553 = arith.mulf %get3A_1552, %gather3A_1488 : vector<16xf32>
        %swap3A_1554 = arith.index_cast %add3A_1484 : i32 to index
        %swap3A_1555 = arith.constant 96 : index
        %swap3A_1556 = tpu.vector_load %arg17[%swap3A_1554, %swap3A_1555] {strides = array<i32>} : memref<128x128xf32, #tpu.memory_space<vmem>>, vector<1x16xf32>,
        %swap3A_1557 = vector.shape_cast %swap3A_1556 : vector<1x16xf32> to vector<16xf32>
        %swap3A_1558 = vector.shape_cast %mul3A_1553 : vector<16xf32> to vector<1x16xf32>
        tpu.vector_store %arg17[%swap3A_1554, %swap3A_1555], %swap3A_1558 {strides = array<i32>} : memref<128x128xf32, #tpu.memory_space<vmem>>, vector<1x16xf32>,
        %get3A_1559 = arith.index_cast %add3A_1484 : i32 to index
        %get3A_1560 = arith.constant 112 : index
        %get3A_1561 = tpu.vector_load %arg17[%get3A_1559, %get3A_1560] {strides = array<i32>} : memref<128x128xf32, #tpu.memory_space<vmem>>, vector<1x16xf32>,
        %get3A_1562 = vector.shape_cast %get3A_1561 : vector<1x16xf32> to vector<16xf32>
        %mul3A_1563 = arith.mulf %get3A_1562, %gather3A_1488 : vector<16xf32>
        %swap3A_1564 = arith.index_cast %add3A_1484 : i32 to index
        %swap3A_1565 = arith.constant 112 : index
        %swap3A_1566 = tpu.vector_load %arg17[%swap3A_1564, %swap3A_1565] {strides = array<i32>} : memref<128x128xf32, #tpu.memory_space<vmem>>, vector<1x16xf32>,
        %swap3A_1567 = vector.shape_cast %swap3A_1566 : vector<1x16xf32> to vector<16xf32>
        %swap3A_1568 = vector.shape_cast %mul3A_1563 : vector<16xf32> to vector<1x16xf32>
        tpu.vector_store %arg17[%swap3A_1564, %swap3A_1565], %swap3A_1568 {strides = array<i32>} : memref<128x128xf32, #tpu.memory_space<vmem>>, vector<1x16xf32>,
      }
      %scan3A_141 = arith.constant 8 : i32
      "tpu.trace_stop"() : () -> ()
      "tpu.trace_start"() <{level = 10 : i32, message = "scatter"}> : () -> ()
      %dma_start3A_142 = arith.constant 0 : i32
      %dma_start3A_143 = arith.constant 0 : i32
      %dma_start3A_144 = tpu.memref_slice %arg19[%dma_start3A_142, %dma_start3A_143] : memref<4096x128xf32, #tpu.memory_space<vmem_shared>> -> memref<4096x128xf32, #tpu.memory_space<vmem_shared>>
      tpu.enqueue_indirect_dma source(%arg17 : memref<128x128xf32, #tpu.memory_space<vmem>>) target(%dma_start3A_144 : memref<4096x128xf32, #tpu.memory_space<vmem_shared>>) offsets(%arg11 : memref<128xi32, #tpu.memory_space<vmem>>) semaphore(%arg30 : memref<!tpu.dma_semaphore, #tpu.memory_space<semaphore_mem>>) {add = true}
      "tpu.trace_stop"() : () -> ()
      %mul3A_145 = arith.constant 3 : i32
      %mul3A_146 = arith.muli %scan3A_58, %mul3A_145 : i32
      %add3A_147 = arith.constant 2 : i32
      %add3A_148 = arith.addi %mul3A_146, %add3A_147 : i32
      "tpu.trace_start"() <{level = 10 : i32, message = "gwait"}> : () -> ()
      %dma_wait3A_149 = arith.constant 0 : i32
      %dma_wait3A_150 = arith.constant 0 : i32
      %dma_wait3A_151 = tpu.memref_slice %arg2[%dma_wait3A_149, %dma_wait3A_150] : memref<4096x128xf32, #tpu.memory_space<hbm>> -> memref<4096x128xf32, #tpu.memory_space<hbm>>
      tpu.wait_indirect_dma semaphore(%arg28 : memref<!tpu.dma_semaphore, #tpu.memory_space<semaphore_mem>>) src(%dma_wait3A_151 : memref<4096x128xf32, #tpu.memory_space<hbm>>) dst(%arg18 : memref<128x128xf32, #tpu.memory_space<vmem>>)
      %ge3A_152 = arith.constant 2 : i32
      "tpu.trace_stop"() : () -> ()
      "tpu.trace_start"() <{level = 10 : i32, message = "starts"}> : () -> ()
      %ge3A_153 = arith.cmpi sge, %add3A_148, %ge3A_152 : i32
      %convert_element_type3A_154 = arith.extui %ge3A_153 : i1 to i32
      %cond3A_155 = arith.constant 0 : i32
      %cond3A_156 = arith.cmpi ne, %convert_element_type3A_154, %cond3A_155 : i32
      scf.if %cond3A_156 {
        %sub3A = arith.constant 2 : i32
        %sub3A_190 = arith.subi %add3A_148, %sub3A : i32
        %dma_wait3A_191 = arith.constant 0 : i32
        %dma_wait3A_192 = arith.constant 0 : i32
        %dma_wait3A_193 = tpu.memref_slice %arg19[%dma_wait3A_191, %dma_wait3A_192] : memref<4096x128xf32, #tpu.memory_space<vmem_shared>> -> memref<4096x128xf32, #tpu.memory_space<vmem_shared>>
        tpu.wait_indirect_dma semaphore(%arg29 : memref<!tpu.dma_semaphore, #tpu.memory_space<semaphore_mem>>) src(%arg16 : memref<128x128xf32, #tpu.memory_space<vmem>>) dst(%dma_wait3A_193 : memref<4096x128xf32, #tpu.memory_space<vmem_shared>>)
      } else {
      }
      %add3A_157 = arith.constant 1 : i32
      %add3A_158 = arith.addi %add3A_148, %add3A_157 : i32
      %lt3A_159 = arith.constant 42 : i32
      %lt3A_160 = arith.cmpi slt, %add3A_158, %lt3A_159 : i32
      %convert_element_type3A_161 = arith.extui %lt3A_160 : i1 to i32
      %cond3A_162 = arith.constant 0 : i32
      %cond3A_163 = arith.cmpi ne, %convert_element_type3A_161, %cond3A_162 : i32
      scf.if %cond3A_163 {
        %add3A_190 = arith.constant 1 : i32
        %add3A_191 = arith.addi %add3A_148, %add3A_190 : i32
        %mul3A_192 = arith.constant 128 : i32
        %mul3A_193 = arith.muli %add3A_191, %mul3A_192 : i32
        %add3A_194 = arith.addi %mul3A_2, %mul3A_193 : i32
        %dma_wait3A_195 = tpu.memref_slice %arg4[%add3A_194] : memref<172032xi32, #tpu.memory_space<hbm>> -> memref<128xi32, #tpu.memory_space<hbm>>
        %dma_wait3A_196 = tpu.memref_slice %arg4[%add3A_194] : memref<172032xi32, #tpu.memory_space<hbm>> -> memref<128xi32, #tpu.memory_space<hbm>>
        tpu.wait_dma2 semaphore(%arg20 : memref<!tpu.dma_semaphore, #tpu.memory_space<semaphore_mem>>) src(%dma_wait3A_196 : memref<128xi32, #tpu.memory_space<hbm>>) dst(%arg7 : memref<128xi32, #tpu.memory_space<vmem>>)
        %add3A_197 = arith.constant 1 : i32
        %add3A_198 = arith.addi %add3A_148, %add3A_197 : i32
        %dma_start3A_199 = arith.constant 0 : i32
        %dma_start3A_200 = arith.constant 0 : i32
        %dma_start3A_201 = tpu.memref_slice %arg2[%dma_start3A_199, %dma_start3A_200] : memref<4096x128xf32, #tpu.memory_space<hbm>> -> memref<4096x128xf32, #tpu.memory_space<hbm>>
        tpu.enqueue_indirect_dma source(%dma_start3A_201 : memref<4096x128xf32, #tpu.memory_space<hbm>>) target(%arg16 : memref<128x128xf32, #tpu.memory_space<vmem>>) offsets(%arg7 : memref<128xi32, #tpu.memory_space<vmem>>) semaphore(%arg26 : memref<!tpu.dma_semaphore, #tpu.memory_space<semaphore_mem>>)
        %add3A_202 = arith.constant 1 : i32
        %add3A_203 = arith.addi %add3A_148, %add3A_202 : i32
        %mul3A_204 = arith.constant 128 : i32
        %mul3A_205 = arith.muli %add3A_203, %mul3A_204 : i32
        %add3A_206 = arith.addi %mul3A_2, %mul3A_205 : i32
        %dma_start3A_207 = tpu.memref_slice %arg5[%add3A_206] : memref<172032xi32, #tpu.memory_space<hbm>> -> memref<128xi32, #tpu.memory_space<hbm>>
        %dma_start3A_208 = tpu.memref_slice %arg5[%add3A_206] : memref<172032xi32, #tpu.memory_space<hbm>> -> memref<128xi32, #tpu.memory_space<hbm>>
        tpu.enqueue_dma source(%dma_start3A_208 : memref<128xi32, #tpu.memory_space<hbm>>) target(%arg10 : memref<128xi32, #tpu.memory_space<vmem>>) target_semaphore(%arg23 : memref<!tpu.dma_semaphore, #tpu.memory_space<semaphore_mem>>)
        %mul3A_209 = arith.constant 128 : i32
        %mul3A_210 = arith.muli %add3A_203, %mul3A_209 : i32
        %add3A_211 = arith.addi %mul3A_2, %mul3A_210 : i32
        %dma_start3A_212 = tpu.memref_slice %arg3[%add3A_211] : memref<172032xf32, #tpu.memory_space<hbm>> -> memref<128xf32, #tpu.memory_space<hbm>>
        %dma_start3A_213 = tpu.memref_slice %arg3[%add3A_211] : memref<172032xf32, #tpu.memory_space<hbm>> -> memref<128xf32, #tpu.memory_space<hbm>>
        tpu.enqueue_dma source(%dma_start3A_213 : memref<128xf32, #tpu.memory_space<hbm>>) target(%arg13 : memref<128xf32, #tpu.memory_space<vmem>>) target_semaphore(%arg23 : memref<!tpu.dma_semaphore, #tpu.memory_space<semaphore_mem>>)
      } else {
      }
      %add3A_164 = arith.constant 2 : i32
      %add3A_165 = arith.addi %add3A_148, %add3A_164 : i32
      %lt3A_166 = arith.constant 42 : i32
      %lt3A_167 = arith.cmpi slt, %add3A_165, %lt3A_166 : i32
      %convert_element_type3A_168 = arith.extui %lt3A_167 : i1 to i32
      %cond3A_169 = arith.constant 0 : i32
      %cond3A_170 = arith.cmpi ne, %convert_element_type3A_168, %cond3A_169 : i32
      scf.if %cond3A_170 {
        %add3A_190 = arith.constant 2 : i32
        %add3A_191 = arith.addi %add3A_148, %add3A_190 : i32
        %mul3A_192 = arith.constant 128 : i32
        %mul3A_193 = arith.muli %add3A_191, %mul3A_192 : i32
        %add3A_194 = arith.addi %mul3A_2, %mul3A_193 : i32
        %dma_start3A_195 = tpu.memref_slice %arg4[%add3A_194] : memref<172032xi32, #tpu.memory_space<hbm>> -> memref<128xi32, #tpu.memory_space<hbm>>
        %dma_start3A_196 = tpu.memref_slice %arg4[%add3A_194] : memref<172032xi32, #tpu.memory_space<hbm>> -> memref<128xi32, #tpu.memory_space<hbm>>
        tpu.enqueue_dma source(%dma_start3A_196 : memref<128xi32, #tpu.memory_space<hbm>>) target(%arg8 : memref<128xi32, #tpu.memory_space<vmem>>) target_semaphore(%arg21 : memref<!tpu.dma_semaphore, #tpu.memory_space<semaphore_mem>>)
      } else {
      }
      %mul3A_171 = arith.constant 128 : i32
      %mul3A_172 = arith.muli %add3A_148, %mul3A_171 : i32
      %add3A_173 = arith.addi %mul3A_2, %mul3A_172 : i32
      %dma_wait3A_174 = tpu.memref_slice %arg5[%add3A_173] : memref<172032xi32, #tpu.memory_space<hbm>> -> memref<128xi32, #tpu.memory_space<hbm>>
      %dma_wait3A_175 = tpu.memref_slice %arg5[%add3A_173] : memref<172032xi32, #tpu.memory_space<hbm>> -> memref<128xi32, #tpu.memory_space<hbm>>
      tpu.wait_dma2 semaphore(%arg25 : memref<!tpu.dma_semaphore, #tpu.memory_space<semaphore_mem>>) src(%dma_wait3A_175 : memref<128xi32, #tpu.memory_space<hbm>>) dst(%arg12 : memref<128xi32, #tpu.memory_space<vmem>>)
      %mul3A_176 = arith.constant 128 : i32
      %mul3A_177 = arith.muli %add3A_148, %mul3A_176 : i32
      %add3A_178 = arith.addi %mul3A_2, %mul3A_177 : i32
      %dma_wait3A_179 = tpu.memref_slice %arg3[%add3A_178] : memref<172032xf32, #tpu.memory_space<hbm>> -> memref<128xf32, #tpu.memory_space<hbm>>
      %dma_wait3A_180 = tpu.memref_slice %arg3[%add3A_178] : memref<172032xf32, #tpu.memory_space<hbm>> -> memref<128xf32, #tpu.memory_space<hbm>>
      tpu.wait_dma2 semaphore(%arg25 : memref<!tpu.dma_semaphore, #tpu.memory_space<semaphore_mem>>) src(%dma_wait3A_180 : memref<128xf32, #tpu.memory_space<hbm>>) dst(%arg15 : memref<128xf32, #tpu.memory_space<vmem>>)
      "tpu.trace_stop"() : () -> ()
      "tpu.trace_start"() <{level = 10 : i32, message = "scale"}> : () -> ()
      %scan3A_181 = arith.constant 0 : i32
      %scan3A_182 = arith.constant 0 : i32
      %scan3A_183 = arith.constant 8 : i32
      %scan3A_184 = arith.addi %scan3A_182, %scan3A_183 : i32
      %scan3A_185 = arith.constant 1 : i32
      scf.for %scan3A_190 = %scan3A_182 to %scan3A_184 step %scan3A_185  : i32 {
        %mul3A_191 = arith.constant 16 : i32
        %mul3A_192 = arith.muli %scan3A_190, %mul3A_191 : i32
        %get3A = arith.index_cast %mul3A_192 : i32 to index
        %get3A_193 = tpu.vector_load %arg15[%get3A] {strides = array<i32>} : memref<128xf32, #tpu.memory_space<vmem>>, vector<16xf32>,
        %get3A_194 = vector.shape_cast %get3A_193 : vector<16xf32> to vector<16xf32>
        %add3A_195 = arith.constant 0 : i32
        %add3A_196 = arith.addi %mul3A_192, %add3A_195 : i32
        %broadcast_in_dim3A_197 = arith.constant 0 : i32
        %broadcast_in_dim3A_198 = vector.broadcast %broadcast_in_dim3A_197 : i32 to vector<16x1xi32>
        %gather3A = vector.shape_cast %broadcast_in_dim3A_198 : vector<16x1xi32> to vector<16xi32>
        %gather3A_199 = tpu.dynamic_gather %get3A_194[%gather3A] in [0] : vector<16xf32>, vector<16xi32> -> vector<16xf32>
        %get3A_200 = arith.index_cast %add3A_196 : i32 to index
        %get3A_201 = arith.constant 0 : index
        %get3A_202 = tpu.vector_load %arg18[%get3A_200, %get3A_201] {strides = array<i32>} : memref<128x128xf32, #tpu.memory_space<vmem>>, vector<1x16xf32>,
        %get3A_203 = vector.shape_cast %get3A_202 : vector<1x16xf32> to vector<16xf32>
        %mul3A_204 = arith.mulf %get3A_203, %gather3A_199 : vector<16xf32>
        %swap3A = arith.index_cast %add3A_196 : i32 to index
        %swap3A_205 = arith.constant 0 : index
        %swap3A_206 = tpu.vector_load %arg18[%swap3A, %swap3A_205] {strides = array<i32>} : memref<128x128xf32, #tpu.memory_space<vmem>>, vector<1x16xf32>,
        %swap3A_207 = vector.shape_cast %swap3A_206 : vector<1x16xf32> to vector<16xf32>
        %swap3A_208 = vector.shape_cast %mul3A_204 : vector<16xf32> to vector<1x16xf32>
        tpu.vector_store %arg18[%swap3A, %swap3A_205], %swap3A_208 {strides = array<i32>} : memref<128x128xf32, #tpu.memory_space<vmem>>, vector<1x16xf32>,
        %get3A_209 = arith.index_cast %add3A_196 : i32 to index
        %get3A_210 = arith.constant 16 : index
        %get3A_211 = tpu.vector_load %arg18[%get3A_209, %get3A_210] {strides = array<i32>} : memref<128x128xf32, #tpu.memory_space<vmem>>, vector<1x16xf32>,
        %get3A_212 = vector.shape_cast %get3A_211 : vector<1x16xf32> to vector<16xf32>
        %mul3A_213 = arith.mulf %get3A_212, %gather3A_199 : vector<16xf32>
        %swap3A_214 = arith.index_cast %add3A_196 : i32 to index
        %swap3A_215 = arith.constant 16 : index
        %swap3A_216 = tpu.vector_load %arg18[%swap3A_214, %swap3A_215] {strides = array<i32>} : memref<128x128xf32, #tpu.memory_space<vmem>>, vector<1x16xf32>,
        %swap3A_217 = vector.shape_cast %swap3A_216 : vector<1x16xf32> to vector<16xf32>
        %swap3A_218 = vector.shape_cast %mul3A_213 : vector<16xf32> to vector<1x16xf32>
        tpu.vector_store %arg18[%swap3A_214, %swap3A_215], %swap3A_218 {strides = array<i32>} : memref<128x128xf32, #tpu.memory_space<vmem>>, vector<1x16xf32>,
        %get3A_219 = arith.index_cast %add3A_196 : i32 to index
        %get3A_220 = arith.constant 32 : index
        %get3A_221 = tpu.vector_load %arg18[%get3A_219, %get3A_220] {strides = array<i32>} : memref<128x128xf32, #tpu.memory_space<vmem>>, vector<1x16xf32>,
        %get3A_222 = vector.shape_cast %get3A_221 : vector<1x16xf32> to vector<16xf32>
        %mul3A_223 = arith.mulf %get3A_222, %gather3A_199 : vector<16xf32>
        %swap3A_224 = arith.index_cast %add3A_196 : i32 to index
        %swap3A_225 = arith.constant 32 : index
        %swap3A_226 = tpu.vector_load %arg18[%swap3A_224, %swap3A_225] {strides = array<i32>} : memref<128x128xf32, #tpu.memory_space<vmem>>, vector<1x16xf32>,
        %swap3A_227 = vector.shape_cast %swap3A_226 : vector<1x16xf32> to vector<16xf32>
        %swap3A_228 = vector.shape_cast %mul3A_223 : vector<16xf32> to vector<1x16xf32>
        tpu.vector_store %arg18[%swap3A_224, %swap3A_225], %swap3A_228 {strides = array<i32>} : memref<128x128xf32, #tpu.memory_space<vmem>>, vector<1x16xf32>,
        %get3A_229 = arith.index_cast %add3A_196 : i32 to index
        %get3A_230 = arith.constant 48 : index
        %get3A_231 = tpu.vector_load %arg18[%get3A_229, %get3A_230] {strides = array<i32>} : memref<128x128xf32, #tpu.memory_space<vmem>>, vector<1x16xf32>,
        %get3A_232 = vector.shape_cast %get3A_231 : vector<1x16xf32> to vector<16xf32>
        %mul3A_233 = arith.mulf %get3A_232, %gather3A_199 : vector<16xf32>
        %swap3A_234 = arith.index_cast %add3A_196 : i32 to index
        %swap3A_235 = arith.constant 48 : index
        %swap3A_236 = tpu.vector_load %arg18[%swap3A_234, %swap3A_235] {strides = array<i32>} : memref<128x128xf32, #tpu.memory_space<vmem>>, vector<1x16xf32>,
        %swap3A_237 = vector.shape_cast %swap3A_236 : vector<1x16xf32> to vector<16xf32>
        %swap3A_238 = vector.shape_cast %mul3A_233 : vector<16xf32> to vector<1x16xf32>
        tpu.vector_store %arg18[%swap3A_234, %swap3A_235], %swap3A_238 {strides = array<i32>} : memref<128x128xf32, #tpu.memory_space<vmem>>, vector<1x16xf32>,
        %get3A_239 = arith.index_cast %add3A_196 : i32 to index
        %get3A_240 = arith.constant 64 : index
        %get3A_241 = tpu.vector_load %arg18[%get3A_239, %get3A_240] {strides = array<i32>} : memref<128x128xf32, #tpu.memory_space<vmem>>, vector<1x16xf32>,
        %get3A_242 = vector.shape_cast %get3A_241 : vector<1x16xf32> to vector<16xf32>
        %mul3A_243 = arith.mulf %get3A_242, %gather3A_199 : vector<16xf32>
        %swap3A_244 = arith.index_cast %add3A_196 : i32 to index
        %swap3A_245 = arith.constant 64 : index
        %swap3A_246 = tpu.vector_load %arg18[%swap3A_244, %swap3A_245] {strides = array<i32>} : memref<128x128xf32, #tpu.memory_space<vmem>>, vector<1x16xf32>,
        %swap3A_247 = vector.shape_cast %swap3A_246 : vector<1x16xf32> to vector<16xf32>
        %swap3A_248 = vector.shape_cast %mul3A_243 : vector<16xf32> to vector<1x16xf32>
        tpu.vector_store %arg18[%swap3A_244, %swap3A_245], %swap3A_248 {strides = array<i32>} : memref<128x128xf32, #tpu.memory_space<vmem>>, vector<1x16xf32>,
        %get3A_249 = arith.index_cast %add3A_196 : i32 to index
        %get3A_250 = arith.constant 80 : index
        %get3A_251 = tpu.vector_load %arg18[%get3A_249, %get3A_250] {strides = array<i32>} : memref<128x128xf32, #tpu.memory_space<vmem>>, vector<1x16xf32>,
        %get3A_252 = vector.shape_cast %get3A_251 : vector<1x16xf32> to vector<16xf32>
        %mul3A_253 = arith.mulf %get3A_252, %gather3A_199 : vector<16xf32>
        %swap3A_254 = arith.index_cast %add3A_196 : i32 to index
        %swap3A_255 = arith.constant 80 : index
        %swap3A_256 = tpu.vector_load %arg18[%swap3A_254, %swap3A_255] {strides = array<i32>} : memref<128x128xf32, #tpu.memory_space<vmem>>, vector<1x16xf32>,
        %swap3A_257 = vector.shape_cast %swap3A_256 : vector<1x16xf32> to vector<16xf32>
        %swap3A_258 = vector.shape_cast %mul3A_253 : vector<16xf32> to vector<1x16xf32>
        tpu.vector_store %arg18[%swap3A_254, %swap3A_255], %swap3A_258 {strides = array<i32>} : memref<128x128xf32, #tpu.memory_space<vmem>>, vector<1x16xf32>,
        %get3A_259 = arith.index_cast %add3A_196 : i32 to index
        %get3A_260 = arith.constant 96 : index
        %get3A_261 = tpu.vector_load %arg18[%get3A_259, %get3A_260] {strides = array<i32>} : memref<128x128xf32, #tpu.memory_space<vmem>>, vector<1x16xf32>,
        %get3A_262 = vector.shape_cast %get3A_261 : vector<1x16xf32> to vector<16xf32>
        %mul3A_263 = arith.mulf %get3A_262, %gather3A_199 : vector<16xf32>
        %swap3A_264 = arith.index_cast %add3A_196 : i32 to index
        %swap3A_265 = arith.constant 96 : index
        %swap3A_266 = tpu.vector_load %arg18[%swap3A_264, %swap3A_265] {strides = array<i32>} : memref<128x128xf32, #tpu.memory_space<vmem>>, vector<1x16xf32>,
        %swap3A_267 = vector.shape_cast %swap3A_266 : vector<1x16xf32> to vector<16xf32>
        %swap3A_268 = vector.shape_cast %mul3A_263 : vector<16xf32> to vector<1x16xf32>
        tpu.vector_store %arg18[%swap3A_264, %swap3A_265], %swap3A_268 {strides = array<i32>} : memref<128x128xf32, #tpu.memory_space<vmem>>, vector<1x16xf32>,
        %get3A_269 = arith.index_cast %add3A_196 : i32 to index
        %get3A_270 = arith.constant 112 : index
        %get3A_271 = tpu.vector_load %arg18[%get3A_269, %get3A_270] {strides = array<i32>} : memref<128x128xf32, #tpu.memory_space<vmem>>, vector<1x16xf32>,
        %get3A_272 = vector.shape_cast %get3A_271 : vector<1x16xf32> to vector<16xf32>
        %mul3A_273 = arith.mulf %get3A_272, %gather3A_199 : vector<16xf32>
        %swap3A_274 = arith.index_cast %add3A_196 : i32 to index
        %swap3A_275 = arith.constant 112 : index
        %swap3A_276 = tpu.vector_load %arg18[%swap3A_274, %swap3A_275] {strides = array<i32>} : memref<128x128xf32, #tpu.memory_space<vmem>>, vector<1x16xf32>,
        %swap3A_277 = vector.shape_cast %swap3A_276 : vector<1x16xf32> to vector<16xf32>
        %swap3A_278 = vector.shape_cast %mul3A_273 : vector<16xf32> to vector<1x16xf32>
        tpu.vector_store %arg18[%swap3A_274, %swap3A_275], %swap3A_278 {strides = array<i32>} : memref<128x128xf32, #tpu.memory_space<vmem>>, vector<1x16xf32>,
        %add3A_279 = arith.constant 1 : i32
        %add3A_280 = arith.addi %mul3A_192, %add3A_279 : i32
        %broadcast_in_dim3A_281 = arith.constant 1 : i32
        %broadcast_in_dim3A_282 = vector.broadcast %broadcast_in_dim3A_281 : i32 to vector<16x1xi32>
        %gather3A_283 = vector.shape_cast %broadcast_in_dim3A_282 : vector<16x1xi32> to vector<16xi32>
        %gather3A_284 = tpu.dynamic_gather %get3A_194[%gather3A_283] in [0] : vector<16xf32>, vector<16xi32> -> vector<16xf32>
        %get3A_285 = arith.index_cast %add3A_280 : i32 to index
        %get3A_286 = arith.constant 0 : index
        %get3A_287 = tpu.vector_load %arg18[%get3A_285, %get3A_286] {strides = array<i32>} : memref<128x128xf32, #tpu.memory_space<vmem>>, vector<1x16xf32>,
        %get3A_288 = vector.shape_cast %get3A_287 : vector<1x16xf32> to vector<16xf32>
        %mul3A_289 = arith.mulf %get3A_288, %gather3A_284 : vector<16xf32>
        %swap3A_290 = arith.index_cast %add3A_280 : i32 to index
        %swap3A_291 = arith.constant 0 : index
        %swap3A_292 = tpu.vector_load %arg18[%swap3A_290, %swap3A_291] {strides = array<i32>} : memref<128x128xf32, #tpu.memory_space<vmem>>, vector<1x16xf32>,
        %swap3A_293 = vector.shape_cast %swap3A_292 : vector<1x16xf32> to vector<16xf32>
        %swap3A_294 = vector.shape_cast %mul3A_289 : vector<16xf32> to vector<1x16xf32>
        tpu.vector_store %arg18[%swap3A_290, %swap3A_291], %swap3A_294 {strides = array<i32>} : memref<128x128xf32, #tpu.memory_space<vmem>>, vector<1x16xf32>,
        %get3A_295 = arith.index_cast %add3A_280 : i32 to index
        %get3A_296 = arith.constant 16 : index
        %get3A_297 = tpu.vector_load %arg18[%get3A_295, %get3A_296] {strides = array<i32>} : memref<128x128xf32, #tpu.memory_space<vmem>>, vector<1x16xf32>,
        %get3A_298 = vector.shape_cast %get3A_297 : vector<1x16xf32> to vector<16xf32>
        %mul3A_299 = arith.mulf %get3A_298, %gather3A_284 : vector<16xf32>
        %swap3A_300 = arith.index_cast %add3A_280 : i32 to index
        %swap3A_301 = arith.constant 16 : index
        %swap3A_302 = tpu.vector_load %arg18[%swap3A_300, %swap3A_301] {strides = array<i32>} : memref<128x128xf32, #tpu.memory_space<vmem>>, vector<1x16xf32>,
        %swap3A_303 = vector.shape_cast %swap3A_302 : vector<1x16xf32> to vector<16xf32>
        %swap3A_304 = vector.shape_cast %mul3A_299 : vector<16xf32> to vector<1x16xf32>
        tpu.vector_store %arg18[%swap3A_300, %swap3A_301], %swap3A_304 {strides = array<i32>} : memref<128x128xf32, #tpu.memory_space<vmem>>, vector<1x16xf32>,
        %get3A_305 = arith.index_cast %add3A_280 : i32 to index
        %get3A_306 = arith.constant 32 : index
        %get3A_307 = tpu.vector_load %arg18[%get3A_305, %get3A_306] {strides = array<i32>} : memref<128x128xf32, #tpu.memory_space<vmem>>, vector<1x16xf32>,
        %get3A_308 = vector.shape_cast %get3A_307 : vector<1x16xf32> to vector<16xf32>
        %mul3A_309 = arith.mulf %get3A_308, %gather3A_284 : vector<16xf32>
        %swap3A_310 = arith.index_cast %add3A_280 : i32 to index
        %swap3A_311 = arith.constant 32 : index
        %swap3A_312 = tpu.vector_load %arg18[%swap3A_310, %swap3A_311] {strides = array<i32>} : memref<128x128xf32, #tpu.memory_space<vmem>>, vector<1x16xf32>,
        %swap3A_313 = vector.shape_cast %swap3A_312 : vector<1x16xf32> to vector<16xf32>
        %swap3A_314 = vector.shape_cast %mul3A_309 : vector<16xf32> to vector<1x16xf32>
        tpu.vector_store %arg18[%swap3A_310, %swap3A_311], %swap3A_314 {strides = array<i32>} : memref<128x128xf32, #tpu.memory_space<vmem>>, vector<1x16xf32>,
        %get3A_315 = arith.index_cast %add3A_280 : i32 to index
        %get3A_316 = arith.constant 48 : index
        %get3A_317 = tpu.vector_load %arg18[%get3A_315, %get3A_316] {strides = array<i32>} : memref<128x128xf32, #tpu.memory_space<vmem>>, vector<1x16xf32>,
        %get3A_318 = vector.shape_cast %get3A_317 : vector<1x16xf32> to vector<16xf32>
        %mul3A_319 = arith.mulf %get3A_318, %gather3A_284 : vector<16xf32>
        %swap3A_320 = arith.index_cast %add3A_280 : i32 to index
        %swap3A_321 = arith.constant 48 : index
        %swap3A_322 = tpu.vector_load %arg18[%swap3A_320, %swap3A_321] {strides = array<i32>} : memref<128x128xf32, #tpu.memory_space<vmem>>, vector<1x16xf32>,
        %swap3A_323 = vector.shape_cast %swap3A_322 : vector<1x16xf32> to vector<16xf32>
        %swap3A_324 = vector.shape_cast %mul3A_319 : vector<16xf32> to vector<1x16xf32>
        tpu.vector_store %arg18[%swap3A_320, %swap3A_321], %swap3A_324 {strides = array<i32>} : memref<128x128xf32, #tpu.memory_space<vmem>>, vector<1x16xf32>,
        %get3A_325 = arith.index_cast %add3A_280 : i32 to index
        %get3A_326 = arith.constant 64 : index
        %get3A_327 = tpu.vector_load %arg18[%get3A_325, %get3A_326] {strides = array<i32>} : memref<128x128xf32, #tpu.memory_space<vmem>>, vector<1x16xf32>,
        %get3A_328 = vector.shape_cast %get3A_327 : vector<1x16xf32> to vector<16xf32>
        %mul3A_329 = arith.mulf %get3A_328, %gather3A_284 : vector<16xf32>
        %swap3A_330 = arith.index_cast %add3A_280 : i32 to index
        %swap3A_331 = arith.constant 64 : index
        %swap3A_332 = tpu.vector_load %arg18[%swap3A_330, %swap3A_331] {strides = array<i32>} : memref<128x128xf32, #tpu.memory_space<vmem>>, vector<1x16xf32>,
        %swap3A_333 = vector.shape_cast %swap3A_332 : vector<1x16xf32> to vector<16xf32>
        %swap3A_334 = vector.shape_cast %mul3A_329 : vector<16xf32> to vector<1x16xf32>
        tpu.vector_store %arg18[%swap3A_330, %swap3A_331], %swap3A_334 {strides = array<i32>} : memref<128x128xf32, #tpu.memory_space<vmem>>, vector<1x16xf32>,
        %get3A_335 = arith.index_cast %add3A_280 : i32 to index
        %get3A_336 = arith.constant 80 : index
        %get3A_337 = tpu.vector_load %arg18[%get3A_335, %get3A_336] {strides = array<i32>} : memref<128x128xf32, #tpu.memory_space<vmem>>, vector<1x16xf32>,
        %get3A_338 = vector.shape_cast %get3A_337 : vector<1x16xf32> to vector<16xf32>
        %mul3A_339 = arith.mulf %get3A_338, %gather3A_284 : vector<16xf32>
        %swap3A_340 = arith.index_cast %add3A_280 : i32 to index
        %swap3A_341 = arith.constant 80 : index
        %swap3A_342 = tpu.vector_load %arg18[%swap3A_340, %swap3A_341] {strides = array<i32>} : memref<128x128xf32, #tpu.memory_space<vmem>>, vector<1x16xf32>,
        %swap3A_343 = vector.shape_cast %swap3A_342 : vector<1x16xf32> to vector<16xf32>
        %swap3A_344 = vector.shape_cast %mul3A_339 : vector<16xf32> to vector<1x16xf32>
        tpu.vector_store %arg18[%swap3A_340, %swap3A_341], %swap3A_344 {strides = array<i32>} : memref<128x128xf32, #tpu.memory_space<vmem>>, vector<1x16xf32>,
        %get3A_345 = arith.index_cast %add3A_280 : i32 to index
        %get3A_346 = arith.constant 96 : index
        %get3A_347 = tpu.vector_load %arg18[%get3A_345, %get3A_346] {strides = array<i32>} : memref<128x128xf32, #tpu.memory_space<vmem>>, vector<1x16xf32>,
        %get3A_348 = vector.shape_cast %get3A_347 : vector<1x16xf32> to vector<16xf32>
        %mul3A_349 = arith.mulf %get3A_348, %gather3A_284 : vector<16xf32>
        %swap3A_350 = arith.index_cast %add3A_280 : i32 to index
        %swap3A_351 = arith.constant 96 : index
        %swap3A_352 = tpu.vector_load %arg18[%swap3A_350, %swap3A_351] {strides = array<i32>} : memref<128x128xf32, #tpu.memory_space<vmem>>, vector<1x16xf32>,
        %swap3A_353 = vector.shape_cast %swap3A_352 : vector<1x16xf32> to vector<16xf32>
        %swap3A_354 = vector.shape_cast %mul3A_349 : vector<16xf32> to vector<1x16xf32>
        tpu.vector_store %arg18[%swap3A_350, %swap3A_351], %swap3A_354 {strides = array<i32>} : memref<128x128xf32, #tpu.memory_space<vmem>>, vector<1x16xf32>,
        %get3A_355 = arith.index_cast %add3A_280 : i32 to index
        %get3A_356 = arith.constant 112 : index
        %get3A_357 = tpu.vector_load %arg18[%get3A_355, %get3A_356] {strides = array<i32>} : memref<128x128xf32, #tpu.memory_space<vmem>>, vector<1x16xf32>,
        %get3A_358 = vector.shape_cast %get3A_357 : vector<1x16xf32> to vector<16xf32>
        %mul3A_359 = arith.mulf %get3A_358, %gather3A_284 : vector<16xf32>
        %swap3A_360 = arith.index_cast %add3A_280 : i32 to index
        %swap3A_361 = arith.constant 112 : index
        %swap3A_362 = tpu.vector_load %arg18[%swap3A_360, %swap3A_361] {strides = array<i32>} : memref<128x128xf32, #tpu.memory_space<vmem>>, vector<1x16xf32>,
        %swap3A_363 = vector.shape_cast %swap3A_362 : vector<1x16xf32> to vector<16xf32>
        %swap3A_364 = vector.shape_cast %mul3A_359 : vector<16xf32> to vector<1x16xf32>
        tpu.vector_store %arg18[%swap3A_360, %swap3A_361], %swap3A_364 {strides = array<i32>} : memref<128x128xf32, #tpu.memory_space<vmem>>, vector<1x16xf32>,
        %add3A_365 = arith.constant 2 : i32
        %add3A_366 = arith.addi %mul3A_192, %add3A_365 : i32
        %broadcast_in_dim3A_367 = arith.constant 2 : i32
        %broadcast_in_dim3A_368 = vector.broadcast %broadcast_in_dim3A_367 : i32 to vector<16x1xi32>
        %gather3A_369 = vector.shape_cast %broadcast_in_dim3A_368 : vector<16x1xi32> to vector<16xi32>
        %gather3A_370 = tpu.dynamic_gather %get3A_194[%gather3A_369] in [0] : vector<16xf32>, vector<16xi32> -> vector<16xf32>
        %get3A_371 = arith.index_cast %add3A_366 : i32 to index
        %get3A_372 = arith.constant 0 : index
        %get3A_373 = tpu.vector_load %arg18[%get3A_371, %get3A_372] {strides = array<i32>} : memref<128x128xf32, #tpu.memory_space<vmem>>, vector<1x16xf32>,
        %get3A_374 = vector.shape_cast %get3A_373 : vector<1x16xf32> to vector<16xf32>
        %mul3A_375 = arith.mulf %get3A_374, %gather3A_370 : vector<16xf32>
        %swap3A_376 = arith.index_cast %add3A_366 : i32 to index
        %swap3A_377 = arith.constant 0 : index
        %swap3A_378 = tpu.vector_load %arg18[%swap3A_376, %swap3A_377] {strides = array<i32>} : memref<128x128xf32, #tpu.memory_space<vmem>>, vector<1x16xf32>,
        %swap3A_379 = vector.shape_cast %swap3A_378 : vector<1x16xf32> to vector<16xf32>
        %swap3A_380 = vector.shape_cast %mul3A_375 : vector<16xf32> to vector<1x16xf32>
        tpu.vector_store %arg18[%swap3A_376, %swap3A_377], %swap3A_380 {strides = array<i32>} : memref<128x128xf32, #tpu.memory_space<vmem>>, vector<1x16xf32>,
        %get3A_381 = arith.index_cast %add3A_366 : i32 to index
        %get3A_382 = arith.constant 16 : index
        %get3A_383 = tpu.vector_load %arg18[%get3A_381, %get3A_382] {strides = array<i32>} : memref<128x128xf32, #tpu.memory_space<vmem>>, vector<1x16xf32>,
        %get3A_384 = vector.shape_cast %get3A_383 : vector<1x16xf32> to vector<16xf32>
        %mul3A_385 = arith.mulf %get3A_384, %gather3A_370 : vector<16xf32>
        %swap3A_386 = arith.index_cast %add3A_366 : i32 to index
        %swap3A_387 = arith.constant 16 : index
        %swap3A_388 = tpu.vector_load %arg18[%swap3A_386, %swap3A_387] {strides = array<i32>} : memref<128x128xf32, #tpu.memory_space<vmem>>, vector<1x16xf32>,
        %swap3A_389 = vector.shape_cast %swap3A_388 : vector<1x16xf32> to vector<16xf32>
        %swap3A_390 = vector.shape_cast %mul3A_385 : vector<16xf32> to vector<1x16xf32>
        tpu.vector_store %arg18[%swap3A_386, %swap3A_387], %swap3A_390 {strides = array<i32>} : memref<128x128xf32, #tpu.memory_space<vmem>>, vector<1x16xf32>,
        %get3A_391 = arith.index_cast %add3A_366 : i32 to index
        %get3A_392 = arith.constant 32 : index
        %get3A_393 = tpu.vector_load %arg18[%get3A_391, %get3A_392] {strides = array<i32>} : memref<128x128xf32, #tpu.memory_space<vmem>>, vector<1x16xf32>,
        %get3A_394 = vector.shape_cast %get3A_393 : vector<1x16xf32> to vector<16xf32>
        %mul3A_395 = arith.mulf %get3A_394, %gather3A_370 : vector<16xf32>
        %swap3A_396 = arith.index_cast %add3A_366 : i32 to index
        %swap3A_397 = arith.constant 32 : index
        %swap3A_398 = tpu.vector_load %arg18[%swap3A_396, %swap3A_397] {strides = array<i32>} : memref<128x128xf32, #tpu.memory_space<vmem>>, vector<1x16xf32>,
        %swap3A_399 = vector.shape_cast %swap3A_398 : vector<1x16xf32> to vector<16xf32>
        %swap3A_400 = vector.shape_cast %mul3A_395 : vector<16xf32> to vector<1x16xf32>
        tpu.vector_store %arg18[%swap3A_396, %swap3A_397], %swap3A_400 {strides = array<i32>} : memref<128x128xf32, #tpu.memory_space<vmem>>, vector<1x16xf32>,
        %get3A_401 = arith.index_cast %add3A_366 : i32 to index
        %get3A_402 = arith.constant 48 : index
        %get3A_403 = tpu.vector_load %arg18[%get3A_401, %get3A_402] {strides = array<i32>} : memref<128x128xf32, #tpu.memory_space<vmem>>, vector<1x16xf32>,
        %get3A_404 = vector.shape_cast %get3A_403 : vector<1x16xf32> to vector<16xf32>
        %mul3A_405 = arith.mulf %get3A_404, %gather3A_370 : vector<16xf32>
        %swap3A_406 = arith.index_cast %add3A_366 : i32 to index
        %swap3A_407 = arith.constant 48 : index
        %swap3A_408 = tpu.vector_load %arg18[%swap3A_406, %swap3A_407] {strides = array<i32>} : memref<128x128xf32, #tpu.memory_space<vmem>>, vector<1x16xf32>,
        %swap3A_409 = vector.shape_cast %swap3A_408 : vector<1x16xf32> to vector<16xf32>
        %swap3A_410 = vector.shape_cast %mul3A_405 : vector<16xf32> to vector<1x16xf32>
        tpu.vector_store %arg18[%swap3A_406, %swap3A_407], %swap3A_410 {strides = array<i32>} : memref<128x128xf32, #tpu.memory_space<vmem>>, vector<1x16xf32>,
        %get3A_411 = arith.index_cast %add3A_366 : i32 to index
        %get3A_412 = arith.constant 64 : index
        %get3A_413 = tpu.vector_load %arg18[%get3A_411, %get3A_412] {strides = array<i32>} : memref<128x128xf32, #tpu.memory_space<vmem>>, vector<1x16xf32>,
        %get3A_414 = vector.shape_cast %get3A_413 : vector<1x16xf32> to vector<16xf32>
        %mul3A_415 = arith.mulf %get3A_414, %gather3A_370 : vector<16xf32>
        %swap3A_416 = arith.index_cast %add3A_366 : i32 to index
        %swap3A_417 = arith.constant 64 : index
        %swap3A_418 = tpu.vector_load %arg18[%swap3A_416, %swap3A_417] {strides = array<i32>} : memref<128x128xf32, #tpu.memory_space<vmem>>, vector<1x16xf32>,
        %swap3A_419 = vector.shape_cast %swap3A_418 : vector<1x16xf32> to vector<16xf32>
        %swap3A_420 = vector.shape_cast %mul3A_415 : vector<16xf32> to vector<1x16xf32>
        tpu.vector_store %arg18[%swap3A_416, %swap3A_417], %swap3A_420 {strides = array<i32>} : memref<128x128xf32, #tpu.memory_space<vmem>>, vector<1x16xf32>,
        %get3A_421 = arith.index_cast %add3A_366 : i32 to index
        %get3A_422 = arith.constant 80 : index
        %get3A_423 = tpu.vector_load %arg18[%get3A_421, %get3A_422] {strides = array<i32>} : memref<128x128xf32, #tpu.memory_space<vmem>>, vector<1x16xf32>,
        %get3A_424 = vector.shape_cast %get3A_423 : vector<1x16xf32> to vector<16xf32>
        %mul3A_425 = arith.mulf %get3A_424, %gather3A_370 : vector<16xf32>
        %swap3A_426 = arith.index_cast %add3A_366 : i32 to index
        %swap3A_427 = arith.constant 80 : index
        %swap3A_428 = tpu.vector_load %arg18[%swap3A_426, %swap3A_427] {strides = array<i32>} : memref<128x128xf32, #tpu.memory_space<vmem>>, vector<1x16xf32>,
        %swap3A_429 = vector.shape_cast %swap3A_428 : vector<1x16xf32> to vector<16xf32>
        %swap3A_430 = vector.shape_cast %mul3A_425 : vector<16xf32> to vector<1x16xf32>
        tpu.vector_store %arg18[%swap3A_426, %swap3A_427], %swap3A_430 {strides = array<i32>} : memref<128x128xf32, #tpu.memory_space<vmem>>, vector<1x16xf32>,
        %get3A_431 = arith.index_cast %add3A_366 : i32 to index
        %get3A_432 = arith.constant 96 : index
        %get3A_433 = tpu.vector_load %arg18[%get3A_431, %get3A_432] {strides = array<i32>} : memref<128x128xf32, #tpu.memory_space<vmem>>, vector<1x16xf32>,
        %get3A_434 = vector.shape_cast %get3A_433 : vector<1x16xf32> to vector<16xf32>
        %mul3A_435 = arith.mulf %get3A_434, %gather3A_370 : vector<16xf32>
        %swap3A_436 = arith.index_cast %add3A_366 : i32 to index
        %swap3A_437 = arith.constant 96 : index
        %swap3A_438 = tpu.vector_load %arg18[%swap3A_436, %swap3A_437] {strides = array<i32>} : memref<128x128xf32, #tpu.memory_space<vmem>>, vector<1x16xf32>,
        %swap3A_439 = vector.shape_cast %swap3A_438 : vector<1x16xf32> to vector<16xf32>
        %swap3A_440 = vector.shape_cast %mul3A_435 : vector<16xf32> to vector<1x16xf32>
        tpu.vector_store %arg18[%swap3A_436, %swap3A_437], %swap3A_440 {strides = array<i32>} : memref<128x128xf32, #tpu.memory_space<vmem>>, vector<1x16xf32>,
        %get3A_441 = arith.index_cast %add3A_366 : i32 to index
        %get3A_442 = arith.constant 112 : index
        %get3A_443 = tpu.vector_load %arg18[%get3A_441, %get3A_442] {strides = array<i32>} : memref<128x128xf32, #tpu.memory_space<vmem>>, vector<1x16xf32>,
        %get3A_444 = vector.shape_cast %get3A_443 : vector<1x16xf32> to vector<16xf32>
        %mul3A_445 = arith.mulf %get3A_444, %gather3A_370 : vector<16xf32>
        %swap3A_446 = arith.index_cast %add3A_366 : i32 to index
        %swap3A_447 = arith.constant 112 : index
        %swap3A_448 = tpu.vector_load %arg18[%swap3A_446, %swap3A_447] {strides = array<i32>} : memref<128x128xf32, #tpu.memory_space<vmem>>, vector<1x16xf32>,
        %swap3A_449 = vector.shape_cast %swap3A_448 : vector<1x16xf32> to vector<16xf32>
        %swap3A_450 = vector.shape_cast %mul3A_445 : vector<16xf32> to vector<1x16xf32>
        tpu.vector_store %arg18[%swap3A_446, %swap3A_447], %swap3A_450 {strides = array<i32>} : memref<128x128xf32, #tpu.memory_space<vmem>>, vector<1x16xf32>,
        %add3A_451 = arith.constant 3 : i32
        %add3A_452 = arith.addi %mul3A_192, %add3A_451 : i32
        %broadcast_in_dim3A_453 = arith.constant 3 : i32
        %broadcast_in_dim3A_454 = vector.broadcast %broadcast_in_dim3A_453 : i32 to vector<16x1xi32>
        %gather3A_455 = vector.shape_cast %broadcast_in_dim3A_454 : vector<16x1xi32> to vector<16xi32>
        %gather3A_456 = tpu.dynamic_gather %get3A_194[%gather3A_455] in [0] : vector<16xf32>, vector<16xi32> -> vector<16xf32>
        %get3A_457 = arith.index_cast %add3A_452 : i32 to index
        %get3A_458 = arith.constant 0 : index
        %get3A_459 = tpu.vector_load %arg18[%get3A_457, %get3A_458] {strides = array<i32>} : memref<128x128xf32, #tpu.memory_space<vmem>>, vector<1x16xf32>,
        %get3A_460 = vector.shape_cast %get3A_459 : vector<1x16xf32> to vector<16xf32>
        %mul3A_461 = arith.mulf %get3A_460, %gather3A_456 : vector<16xf32>
        %swap3A_462 = arith.index_cast %add3A_452 : i32 to index
        %swap3A_463 = arith.constant 0 : index
        %swap3A_464 = tpu.vector_load %arg18[%swap3A_462, %swap3A_463] {strides = array<i32>} : memref<128x128xf32, #tpu.memory_space<vmem>>, vector<1x16xf32>,
        %swap3A_465 = vector.shape_cast %swap3A_464 : vector<1x16xf32> to vector<16xf32>
        %swap3A_466 = vector.shape_cast %mul3A_461 : vector<16xf32> to vector<1x16xf32>
        tpu.vector_store %arg18[%swap3A_462, %swap3A_463], %swap3A_466 {strides = array<i32>} : memref<128x128xf32, #tpu.memory_space<vmem>>, vector<1x16xf32>,
        %get3A_467 = arith.index_cast %add3A_452 : i32 to index
        %get3A_468 = arith.constant 16 : index
        %get3A_469 = tpu.vector_load %arg18[%get3A_467, %get3A_468] {strides = array<i32>} : memref<128x128xf32, #tpu.memory_space<vmem>>, vector<1x16xf32>,
        %get3A_470 = vector.shape_cast %get3A_469 : vector<1x16xf32> to vector<16xf32>
        %mul3A_471 = arith.mulf %get3A_470, %gather3A_456 : vector<16xf32>
        %swap3A_472 = arith.index_cast %add3A_452 : i32 to index
        %swap3A_473 = arith.constant 16 : index
        %swap3A_474 = tpu.vector_load %arg18[%swap3A_472, %swap3A_473] {strides = array<i32>} : memref<128x128xf32, #tpu.memory_space<vmem>>, vector<1x16xf32>,
        %swap3A_475 = vector.shape_cast %swap3A_474 : vector<1x16xf32> to vector<16xf32>
        %swap3A_476 = vector.shape_cast %mul3A_471 : vector<16xf32> to vector<1x16xf32>
        tpu.vector_store %arg18[%swap3A_472, %swap3A_473], %swap3A_476 {strides = array<i32>} : memref<128x128xf32, #tpu.memory_space<vmem>>, vector<1x16xf32>,
        %get3A_477 = arith.index_cast %add3A_452 : i32 to index
        %get3A_478 = arith.constant 32 : index
        %get3A_479 = tpu.vector_load %arg18[%get3A_477, %get3A_478] {strides = array<i32>} : memref<128x128xf32, #tpu.memory_space<vmem>>, vector<1x16xf32>,
        %get3A_480 = vector.shape_cast %get3A_479 : vector<1x16xf32> to vector<16xf32>
        %mul3A_481 = arith.mulf %get3A_480, %gather3A_456 : vector<16xf32>
        %swap3A_482 = arith.index_cast %add3A_452 : i32 to index
        %swap3A_483 = arith.constant 32 : index
        %swap3A_484 = tpu.vector_load %arg18[%swap3A_482, %swap3A_483] {strides = array<i32>} : memref<128x128xf32, #tpu.memory_space<vmem>>, vector<1x16xf32>,
        %swap3A_485 = vector.shape_cast %swap3A_484 : vector<1x16xf32> to vector<16xf32>
        %swap3A_486 = vector.shape_cast %mul3A_481 : vector<16xf32> to vector<1x16xf32>
        tpu.vector_store %arg18[%swap3A_482, %swap3A_483], %swap3A_486 {strides = array<i32>} : memref<128x128xf32, #tpu.memory_space<vmem>>, vector<1x16xf32>,
        %get3A_487 = arith.index_cast %add3A_452 : i32 to index
        %get3A_488 = arith.constant 48 : index
        %get3A_489 = tpu.vector_load %arg18[%get3A_487, %get3A_488] {strides = array<i32>} : memref<128x128xf32, #tpu.memory_space<vmem>>, vector<1x16xf32>,
        %get3A_490 = vector.shape_cast %get3A_489 : vector<1x16xf32> to vector<16xf32>
        %mul3A_491 = arith.mulf %get3A_490, %gather3A_456 : vector<16xf32>
        %swap3A_492 = arith.index_cast %add3A_452 : i32 to index
        %swap3A_493 = arith.constant 48 : index
        %swap3A_494 = tpu.vector_load %arg18[%swap3A_492, %swap3A_493] {strides = array<i32>} : memref<128x128xf32, #tpu.memory_space<vmem>>, vector<1x16xf32>,
        %swap3A_495 = vector.shape_cast %swap3A_494 : vector<1x16xf32> to vector<16xf32>
        %swap3A_496 = vector.shape_cast %mul3A_491 : vector<16xf32> to vector<1x16xf32>
        tpu.vector_store %arg18[%swap3A_492, %swap3A_493], %swap3A_496 {strides = array<i32>} : memref<128x128xf32, #tpu.memory_space<vmem>>, vector<1x16xf32>,
        %get3A_497 = arith.index_cast %add3A_452 : i32 to index
        %get3A_498 = arith.constant 64 : index
        %get3A_499 = tpu.vector_load %arg18[%get3A_497, %get3A_498] {strides = array<i32>} : memref<128x128xf32, #tpu.memory_space<vmem>>, vector<1x16xf32>,
        %get3A_500 = vector.shape_cast %get3A_499 : vector<1x16xf32> to vector<16xf32>
        %mul3A_501 = arith.mulf %get3A_500, %gather3A_456 : vector<16xf32>
        %swap3A_502 = arith.index_cast %add3A_452 : i32 to index
        %swap3A_503 = arith.constant 64 : index
        %swap3A_504 = tpu.vector_load %arg18[%swap3A_502, %swap3A_503] {strides = array<i32>} : memref<128x128xf32, #tpu.memory_space<vmem>>, vector<1x16xf32>,
        %swap3A_505 = vector.shape_cast %swap3A_504 : vector<1x16xf32> to vector<16xf32>
        %swap3A_506 = vector.shape_cast %mul3A_501 : vector<16xf32> to vector<1x16xf32>
        tpu.vector_store %arg18[%swap3A_502, %swap3A_503], %swap3A_506 {strides = array<i32>} : memref<128x128xf32, #tpu.memory_space<vmem>>, vector<1x16xf32>,
        %get3A_507 = arith.index_cast %add3A_452 : i32 to index
        %get3A_508 = arith.constant 80 : index
        %get3A_509 = tpu.vector_load %arg18[%get3A_507, %get3A_508] {strides = array<i32>} : memref<128x128xf32, #tpu.memory_space<vmem>>, vector<1x16xf32>,
        %get3A_510 = vector.shape_cast %get3A_509 : vector<1x16xf32> to vector<16xf32>
        %mul3A_511 = arith.mulf %get3A_510, %gather3A_456 : vector<16xf32>
        %swap3A_512 = arith.index_cast %add3A_452 : i32 to index
        %swap3A_513 = arith.constant 80 : index
        %swap3A_514 = tpu.vector_load %arg18[%swap3A_512, %swap3A_513] {strides = array<i32>} : memref<128x128xf32, #tpu.memory_space<vmem>>, vector<1x16xf32>,
        %swap3A_515 = vector.shape_cast %swap3A_514 : vector<1x16xf32> to vector<16xf32>
        %swap3A_516 = vector.shape_cast %mul3A_511 : vector<16xf32> to vector<1x16xf32>
        tpu.vector_store %arg18[%swap3A_512, %swap3A_513], %swap3A_516 {strides = array<i32>} : memref<128x128xf32, #tpu.memory_space<vmem>>, vector<1x16xf32>,
        %get3A_517 = arith.index_cast %add3A_452 : i32 to index
        %get3A_518 = arith.constant 96 : index
        %get3A_519 = tpu.vector_load %arg18[%get3A_517, %get3A_518] {strides = array<i32>} : memref<128x128xf32, #tpu.memory_space<vmem>>, vector<1x16xf32>,
        %get3A_520 = vector.shape_cast %get3A_519 : vector<1x16xf32> to vector<16xf32>
        %mul3A_521 = arith.mulf %get3A_520, %gather3A_456 : vector<16xf32>
        %swap3A_522 = arith.index_cast %add3A_452 : i32 to index
        %swap3A_523 = arith.constant 96 : index
        %swap3A_524 = tpu.vector_load %arg18[%swap3A_522, %swap3A_523] {strides = array<i32>} : memref<128x128xf32, #tpu.memory_space<vmem>>, vector<1x16xf32>,
        %swap3A_525 = vector.shape_cast %swap3A_524 : vector<1x16xf32> to vector<16xf32>
        %swap3A_526 = vector.shape_cast %mul3A_521 : vector<16xf32> to vector<1x16xf32>
        tpu.vector_store %arg18[%swap3A_522, %swap3A_523], %swap3A_526 {strides = array<i32>} : memref<128x128xf32, #tpu.memory_space<vmem>>, vector<1x16xf32>,
        %get3A_527 = arith.index_cast %add3A_452 : i32 to index
        %get3A_528 = arith.constant 112 : index
        %get3A_529 = tpu.vector_load %arg18[%get3A_527, %get3A_528] {strides = array<i32>} : memref<128x128xf32, #tpu.memory_space<vmem>>, vector<1x16xf32>,
        %get3A_530 = vector.shape_cast %get3A_529 : vector<1x16xf32> to vector<16xf32>
        %mul3A_531 = arith.mulf %get3A_530, %gather3A_456 : vector<16xf32>
        %swap3A_532 = arith.index_cast %add3A_452 : i32 to index
        %swap3A_533 = arith.constant 112 : index
        %swap3A_534 = tpu.vector_load %arg18[%swap3A_532, %swap3A_533] {strides = array<i32>} : memref<128x128xf32, #tpu.memory_space<vmem>>, vector<1x16xf32>,
        %swap3A_535 = vector.shape_cast %swap3A_534 : vector<1x16xf32> to vector<16xf32>
        %swap3A_536 = vector.shape_cast %mul3A_531 : vector<16xf32> to vector<1x16xf32>
        tpu.vector_store %arg18[%swap3A_532, %swap3A_533], %swap3A_536 {strides = array<i32>} : memref<128x128xf32, #tpu.memory_space<vmem>>, vector<1x16xf32>,
        %add3A_537 = arith.constant 4 : i32
        %add3A_538 = arith.addi %mul3A_192, %add3A_537 : i32
        %broadcast_in_dim3A_539 = arith.constant 4 : i32
        %broadcast_in_dim3A_540 = vector.broadcast %broadcast_in_dim3A_539 : i32 to vector<16x1xi32>
        %gather3A_541 = vector.shape_cast %broadcast_in_dim3A_540 : vector<16x1xi32> to vector<16xi32>
        %gather3A_542 = tpu.dynamic_gather %get3A_194[%gather3A_541] in [0] : vector<16xf32>, vector<16xi32> -> vector<16xf32>
        %get3A_543 = arith.index_cast %add3A_538 : i32 to index
        %get3A_544 = arith.constant 0 : index
        %get3A_545 = tpu.vector_load %arg18[%get3A_543, %get3A_544] {strides = array<i32>} : memref<128x128xf32, #tpu.memory_space<vmem>>, vector<1x16xf32>,
        %get3A_546 = vector.shape_cast %get3A_545 : vector<1x16xf32> to vector<16xf32>
        %mul3A_547 = arith.mulf %get3A_546, %gather3A_542 : vector<16xf32>
        %swap3A_548 = arith.index_cast %add3A_538 : i32 to index
        %swap3A_549 = arith.constant 0 : index
        %swap3A_550 = tpu.vector_load %arg18[%swap3A_548, %swap3A_549] {strides = array<i32>} : memref<128x128xf32, #tpu.memory_space<vmem>>, vector<1x16xf32>,
        %swap3A_551 = vector.shape_cast %swap3A_550 : vector<1x16xf32> to vector<16xf32>
        %swap3A_552 = vector.shape_cast %mul3A_547 : vector<16xf32> to vector<1x16xf32>
        tpu.vector_store %arg18[%swap3A_548, %swap3A_549], %swap3A_552 {strides = array<i32>} : memref<128x128xf32, #tpu.memory_space<vmem>>, vector<1x16xf32>,
        %get3A_553 = arith.index_cast %add3A_538 : i32 to index
        %get3A_554 = arith.constant 16 : index
        %get3A_555 = tpu.vector_load %arg18[%get3A_553, %get3A_554] {strides = array<i32>} : memref<128x128xf32, #tpu.memory_space<vmem>>, vector<1x16xf32>,
        %get3A_556 = vector.shape_cast %get3A_555 : vector<1x16xf32> to vector<16xf32>
        %mul3A_557 = arith.mulf %get3A_556, %gather3A_542 : vector<16xf32>
        %swap3A_558 = arith.index_cast %add3A_538 : i32 to index
        %swap3A_559 = arith.constant 16 : index
        %swap3A_560 = tpu.vector_load %arg18[%swap3A_558, %swap3A_559] {strides = array<i32>} : memref<128x128xf32, #tpu.memory_space<vmem>>, vector<1x16xf32>,
        %swap3A_561 = vector.shape_cast %swap3A_560 : vector<1x16xf32> to vector<16xf32>
        %swap3A_562 = vector.shape_cast %mul3A_557 : vector<16xf32> to vector<1x16xf32>
        tpu.vector_store %arg18[%swap3A_558, %swap3A_559], %swap3A_562 {strides = array<i32>} : memref<128x128xf32, #tpu.memory_space<vmem>>, vector<1x16xf32>,
        %get3A_563 = arith.index_cast %add3A_538 : i32 to index
        %get3A_564 = arith.constant 32 : index
        %get3A_565 = tpu.vector_load %arg18[%get3A_563, %get3A_564] {strides = array<i32>} : memref<128x128xf32, #tpu.memory_space<vmem>>, vector<1x16xf32>,
        %get3A_566 = vector.shape_cast %get3A_565 : vector<1x16xf32> to vector<16xf32>
        %mul3A_567 = arith.mulf %get3A_566, %gather3A_542 : vector<16xf32>
        %swap3A_568 = arith.index_cast %add3A_538 : i32 to index
        %swap3A_569 = arith.constant 32 : index
        %swap3A_570 = tpu.vector_load %arg18[%swap3A_568, %swap3A_569] {strides = array<i32>} : memref<128x128xf32, #tpu.memory_space<vmem>>, vector<1x16xf32>,
        %swap3A_571 = vector.shape_cast %swap3A_570 : vector<1x16xf32> to vector<16xf32>
        %swap3A_572 = vector.shape_cast %mul3A_567 : vector<16xf32> to vector<1x16xf32>
        tpu.vector_store %arg18[%swap3A_568, %swap3A_569], %swap3A_572 {strides = array<i32>} : memref<128x128xf32, #tpu.memory_space<vmem>>, vector<1x16xf32>,
        %get3A_573 = arith.index_cast %add3A_538 : i32 to index
        %get3A_574 = arith.constant 48 : index
        %get3A_575 = tpu.vector_load %arg18[%get3A_573, %get3A_574] {strides = array<i32>} : memref<128x128xf32, #tpu.memory_space<vmem>>, vector<1x16xf32>,
        %get3A_576 = vector.shape_cast %get3A_575 : vector<1x16xf32> to vector<16xf32>
        %mul3A_577 = arith.mulf %get3A_576, %gather3A_542 : vector<16xf32>
        %swap3A_578 = arith.index_cast %add3A_538 : i32 to index
        %swap3A_579 = arith.constant 48 : index
        %swap3A_580 = tpu.vector_load %arg18[%swap3A_578, %swap3A_579] {strides = array<i32>} : memref<128x128xf32, #tpu.memory_space<vmem>>, vector<1x16xf32>,
        %swap3A_581 = vector.shape_cast %swap3A_580 : vector<1x16xf32> to vector<16xf32>
        %swap3A_582 = vector.shape_cast %mul3A_577 : vector<16xf32> to vector<1x16xf32>
        tpu.vector_store %arg18[%swap3A_578, %swap3A_579], %swap3A_582 {strides = array<i32>} : memref<128x128xf32, #tpu.memory_space<vmem>>, vector<1x16xf32>,
        %get3A_583 = arith.index_cast %add3A_538 : i32 to index
        %get3A_584 = arith.constant 64 : index
        %get3A_585 = tpu.vector_load %arg18[%get3A_583, %get3A_584] {strides = array<i32>} : memref<128x128xf32, #tpu.memory_space<vmem>>, vector<1x16xf32>,
        %get3A_586 = vector.shape_cast %get3A_585 : vector<1x16xf32> to vector<16xf32>
        %mul3A_587 = arith.mulf %get3A_586, %gather3A_542 : vector<16xf32>
        %swap3A_588 = arith.index_cast %add3A_538 : i32 to index
        %swap3A_589 = arith.constant 64 : index
        %swap3A_590 = tpu.vector_load %arg18[%swap3A_588, %swap3A_589] {strides = array<i32>} : memref<128x128xf32, #tpu.memory_space<vmem>>, vector<1x16xf32>,
        %swap3A_591 = vector.shape_cast %swap3A_590 : vector<1x16xf32> to vector<16xf32>
        %swap3A_592 = vector.shape_cast %mul3A_587 : vector<16xf32> to vector<1x16xf32>
        tpu.vector_store %arg18[%swap3A_588, %swap3A_589], %swap3A_592 {strides = array<i32>} : memref<128x128xf32, #tpu.memory_space<vmem>>, vector<1x16xf32>,
        %get3A_593 = arith.index_cast %add3A_538 : i32 to index
        %get3A_594 = arith.constant 80 : index
        %get3A_595 = tpu.vector_load %arg18[%get3A_593, %get3A_594] {strides = array<i32>} : memref<128x128xf32, #tpu.memory_space<vmem>>, vector<1x16xf32>,
        %get3A_596 = vector.shape_cast %get3A_595 : vector<1x16xf32> to vector<16xf32>
        %mul3A_597 = arith.mulf %get3A_596, %gather3A_542 : vector<16xf32>
        %swap3A_598 = arith.index_cast %add3A_538 : i32 to index
        %swap3A_599 = arith.constant 80 : index
        %swap3A_600 = tpu.vector_load %arg18[%swap3A_598, %swap3A_599] {strides = array<i32>} : memref<128x128xf32, #tpu.memory_space<vmem>>, vector<1x16xf32>,
        %swap3A_601 = vector.shape_cast %swap3A_600 : vector<1x16xf32> to vector<16xf32>
        %swap3A_602 = vector.shape_cast %mul3A_597 : vector<16xf32> to vector<1x16xf32>
        tpu.vector_store %arg18[%swap3A_598, %swap3A_599], %swap3A_602 {strides = array<i32>} : memref<128x128xf32, #tpu.memory_space<vmem>>, vector<1x16xf32>,
        %get3A_603 = arith.index_cast %add3A_538 : i32 to index
        %get3A_604 = arith.constant 96 : index
        %get3A_605 = tpu.vector_load %arg18[%get3A_603, %get3A_604] {strides = array<i32>} : memref<128x128xf32, #tpu.memory_space<vmem>>, vector<1x16xf32>,
        %get3A_606 = vector.shape_cast %get3A_605 : vector<1x16xf32> to vector<16xf32>
        %mul3A_607 = arith.mulf %get3A_606, %gather3A_542 : vector<16xf32>
        %swap3A_608 = arith.index_cast %add3A_538 : i32 to index
        %swap3A_609 = arith.constant 96 : index
        %swap3A_610 = tpu.vector_load %arg18[%swap3A_608, %swap3A_609] {strides = array<i32>} : memref<128x128xf32, #tpu.memory_space<vmem>>, vector<1x16xf32>,
        %swap3A_611 = vector.shape_cast %swap3A_610 : vector<1x16xf32> to vector<16xf32>
        %swap3A_612 = vector.shape_cast %mul3A_607 : vector<16xf32> to vector<1x16xf32>
        tpu.vector_store %arg18[%swap3A_608, %swap3A_609], %swap3A_612 {strides = array<i32>} : memref<128x128xf32, #tpu.memory_space<vmem>>, vector<1x16xf32>,
        %get3A_613 = arith.index_cast %add3A_538 : i32 to index
        %get3A_614 = arith.constant 112 : index
        %get3A_615 = tpu.vector_load %arg18[%get3A_613, %get3A_614] {strides = array<i32>} : memref<128x128xf32, #tpu.memory_space<vmem>>, vector<1x16xf32>,
        %get3A_616 = vector.shape_cast %get3A_615 : vector<1x16xf32> to vector<16xf32>
        %mul3A_617 = arith.mulf %get3A_616, %gather3A_542 : vector<16xf32>
        %swap3A_618 = arith.index_cast %add3A_538 : i32 to index
        %swap3A_619 = arith.constant 112 : index
        %swap3A_620 = tpu.vector_load %arg18[%swap3A_618, %swap3A_619] {strides = array<i32>} : memref<128x128xf32, #tpu.memory_space<vmem>>, vector<1x16xf32>,
        %swap3A_621 = vector.shape_cast %swap3A_620 : vector<1x16xf32> to vector<16xf32>
        %swap3A_622 = vector.shape_cast %mul3A_617 : vector<16xf32> to vector<1x16xf32>
        tpu.vector_store %arg18[%swap3A_618, %swap3A_619], %swap3A_622 {strides = array<i32>} : memref<128x128xf32, #tpu.memory_space<vmem>>, vector<1x16xf32>,
        %add3A_623 = arith.constant 5 : i32
        %add3A_624 = arith.addi %mul3A_192, %add3A_623 : i32
        %broadcast_in_dim3A_625 = arith.constant 5 : i32
        %broadcast_in_dim3A_626 = vector.broadcast %broadcast_in_dim3A_625 : i32 to vector<16x1xi32>
        %gather3A_627 = vector.shape_cast %broadcast_in_dim3A_626 : vector<16x1xi32> to vector<16xi32>
        %gather3A_628 = tpu.dynamic_gather %get3A_194[%gather3A_627] in [0] : vector<16xf32>, vector<16xi32> -> vector<16xf32>
        %get3A_629 = arith.index_cast %add3A_624 : i32 to index
        %get3A_630 = arith.constant 0 : index
        %get3A_631 = tpu.vector_load %arg18[%get3A_629, %get3A_630] {strides = array<i32>} : memref<128x128xf32, #tpu.memory_space<vmem>>, vector<1x16xf32>,
        %get3A_632 = vector.shape_cast %get3A_631 : vector<1x16xf32> to vector<16xf32>
        %mul3A_633 = arith.mulf %get3A_632, %gather3A_628 : vector<16xf32>
        %swap3A_634 = arith.index_cast %add3A_624 : i32 to index
        %swap3A_635 = arith.constant 0 : index
        %swap3A_636 = tpu.vector_load %arg18[%swap3A_634, %swap3A_635] {strides = array<i32>} : memref<128x128xf32, #tpu.memory_space<vmem>>, vector<1x16xf32>,
        %swap3A_637 = vector.shape_cast %swap3A_636 : vector<1x16xf32> to vector<16xf32>
        %swap3A_638 = vector.shape_cast %mul3A_633 : vector<16xf32> to vector<1x16xf32>
        tpu.vector_store %arg18[%swap3A_634, %swap3A_635], %swap3A_638 {strides = array<i32>} : memref<128x128xf32, #tpu.memory_space<vmem>>, vector<1x16xf32>,
        %get3A_639 = arith.index_cast %add3A_624 : i32 to index
        %get3A_640 = arith.constant 16 : index
        %get3A_641 = tpu.vector_load %arg18[%get3A_639, %get3A_640] {strides = array<i32>} : memref<128x128xf32, #tpu.memory_space<vmem>>, vector<1x16xf32>,
        %get3A_642 = vector.shape_cast %get3A_641 : vector<1x16xf32> to vector<16xf32>
        %mul3A_643 = arith.mulf %get3A_642, %gather3A_628 : vector<16xf32>
        %swap3A_644 = arith.index_cast %add3A_624 : i32 to index
        %swap3A_645 = arith.constant 16 : index
        %swap3A_646 = tpu.vector_load %arg18[%swap3A_644, %swap3A_645] {strides = array<i32>} : memref<128x128xf32, #tpu.memory_space<vmem>>, vector<1x16xf32>,
        %swap3A_647 = vector.shape_cast %swap3A_646 : vector<1x16xf32> to vector<16xf32>
        %swap3A_648 = vector.shape_cast %mul3A_643 : vector<16xf32> to vector<1x16xf32>
        tpu.vector_store %arg18[%swap3A_644, %swap3A_645], %swap3A_648 {strides = array<i32>} : memref<128x128xf32, #tpu.memory_space<vmem>>, vector<1x16xf32>,
        %get3A_649 = arith.index_cast %add3A_624 : i32 to index
        %get3A_650 = arith.constant 32 : index
        %get3A_651 = tpu.vector_load %arg18[%get3A_649, %get3A_650] {strides = array<i32>} : memref<128x128xf32, #tpu.memory_space<vmem>>, vector<1x16xf32>,
        %get3A_652 = vector.shape_cast %get3A_651 : vector<1x16xf32> to vector<16xf32>
        %mul3A_653 = arith.mulf %get3A_652, %gather3A_628 : vector<16xf32>
        %swap3A_654 = arith.index_cast %add3A_624 : i32 to index
        %swap3A_655 = arith.constant 32 : index
        %swap3A_656 = tpu.vector_load %arg18[%swap3A_654, %swap3A_655] {strides = array<i32>} : memref<128x128xf32, #tpu.memory_space<vmem>>, vector<1x16xf32>,
        %swap3A_657 = vector.shape_cast %swap3A_656 : vector<1x16xf32> to vector<16xf32>
        %swap3A_658 = vector.shape_cast %mul3A_653 : vector<16xf32> to vector<1x16xf32>
        tpu.vector_store %arg18[%swap3A_654, %swap3A_655], %swap3A_658 {strides = array<i32>} : memref<128x128xf32, #tpu.memory_space<vmem>>, vector<1x16xf32>,
        %get3A_659 = arith.index_cast %add3A_624 : i32 to index
        %get3A_660 = arith.constant 48 : index
        %get3A_661 = tpu.vector_load %arg18[%get3A_659, %get3A_660] {strides = array<i32>} : memref<128x128xf32, #tpu.memory_space<vmem>>, vector<1x16xf32>,
        %get3A_662 = vector.shape_cast %get3A_661 : vector<1x16xf32> to vector<16xf32>
        %mul3A_663 = arith.mulf %get3A_662, %gather3A_628 : vector<16xf32>
        %swap3A_664 = arith.index_cast %add3A_624 : i32 to index
        %swap3A_665 = arith.constant 48 : index
        %swap3A_666 = tpu.vector_load %arg18[%swap3A_664, %swap3A_665] {strides = array<i32>} : memref<128x128xf32, #tpu.memory_space<vmem>>, vector<1x16xf32>,
        %swap3A_667 = vector.shape_cast %swap3A_666 : vector<1x16xf32> to vector<16xf32>
        %swap3A_668 = vector.shape_cast %mul3A_663 : vector<16xf32> to vector<1x16xf32>
        tpu.vector_store %arg18[%swap3A_664, %swap3A_665], %swap3A_668 {strides = array<i32>} : memref<128x128xf32, #tpu.memory_space<vmem>>, vector<1x16xf32>,
        %get3A_669 = arith.index_cast %add3A_624 : i32 to index
        %get3A_670 = arith.constant 64 : index
        %get3A_671 = tpu.vector_load %arg18[%get3A_669, %get3A_670] {strides = array<i32>} : memref<128x128xf32, #tpu.memory_space<vmem>>, vector<1x16xf32>,
        %get3A_672 = vector.shape_cast %get3A_671 : vector<1x16xf32> to vector<16xf32>
        %mul3A_673 = arith.mulf %get3A_672, %gather3A_628 : vector<16xf32>
        %swap3A_674 = arith.index_cast %add3A_624 : i32 to index
        %swap3A_675 = arith.constant 64 : index
        %swap3A_676 = tpu.vector_load %arg18[%swap3A_674, %swap3A_675] {strides = array<i32>} : memref<128x128xf32, #tpu.memory_space<vmem>>, vector<1x16xf32>,
        %swap3A_677 = vector.shape_cast %swap3A_676 : vector<1x16xf32> to vector<16xf32>
        %swap3A_678 = vector.shape_cast %mul3A_673 : vector<16xf32> to vector<1x16xf32>
        tpu.vector_store %arg18[%swap3A_674, %swap3A_675], %swap3A_678 {strides = array<i32>} : memref<128x128xf32, #tpu.memory_space<vmem>>, vector<1x16xf32>,
        %get3A_679 = arith.index_cast %add3A_624 : i32 to index
        %get3A_680 = arith.constant 80 : index
        %get3A_681 = tpu.vector_load %arg18[%get3A_679, %get3A_680] {strides = array<i32>} : memref<128x128xf32, #tpu.memory_space<vmem>>, vector<1x16xf32>,
        %get3A_682 = vector.shape_cast %get3A_681 : vector<1x16xf32> to vector<16xf32>
        %mul3A_683 = arith.mulf %get3A_682, %gather3A_628 : vector<16xf32>
        %swap3A_684 = arith.index_cast %add3A_624 : i32 to index
        %swap3A_685 = arith.constant 80 : index
        %swap3A_686 = tpu.vector_load %arg18[%swap3A_684, %swap3A_685] {strides = array<i32>} : memref<128x128xf32, #tpu.memory_space<vmem>>, vector<1x16xf32>,
        %swap3A_687 = vector.shape_cast %swap3A_686 : vector<1x16xf32> to vector<16xf32>
        %swap3A_688 = vector.shape_cast %mul3A_683 : vector<16xf32> to vector<1x16xf32>
        tpu.vector_store %arg18[%swap3A_684, %swap3A_685], %swap3A_688 {strides = array<i32>} : memref<128x128xf32, #tpu.memory_space<vmem>>, vector<1x16xf32>,
        %get3A_689 = arith.index_cast %add3A_624 : i32 to index
        %get3A_690 = arith.constant 96 : index
        %get3A_691 = tpu.vector_load %arg18[%get3A_689, %get3A_690] {strides = array<i32>} : memref<128x128xf32, #tpu.memory_space<vmem>>, vector<1x16xf32>,
        %get3A_692 = vector.shape_cast %get3A_691 : vector<1x16xf32> to vector<16xf32>
        %mul3A_693 = arith.mulf %get3A_692, %gather3A_628 : vector<16xf32>
        %swap3A_694 = arith.index_cast %add3A_624 : i32 to index
        %swap3A_695 = arith.constant 96 : index
        %swap3A_696 = tpu.vector_load %arg18[%swap3A_694, %swap3A_695] {strides = array<i32>} : memref<128x128xf32, #tpu.memory_space<vmem>>, vector<1x16xf32>,
        %swap3A_697 = vector.shape_cast %swap3A_696 : vector<1x16xf32> to vector<16xf32>
        %swap3A_698 = vector.shape_cast %mul3A_693 : vector<16xf32> to vector<1x16xf32>
        tpu.vector_store %arg18[%swap3A_694, %swap3A_695], %swap3A_698 {strides = array<i32>} : memref<128x128xf32, #tpu.memory_space<vmem>>, vector<1x16xf32>,
        %get3A_699 = arith.index_cast %add3A_624 : i32 to index
        %get3A_700 = arith.constant 112 : index
        %get3A_701 = tpu.vector_load %arg18[%get3A_699, %get3A_700] {strides = array<i32>} : memref<128x128xf32, #tpu.memory_space<vmem>>, vector<1x16xf32>,
        %get3A_702 = vector.shape_cast %get3A_701 : vector<1x16xf32> to vector<16xf32>
        %mul3A_703 = arith.mulf %get3A_702, %gather3A_628 : vector<16xf32>
        %swap3A_704 = arith.index_cast %add3A_624 : i32 to index
        %swap3A_705 = arith.constant 112 : index
        %swap3A_706 = tpu.vector_load %arg18[%swap3A_704, %swap3A_705] {strides = array<i32>} : memref<128x128xf32, #tpu.memory_space<vmem>>, vector<1x16xf32>,
        %swap3A_707 = vector.shape_cast %swap3A_706 : vector<1x16xf32> to vector<16xf32>
        %swap3A_708 = vector.shape_cast %mul3A_703 : vector<16xf32> to vector<1x16xf32>
        tpu.vector_store %arg18[%swap3A_704, %swap3A_705], %swap3A_708 {strides = array<i32>} : memref<128x128xf32, #tpu.memory_space<vmem>>, vector<1x16xf32>,
        %add3A_709 = arith.constant 6 : i32
        %add3A_710 = arith.addi %mul3A_192, %add3A_709 : i32
        %broadcast_in_dim3A_711 = arith.constant 6 : i32
        %broadcast_in_dim3A_712 = vector.broadcast %broadcast_in_dim3A_711 : i32 to vector<16x1xi32>
        %gather3A_713 = vector.shape_cast %broadcast_in_dim3A_712 : vector<16x1xi32> to vector<16xi32>
        %gather3A_714 = tpu.dynamic_gather %get3A_194[%gather3A_713] in [0] : vector<16xf32>, vector<16xi32> -> vector<16xf32>
        %get3A_715 = arith.index_cast %add3A_710 : i32 to index
        %get3A_716 = arith.constant 0 : index
        %get3A_717 = tpu.vector_load %arg18[%get3A_715, %get3A_716] {strides = array<i32>} : memref<128x128xf32, #tpu.memory_space<vmem>>, vector<1x16xf32>,
        %get3A_718 = vector.shape_cast %get3A_717 : vector<1x16xf32> to vector<16xf32>
        %mul3A_719 = arith.mulf %get3A_718, %gather3A_714 : vector<16xf32>
        %swap3A_720 = arith.index_cast %add3A_710 : i32 to index
        %swap3A_721 = arith.constant 0 : index
        %swap3A_722 = tpu.vector_load %arg18[%swap3A_720, %swap3A_721] {strides = array<i32>} : memref<128x128xf32, #tpu.memory_space<vmem>>, vector<1x16xf32>,
        %swap3A_723 = vector.shape_cast %swap3A_722 : vector<1x16xf32> to vector<16xf32>
        %swap3A_724 = vector.shape_cast %mul3A_719 : vector<16xf32> to vector<1x16xf32>
        tpu.vector_store %arg18[%swap3A_720, %swap3A_721], %swap3A_724 {strides = array<i32>} : memref<128x128xf32, #tpu.memory_space<vmem>>, vector<1x16xf32>,
        %get3A_725 = arith.index_cast %add3A_710 : i32 to index
        %get3A_726 = arith.constant 16 : index
        %get3A_727 = tpu.vector_load %arg18[%get3A_725, %get3A_726] {strides = array<i32>} : memref<128x128xf32, #tpu.memory_space<vmem>>, vector<1x16xf32>,
        %get3A_728 = vector.shape_cast %get3A_727 : vector<1x16xf32> to vector<16xf32>
        %mul3A_729 = arith.mulf %get3A_728, %gather3A_714 : vector<16xf32>
        %swap3A_730 = arith.index_cast %add3A_710 : i32 to index
        %swap3A_731 = arith.constant 16 : index
        %swap3A_732 = tpu.vector_load %arg18[%swap3A_730, %swap3A_731] {strides = array<i32>} : memref<128x128xf32, #tpu.memory_space<vmem>>, vector<1x16xf32>,
        %swap3A_733 = vector.shape_cast %swap3A_732 : vector<1x16xf32> to vector<16xf32>
        %swap3A_734 = vector.shape_cast %mul3A_729 : vector<16xf32> to vector<1x16xf32>
        tpu.vector_store %arg18[%swap3A_730, %swap3A_731], %swap3A_734 {strides = array<i32>} : memref<128x128xf32, #tpu.memory_space<vmem>>, vector<1x16xf32>,
        %get3A_735 = arith.index_cast %add3A_710 : i32 to index
        %get3A_736 = arith.constant 32 : index
        %get3A_737 = tpu.vector_load %arg18[%get3A_735, %get3A_736] {strides = array<i32>} : memref<128x128xf32, #tpu.memory_space<vmem>>, vector<1x16xf32>,
        %get3A_738 = vector.shape_cast %get3A_737 : vector<1x16xf32> to vector<16xf32>
        %mul3A_739 = arith.mulf %get3A_738, %gather3A_714 : vector<16xf32>
        %swap3A_740 = arith.index_cast %add3A_710 : i32 to index
        %swap3A_741 = arith.constant 32 : index
        %swap3A_742 = tpu.vector_load %arg18[%swap3A_740, %swap3A_741] {strides = array<i32>} : memref<128x128xf32, #tpu.memory_space<vmem>>, vector<1x16xf32>,
        %swap3A_743 = vector.shape_cast %swap3A_742 : vector<1x16xf32> to vector<16xf32>
        %swap3A_744 = vector.shape_cast %mul3A_739 : vector<16xf32> to vector<1x16xf32>
        tpu.vector_store %arg18[%swap3A_740, %swap3A_741], %swap3A_744 {strides = array<i32>} : memref<128x128xf32, #tpu.memory_space<vmem>>, vector<1x16xf32>,
        %get3A_745 = arith.index_cast %add3A_710 : i32 to index
        %get3A_746 = arith.constant 48 : index
        %get3A_747 = tpu.vector_load %arg18[%get3A_745, %get3A_746] {strides = array<i32>} : memref<128x128xf32, #tpu.memory_space<vmem>>, vector<1x16xf32>,
        %get3A_748 = vector.shape_cast %get3A_747 : vector<1x16xf32> to vector<16xf32>
        %mul3A_749 = arith.mulf %get3A_748, %gather3A_714 : vector<16xf32>
        %swap3A_750 = arith.index_cast %add3A_710 : i32 to index
        %swap3A_751 = arith.constant 48 : index
        %swap3A_752 = tpu.vector_load %arg18[%swap3A_750, %swap3A_751] {strides = array<i32>} : memref<128x128xf32, #tpu.memory_space<vmem>>, vector<1x16xf32>,
        %swap3A_753 = vector.shape_cast %swap3A_752 : vector<1x16xf32> to vector<16xf32>
        %swap3A_754 = vector.shape_cast %mul3A_749 : vector<16xf32> to vector<1x16xf32>
        tpu.vector_store %arg18[%swap3A_750, %swap3A_751], %swap3A_754 {strides = array<i32>} : memref<128x128xf32, #tpu.memory_space<vmem>>, vector<1x16xf32>,
        %get3A_755 = arith.index_cast %add3A_710 : i32 to index
        %get3A_756 = arith.constant 64 : index
        %get3A_757 = tpu.vector_load %arg18[%get3A_755, %get3A_756] {strides = array<i32>} : memref<128x128xf32, #tpu.memory_space<vmem>>, vector<1x16xf32>,
        %get3A_758 = vector.shape_cast %get3A_757 : vector<1x16xf32> to vector<16xf32>
        %mul3A_759 = arith.mulf %get3A_758, %gather3A_714 : vector<16xf32>
        %swap3A_760 = arith.index_cast %add3A_710 : i32 to index
        %swap3A_761 = arith.constant 64 : index
        %swap3A_762 = tpu.vector_load %arg18[%swap3A_760, %swap3A_761] {strides = array<i32>} : memref<128x128xf32, #tpu.memory_space<vmem>>, vector<1x16xf32>,
        %swap3A_763 = vector.shape_cast %swap3A_762 : vector<1x16xf32> to vector<16xf32>
        %swap3A_764 = vector.shape_cast %mul3A_759 : vector<16xf32> to vector<1x16xf32>
        tpu.vector_store %arg18[%swap3A_760, %swap3A_761], %swap3A_764 {strides = array<i32>} : memref<128x128xf32, #tpu.memory_space<vmem>>, vector<1x16xf32>,
        %get3A_765 = arith.index_cast %add3A_710 : i32 to index
        %get3A_766 = arith.constant 80 : index
        %get3A_767 = tpu.vector_load %arg18[%get3A_765, %get3A_766] {strides = array<i32>} : memref<128x128xf32, #tpu.memory_space<vmem>>, vector<1x16xf32>,
        %get3A_768 = vector.shape_cast %get3A_767 : vector<1x16xf32> to vector<16xf32>
        %mul3A_769 = arith.mulf %get3A_768, %gather3A_714 : vector<16xf32>
        %swap3A_770 = arith.index_cast %add3A_710 : i32 to index
        %swap3A_771 = arith.constant 80 : index
        %swap3A_772 = tpu.vector_load %arg18[%swap3A_770, %swap3A_771] {strides = array<i32>} : memref<128x128xf32, #tpu.memory_space<vmem>>, vector<1x16xf32>,
        %swap3A_773 = vector.shape_cast %swap3A_772 : vector<1x16xf32> to vector<16xf32>
        %swap3A_774 = vector.shape_cast %mul3A_769 : vector<16xf32> to vector<1x16xf32>
        tpu.vector_store %arg18[%swap3A_770, %swap3A_771], %swap3A_774 {strides = array<i32>} : memref<128x128xf32, #tpu.memory_space<vmem>>, vector<1x16xf32>,
        %get3A_775 = arith.index_cast %add3A_710 : i32 to index
        %get3A_776 = arith.constant 96 : index
        %get3A_777 = tpu.vector_load %arg18[%get3A_775, %get3A_776] {strides = array<i32>} : memref<128x128xf32, #tpu.memory_space<vmem>>, vector<1x16xf32>,
        %get3A_778 = vector.shape_cast %get3A_777 : vector<1x16xf32> to vector<16xf32>
        %mul3A_779 = arith.mulf %get3A_778, %gather3A_714 : vector<16xf32>
        %swap3A_780 = arith.index_cast %add3A_710 : i32 to index
        %swap3A_781 = arith.constant 96 : index
        %swap3A_782 = tpu.vector_load %arg18[%swap3A_780, %swap3A_781] {strides = array<i32>} : memref<128x128xf32, #tpu.memory_space<vmem>>, vector<1x16xf32>,
        %swap3A_783 = vector.shape_cast %swap3A_782 : vector<1x16xf32> to vector<16xf32>
        %swap3A_784 = vector.shape_cast %mul3A_779 : vector<16xf32> to vector<1x16xf32>
        tpu.vector_store %arg18[%swap3A_780, %swap3A_781], %swap3A_784 {strides = array<i32>} : memref<128x128xf32, #tpu.memory_space<vmem>>, vector<1x16xf32>,
        %get3A_785 = arith.index_cast %add3A_710 : i32 to index
        %get3A_786 = arith.constant 112 : index
        %get3A_787 = tpu.vector_load %arg18[%get3A_785, %get3A_786] {strides = array<i32>} : memref<128x128xf32, #tpu.memory_space<vmem>>, vector<1x16xf32>,
        %get3A_788 = vector.shape_cast %get3A_787 : vector<1x16xf32> to vector<16xf32>
        %mul3A_789 = arith.mulf %get3A_788, %gather3A_714 : vector<16xf32>
        %swap3A_790 = arith.index_cast %add3A_710 : i32 to index
        %swap3A_791 = arith.constant 112 : index
        %swap3A_792 = tpu.vector_load %arg18[%swap3A_790, %swap3A_791] {strides = array<i32>} : memref<128x128xf32, #tpu.memory_space<vmem>>, vector<1x16xf32>,
        %swap3A_793 = vector.shape_cast %swap3A_792 : vector<1x16xf32> to vector<16xf32>
        %swap3A_794 = vector.shape_cast %mul3A_789 : vector<16xf32> to vector<1x16xf32>
        tpu.vector_store %arg18[%swap3A_790, %swap3A_791], %swap3A_794 {strides = array<i32>} : memref<128x128xf32, #tpu.memory_space<vmem>>, vector<1x16xf32>,
        %add3A_795 = arith.constant 7 : i32
        %add3A_796 = arith.addi %mul3A_192, %add3A_795 : i32
        %broadcast_in_dim3A_797 = arith.constant 7 : i32
        %broadcast_in_dim3A_798 = vector.broadcast %broadcast_in_dim3A_797 : i32 to vector<16x1xi32>
        %gather3A_799 = vector.shape_cast %broadcast_in_dim3A_798 : vector<16x1xi32> to vector<16xi32>
        %gather3A_800 = tpu.dynamic_gather %get3A_194[%gather3A_799] in [0] : vector<16xf32>, vector<16xi32> -> vector<16xf32>
        %get3A_801 = arith.index_cast %add3A_796 : i32 to index
        %get3A_802 = arith.constant 0 : index
        %get3A_803 = tpu.vector_load %arg18[%get3A_801, %get3A_802] {strides = array<i32>} : memref<128x128xf32, #tpu.memory_space<vmem>>, vector<1x16xf32>,
        %get3A_804 = vector.shape_cast %get3A_803 : vector<1x16xf32> to vector<16xf32>
        %mul3A_805 = arith.mulf %get3A_804, %gather3A_800 : vector<16xf32>
        %swap3A_806 = arith.index_cast %add3A_796 : i32 to index
        %swap3A_807 = arith.constant 0 : index
        %swap3A_808 = tpu.vector_load %arg18[%swap3A_806, %swap3A_807] {strides = array<i32>} : memref<128x128xf32, #tpu.memory_space<vmem>>, vector<1x16xf32>,
        %swap3A_809 = vector.shape_cast %swap3A_808 : vector<1x16xf32> to vector<16xf32>
        %swap3A_810 = vector.shape_cast %mul3A_805 : vector<16xf32> to vector<1x16xf32>
        tpu.vector_store %arg18[%swap3A_806, %swap3A_807], %swap3A_810 {strides = array<i32>} : memref<128x128xf32, #tpu.memory_space<vmem>>, vector<1x16xf32>,
        %get3A_811 = arith.index_cast %add3A_796 : i32 to index
        %get3A_812 = arith.constant 16 : index
        %get3A_813 = tpu.vector_load %arg18[%get3A_811, %get3A_812] {strides = array<i32>} : memref<128x128xf32, #tpu.memory_space<vmem>>, vector<1x16xf32>,
        %get3A_814 = vector.shape_cast %get3A_813 : vector<1x16xf32> to vector<16xf32>
        %mul3A_815 = arith.mulf %get3A_814, %gather3A_800 : vector<16xf32>
        %swap3A_816 = arith.index_cast %add3A_796 : i32 to index
        %swap3A_817 = arith.constant 16 : index
        %swap3A_818 = tpu.vector_load %arg18[%swap3A_816, %swap3A_817] {strides = array<i32>} : memref<128x128xf32, #tpu.memory_space<vmem>>, vector<1x16xf32>,
        %swap3A_819 = vector.shape_cast %swap3A_818 : vector<1x16xf32> to vector<16xf32>
        %swap3A_820 = vector.shape_cast %mul3A_815 : vector<16xf32> to vector<1x16xf32>
        tpu.vector_store %arg18[%swap3A_816, %swap3A_817], %swap3A_820 {strides = array<i32>} : memref<128x128xf32, #tpu.memory_space<vmem>>, vector<1x16xf32>,
        %get3A_821 = arith.index_cast %add3A_796 : i32 to index
        %get3A_822 = arith.constant 32 : index
        %get3A_823 = tpu.vector_load %arg18[%get3A_821, %get3A_822] {strides = array<i32>} : memref<128x128xf32, #tpu.memory_space<vmem>>, vector<1x16xf32>,
        %get3A_824 = vector.shape_cast %get3A_823 : vector<1x16xf32> to vector<16xf32>
        %mul3A_825 = arith.mulf %get3A_824, %gather3A_800 : vector<16xf32>
        %swap3A_826 = arith.index_cast %add3A_796 : i32 to index
        %swap3A_827 = arith.constant 32 : index
        %swap3A_828 = tpu.vector_load %arg18[%swap3A_826, %swap3A_827] {strides = array<i32>} : memref<128x128xf32, #tpu.memory_space<vmem>>, vector<1x16xf32>,
        %swap3A_829 = vector.shape_cast %swap3A_828 : vector<1x16xf32> to vector<16xf32>
        %swap3A_830 = vector.shape_cast %mul3A_825 : vector<16xf32> to vector<1x16xf32>
        tpu.vector_store %arg18[%swap3A_826, %swap3A_827], %swap3A_830 {strides = array<i32>} : memref<128x128xf32, #tpu.memory_space<vmem>>, vector<1x16xf32>,
        %get3A_831 = arith.index_cast %add3A_796 : i32 to index
        %get3A_832 = arith.constant 48 : index
        %get3A_833 = tpu.vector_load %arg18[%get3A_831, %get3A_832] {strides = array<i32>} : memref<128x128xf32, #tpu.memory_space<vmem>>, vector<1x16xf32>,
        %get3A_834 = vector.shape_cast %get3A_833 : vector<1x16xf32> to vector<16xf32>
        %mul3A_835 = arith.mulf %get3A_834, %gather3A_800 : vector<16xf32>
        %swap3A_836 = arith.index_cast %add3A_796 : i32 to index
        %swap3A_837 = arith.constant 48 : index
        %swap3A_838 = tpu.vector_load %arg18[%swap3A_836, %swap3A_837] {strides = array<i32>} : memref<128x128xf32, #tpu.memory_space<vmem>>, vector<1x16xf32>,
        %swap3A_839 = vector.shape_cast %swap3A_838 : vector<1x16xf32> to vector<16xf32>
        %swap3A_840 = vector.shape_cast %mul3A_835 : vector<16xf32> to vector<1x16xf32>
        tpu.vector_store %arg18[%swap3A_836, %swap3A_837], %swap3A_840 {strides = array<i32>} : memref<128x128xf32, #tpu.memory_space<vmem>>, vector<1x16xf32>,
        %get3A_841 = arith.index_cast %add3A_796 : i32 to index
        %get3A_842 = arith.constant 64 : index
        %get3A_843 = tpu.vector_load %arg18[%get3A_841, %get3A_842] {strides = array<i32>} : memref<128x128xf32, #tpu.memory_space<vmem>>, vector<1x16xf32>,
        %get3A_844 = vector.shape_cast %get3A_843 : vector<1x16xf32> to vector<16xf32>
        %mul3A_845 = arith.mulf %get3A_844, %gather3A_800 : vector<16xf32>
        %swap3A_846 = arith.index_cast %add3A_796 : i32 to index
        %swap3A_847 = arith.constant 64 : index
        %swap3A_848 = tpu.vector_load %arg18[%swap3A_846, %swap3A_847] {strides = array<i32>} : memref<128x128xf32, #tpu.memory_space<vmem>>, vector<1x16xf32>,
        %swap3A_849 = vector.shape_cast %swap3A_848 : vector<1x16xf32> to vector<16xf32>
        %swap3A_850 = vector.shape_cast %mul3A_845 : vector<16xf32> to vector<1x16xf32>
        tpu.vector_store %arg18[%swap3A_846, %swap3A_847], %swap3A_850 {strides = array<i32>} : memref<128x128xf32, #tpu.memory_space<vmem>>, vector<1x16xf32>,
        %get3A_851 = arith.index_cast %add3A_796 : i32 to index
        %get3A_852 = arith.constant 80 : index
        %get3A_853 = tpu.vector_load %arg18[%get3A_851, %get3A_852] {strides = array<i32>} : memref<128x128xf32, #tpu.memory_space<vmem>>, vector<1x16xf32>,
        %get3A_854 = vector.shape_cast %get3A_853 : vector<1x16xf32> to vector<16xf32>
        %mul3A_855 = arith.mulf %get3A_854, %gather3A_800 : vector<16xf32>
        %swap3A_856 = arith.index_cast %add3A_796 : i32 to index
        %swap3A_857 = arith.constant 80 : index
        %swap3A_858 = tpu.vector_load %arg18[%swap3A_856, %swap3A_857] {strides = array<i32>} : memref<128x128xf32, #tpu.memory_space<vmem>>, vector<1x16xf32>,
        %swap3A_859 = vector.shape_cast %swap3A_858 : vector<1x16xf32> to vector<16xf32>
        %swap3A_860 = vector.shape_cast %mul3A_855 : vector<16xf32> to vector<1x16xf32>
        tpu.vector_store %arg18[%swap3A_856, %swap3A_857], %swap3A_860 {strides = array<i32>} : memref<128x128xf32, #tpu.memory_space<vmem>>, vector<1x16xf32>,
        %get3A_861 = arith.index_cast %add3A_796 : i32 to index
        %get3A_862 = arith.constant 96 : index
        %get3A_863 = tpu.vector_load %arg18[%get3A_861, %get3A_862] {strides = array<i32>} : memref<128x128xf32, #tpu.memory_space<vmem>>, vector<1x16xf32>,
        %get3A_864 = vector.shape_cast %get3A_863 : vector<1x16xf32> to vector<16xf32>
        %mul3A_865 = arith.mulf %get3A_864, %gather3A_800 : vector<16xf32>
        %swap3A_866 = arith.index_cast %add3A_796 : i32 to index
        %swap3A_867 = arith.constant 96 : index
        %swap3A_868 = tpu.vector_load %arg18[%swap3A_866, %swap3A_867] {strides = array<i32>} : memref<128x128xf32, #tpu.memory_space<vmem>>, vector<1x16xf32>,
        %swap3A_869 = vector.shape_cast %swap3A_868 : vector<1x16xf32> to vector<16xf32>
        %swap3A_870 = vector.shape_cast %mul3A_865 : vector<16xf32> to vector<1x16xf32>
        tpu.vector_store %arg18[%swap3A_866, %swap3A_867], %swap3A_870 {strides = array<i32>} : memref<128x128xf32, #tpu.memory_space<vmem>>, vector<1x16xf32>,
        %get3A_871 = arith.index_cast %add3A_796 : i32 to index
        %get3A_872 = arith.constant 112 : index
        %get3A_873 = tpu.vector_load %arg18[%get3A_871, %get3A_872] {strides = array<i32>} : memref<128x128xf32, #tpu.memory_space<vmem>>, vector<1x16xf32>,
        %get3A_874 = vector.shape_cast %get3A_873 : vector<1x16xf32> to vector<16xf32>
        %mul3A_875 = arith.mulf %get3A_874, %gather3A_800 : vector<16xf32>
        %swap3A_876 = arith.index_cast %add3A_796 : i32 to index
        %swap3A_877 = arith.constant 112 : index
        %swap3A_878 = tpu.vector_load %arg18[%swap3A_876, %swap3A_877] {strides = array<i32>} : memref<128x128xf32, #tpu.memory_space<vmem>>, vector<1x16xf32>,
        %swap3A_879 = vector.shape_cast %swap3A_878 : vector<1x16xf32> to vector<16xf32>
        %swap3A_880 = vector.shape_cast %mul3A_875 : vector<16xf32> to vector<1x16xf32>
        tpu.vector_store %arg18[%swap3A_876, %swap3A_877], %swap3A_880 {strides = array<i32>} : memref<128x128xf32, #tpu.memory_space<vmem>>, vector<1x16xf32>,
        %add3A_881 = arith.constant 8 : i32
        %add3A_882 = arith.addi %mul3A_192, %add3A_881 : i32
        %broadcast_in_dim3A_883 = arith.constant 8 : i32
        %broadcast_in_dim3A_884 = vector.broadcast %broadcast_in_dim3A_883 : i32 to vector<16x1xi32>
        %gather3A_885 = vector.shape_cast %broadcast_in_dim3A_884 : vector<16x1xi32> to vector<16xi32>
        %gather3A_886 = tpu.dynamic_gather %get3A_194[%gather3A_885] in [0] : vector<16xf32>, vector<16xi32> -> vector<16xf32>
        %get3A_887 = arith.index_cast %add3A_882 : i32 to index
        %get3A_888 = arith.constant 0 : index
        %get3A_889 = tpu.vector_load %arg18[%get3A_887, %get3A_888] {strides = array<i32>} : memref<128x128xf32, #tpu.memory_space<vmem>>, vector<1x16xf32>,
        %get3A_890 = vector.shape_cast %get3A_889 : vector<1x16xf32> to vector<16xf32>
        %mul3A_891 = arith.mulf %get3A_890, %gather3A_886 : vector<16xf32>
        %swap3A_892 = arith.index_cast %add3A_882 : i32 to index
        %swap3A_893 = arith.constant 0 : index
        %swap3A_894 = tpu.vector_load %arg18[%swap3A_892, %swap3A_893] {strides = array<i32>} : memref<128x128xf32, #tpu.memory_space<vmem>>, vector<1x16xf32>,
        %swap3A_895 = vector.shape_cast %swap3A_894 : vector<1x16xf32> to vector<16xf32>
        %swap3A_896 = vector.shape_cast %mul3A_891 : vector<16xf32> to vector<1x16xf32>
        tpu.vector_store %arg18[%swap3A_892, %swap3A_893], %swap3A_896 {strides = array<i32>} : memref<128x128xf32, #tpu.memory_space<vmem>>, vector<1x16xf32>,
        %get3A_897 = arith.index_cast %add3A_882 : i32 to index
        %get3A_898 = arith.constant 16 : index
        %get3A_899 = tpu.vector_load %arg18[%get3A_897, %get3A_898] {strides = array<i32>} : memref<128x128xf32, #tpu.memory_space<vmem>>, vector<1x16xf32>,
        %get3A_900 = vector.shape_cast %get3A_899 : vector<1x16xf32> to vector<16xf32>
        %mul3A_901 = arith.mulf %get3A_900, %gather3A_886 : vector<16xf32>
        %swap3A_902 = arith.index_cast %add3A_882 : i32 to index
        %swap3A_903 = arith.constant 16 : index
        %swap3A_904 = tpu.vector_load %arg18[%swap3A_902, %swap3A_903] {strides = array<i32>} : memref<128x128xf32, #tpu.memory_space<vmem>>, vector<1x16xf32>,
        %swap3A_905 = vector.shape_cast %swap3A_904 : vector<1x16xf32> to vector<16xf32>
        %swap3A_906 = vector.shape_cast %mul3A_901 : vector<16xf32> to vector<1x16xf32>
        tpu.vector_store %arg18[%swap3A_902, %swap3A_903], %swap3A_906 {strides = array<i32>} : memref<128x128xf32, #tpu.memory_space<vmem>>, vector<1x16xf32>,
        %get3A_907 = arith.index_cast %add3A_882 : i32 to index
        %get3A_908 = arith.constant 32 : index
        %get3A_909 = tpu.vector_load %arg18[%get3A_907, %get3A_908] {strides = array<i32>} : memref<128x128xf32, #tpu.memory_space<vmem>>, vector<1x16xf32>,
        %get3A_910 = vector.shape_cast %get3A_909 : vector<1x16xf32> to vector<16xf32>
        %mul3A_911 = arith.mulf %get3A_910, %gather3A_886 : vector<16xf32>
        %swap3A_912 = arith.index_cast %add3A_882 : i32 to index
        %swap3A_913 = arith.constant 32 : index
        %swap3A_914 = tpu.vector_load %arg18[%swap3A_912, %swap3A_913] {strides = array<i32>} : memref<128x128xf32, #tpu.memory_space<vmem>>, vector<1x16xf32>,
        %swap3A_915 = vector.shape_cast %swap3A_914 : vector<1x16xf32> to vector<16xf32>
        %swap3A_916 = vector.shape_cast %mul3A_911 : vector<16xf32> to vector<1x16xf32>
        tpu.vector_store %arg18[%swap3A_912, %swap3A_913], %swap3A_916 {strides = array<i32>} : memref<128x128xf32, #tpu.memory_space<vmem>>, vector<1x16xf32>,
        %get3A_917 = arith.index_cast %add3A_882 : i32 to index
        %get3A_918 = arith.constant 48 : index
        %get3A_919 = tpu.vector_load %arg18[%get3A_917, %get3A_918] {strides = array<i32>} : memref<128x128xf32, #tpu.memory_space<vmem>>, vector<1x16xf32>,
        %get3A_920 = vector.shape_cast %get3A_919 : vector<1x16xf32> to vector<16xf32>
        %mul3A_921 = arith.mulf %get3A_920, %gather3A_886 : vector<16xf32>
        %swap3A_922 = arith.index_cast %add3A_882 : i32 to index
        %swap3A_923 = arith.constant 48 : index
        %swap3A_924 = tpu.vector_load %arg18[%swap3A_922, %swap3A_923] {strides = array<i32>} : memref<128x128xf32, #tpu.memory_space<vmem>>, vector<1x16xf32>,
        %swap3A_925 = vector.shape_cast %swap3A_924 : vector<1x16xf32> to vector<16xf32>
        %swap3A_926 = vector.shape_cast %mul3A_921 : vector<16xf32> to vector<1x16xf32>
        tpu.vector_store %arg18[%swap3A_922, %swap3A_923], %swap3A_926 {strides = array<i32>} : memref<128x128xf32, #tpu.memory_space<vmem>>, vector<1x16xf32>,
        %get3A_927 = arith.index_cast %add3A_882 : i32 to index
        %get3A_928 = arith.constant 64 : index
        %get3A_929 = tpu.vector_load %arg18[%get3A_927, %get3A_928] {strides = array<i32>} : memref<128x128xf32, #tpu.memory_space<vmem>>, vector<1x16xf32>,
        %get3A_930 = vector.shape_cast %get3A_929 : vector<1x16xf32> to vector<16xf32>
        %mul3A_931 = arith.mulf %get3A_930, %gather3A_886 : vector<16xf32>
        %swap3A_932 = arith.index_cast %add3A_882 : i32 to index
        %swap3A_933 = arith.constant 64 : index
        %swap3A_934 = tpu.vector_load %arg18[%swap3A_932, %swap3A_933] {strides = array<i32>} : memref<128x128xf32, #tpu.memory_space<vmem>>, vector<1x16xf32>,
        %swap3A_935 = vector.shape_cast %swap3A_934 : vector<1x16xf32> to vector<16xf32>
        %swap3A_936 = vector.shape_cast %mul3A_931 : vector<16xf32> to vector<1x16xf32>
        tpu.vector_store %arg18[%swap3A_932, %swap3A_933], %swap3A_936 {strides = array<i32>} : memref<128x128xf32, #tpu.memory_space<vmem>>, vector<1x16xf32>,
        %get3A_937 = arith.index_cast %add3A_882 : i32 to index
        %get3A_938 = arith.constant 80 : index
        %get3A_939 = tpu.vector_load %arg18[%get3A_937, %get3A_938] {strides = array<i32>} : memref<128x128xf32, #tpu.memory_space<vmem>>, vector<1x16xf32>,
        %get3A_940 = vector.shape_cast %get3A_939 : vector<1x16xf32> to vector<16xf32>
        %mul3A_941 = arith.mulf %get3A_940, %gather3A_886 : vector<16xf32>
        %swap3A_942 = arith.index_cast %add3A_882 : i32 to index
        %swap3A_943 = arith.constant 80 : index
        %swap3A_944 = tpu.vector_load %arg18[%swap3A_942, %swap3A_943] {strides = array<i32>} : memref<128x128xf32, #tpu.memory_space<vmem>>, vector<1x16xf32>,
        %swap3A_945 = vector.shape_cast %swap3A_944 : vector<1x16xf32> to vector<16xf32>
        %swap3A_946 = vector.shape_cast %mul3A_941 : vector<16xf32> to vector<1x16xf32>
        tpu.vector_store %arg18[%swap3A_942, %swap3A_943], %swap3A_946 {strides = array<i32>} : memref<128x128xf32, #tpu.memory_space<vmem>>, vector<1x16xf32>,
        %get3A_947 = arith.index_cast %add3A_882 : i32 to index
        %get3A_948 = arith.constant 96 : index
        %get3A_949 = tpu.vector_load %arg18[%get3A_947, %get3A_948] {strides = array<i32>} : memref<128x128xf32, #tpu.memory_space<vmem>>, vector<1x16xf32>,
        %get3A_950 = vector.shape_cast %get3A_949 : vector<1x16xf32> to vector<16xf32>
        %mul3A_951 = arith.mulf %get3A_950, %gather3A_886 : vector<16xf32>
        %swap3A_952 = arith.index_cast %add3A_882 : i32 to index
        %swap3A_953 = arith.constant 96 : index
        %swap3A_954 = tpu.vector_load %arg18[%swap3A_952, %swap3A_953] {strides = array<i32>} : memref<128x128xf32, #tpu.memory_space<vmem>>, vector<1x16xf32>,
        %swap3A_955 = vector.shape_cast %swap3A_954 : vector<1x16xf32> to vector<16xf32>
        %swap3A_956 = vector.shape_cast %mul3A_951 : vector<16xf32> to vector<1x16xf32>
        tpu.vector_store %arg18[%swap3A_952, %swap3A_953], %swap3A_956 {strides = array<i32>} : memref<128x128xf32, #tpu.memory_space<vmem>>, vector<1x16xf32>,
        %get3A_957 = arith.index_cast %add3A_882 : i32 to index
        %get3A_958 = arith.constant 112 : index
        %get3A_959 = tpu.vector_load %arg18[%get3A_957, %get3A_958] {strides = array<i32>} : memref<128x128xf32, #tpu.memory_space<vmem>>, vector<1x16xf32>,
        %get3A_960 = vector.shape_cast %get3A_959 : vector<1x16xf32> to vector<16xf32>
        %mul3A_961 = arith.mulf %get3A_960, %gather3A_886 : vector<16xf32>
        %swap3A_962 = arith.index_cast %add3A_882 : i32 to index
        %swap3A_963 = arith.constant 112 : index
        %swap3A_964 = tpu.vector_load %arg18[%swap3A_962, %swap3A_963] {strides = array<i32>} : memref<128x128xf32, #tpu.memory_space<vmem>>, vector<1x16xf32>,
        %swap3A_965 = vector.shape_cast %swap3A_964 : vector<1x16xf32> to vector<16xf32>
        %swap3A_966 = vector.shape_cast %mul3A_961 : vector<16xf32> to vector<1x16xf32>
        tpu.vector_store %arg18[%swap3A_962, %swap3A_963], %swap3A_966 {strides = array<i32>} : memref<128x128xf32, #tpu.memory_space<vmem>>, vector<1x16xf32>,
        %add3A_967 = arith.constant 9 : i32
        %add3A_968 = arith.addi %mul3A_192, %add3A_967 : i32
        %broadcast_in_dim3A_969 = arith.constant 9 : i32
        %broadcast_in_dim3A_970 = vector.broadcast %broadcast_in_dim3A_969 : i32 to vector<16x1xi32>
        %gather3A_971 = vector.shape_cast %broadcast_in_dim3A_970 : vector<16x1xi32> to vector<16xi32>
        %gather3A_972 = tpu.dynamic_gather %get3A_194[%gather3A_971] in [0] : vector<16xf32>, vector<16xi32> -> vector<16xf32>
        %get3A_973 = arith.index_cast %add3A_968 : i32 to index
        %get3A_974 = arith.constant 0 : index
        %get3A_975 = tpu.vector_load %arg18[%get3A_973, %get3A_974] {strides = array<i32>} : memref<128x128xf32, #tpu.memory_space<vmem>>, vector<1x16xf32>,
        %get3A_976 = vector.shape_cast %get3A_975 : vector<1x16xf32> to vector<16xf32>
        %mul3A_977 = arith.mulf %get3A_976, %gather3A_972 : vector<16xf32>
        %swap3A_978 = arith.index_cast %add3A_968 : i32 to index
        %swap3A_979 = arith.constant 0 : index
        %swap3A_980 = tpu.vector_load %arg18[%swap3A_978, %swap3A_979] {strides = array<i32>} : memref<128x128xf32, #tpu.memory_space<vmem>>, vector<1x16xf32>,
        %swap3A_981 = vector.shape_cast %swap3A_980 : vector<1x16xf32> to vector<16xf32>
        %swap3A_982 = vector.shape_cast %mul3A_977 : vector<16xf32> to vector<1x16xf32>
        tpu.vector_store %arg18[%swap3A_978, %swap3A_979], %swap3A_982 {strides = array<i32>} : memref<128x128xf32, #tpu.memory_space<vmem>>, vector<1x16xf32>,
        %get3A_983 = arith.index_cast %add3A_968 : i32 to index
        %get3A_984 = arith.constant 16 : index
        %get3A_985 = tpu.vector_load %arg18[%get3A_983, %get3A_984] {strides = array<i32>} : memref<128x128xf32, #tpu.memory_space<vmem>>, vector<1x16xf32>,
        %get3A_986 = vector.shape_cast %get3A_985 : vector<1x16xf32> to vector<16xf32>
        %mul3A_987 = arith.mulf %get3A_986, %gather3A_972 : vector<16xf32>
        %swap3A_988 = arith.index_cast %add3A_968 : i32 to index
        %swap3A_989 = arith.constant 16 : index
        %swap3A_990 = tpu.vector_load %arg18[%swap3A_988, %swap3A_989] {strides = array<i32>} : memref<128x128xf32, #tpu.memory_space<vmem>>, vector<1x16xf32>,
        %swap3A_991 = vector.shape_cast %swap3A_990 : vector<1x16xf32> to vector<16xf32>
        %swap3A_992 = vector.shape_cast %mul3A_987 : vector<16xf32> to vector<1x16xf32>
        tpu.vector_store %arg18[%swap3A_988, %swap3A_989], %swap3A_992 {strides = array<i32>} : memref<128x128xf32, #tpu.memory_space<vmem>>, vector<1x16xf32>,
        %get3A_993 = arith.index_cast %add3A_968 : i32 to index
        %get3A_994 = arith.constant 32 : index
        %get3A_995 = tpu.vector_load %arg18[%get3A_993, %get3A_994] {strides = array<i32>} : memref<128x128xf32, #tpu.memory_space<vmem>>, vector<1x16xf32>,
        %get3A_996 = vector.shape_cast %get3A_995 : vector<1x16xf32> to vector<16xf32>
        %mul3A_997 = arith.mulf %get3A_996, %gather3A_972 : vector<16xf32>
        %swap3A_998 = arith.index_cast %add3A_968 : i32 to index
        %swap3A_999 = arith.constant 32 : index
        %swap3A_1000 = tpu.vector_load %arg18[%swap3A_998, %swap3A_999] {strides = array<i32>} : memref<128x128xf32, #tpu.memory_space<vmem>>, vector<1x16xf32>,
        %swap3A_1001 = vector.shape_cast %swap3A_1000 : vector<1x16xf32> to vector<16xf32>
        %swap3A_1002 = vector.shape_cast %mul3A_997 : vector<16xf32> to vector<1x16xf32>
        tpu.vector_store %arg18[%swap3A_998, %swap3A_999], %swap3A_1002 {strides = array<i32>} : memref<128x128xf32, #tpu.memory_space<vmem>>, vector<1x16xf32>,
        %get3A_1003 = arith.index_cast %add3A_968 : i32 to index
        %get3A_1004 = arith.constant 48 : index
        %get3A_1005 = tpu.vector_load %arg18[%get3A_1003, %get3A_1004] {strides = array<i32>} : memref<128x128xf32, #tpu.memory_space<vmem>>, vector<1x16xf32>,
        %get3A_1006 = vector.shape_cast %get3A_1005 : vector<1x16xf32> to vector<16xf32>
        %mul3A_1007 = arith.mulf %get3A_1006, %gather3A_972 : vector<16xf32>
        %swap3A_1008 = arith.index_cast %add3A_968 : i32 to index
        %swap3A_1009 = arith.constant 48 : index
        %swap3A_1010 = tpu.vector_load %arg18[%swap3A_1008, %swap3A_1009] {strides = array<i32>} : memref<128x128xf32, #tpu.memory_space<vmem>>, vector<1x16xf32>,
        %swap3A_1011 = vector.shape_cast %swap3A_1010 : vector<1x16xf32> to vector<16xf32>
        %swap3A_1012 = vector.shape_cast %mul3A_1007 : vector<16xf32> to vector<1x16xf32>
        tpu.vector_store %arg18[%swap3A_1008, %swap3A_1009], %swap3A_1012 {strides = array<i32>} : memref<128x128xf32, #tpu.memory_space<vmem>>, vector<1x16xf32>,
        %get3A_1013 = arith.index_cast %add3A_968 : i32 to index
        %get3A_1014 = arith.constant 64 : index
        %get3A_1015 = tpu.vector_load %arg18[%get3A_1013, %get3A_1014] {strides = array<i32>} : memref<128x128xf32, #tpu.memory_space<vmem>>, vector<1x16xf32>,
        %get3A_1016 = vector.shape_cast %get3A_1015 : vector<1x16xf32> to vector<16xf32>
        %mul3A_1017 = arith.mulf %get3A_1016, %gather3A_972 : vector<16xf32>
        %swap3A_1018 = arith.index_cast %add3A_968 : i32 to index
        %swap3A_1019 = arith.constant 64 : index
        %swap3A_1020 = tpu.vector_load %arg18[%swap3A_1018, %swap3A_1019] {strides = array<i32>} : memref<128x128xf32, #tpu.memory_space<vmem>>, vector<1x16xf32>,
        %swap3A_1021 = vector.shape_cast %swap3A_1020 : vector<1x16xf32> to vector<16xf32>
        %swap3A_1022 = vector.shape_cast %mul3A_1017 : vector<16xf32> to vector<1x16xf32>
        tpu.vector_store %arg18[%swap3A_1018, %swap3A_1019], %swap3A_1022 {strides = array<i32>} : memref<128x128xf32, #tpu.memory_space<vmem>>, vector<1x16xf32>,
        %get3A_1023 = arith.index_cast %add3A_968 : i32 to index
        %get3A_1024 = arith.constant 80 : index
        %get3A_1025 = tpu.vector_load %arg18[%get3A_1023, %get3A_1024] {strides = array<i32>} : memref<128x128xf32, #tpu.memory_space<vmem>>, vector<1x16xf32>,
        %get3A_1026 = vector.shape_cast %get3A_1025 : vector<1x16xf32> to vector<16xf32>
        %mul3A_1027 = arith.mulf %get3A_1026, %gather3A_972 : vector<16xf32>
        %swap3A_1028 = arith.index_cast %add3A_968 : i32 to index
        %swap3A_1029 = arith.constant 80 : index
        %swap3A_1030 = tpu.vector_load %arg18[%swap3A_1028, %swap3A_1029] {strides = array<i32>} : memref<128x128xf32, #tpu.memory_space<vmem>>, vector<1x16xf32>,
        %swap3A_1031 = vector.shape_cast %swap3A_1030 : vector<1x16xf32> to vector<16xf32>
        %swap3A_1032 = vector.shape_cast %mul3A_1027 : vector<16xf32> to vector<1x16xf32>
        tpu.vector_store %arg18[%swap3A_1028, %swap3A_1029], %swap3A_1032 {strides = array<i32>} : memref<128x128xf32, #tpu.memory_space<vmem>>, vector<1x16xf32>,
        %get3A_1033 = arith.index_cast %add3A_968 : i32 to index
        %get3A_1034 = arith.constant 96 : index
        %get3A_1035 = tpu.vector_load %arg18[%get3A_1033, %get3A_1034] {strides = array<i32>} : memref<128x128xf32, #tpu.memory_space<vmem>>, vector<1x16xf32>,
        %get3A_1036 = vector.shape_cast %get3A_1035 : vector<1x16xf32> to vector<16xf32>
        %mul3A_1037 = arith.mulf %get3A_1036, %gather3A_972 : vector<16xf32>
        %swap3A_1038 = arith.index_cast %add3A_968 : i32 to index
        %swap3A_1039 = arith.constant 96 : index
        %swap3A_1040 = tpu.vector_load %arg18[%swap3A_1038, %swap3A_1039] {strides = array<i32>} : memref<128x128xf32, #tpu.memory_space<vmem>>, vector<1x16xf32>,
        %swap3A_1041 = vector.shape_cast %swap3A_1040 : vector<1x16xf32> to vector<16xf32>
        %swap3A_1042 = vector.shape_cast %mul3A_1037 : vector<16xf32> to vector<1x16xf32>
        tpu.vector_store %arg18[%swap3A_1038, %swap3A_1039], %swap3A_1042 {strides = array<i32>} : memref<128x128xf32, #tpu.memory_space<vmem>>, vector<1x16xf32>,
        %get3A_1043 = arith.index_cast %add3A_968 : i32 to index
        %get3A_1044 = arith.constant 112 : index
        %get3A_1045 = tpu.vector_load %arg18[%get3A_1043, %get3A_1044] {strides = array<i32>} : memref<128x128xf32, #tpu.memory_space<vmem>>, vector<1x16xf32>,
        %get3A_1046 = vector.shape_cast %get3A_1045 : vector<1x16xf32> to vector<16xf32>
        %mul3A_1047 = arith.mulf %get3A_1046, %gather3A_972 : vector<16xf32>
        %swap3A_1048 = arith.index_cast %add3A_968 : i32 to index
        %swap3A_1049 = arith.constant 112 : index
        %swap3A_1050 = tpu.vector_load %arg18[%swap3A_1048, %swap3A_1049] {strides = array<i32>} : memref<128x128xf32, #tpu.memory_space<vmem>>, vector<1x16xf32>,
        %swap3A_1051 = vector.shape_cast %swap3A_1050 : vector<1x16xf32> to vector<16xf32>
        %swap3A_1052 = vector.shape_cast %mul3A_1047 : vector<16xf32> to vector<1x16xf32>
        tpu.vector_store %arg18[%swap3A_1048, %swap3A_1049], %swap3A_1052 {strides = array<i32>} : memref<128x128xf32, #tpu.memory_space<vmem>>, vector<1x16xf32>,
        %add3A_1053 = arith.constant 10 : i32
        %add3A_1054 = arith.addi %mul3A_192, %add3A_1053 : i32
        %broadcast_in_dim3A_1055 = arith.constant 10 : i32
        %broadcast_in_dim3A_1056 = vector.broadcast %broadcast_in_dim3A_1055 : i32 to vector<16x1xi32>
        %gather3A_1057 = vector.shape_cast %broadcast_in_dim3A_1056 : vector<16x1xi32> to vector<16xi32>
        %gather3A_1058 = tpu.dynamic_gather %get3A_194[%gather3A_1057] in [0] : vector<16xf32>, vector<16xi32> -> vector<16xf32>
        %get3A_1059 = arith.index_cast %add3A_1054 : i32 to index
        %get3A_1060 = arith.constant 0 : index
        %get3A_1061 = tpu.vector_load %arg18[%get3A_1059, %get3A_1060] {strides = array<i32>} : memref<128x128xf32, #tpu.memory_space<vmem>>, vector<1x16xf32>,
        %get3A_1062 = vector.shape_cast %get3A_1061 : vector<1x16xf32> to vector<16xf32>
        %mul3A_1063 = arith.mulf %get3A_1062, %gather3A_1058 : vector<16xf32>
        %swap3A_1064 = arith.index_cast %add3A_1054 : i32 to index
        %swap3A_1065 = arith.constant 0 : index
        %swap3A_1066 = tpu.vector_load %arg18[%swap3A_1064, %swap3A_1065] {strides = array<i32>} : memref<128x128xf32, #tpu.memory_space<vmem>>, vector<1x16xf32>,
        %swap3A_1067 = vector.shape_cast %swap3A_1066 : vector<1x16xf32> to vector<16xf32>
        %swap3A_1068 = vector.shape_cast %mul3A_1063 : vector<16xf32> to vector<1x16xf32>
        tpu.vector_store %arg18[%swap3A_1064, %swap3A_1065], %swap3A_1068 {strides = array<i32>} : memref<128x128xf32, #tpu.memory_space<vmem>>, vector<1x16xf32>,
        %get3A_1069 = arith.index_cast %add3A_1054 : i32 to index
        %get3A_1070 = arith.constant 16 : index
        %get3A_1071 = tpu.vector_load %arg18[%get3A_1069, %get3A_1070] {strides = array<i32>} : memref<128x128xf32, #tpu.memory_space<vmem>>, vector<1x16xf32>,
        %get3A_1072 = vector.shape_cast %get3A_1071 : vector<1x16xf32> to vector<16xf32>
        %mul3A_1073 = arith.mulf %get3A_1072, %gather3A_1058 : vector<16xf32>
        %swap3A_1074 = arith.index_cast %add3A_1054 : i32 to index
        %swap3A_1075 = arith.constant 16 : index
        %swap3A_1076 = tpu.vector_load %arg18[%swap3A_1074, %swap3A_1075] {strides = array<i32>} : memref<128x128xf32, #tpu.memory_space<vmem>>, vector<1x16xf32>,
        %swap3A_1077 = vector.shape_cast %swap3A_1076 : vector<1x16xf32> to vector<16xf32>
        %swap3A_1078 = vector.shape_cast %mul3A_1073 : vector<16xf32> to vector<1x16xf32>
        tpu.vector_store %arg18[%swap3A_1074, %swap3A_1075], %swap3A_1078 {strides = array<i32>} : memref<128x128xf32, #tpu.memory_space<vmem>>, vector<1x16xf32>,
        %get3A_1079 = arith.index_cast %add3A_1054 : i32 to index
        %get3A_1080 = arith.constant 32 : index
        %get3A_1081 = tpu.vector_load %arg18[%get3A_1079, %get3A_1080] {strides = array<i32>} : memref<128x128xf32, #tpu.memory_space<vmem>>, vector<1x16xf32>,
        %get3A_1082 = vector.shape_cast %get3A_1081 : vector<1x16xf32> to vector<16xf32>
        %mul3A_1083 = arith.mulf %get3A_1082, %gather3A_1058 : vector<16xf32>
        %swap3A_1084 = arith.index_cast %add3A_1054 : i32 to index
        %swap3A_1085 = arith.constant 32 : index
        %swap3A_1086 = tpu.vector_load %arg18[%swap3A_1084, %swap3A_1085] {strides = array<i32>} : memref<128x128xf32, #tpu.memory_space<vmem>>, vector<1x16xf32>,
        %swap3A_1087 = vector.shape_cast %swap3A_1086 : vector<1x16xf32> to vector<16xf32>
        %swap3A_1088 = vector.shape_cast %mul3A_1083 : vector<16xf32> to vector<1x16xf32>
        tpu.vector_store %arg18[%swap3A_1084, %swap3A_1085], %swap3A_1088 {strides = array<i32>} : memref<128x128xf32, #tpu.memory_space<vmem>>, vector<1x16xf32>,
        %get3A_1089 = arith.index_cast %add3A_1054 : i32 to index
        %get3A_1090 = arith.constant 48 : index
        %get3A_1091 = tpu.vector_load %arg18[%get3A_1089, %get3A_1090] {strides = array<i32>} : memref<128x128xf32, #tpu.memory_space<vmem>>, vector<1x16xf32>,
        %get3A_1092 = vector.shape_cast %get3A_1091 : vector<1x16xf32> to vector<16xf32>
        %mul3A_1093 = arith.mulf %get3A_1092, %gather3A_1058 : vector<16xf32>
        %swap3A_1094 = arith.index_cast %add3A_1054 : i32 to index
        %swap3A_1095 = arith.constant 48 : index
        %swap3A_1096 = tpu.vector_load %arg18[%swap3A_1094, %swap3A_1095] {strides = array<i32>} : memref<128x128xf32, #tpu.memory_space<vmem>>, vector<1x16xf32>,
        %swap3A_1097 = vector.shape_cast %swap3A_1096 : vector<1x16xf32> to vector<16xf32>
        %swap3A_1098 = vector.shape_cast %mul3A_1093 : vector<16xf32> to vector<1x16xf32>
        tpu.vector_store %arg18[%swap3A_1094, %swap3A_1095], %swap3A_1098 {strides = array<i32>} : memref<128x128xf32, #tpu.memory_space<vmem>>, vector<1x16xf32>,
        %get3A_1099 = arith.index_cast %add3A_1054 : i32 to index
        %get3A_1100 = arith.constant 64 : index
        %get3A_1101 = tpu.vector_load %arg18[%get3A_1099, %get3A_1100] {strides = array<i32>} : memref<128x128xf32, #tpu.memory_space<vmem>>, vector<1x16xf32>,
        %get3A_1102 = vector.shape_cast %get3A_1101 : vector<1x16xf32> to vector<16xf32>
        %mul3A_1103 = arith.mulf %get3A_1102, %gather3A_1058 : vector<16xf32>
        %swap3A_1104 = arith.index_cast %add3A_1054 : i32 to index
        %swap3A_1105 = arith.constant 64 : index
        %swap3A_1106 = tpu.vector_load %arg18[%swap3A_1104, %swap3A_1105] {strides = array<i32>} : memref<128x128xf32, #tpu.memory_space<vmem>>, vector<1x16xf32>,
        %swap3A_1107 = vector.shape_cast %swap3A_1106 : vector<1x16xf32> to vector<16xf32>
        %swap3A_1108 = vector.shape_cast %mul3A_1103 : vector<16xf32> to vector<1x16xf32>
        tpu.vector_store %arg18[%swap3A_1104, %swap3A_1105], %swap3A_1108 {strides = array<i32>} : memref<128x128xf32, #tpu.memory_space<vmem>>, vector<1x16xf32>,
        %get3A_1109 = arith.index_cast %add3A_1054 : i32 to index
        %get3A_1110 = arith.constant 80 : index
        %get3A_1111 = tpu.vector_load %arg18[%get3A_1109, %get3A_1110] {strides = array<i32>} : memref<128x128xf32, #tpu.memory_space<vmem>>, vector<1x16xf32>,
        %get3A_1112 = vector.shape_cast %get3A_1111 : vector<1x16xf32> to vector<16xf32>
        %mul3A_1113 = arith.mulf %get3A_1112, %gather3A_1058 : vector<16xf32>
        %swap3A_1114 = arith.index_cast %add3A_1054 : i32 to index
        %swap3A_1115 = arith.constant 80 : index
        %swap3A_1116 = tpu.vector_load %arg18[%swap3A_1114, %swap3A_1115] {strides = array<i32>} : memref<128x128xf32, #tpu.memory_space<vmem>>, vector<1x16xf32>,
        %swap3A_1117 = vector.shape_cast %swap3A_1116 : vector<1x16xf32> to vector<16xf32>
        %swap3A_1118 = vector.shape_cast %mul3A_1113 : vector<16xf32> to vector<1x16xf32>
        tpu.vector_store %arg18[%swap3A_1114, %swap3A_1115], %swap3A_1118 {strides = array<i32>} : memref<128x128xf32, #tpu.memory_space<vmem>>, vector<1x16xf32>,
        %get3A_1119 = arith.index_cast %add3A_1054 : i32 to index
        %get3A_1120 = arith.constant 96 : index
        %get3A_1121 = tpu.vector_load %arg18[%get3A_1119, %get3A_1120] {strides = array<i32>} : memref<128x128xf32, #tpu.memory_space<vmem>>, vector<1x16xf32>,
        %get3A_1122 = vector.shape_cast %get3A_1121 : vector<1x16xf32> to vector<16xf32>
        %mul3A_1123 = arith.mulf %get3A_1122, %gather3A_1058 : vector<16xf32>
        %swap3A_1124 = arith.index_cast %add3A_1054 : i32 to index
        %swap3A_1125 = arith.constant 96 : index
        %swap3A_1126 = tpu.vector_load %arg18[%swap3A_1124, %swap3A_1125] {strides = array<i32>} : memref<128x128xf32, #tpu.memory_space<vmem>>, vector<1x16xf32>,
        %swap3A_1127 = vector.shape_cast %swap3A_1126 : vector<1x16xf32> to vector<16xf32>
        %swap3A_1128 = vector.shape_cast %mul3A_1123 : vector<16xf32> to vector<1x16xf32>
        tpu.vector_store %arg18[%swap3A_1124, %swap3A_1125], %swap3A_1128 {strides = array<i32>} : memref<128x128xf32, #tpu.memory_space<vmem>>, vector<1x16xf32>,
        %get3A_1129 = arith.index_cast %add3A_1054 : i32 to index
        %get3A_1130 = arith.constant 112 : index
        %get3A_1131 = tpu.vector_load %arg18[%get3A_1129, %get3A_1130] {strides = array<i32>} : memref<128x128xf32, #tpu.memory_space<vmem>>, vector<1x16xf32>,
        %get3A_1132 = vector.shape_cast %get3A_1131 : vector<1x16xf32> to vector<16xf32>
        %mul3A_1133 = arith.mulf %get3A_1132, %gather3A_1058 : vector<16xf32>
        %swap3A_1134 = arith.index_cast %add3A_1054 : i32 to index
        %swap3A_1135 = arith.constant 112 : index
        %swap3A_1136 = tpu.vector_load %arg18[%swap3A_1134, %swap3A_1135] {strides = array<i32>} : memref<128x128xf32, #tpu.memory_space<vmem>>, vector<1x16xf32>,
        %swap3A_1137 = vector.shape_cast %swap3A_1136 : vector<1x16xf32> to vector<16xf32>
        %swap3A_1138 = vector.shape_cast %mul3A_1133 : vector<16xf32> to vector<1x16xf32>
        tpu.vector_store %arg18[%swap3A_1134, %swap3A_1135], %swap3A_1138 {strides = array<i32>} : memref<128x128xf32, #tpu.memory_space<vmem>>, vector<1x16xf32>,
        %add3A_1139 = arith.constant 11 : i32
        %add3A_1140 = arith.addi %mul3A_192, %add3A_1139 : i32
        %broadcast_in_dim3A_1141 = arith.constant 11 : i32
        %broadcast_in_dim3A_1142 = vector.broadcast %broadcast_in_dim3A_1141 : i32 to vector<16x1xi32>
        %gather3A_1143 = vector.shape_cast %broadcast_in_dim3A_1142 : vector<16x1xi32> to vector<16xi32>
        %gather3A_1144 = tpu.dynamic_gather %get3A_194[%gather3A_1143] in [0] : vector<16xf32>, vector<16xi32> -> vector<16xf32>
        %get3A_1145 = arith.index_cast %add3A_1140 : i32 to index
        %get3A_1146 = arith.constant 0 : index
        %get3A_1147 = tpu.vector_load %arg18[%get3A_1145, %get3A_1146] {strides = array<i32>} : memref<128x128xf32, #tpu.memory_space<vmem>>, vector<1x16xf32>,
        %get3A_1148 = vector.shape_cast %get3A_1147 : vector<1x16xf32> to vector<16xf32>
        %mul3A_1149 = arith.mulf %get3A_1148, %gather3A_1144 : vector<16xf32>
        %swap3A_1150 = arith.index_cast %add3A_1140 : i32 to index
        %swap3A_1151 = arith.constant 0 : index
        %swap3A_1152 = tpu.vector_load %arg18[%swap3A_1150, %swap3A_1151] {strides = array<i32>} : memref<128x128xf32, #tpu.memory_space<vmem>>, vector<1x16xf32>,
        %swap3A_1153 = vector.shape_cast %swap3A_1152 : vector<1x16xf32> to vector<16xf32>
        %swap3A_1154 = vector.shape_cast %mul3A_1149 : vector<16xf32> to vector<1x16xf32>
        tpu.vector_store %arg18[%swap3A_1150, %swap3A_1151], %swap3A_1154 {strides = array<i32>} : memref<128x128xf32, #tpu.memory_space<vmem>>, vector<1x16xf32>,
        %get3A_1155 = arith.index_cast %add3A_1140 : i32 to index
        %get3A_1156 = arith.constant 16 : index
        %get3A_1157 = tpu.vector_load %arg18[%get3A_1155, %get3A_1156] {strides = array<i32>} : memref<128x128xf32, #tpu.memory_space<vmem>>, vector<1x16xf32>,
        %get3A_1158 = vector.shape_cast %get3A_1157 : vector<1x16xf32> to vector<16xf32>
        %mul3A_1159 = arith.mulf %get3A_1158, %gather3A_1144 : vector<16xf32>
        %swap3A_1160 = arith.index_cast %add3A_1140 : i32 to index
        %swap3A_1161 = arith.constant 16 : index
        %swap3A_1162 = tpu.vector_load %arg18[%swap3A_1160, %swap3A_1161] {strides = array<i32>} : memref<128x128xf32, #tpu.memory_space<vmem>>, vector<1x16xf32>,
        %swap3A_1163 = vector.shape_cast %swap3A_1162 : vector<1x16xf32> to vector<16xf32>
        %swap3A_1164 = vector.shape_cast %mul3A_1159 : vector<16xf32> to vector<1x16xf32>
        tpu.vector_store %arg18[%swap3A_1160, %swap3A_1161], %swap3A_1164 {strides = array<i32>} : memref<128x128xf32, #tpu.memory_space<vmem>>, vector<1x16xf32>,
        %get3A_1165 = arith.index_cast %add3A_1140 : i32 to index
        %get3A_1166 = arith.constant 32 : index
        %get3A_1167 = tpu.vector_load %arg18[%get3A_1165, %get3A_1166] {strides = array<i32>} : memref<128x128xf32, #tpu.memory_space<vmem>>, vector<1x16xf32>,
        %get3A_1168 = vector.shape_cast %get3A_1167 : vector<1x16xf32> to vector<16xf32>
        %mul3A_1169 = arith.mulf %get3A_1168, %gather3A_1144 : vector<16xf32>
        %swap3A_1170 = arith.index_cast %add3A_1140 : i32 to index
        %swap3A_1171 = arith.constant 32 : index
        %swap3A_1172 = tpu.vector_load %arg18[%swap3A_1170, %swap3A_1171] {strides = array<i32>} : memref<128x128xf32, #tpu.memory_space<vmem>>, vector<1x16xf32>,
        %swap3A_1173 = vector.shape_cast %swap3A_1172 : vector<1x16xf32> to vector<16xf32>
        %swap3A_1174 = vector.shape_cast %mul3A_1169 : vector<16xf32> to vector<1x16xf32>
        tpu.vector_store %arg18[%swap3A_1170, %swap3A_1171], %swap3A_1174 {strides = array<i32>} : memref<128x128xf32, #tpu.memory_space<vmem>>, vector<1x16xf32>,
        %get3A_1175 = arith.index_cast %add3A_1140 : i32 to index
        %get3A_1176 = arith.constant 48 : index
        %get3A_1177 = tpu.vector_load %arg18[%get3A_1175, %get3A_1176] {strides = array<i32>} : memref<128x128xf32, #tpu.memory_space<vmem>>, vector<1x16xf32>,
        %get3A_1178 = vector.shape_cast %get3A_1177 : vector<1x16xf32> to vector<16xf32>
        %mul3A_1179 = arith.mulf %get3A_1178, %gather3A_1144 : vector<16xf32>
        %swap3A_1180 = arith.index_cast %add3A_1140 : i32 to index
        %swap3A_1181 = arith.constant 48 : index
        %swap3A_1182 = tpu.vector_load %arg18[%swap3A_1180, %swap3A_1181] {strides = array<i32>} : memref<128x128xf32, #tpu.memory_space<vmem>>, vector<1x16xf32>,
        %swap3A_1183 = vector.shape_cast %swap3A_1182 : vector<1x16xf32> to vector<16xf32>
        %swap3A_1184 = vector.shape_cast %mul3A_1179 : vector<16xf32> to vector<1x16xf32>
        tpu.vector_store %arg18[%swap3A_1180, %swap3A_1181], %swap3A_1184 {strides = array<i32>} : memref<128x128xf32, #tpu.memory_space<vmem>>, vector<1x16xf32>,
        %get3A_1185 = arith.index_cast %add3A_1140 : i32 to index
        %get3A_1186 = arith.constant 64 : index
        %get3A_1187 = tpu.vector_load %arg18[%get3A_1185, %get3A_1186] {strides = array<i32>} : memref<128x128xf32, #tpu.memory_space<vmem>>, vector<1x16xf32>,
        %get3A_1188 = vector.shape_cast %get3A_1187 : vector<1x16xf32> to vector<16xf32>
        %mul3A_1189 = arith.mulf %get3A_1188, %gather3A_1144 : vector<16xf32>
        %swap3A_1190 = arith.index_cast %add3A_1140 : i32 to index
        %swap3A_1191 = arith.constant 64 : index
        %swap3A_1192 = tpu.vector_load %arg18[%swap3A_1190, %swap3A_1191] {strides = array<i32>} : memref<128x128xf32, #tpu.memory_space<vmem>>, vector<1x16xf32>,
        %swap3A_1193 = vector.shape_cast %swap3A_1192 : vector<1x16xf32> to vector<16xf32>
        %swap3A_1194 = vector.shape_cast %mul3A_1189 : vector<16xf32> to vector<1x16xf32>
        tpu.vector_store %arg18[%swap3A_1190, %swap3A_1191], %swap3A_1194 {strides = array<i32>} : memref<128x128xf32, #tpu.memory_space<vmem>>, vector<1x16xf32>,
        %get3A_1195 = arith.index_cast %add3A_1140 : i32 to index
        %get3A_1196 = arith.constant 80 : index
        %get3A_1197 = tpu.vector_load %arg18[%get3A_1195, %get3A_1196] {strides = array<i32>} : memref<128x128xf32, #tpu.memory_space<vmem>>, vector<1x16xf32>,
        %get3A_1198 = vector.shape_cast %get3A_1197 : vector<1x16xf32> to vector<16xf32>
        %mul3A_1199 = arith.mulf %get3A_1198, %gather3A_1144 : vector<16xf32>
        %swap3A_1200 = arith.index_cast %add3A_1140 : i32 to index
        %swap3A_1201 = arith.constant 80 : index
        %swap3A_1202 = tpu.vector_load %arg18[%swap3A_1200, %swap3A_1201] {strides = array<i32>} : memref<128x128xf32, #tpu.memory_space<vmem>>, vector<1x16xf32>,
        %swap3A_1203 = vector.shape_cast %swap3A_1202 : vector<1x16xf32> to vector<16xf32>
        %swap3A_1204 = vector.shape_cast %mul3A_1199 : vector<16xf32> to vector<1x16xf32>
        tpu.vector_store %arg18[%swap3A_1200, %swap3A_1201], %swap3A_1204 {strides = array<i32>} : memref<128x128xf32, #tpu.memory_space<vmem>>, vector<1x16xf32>,
        %get3A_1205 = arith.index_cast %add3A_1140 : i32 to index
        %get3A_1206 = arith.constant 96 : index
        %get3A_1207 = tpu.vector_load %arg18[%get3A_1205, %get3A_1206] {strides = array<i32>} : memref<128x128xf32, #tpu.memory_space<vmem>>, vector<1x16xf32>,
        %get3A_1208 = vector.shape_cast %get3A_1207 : vector<1x16xf32> to vector<16xf32>
        %mul3A_1209 = arith.mulf %get3A_1208, %gather3A_1144 : vector<16xf32>
        %swap3A_1210 = arith.index_cast %add3A_1140 : i32 to index
        %swap3A_1211 = arith.constant 96 : index
        %swap3A_1212 = tpu.vector_load %arg18[%swap3A_1210, %swap3A_1211] {strides = array<i32>} : memref<128x128xf32, #tpu.memory_space<vmem>>, vector<1x16xf32>,
        %swap3A_1213 = vector.shape_cast %swap3A_1212 : vector<1x16xf32> to vector<16xf32>
        %swap3A_1214 = vector.shape_cast %mul3A_1209 : vector<16xf32> to vector<1x16xf32>
        tpu.vector_store %arg18[%swap3A_1210, %swap3A_1211], %swap3A_1214 {strides = array<i32>} : memref<128x128xf32, #tpu.memory_space<vmem>>, vector<1x16xf32>,
        %get3A_1215 = arith.index_cast %add3A_1140 : i32 to index
        %get3A_1216 = arith.constant 112 : index
        %get3A_1217 = tpu.vector_load %arg18[%get3A_1215, %get3A_1216] {strides = array<i32>} : memref<128x128xf32, #tpu.memory_space<vmem>>, vector<1x16xf32>,
        %get3A_1218 = vector.shape_cast %get3A_1217 : vector<1x16xf32> to vector<16xf32>
        %mul3A_1219 = arith.mulf %get3A_1218, %gather3A_1144 : vector<16xf32>
        %swap3A_1220 = arith.index_cast %add3A_1140 : i32 to index
        %swap3A_1221 = arith.constant 112 : index
        %swap3A_1222 = tpu.vector_load %arg18[%swap3A_1220, %swap3A_1221] {strides = array<i32>} : memref<128x128xf32, #tpu.memory_space<vmem>>, vector<1x16xf32>,
        %swap3A_1223 = vector.shape_cast %swap3A_1222 : vector<1x16xf32> to vector<16xf32>
        %swap3A_1224 = vector.shape_cast %mul3A_1219 : vector<16xf32> to vector<1x16xf32>
        tpu.vector_store %arg18[%swap3A_1220, %swap3A_1221], %swap3A_1224 {strides = array<i32>} : memref<128x128xf32, #tpu.memory_space<vmem>>, vector<1x16xf32>,
        %add3A_1225 = arith.constant 12 : i32
        %add3A_1226 = arith.addi %mul3A_192, %add3A_1225 : i32
        %broadcast_in_dim3A_1227 = arith.constant 12 : i32
        %broadcast_in_dim3A_1228 = vector.broadcast %broadcast_in_dim3A_1227 : i32 to vector<16x1xi32>
        %gather3A_1229 = vector.shape_cast %broadcast_in_dim3A_1228 : vector<16x1xi32> to vector<16xi32>
        %gather3A_1230 = tpu.dynamic_gather %get3A_194[%gather3A_1229] in [0] : vector<16xf32>, vector<16xi32> -> vector<16xf32>
        %get3A_1231 = arith.index_cast %add3A_1226 : i32 to index
        %get3A_1232 = arith.constant 0 : index
        %get3A_1233 = tpu.vector_load %arg18[%get3A_1231, %get3A_1232] {strides = array<i32>} : memref<128x128xf32, #tpu.memory_space<vmem>>, vector<1x16xf32>,
        %get3A_1234 = vector.shape_cast %get3A_1233 : vector<1x16xf32> to vector<16xf32>
        %mul3A_1235 = arith.mulf %get3A_1234, %gather3A_1230 : vector<16xf32>
        %swap3A_1236 = arith.index_cast %add3A_1226 : i32 to index
        %swap3A_1237 = arith.constant 0 : index
        %swap3A_1238 = tpu.vector_load %arg18[%swap3A_1236, %swap3A_1237] {strides = array<i32>} : memref<128x128xf32, #tpu.memory_space<vmem>>, vector<1x16xf32>,
        %swap3A_1239 = vector.shape_cast %swap3A_1238 : vector<1x16xf32> to vector<16xf32>
        %swap3A_1240 = vector.shape_cast %mul3A_1235 : vector<16xf32> to vector<1x16xf32>
        tpu.vector_store %arg18[%swap3A_1236, %swap3A_1237], %swap3A_1240 {strides = array<i32>} : memref<128x128xf32, #tpu.memory_space<vmem>>, vector<1x16xf32>,
        %get3A_1241 = arith.index_cast %add3A_1226 : i32 to index
        %get3A_1242 = arith.constant 16 : index
        %get3A_1243 = tpu.vector_load %arg18[%get3A_1241, %get3A_1242] {strides = array<i32>} : memref<128x128xf32, #tpu.memory_space<vmem>>, vector<1x16xf32>,
        %get3A_1244 = vector.shape_cast %get3A_1243 : vector<1x16xf32> to vector<16xf32>
        %mul3A_1245 = arith.mulf %get3A_1244, %gather3A_1230 : vector<16xf32>
        %swap3A_1246 = arith.index_cast %add3A_1226 : i32 to index
        %swap3A_1247 = arith.constant 16 : index
        %swap3A_1248 = tpu.vector_load %arg18[%swap3A_1246, %swap3A_1247] {strides = array<i32>} : memref<128x128xf32, #tpu.memory_space<vmem>>, vector<1x16xf32>,
        %swap3A_1249 = vector.shape_cast %swap3A_1248 : vector<1x16xf32> to vector<16xf32>
        %swap3A_1250 = vector.shape_cast %mul3A_1245 : vector<16xf32> to vector<1x16xf32>
        tpu.vector_store %arg18[%swap3A_1246, %swap3A_1247], %swap3A_1250 {strides = array<i32>} : memref<128x128xf32, #tpu.memory_space<vmem>>, vector<1x16xf32>,
        %get3A_1251 = arith.index_cast %add3A_1226 : i32 to index
        %get3A_1252 = arith.constant 32 : index
        %get3A_1253 = tpu.vector_load %arg18[%get3A_1251, %get3A_1252] {strides = array<i32>} : memref<128x128xf32, #tpu.memory_space<vmem>>, vector<1x16xf32>,
        %get3A_1254 = vector.shape_cast %get3A_1253 : vector<1x16xf32> to vector<16xf32>
        %mul3A_1255 = arith.mulf %get3A_1254, %gather3A_1230 : vector<16xf32>
        %swap3A_1256 = arith.index_cast %add3A_1226 : i32 to index
        %swap3A_1257 = arith.constant 32 : index
        %swap3A_1258 = tpu.vector_load %arg18[%swap3A_1256, %swap3A_1257] {strides = array<i32>} : memref<128x128xf32, #tpu.memory_space<vmem>>, vector<1x16xf32>,
        %swap3A_1259 = vector.shape_cast %swap3A_1258 : vector<1x16xf32> to vector<16xf32>
        %swap3A_1260 = vector.shape_cast %mul3A_1255 : vector<16xf32> to vector<1x16xf32>
        tpu.vector_store %arg18[%swap3A_1256, %swap3A_1257], %swap3A_1260 {strides = array<i32>} : memref<128x128xf32, #tpu.memory_space<vmem>>, vector<1x16xf32>,
        %get3A_1261 = arith.index_cast %add3A_1226 : i32 to index
        %get3A_1262 = arith.constant 48 : index
        %get3A_1263 = tpu.vector_load %arg18[%get3A_1261, %get3A_1262] {strides = array<i32>} : memref<128x128xf32, #tpu.memory_space<vmem>>, vector<1x16xf32>,
        %get3A_1264 = vector.shape_cast %get3A_1263 : vector<1x16xf32> to vector<16xf32>
        %mul3A_1265 = arith.mulf %get3A_1264, %gather3A_1230 : vector<16xf32>
        %swap3A_1266 = arith.index_cast %add3A_1226 : i32 to index
        %swap3A_1267 = arith.constant 48 : index
        %swap3A_1268 = tpu.vector_load %arg18[%swap3A_1266, %swap3A_1267] {strides = array<i32>} : memref<128x128xf32, #tpu.memory_space<vmem>>, vector<1x16xf32>,
        %swap3A_1269 = vector.shape_cast %swap3A_1268 : vector<1x16xf32> to vector<16xf32>
        %swap3A_1270 = vector.shape_cast %mul3A_1265 : vector<16xf32> to vector<1x16xf32>
        tpu.vector_store %arg18[%swap3A_1266, %swap3A_1267], %swap3A_1270 {strides = array<i32>} : memref<128x128xf32, #tpu.memory_space<vmem>>, vector<1x16xf32>,
        %get3A_1271 = arith.index_cast %add3A_1226 : i32 to index
        %get3A_1272 = arith.constant 64 : index
        %get3A_1273 = tpu.vector_load %arg18[%get3A_1271, %get3A_1272] {strides = array<i32>} : memref<128x128xf32, #tpu.memory_space<vmem>>, vector<1x16xf32>,
        %get3A_1274 = vector.shape_cast %get3A_1273 : vector<1x16xf32> to vector<16xf32>
        %mul3A_1275 = arith.mulf %get3A_1274, %gather3A_1230 : vector<16xf32>
        %swap3A_1276 = arith.index_cast %add3A_1226 : i32 to index
        %swap3A_1277 = arith.constant 64 : index
        %swap3A_1278 = tpu.vector_load %arg18[%swap3A_1276, %swap3A_1277] {strides = array<i32>} : memref<128x128xf32, #tpu.memory_space<vmem>>, vector<1x16xf32>,
        %swap3A_1279 = vector.shape_cast %swap3A_1278 : vector<1x16xf32> to vector<16xf32>
        %swap3A_1280 = vector.shape_cast %mul3A_1275 : vector<16xf32> to vector<1x16xf32>
        tpu.vector_store %arg18[%swap3A_1276, %swap3A_1277], %swap3A_1280 {strides = array<i32>} : memref<128x128xf32, #tpu.memory_space<vmem>>, vector<1x16xf32>,
        %get3A_1281 = arith.index_cast %add3A_1226 : i32 to index
        %get3A_1282 = arith.constant 80 : index
        %get3A_1283 = tpu.vector_load %arg18[%get3A_1281, %get3A_1282] {strides = array<i32>} : memref<128x128xf32, #tpu.memory_space<vmem>>, vector<1x16xf32>,
        %get3A_1284 = vector.shape_cast %get3A_1283 : vector<1x16xf32> to vector<16xf32>
        %mul3A_1285 = arith.mulf %get3A_1284, %gather3A_1230 : vector<16xf32>
        %swap3A_1286 = arith.index_cast %add3A_1226 : i32 to index
        %swap3A_1287 = arith.constant 80 : index
        %swap3A_1288 = tpu.vector_load %arg18[%swap3A_1286, %swap3A_1287] {strides = array<i32>} : memref<128x128xf32, #tpu.memory_space<vmem>>, vector<1x16xf32>,
        %swap3A_1289 = vector.shape_cast %swap3A_1288 : vector<1x16xf32> to vector<16xf32>
        %swap3A_1290 = vector.shape_cast %mul3A_1285 : vector<16xf32> to vector<1x16xf32>
        tpu.vector_store %arg18[%swap3A_1286, %swap3A_1287], %swap3A_1290 {strides = array<i32>} : memref<128x128xf32, #tpu.memory_space<vmem>>, vector<1x16xf32>,
        %get3A_1291 = arith.index_cast %add3A_1226 : i32 to index
        %get3A_1292 = arith.constant 96 : index
        %get3A_1293 = tpu.vector_load %arg18[%get3A_1291, %get3A_1292] {strides = array<i32>} : memref<128x128xf32, #tpu.memory_space<vmem>>, vector<1x16xf32>,
        %get3A_1294 = vector.shape_cast %get3A_1293 : vector<1x16xf32> to vector<16xf32>
        %mul3A_1295 = arith.mulf %get3A_1294, %gather3A_1230 : vector<16xf32>
        %swap3A_1296 = arith.index_cast %add3A_1226 : i32 to index
        %swap3A_1297 = arith.constant 96 : index
        %swap3A_1298 = tpu.vector_load %arg18[%swap3A_1296, %swap3A_1297] {strides = array<i32>} : memref<128x128xf32, #tpu.memory_space<vmem>>, vector<1x16xf32>,
        %swap3A_1299 = vector.shape_cast %swap3A_1298 : vector<1x16xf32> to vector<16xf32>
        %swap3A_1300 = vector.shape_cast %mul3A_1295 : vector<16xf32> to vector<1x16xf32>
        tpu.vector_store %arg18[%swap3A_1296, %swap3A_1297], %swap3A_1300 {strides = array<i32>} : memref<128x128xf32, #tpu.memory_space<vmem>>, vector<1x16xf32>,
        %get3A_1301 = arith.index_cast %add3A_1226 : i32 to index
        %get3A_1302 = arith.constant 112 : index
        %get3A_1303 = tpu.vector_load %arg18[%get3A_1301, %get3A_1302] {strides = array<i32>} : memref<128x128xf32, #tpu.memory_space<vmem>>, vector<1x16xf32>,
        %get3A_1304 = vector.shape_cast %get3A_1303 : vector<1x16xf32> to vector<16xf32>
        %mul3A_1305 = arith.mulf %get3A_1304, %gather3A_1230 : vector<16xf32>
        %swap3A_1306 = arith.index_cast %add3A_1226 : i32 to index
        %swap3A_1307 = arith.constant 112 : index
        %swap3A_1308 = tpu.vector_load %arg18[%swap3A_1306, %swap3A_1307] {strides = array<i32>} : memref<128x128xf32, #tpu.memory_space<vmem>>, vector<1x16xf32>,
        %swap3A_1309 = vector.shape_cast %swap3A_1308 : vector<1x16xf32> to vector<16xf32>
        %swap3A_1310 = vector.shape_cast %mul3A_1305 : vector<16xf32> to vector<1x16xf32>
        tpu.vector_store %arg18[%swap3A_1306, %swap3A_1307], %swap3A_1310 {strides = array<i32>} : memref<128x128xf32, #tpu.memory_space<vmem>>, vector<1x16xf32>,
        %add3A_1311 = arith.constant 13 : i32
        %add3A_1312 = arith.addi %mul3A_192, %add3A_1311 : i32
        %broadcast_in_dim3A_1313 = arith.constant 13 : i32
        %broadcast_in_dim3A_1314 = vector.broadcast %broadcast_in_dim3A_1313 : i32 to vector<16x1xi32>
        %gather3A_1315 = vector.shape_cast %broadcast_in_dim3A_1314 : vector<16x1xi32> to vector<16xi32>
        %gather3A_1316 = tpu.dynamic_gather %get3A_194[%gather3A_1315] in [0] : vector<16xf32>, vector<16xi32> -> vector<16xf32>
        %get3A_1317 = arith.index_cast %add3A_1312 : i32 to index
        %get3A_1318 = arith.constant 0 : index
        %get3A_1319 = tpu.vector_load %arg18[%get3A_1317, %get3A_1318] {strides = array<i32>} : memref<128x128xf32, #tpu.memory_space<vmem>>, vector<1x16xf32>,
        %get3A_1320 = vector.shape_cast %get3A_1319 : vector<1x16xf32> to vector<16xf32>
        %mul3A_1321 = arith.mulf %get3A_1320, %gather3A_1316 : vector<16xf32>
        %swap3A_1322 = arith.index_cast %add3A_1312 : i32 to index
        %swap3A_1323 = arith.constant 0 : index
        %swap3A_1324 = tpu.vector_load %arg18[%swap3A_1322, %swap3A_1323] {strides = array<i32>} : memref<128x128xf32, #tpu.memory_space<vmem>>, vector<1x16xf32>,
        %swap3A_1325 = vector.shape_cast %swap3A_1324 : vector<1x16xf32> to vector<16xf32>
        %swap3A_1326 = vector.shape_cast %mul3A_1321 : vector<16xf32> to vector<1x16xf32>
        tpu.vector_store %arg18[%swap3A_1322, %swap3A_1323], %swap3A_1326 {strides = array<i32>} : memref<128x128xf32, #tpu.memory_space<vmem>>, vector<1x16xf32>,
        %get3A_1327 = arith.index_cast %add3A_1312 : i32 to index
        %get3A_1328 = arith.constant 16 : index
        %get3A_1329 = tpu.vector_load %arg18[%get3A_1327, %get3A_1328] {strides = array<i32>} : memref<128x128xf32, #tpu.memory_space<vmem>>, vector<1x16xf32>,
        %get3A_1330 = vector.shape_cast %get3A_1329 : vector<1x16xf32> to vector<16xf32>
        %mul3A_1331 = arith.mulf %get3A_1330, %gather3A_1316 : vector<16xf32>
        %swap3A_1332 = arith.index_cast %add3A_1312 : i32 to index
        %swap3A_1333 = arith.constant 16 : index
        %swap3A_1334 = tpu.vector_load %arg18[%swap3A_1332, %swap3A_1333] {strides = array<i32>} : memref<128x128xf32, #tpu.memory_space<vmem>>, vector<1x16xf32>,
        %swap3A_1335 = vector.shape_cast %swap3A_1334 : vector<1x16xf32> to vector<16xf32>
        %swap3A_1336 = vector.shape_cast %mul3A_1331 : vector<16xf32> to vector<1x16xf32>
        tpu.vector_store %arg18[%swap3A_1332, %swap3A_1333], %swap3A_1336 {strides = array<i32>} : memref<128x128xf32, #tpu.memory_space<vmem>>, vector<1x16xf32>,
        %get3A_1337 = arith.index_cast %add3A_1312 : i32 to index
        %get3A_1338 = arith.constant 32 : index
        %get3A_1339 = tpu.vector_load %arg18[%get3A_1337, %get3A_1338] {strides = array<i32>} : memref<128x128xf32, #tpu.memory_space<vmem>>, vector<1x16xf32>,
        %get3A_1340 = vector.shape_cast %get3A_1339 : vector<1x16xf32> to vector<16xf32>
        %mul3A_1341 = arith.mulf %get3A_1340, %gather3A_1316 : vector<16xf32>
        %swap3A_1342 = arith.index_cast %add3A_1312 : i32 to index
        %swap3A_1343 = arith.constant 32 : index
        %swap3A_1344 = tpu.vector_load %arg18[%swap3A_1342, %swap3A_1343] {strides = array<i32>} : memref<128x128xf32, #tpu.memory_space<vmem>>, vector<1x16xf32>,
        %swap3A_1345 = vector.shape_cast %swap3A_1344 : vector<1x16xf32> to vector<16xf32>
        %swap3A_1346 = vector.shape_cast %mul3A_1341 : vector<16xf32> to vector<1x16xf32>
        tpu.vector_store %arg18[%swap3A_1342, %swap3A_1343], %swap3A_1346 {strides = array<i32>} : memref<128x128xf32, #tpu.memory_space<vmem>>, vector<1x16xf32>,
        %get3A_1347 = arith.index_cast %add3A_1312 : i32 to index
        %get3A_1348 = arith.constant 48 : index
        %get3A_1349 = tpu.vector_load %arg18[%get3A_1347, %get3A_1348] {strides = array<i32>} : memref<128x128xf32, #tpu.memory_space<vmem>>, vector<1x16xf32>,
        %get3A_1350 = vector.shape_cast %get3A_1349 : vector<1x16xf32> to vector<16xf32>
        %mul3A_1351 = arith.mulf %get3A_1350, %gather3A_1316 : vector<16xf32>
        %swap3A_1352 = arith.index_cast %add3A_1312 : i32 to index
        %swap3A_1353 = arith.constant 48 : index
        %swap3A_1354 = tpu.vector_load %arg18[%swap3A_1352, %swap3A_1353] {strides = array<i32>} : memref<128x128xf32, #tpu.memory_space<vmem>>, vector<1x16xf32>,
        %swap3A_1355 = vector.shape_cast %swap3A_1354 : vector<1x16xf32> to vector<16xf32>
        %swap3A_1356 = vector.shape_cast %mul3A_1351 : vector<16xf32> to vector<1x16xf32>
        tpu.vector_store %arg18[%swap3A_1352, %swap3A_1353], %swap3A_1356 {strides = array<i32>} : memref<128x128xf32, #tpu.memory_space<vmem>>, vector<1x16xf32>,
        %get3A_1357 = arith.index_cast %add3A_1312 : i32 to index
        %get3A_1358 = arith.constant 64 : index
        %get3A_1359 = tpu.vector_load %arg18[%get3A_1357, %get3A_1358] {strides = array<i32>} : memref<128x128xf32, #tpu.memory_space<vmem>>, vector<1x16xf32>,
        %get3A_1360 = vector.shape_cast %get3A_1359 : vector<1x16xf32> to vector<16xf32>
        %mul3A_1361 = arith.mulf %get3A_1360, %gather3A_1316 : vector<16xf32>
        %swap3A_1362 = arith.index_cast %add3A_1312 : i32 to index
        %swap3A_1363 = arith.constant 64 : index
        %swap3A_1364 = tpu.vector_load %arg18[%swap3A_1362, %swap3A_1363] {strides = array<i32>} : memref<128x128xf32, #tpu.memory_space<vmem>>, vector<1x16xf32>,
        %swap3A_1365 = vector.shape_cast %swap3A_1364 : vector<1x16xf32> to vector<16xf32>
        %swap3A_1366 = vector.shape_cast %mul3A_1361 : vector<16xf32> to vector<1x16xf32>
        tpu.vector_store %arg18[%swap3A_1362, %swap3A_1363], %swap3A_1366 {strides = array<i32>} : memref<128x128xf32, #tpu.memory_space<vmem>>, vector<1x16xf32>,
        %get3A_1367 = arith.index_cast %add3A_1312 : i32 to index
        %get3A_1368 = arith.constant 80 : index
        %get3A_1369 = tpu.vector_load %arg18[%get3A_1367, %get3A_1368] {strides = array<i32>} : memref<128x128xf32, #tpu.memory_space<vmem>>, vector<1x16xf32>,
        %get3A_1370 = vector.shape_cast %get3A_1369 : vector<1x16xf32> to vector<16xf32>
        %mul3A_1371 = arith.mulf %get3A_1370, %gather3A_1316 : vector<16xf32>
        %swap3A_1372 = arith.index_cast %add3A_1312 : i32 to index
        %swap3A_1373 = arith.constant 80 : index
        %swap3A_1374 = tpu.vector_load %arg18[%swap3A_1372, %swap3A_1373] {strides = array<i32>} : memref<128x128xf32, #tpu.memory_space<vmem>>, vector<1x16xf32>,
        %swap3A_1375 = vector.shape_cast %swap3A_1374 : vector<1x16xf32> to vector<16xf32>
        %swap3A_1376 = vector.shape_cast %mul3A_1371 : vector<16xf32> to vector<1x16xf32>
        tpu.vector_store %arg18[%swap3A_1372, %swap3A_1373], %swap3A_1376 {strides = array<i32>} : memref<128x128xf32, #tpu.memory_space<vmem>>, vector<1x16xf32>,
        %get3A_1377 = arith.index_cast %add3A_1312 : i32 to index
        %get3A_1378 = arith.constant 96 : index
        %get3A_1379 = tpu.vector_load %arg18[%get3A_1377, %get3A_1378] {strides = array<i32>} : memref<128x128xf32, #tpu.memory_space<vmem>>, vector<1x16xf32>,
        %get3A_1380 = vector.shape_cast %get3A_1379 : vector<1x16xf32> to vector<16xf32>
        %mul3A_1381 = arith.mulf %get3A_1380, %gather3A_1316 : vector<16xf32>
        %swap3A_1382 = arith.index_cast %add3A_1312 : i32 to index
        %swap3A_1383 = arith.constant 96 : index
        %swap3A_1384 = tpu.vector_load %arg18[%swap3A_1382, %swap3A_1383] {strides = array<i32>} : memref<128x128xf32, #tpu.memory_space<vmem>>, vector<1x16xf32>,
        %swap3A_1385 = vector.shape_cast %swap3A_1384 : vector<1x16xf32> to vector<16xf32>
        %swap3A_1386 = vector.shape_cast %mul3A_1381 : vector<16xf32> to vector<1x16xf32>
        tpu.vector_store %arg18[%swap3A_1382, %swap3A_1383], %swap3A_1386 {strides = array<i32>} : memref<128x128xf32, #tpu.memory_space<vmem>>, vector<1x16xf32>,
        %get3A_1387 = arith.index_cast %add3A_1312 : i32 to index
        %get3A_1388 = arith.constant 112 : index
        %get3A_1389 = tpu.vector_load %arg18[%get3A_1387, %get3A_1388] {strides = array<i32>} : memref<128x128xf32, #tpu.memory_space<vmem>>, vector<1x16xf32>,
        %get3A_1390 = vector.shape_cast %get3A_1389 : vector<1x16xf32> to vector<16xf32>
        %mul3A_1391 = arith.mulf %get3A_1390, %gather3A_1316 : vector<16xf32>
        %swap3A_1392 = arith.index_cast %add3A_1312 : i32 to index
        %swap3A_1393 = arith.constant 112 : index
        %swap3A_1394 = tpu.vector_load %arg18[%swap3A_1392, %swap3A_1393] {strides = array<i32>} : memref<128x128xf32, #tpu.memory_space<vmem>>, vector<1x16xf32>,
        %swap3A_1395 = vector.shape_cast %swap3A_1394 : vector<1x16xf32> to vector<16xf32>
        %swap3A_1396 = vector.shape_cast %mul3A_1391 : vector<16xf32> to vector<1x16xf32>
        tpu.vector_store %arg18[%swap3A_1392, %swap3A_1393], %swap3A_1396 {strides = array<i32>} : memref<128x128xf32, #tpu.memory_space<vmem>>, vector<1x16xf32>,
        %add3A_1397 = arith.constant 14 : i32
        %add3A_1398 = arith.addi %mul3A_192, %add3A_1397 : i32
        %broadcast_in_dim3A_1399 = arith.constant 14 : i32
        %broadcast_in_dim3A_1400 = vector.broadcast %broadcast_in_dim3A_1399 : i32 to vector<16x1xi32>
        %gather3A_1401 = vector.shape_cast %broadcast_in_dim3A_1400 : vector<16x1xi32> to vector<16xi32>
        %gather3A_1402 = tpu.dynamic_gather %get3A_194[%gather3A_1401] in [0] : vector<16xf32>, vector<16xi32> -> vector<16xf32>
        %get3A_1403 = arith.index_cast %add3A_1398 : i32 to index
        %get3A_1404 = arith.constant 0 : index
        %get3A_1405 = tpu.vector_load %arg18[%get3A_1403, %get3A_1404] {strides = array<i32>} : memref<128x128xf32, #tpu.memory_space<vmem>>, vector<1x16xf32>,
        %get3A_1406 = vector.shape_cast %get3A_1405 : vector<1x16xf32> to vector<16xf32>
        %mul3A_1407 = arith.mulf %get3A_1406, %gather3A_1402 : vector<16xf32>
        %swap3A_1408 = arith.index_cast %add3A_1398 : i32 to index
        %swap3A_1409 = arith.constant 0 : index
        %swap3A_1410 = tpu.vector_load %arg18[%swap3A_1408, %swap3A_1409] {strides = array<i32>} : memref<128x128xf32, #tpu.memory_space<vmem>>, vector<1x16xf32>,
        %swap3A_1411 = vector.shape_cast %swap3A_1410 : vector<1x16xf32> to vector<16xf32>
        %swap3A_1412 = vector.shape_cast %mul3A_1407 : vector<16xf32> to vector<1x16xf32>
        tpu.vector_store %arg18[%swap3A_1408, %swap3A_1409], %swap3A_1412 {strides = array<i32>} : memref<128x128xf32, #tpu.memory_space<vmem>>, vector<1x16xf32>,
        %get3A_1413 = arith.index_cast %add3A_1398 : i32 to index
        %get3A_1414 = arith.constant 16 : index
        %get3A_1415 = tpu.vector_load %arg18[%get3A_1413, %get3A_1414] {strides = array<i32>} : memref<128x128xf32, #tpu.memory_space<vmem>>, vector<1x16xf32>,
        %get3A_1416 = vector.shape_cast %get3A_1415 : vector<1x16xf32> to vector<16xf32>
        %mul3A_1417 = arith.mulf %get3A_1416, %gather3A_1402 : vector<16xf32>
        %swap3A_1418 = arith.index_cast %add3A_1398 : i32 to index
        %swap3A_1419 = arith.constant 16 : index
        %swap3A_1420 = tpu.vector_load %arg18[%swap3A_1418, %swap3A_1419] {strides = array<i32>} : memref<128x128xf32, #tpu.memory_space<vmem>>, vector<1x16xf32>,
        %swap3A_1421 = vector.shape_cast %swap3A_1420 : vector<1x16xf32> to vector<16xf32>
        %swap3A_1422 = vector.shape_cast %mul3A_1417 : vector<16xf32> to vector<1x16xf32>
        tpu.vector_store %arg18[%swap3A_1418, %swap3A_1419], %swap3A_1422 {strides = array<i32>} : memref<128x128xf32, #tpu.memory_space<vmem>>, vector<1x16xf32>,
        %get3A_1423 = arith.index_cast %add3A_1398 : i32 to index
        %get3A_1424 = arith.constant 32 : index
        %get3A_1425 = tpu.vector_load %arg18[%get3A_1423, %get3A_1424] {strides = array<i32>} : memref<128x128xf32, #tpu.memory_space<vmem>>, vector<1x16xf32>,
        %get3A_1426 = vector.shape_cast %get3A_1425 : vector<1x16xf32> to vector<16xf32>
        %mul3A_1427 = arith.mulf %get3A_1426, %gather3A_1402 : vector<16xf32>
        %swap3A_1428 = arith.index_cast %add3A_1398 : i32 to index
        %swap3A_1429 = arith.constant 32 : index
        %swap3A_1430 = tpu.vector_load %arg18[%swap3A_1428, %swap3A_1429] {strides = array<i32>} : memref<128x128xf32, #tpu.memory_space<vmem>>, vector<1x16xf32>,
        %swap3A_1431 = vector.shape_cast %swap3A_1430 : vector<1x16xf32> to vector<16xf32>
        %swap3A_1432 = vector.shape_cast %mul3A_1427 : vector<16xf32> to vector<1x16xf32>
        tpu.vector_store %arg18[%swap3A_1428, %swap3A_1429], %swap3A_1432 {strides = array<i32>} : memref<128x128xf32, #tpu.memory_space<vmem>>, vector<1x16xf32>,
        %get3A_1433 = arith.index_cast %add3A_1398 : i32 to index
        %get3A_1434 = arith.constant 48 : index
        %get3A_1435 = tpu.vector_load %arg18[%get3A_1433, %get3A_1434] {strides = array<i32>} : memref<128x128xf32, #tpu.memory_space<vmem>>, vector<1x16xf32>,
        %get3A_1436 = vector.shape_cast %get3A_1435 : vector<1x16xf32> to vector<16xf32>
        %mul3A_1437 = arith.mulf %get3A_1436, %gather3A_1402 : vector<16xf32>
        %swap3A_1438 = arith.index_cast %add3A_1398 : i32 to index
        %swap3A_1439 = arith.constant 48 : index
        %swap3A_1440 = tpu.vector_load %arg18[%swap3A_1438, %swap3A_1439] {strides = array<i32>} : memref<128x128xf32, #tpu.memory_space<vmem>>, vector<1x16xf32>,
        %swap3A_1441 = vector.shape_cast %swap3A_1440 : vector<1x16xf32> to vector<16xf32>
        %swap3A_1442 = vector.shape_cast %mul3A_1437 : vector<16xf32> to vector<1x16xf32>
        tpu.vector_store %arg18[%swap3A_1438, %swap3A_1439], %swap3A_1442 {strides = array<i32>} : memref<128x128xf32, #tpu.memory_space<vmem>>, vector<1x16xf32>,
        %get3A_1443 = arith.index_cast %add3A_1398 : i32 to index
        %get3A_1444 = arith.constant 64 : index
        %get3A_1445 = tpu.vector_load %arg18[%get3A_1443, %get3A_1444] {strides = array<i32>} : memref<128x128xf32, #tpu.memory_space<vmem>>, vector<1x16xf32>,
        %get3A_1446 = vector.shape_cast %get3A_1445 : vector<1x16xf32> to vector<16xf32>
        %mul3A_1447 = arith.mulf %get3A_1446, %gather3A_1402 : vector<16xf32>
        %swap3A_1448 = arith.index_cast %add3A_1398 : i32 to index
        %swap3A_1449 = arith.constant 64 : index
        %swap3A_1450 = tpu.vector_load %arg18[%swap3A_1448, %swap3A_1449] {strides = array<i32>} : memref<128x128xf32, #tpu.memory_space<vmem>>, vector<1x16xf32>,
        %swap3A_1451 = vector.shape_cast %swap3A_1450 : vector<1x16xf32> to vector<16xf32>
        %swap3A_1452 = vector.shape_cast %mul3A_1447 : vector<16xf32> to vector<1x16xf32>
        tpu.vector_store %arg18[%swap3A_1448, %swap3A_1449], %swap3A_1452 {strides = array<i32>} : memref<128x128xf32, #tpu.memory_space<vmem>>, vector<1x16xf32>,
        %get3A_1453 = arith.index_cast %add3A_1398 : i32 to index
        %get3A_1454 = arith.constant 80 : index
        %get3A_1455 = tpu.vector_load %arg18[%get3A_1453, %get3A_1454] {strides = array<i32>} : memref<128x128xf32, #tpu.memory_space<vmem>>, vector<1x16xf32>,
        %get3A_1456 = vector.shape_cast %get3A_1455 : vector<1x16xf32> to vector<16xf32>
        %mul3A_1457 = arith.mulf %get3A_1456, %gather3A_1402 : vector<16xf32>
        %swap3A_1458 = arith.index_cast %add3A_1398 : i32 to index
        %swap3A_1459 = arith.constant 80 : index
        %swap3A_1460 = tpu.vector_load %arg18[%swap3A_1458, %swap3A_1459] {strides = array<i32>} : memref<128x128xf32, #tpu.memory_space<vmem>>, vector<1x16xf32>,
        %swap3A_1461 = vector.shape_cast %swap3A_1460 : vector<1x16xf32> to vector<16xf32>
        %swap3A_1462 = vector.shape_cast %mul3A_1457 : vector<16xf32> to vector<1x16xf32>
        tpu.vector_store %arg18[%swap3A_1458, %swap3A_1459], %swap3A_1462 {strides = array<i32>} : memref<128x128xf32, #tpu.memory_space<vmem>>, vector<1x16xf32>,
        %get3A_1463 = arith.index_cast %add3A_1398 : i32 to index
        %get3A_1464 = arith.constant 96 : index
        %get3A_1465 = tpu.vector_load %arg18[%get3A_1463, %get3A_1464] {strides = array<i32>} : memref<128x128xf32, #tpu.memory_space<vmem>>, vector<1x16xf32>,
        %get3A_1466 = vector.shape_cast %get3A_1465 : vector<1x16xf32> to vector<16xf32>
        %mul3A_1467 = arith.mulf %get3A_1466, %gather3A_1402 : vector<16xf32>
        %swap3A_1468 = arith.index_cast %add3A_1398 : i32 to index
        %swap3A_1469 = arith.constant 96 : index
        %swap3A_1470 = tpu.vector_load %arg18[%swap3A_1468, %swap3A_1469] {strides = array<i32>} : memref<128x128xf32, #tpu.memory_space<vmem>>, vector<1x16xf32>,
        %swap3A_1471 = vector.shape_cast %swap3A_1470 : vector<1x16xf32> to vector<16xf32>
        %swap3A_1472 = vector.shape_cast %mul3A_1467 : vector<16xf32> to vector<1x16xf32>
        tpu.vector_store %arg18[%swap3A_1468, %swap3A_1469], %swap3A_1472 {strides = array<i32>} : memref<128x128xf32, #tpu.memory_space<vmem>>, vector<1x16xf32>,
        %get3A_1473 = arith.index_cast %add3A_1398 : i32 to index
        %get3A_1474 = arith.constant 112 : index
        %get3A_1475 = tpu.vector_load %arg18[%get3A_1473, %get3A_1474] {strides = array<i32>} : memref<128x128xf32, #tpu.memory_space<vmem>>, vector<1x16xf32>,
        %get3A_1476 = vector.shape_cast %get3A_1475 : vector<1x16xf32> to vector<16xf32>
        %mul3A_1477 = arith.mulf %get3A_1476, %gather3A_1402 : vector<16xf32>
        %swap3A_1478 = arith.index_cast %add3A_1398 : i32 to index
        %swap3A_1479 = arith.constant 112 : index
        %swap3A_1480 = tpu.vector_load %arg18[%swap3A_1478, %swap3A_1479] {strides = array<i32>} : memref<128x128xf32, #tpu.memory_space<vmem>>, vector<1x16xf32>,
        %swap3A_1481 = vector.shape_cast %swap3A_1480 : vector<1x16xf32> to vector<16xf32>
        %swap3A_1482 = vector.shape_cast %mul3A_1477 : vector<16xf32> to vector<1x16xf32>
        tpu.vector_store %arg18[%swap3A_1478, %swap3A_1479], %swap3A_1482 {strides = array<i32>} : memref<128x128xf32, #tpu.memory_space<vmem>>, vector<1x16xf32>,
        %add3A_1483 = arith.constant 15 : i32
        %add3A_1484 = arith.addi %mul3A_192, %add3A_1483 : i32
        %broadcast_in_dim3A_1485 = arith.constant 15 : i32
        %broadcast_in_dim3A_1486 = vector.broadcast %broadcast_in_dim3A_1485 : i32 to vector<16x1xi32>
        %gather3A_1487 = vector.shape_cast %broadcast_in_dim3A_1486 : vector<16x1xi32> to vector<16xi32>
        %gather3A_1488 = tpu.dynamic_gather %get3A_194[%gather3A_1487] in [0] : vector<16xf32>, vector<16xi32> -> vector<16xf32>
        %get3A_1489 = arith.index_cast %add3A_1484 : i32 to index
        %get3A_1490 = arith.constant 0 : index
        %get3A_1491 = tpu.vector_load %arg18[%get3A_1489, %get3A_1490] {strides = array<i32>} : memref<128x128xf32, #tpu.memory_space<vmem>>, vector<1x16xf32>,
        %get3A_1492 = vector.shape_cast %get3A_1491 : vector<1x16xf32> to vector<16xf32>
        %mul3A_1493 = arith.mulf %get3A_1492, %gather3A_1488 : vector<16xf32>
        %swap3A_1494 = arith.index_cast %add3A_1484 : i32 to index
        %swap3A_1495 = arith.constant 0 : index
        %swap3A_1496 = tpu.vector_load %arg18[%swap3A_1494, %swap3A_1495] {strides = array<i32>} : memref<128x128xf32, #tpu.memory_space<vmem>>, vector<1x16xf32>,
        %swap3A_1497 = vector.shape_cast %swap3A_1496 : vector<1x16xf32> to vector<16xf32>
        %swap3A_1498 = vector.shape_cast %mul3A_1493 : vector<16xf32> to vector<1x16xf32>
        tpu.vector_store %arg18[%swap3A_1494, %swap3A_1495], %swap3A_1498 {strides = array<i32>} : memref<128x128xf32, #tpu.memory_space<vmem>>, vector<1x16xf32>,
        %get3A_1499 = arith.index_cast %add3A_1484 : i32 to index
        %get3A_1500 = arith.constant 16 : index
        %get3A_1501 = tpu.vector_load %arg18[%get3A_1499, %get3A_1500] {strides = array<i32>} : memref<128x128xf32, #tpu.memory_space<vmem>>, vector<1x16xf32>,
        %get3A_1502 = vector.shape_cast %get3A_1501 : vector<1x16xf32> to vector<16xf32>
        %mul3A_1503 = arith.mulf %get3A_1502, %gather3A_1488 : vector<16xf32>
        %swap3A_1504 = arith.index_cast %add3A_1484 : i32 to index
        %swap3A_1505 = arith.constant 16 : index
        %swap3A_1506 = tpu.vector_load %arg18[%swap3A_1504, %swap3A_1505] {strides = array<i32>} : memref<128x128xf32, #tpu.memory_space<vmem>>, vector<1x16xf32>,
        %swap3A_1507 = vector.shape_cast %swap3A_1506 : vector<1x16xf32> to vector<16xf32>
        %swap3A_1508 = vector.shape_cast %mul3A_1503 : vector<16xf32> to vector<1x16xf32>
        tpu.vector_store %arg18[%swap3A_1504, %swap3A_1505], %swap3A_1508 {strides = array<i32>} : memref<128x128xf32, #tpu.memory_space<vmem>>, vector<1x16xf32>,
        %get3A_1509 = arith.index_cast %add3A_1484 : i32 to index
        %get3A_1510 = arith.constant 32 : index
        %get3A_1511 = tpu.vector_load %arg18[%get3A_1509, %get3A_1510] {strides = array<i32>} : memref<128x128xf32, #tpu.memory_space<vmem>>, vector<1x16xf32>,
        %get3A_1512 = vector.shape_cast %get3A_1511 : vector<1x16xf32> to vector<16xf32>
        %mul3A_1513 = arith.mulf %get3A_1512, %gather3A_1488 : vector<16xf32>
        %swap3A_1514 = arith.index_cast %add3A_1484 : i32 to index
        %swap3A_1515 = arith.constant 32 : index
        %swap3A_1516 = tpu.vector_load %arg18[%swap3A_1514, %swap3A_1515] {strides = array<i32>} : memref<128x128xf32, #tpu.memory_space<vmem>>, vector<1x16xf32>,
        %swap3A_1517 = vector.shape_cast %swap3A_1516 : vector<1x16xf32> to vector<16xf32>
        %swap3A_1518 = vector.shape_cast %mul3A_1513 : vector<16xf32> to vector<1x16xf32>
        tpu.vector_store %arg18[%swap3A_1514, %swap3A_1515], %swap3A_1518 {strides = array<i32>} : memref<128x128xf32, #tpu.memory_space<vmem>>, vector<1x16xf32>,
        %get3A_1519 = arith.index_cast %add3A_1484 : i32 to index
        %get3A_1520 = arith.constant 48 : index
        %get3A_1521 = tpu.vector_load %arg18[%get3A_1519, %get3A_1520] {strides = array<i32>} : memref<128x128xf32, #tpu.memory_space<vmem>>, vector<1x16xf32>,
        %get3A_1522 = vector.shape_cast %get3A_1521 : vector<1x16xf32> to vector<16xf32>
        %mul3A_1523 = arith.mulf %get3A_1522, %gather3A_1488 : vector<16xf32>
        %swap3A_1524 = arith.index_cast %add3A_1484 : i32 to index
        %swap3A_1525 = arith.constant 48 : index
        %swap3A_1526 = tpu.vector_load %arg18[%swap3A_1524, %swap3A_1525] {strides = array<i32>} : memref<128x128xf32, #tpu.memory_space<vmem>>, vector<1x16xf32>,
        %swap3A_1527 = vector.shape_cast %swap3A_1526 : vector<1x16xf32> to vector<16xf32>
        %swap3A_1528 = vector.shape_cast %mul3A_1523 : vector<16xf32> to vector<1x16xf32>
        tpu.vector_store %arg18[%swap3A_1524, %swap3A_1525], %swap3A_1528 {strides = array<i32>} : memref<128x128xf32, #tpu.memory_space<vmem>>, vector<1x16xf32>,
        %get3A_1529 = arith.index_cast %add3A_1484 : i32 to index
        %get3A_1530 = arith.constant 64 : index
        %get3A_1531 = tpu.vector_load %arg18[%get3A_1529, %get3A_1530] {strides = array<i32>} : memref<128x128xf32, #tpu.memory_space<vmem>>, vector<1x16xf32>,
        %get3A_1532 = vector.shape_cast %get3A_1531 : vector<1x16xf32> to vector<16xf32>
        %mul3A_1533 = arith.mulf %get3A_1532, %gather3A_1488 : vector<16xf32>
        %swap3A_1534 = arith.index_cast %add3A_1484 : i32 to index
        %swap3A_1535 = arith.constant 64 : index
        %swap3A_1536 = tpu.vector_load %arg18[%swap3A_1534, %swap3A_1535] {strides = array<i32>} : memref<128x128xf32, #tpu.memory_space<vmem>>, vector<1x16xf32>,
        %swap3A_1537 = vector.shape_cast %swap3A_1536 : vector<1x16xf32> to vector<16xf32>
        %swap3A_1538 = vector.shape_cast %mul3A_1533 : vector<16xf32> to vector<1x16xf32>
        tpu.vector_store %arg18[%swap3A_1534, %swap3A_1535], %swap3A_1538 {strides = array<i32>} : memref<128x128xf32, #tpu.memory_space<vmem>>, vector<1x16xf32>,
        %get3A_1539 = arith.index_cast %add3A_1484 : i32 to index
        %get3A_1540 = arith.constant 80 : index
        %get3A_1541 = tpu.vector_load %arg18[%get3A_1539, %get3A_1540] {strides = array<i32>} : memref<128x128xf32, #tpu.memory_space<vmem>>, vector<1x16xf32>,
        %get3A_1542 = vector.shape_cast %get3A_1541 : vector<1x16xf32> to vector<16xf32>
        %mul3A_1543 = arith.mulf %get3A_1542, %gather3A_1488 : vector<16xf32>
        %swap3A_1544 = arith.index_cast %add3A_1484 : i32 to index
        %swap3A_1545 = arith.constant 80 : index
        %swap3A_1546 = tpu.vector_load %arg18[%swap3A_1544, %swap3A_1545] {strides = array<i32>} : memref<128x128xf32, #tpu.memory_space<vmem>>, vector<1x16xf32>,
        %swap3A_1547 = vector.shape_cast %swap3A_1546 : vector<1x16xf32> to vector<16xf32>
        %swap3A_1548 = vector.shape_cast %mul3A_1543 : vector<16xf32> to vector<1x16xf32>
        tpu.vector_store %arg18[%swap3A_1544, %swap3A_1545], %swap3A_1548 {strides = array<i32>} : memref<128x128xf32, #tpu.memory_space<vmem>>, vector<1x16xf32>,
        %get3A_1549 = arith.index_cast %add3A_1484 : i32 to index
        %get3A_1550 = arith.constant 96 : index
        %get3A_1551 = tpu.vector_load %arg18[%get3A_1549, %get3A_1550] {strides = array<i32>} : memref<128x128xf32, #tpu.memory_space<vmem>>, vector<1x16xf32>,
        %get3A_1552 = vector.shape_cast %get3A_1551 : vector<1x16xf32> to vector<16xf32>
        %mul3A_1553 = arith.mulf %get3A_1552, %gather3A_1488 : vector<16xf32>
        %swap3A_1554 = arith.index_cast %add3A_1484 : i32 to index
        %swap3A_1555 = arith.constant 96 : index
        %swap3A_1556 = tpu.vector_load %arg18[%swap3A_1554, %swap3A_1555] {strides = array<i32>} : memref<128x128xf32, #tpu.memory_space<vmem>>, vector<1x16xf32>,
        %swap3A_1557 = vector.shape_cast %swap3A_1556 : vector<1x16xf32> to vector<16xf32>
        %swap3A_1558 = vector.shape_cast %mul3A_1553 : vector<16xf32> to vector<1x16xf32>
        tpu.vector_store %arg18[%swap3A_1554, %swap3A_1555], %swap3A_1558 {strides = array<i32>} : memref<128x128xf32, #tpu.memory_space<vmem>>, vector<1x16xf32>,
        %get3A_1559 = arith.index_cast %add3A_1484 : i32 to index
        %get3A_1560 = arith.constant 112 : index
        %get3A_1561 = tpu.vector_load %arg18[%get3A_1559, %get3A_1560] {strides = array<i32>} : memref<128x128xf32, #tpu.memory_space<vmem>>, vector<1x16xf32>,
        %get3A_1562 = vector.shape_cast %get3A_1561 : vector<1x16xf32> to vector<16xf32>
        %mul3A_1563 = arith.mulf %get3A_1562, %gather3A_1488 : vector<16xf32>
        %swap3A_1564 = arith.index_cast %add3A_1484 : i32 to index
        %swap3A_1565 = arith.constant 112 : index
        %swap3A_1566 = tpu.vector_load %arg18[%swap3A_1564, %swap3A_1565] {strides = array<i32>} : memref<128x128xf32, #tpu.memory_space<vmem>>, vector<1x16xf32>,
        %swap3A_1567 = vector.shape_cast %swap3A_1566 : vector<1x16xf32> to vector<16xf32>
        %swap3A_1568 = vector.shape_cast %mul3A_1563 : vector<16xf32> to vector<1x16xf32>
        tpu.vector_store %arg18[%swap3A_1564, %swap3A_1565], %swap3A_1568 {strides = array<i32>} : memref<128x128xf32, #tpu.memory_space<vmem>>, vector<1x16xf32>,
      }
      %scan3A_186 = arith.constant 8 : i32
      "tpu.trace_stop"() : () -> ()
      "tpu.trace_start"() <{level = 10 : i32, message = "scatter"}> : () -> ()
      %dma_start3A_187 = arith.constant 0 : i32
      %dma_start3A_188 = arith.constant 0 : i32
      %dma_start3A_189 = tpu.memref_slice %arg19[%dma_start3A_187, %dma_start3A_188] : memref<4096x128xf32, #tpu.memory_space<vmem_shared>> -> memref<4096x128xf32, #tpu.memory_space<vmem_shared>>
      tpu.enqueue_indirect_dma source(%arg18 : memref<128x128xf32, #tpu.memory_space<vmem>>) target(%dma_start3A_189 : memref<4096x128xf32, #tpu.memory_space<vmem_shared>>) offsets(%arg12 : memref<128xi32, #tpu.memory_space<vmem>>) semaphore(%arg31 : memref<!tpu.dma_semaphore, #tpu.memory_space<semaphore_mem>>) {add = true}
      "tpu.trace_stop"() : () -> ()
    }
    %scan3A_43 = arith.constant 14 : i32
    %dma_wait3A_44 = arith.constant 0 : i32
    %dma_wait3A_45 = arith.constant 0 : i32
    %dma_wait3A_46 = tpu.memref_slice %arg19[%dma_wait3A_44, %dma_wait3A_45] : memref<4096x128xf32, #tpu.memory_space<vmem_shared>> -> memref<4096x128xf32, #tpu.memory_space<vmem_shared>>
    tpu.wait_indirect_dma semaphore(%arg30 : memref<!tpu.dma_semaphore, #tpu.memory_space<semaphore_mem>>) src(%arg17 : memref<128x128xf32, #tpu.memory_space<vmem>>) dst(%dma_wait3A_46 : memref<4096x128xf32, #tpu.memory_space<vmem_shared>>)
    %dma_wait3A_47 = arith.constant 0 : i32
    %dma_wait3A_48 = arith.constant 0 : i32
    %dma_wait3A_49 = tpu.memref_slice %arg19[%dma_wait3A_47, %dma_wait3A_48] : memref<4096x128xf32, #tpu.memory_space<vmem_shared>> -> memref<4096x128xf32, #tpu.memory_space<vmem_shared>>
    tpu.wait_indirect_dma semaphore(%arg31 : memref<!tpu.dma_semaphore, #tpu.memory_space<semaphore_mem>>) src(%arg18 : memref<128x128xf32, #tpu.memory_space<vmem>>) dst(%dma_wait3A_49 : memref<4096x128xf32, #tpu.memory_space<vmem_shared>>)
    %barrier3A_50 = arith.constant 0 : index
    tpu.barrier barrier_id(%barrier3A_50)
    %mul3A_51 = arith.constant 256 : i32
    %mul3A_52 = arith.muli %arg1, %mul3A_51 : i32
    %mul3A_53 = arith.constant 4096 : i32
    %mul3A_54 = arith.muli %arg0, %mul3A_53 : i32
    %mul3A_55 = arith.constant 256 : i32
    %mul3A_56 = arith.muli %arg1, %mul3A_55 : i32
    %add3A_57 = arith.addi %mul3A_54, %mul3A_56 : i32
    "tpu.region"() ({
      %run_scoped3A = tpu.sem_alloc : memref<!tpu.dma_semaphore, #tpu.memory_space<semaphore_mem>>
      %dma_start3A_58 = arith.constant 0 : i32
      %dma_start3A_59 = tpu.memref_slice %arg6[%add3A_57, %dma_start3A_58] : memref<8192x128xf32, #tpu.memory_space<hbm>> -> memref<256x128xf32, #tpu.memory_space<hbm>>
      %dma_start3A_60 = arith.constant 0 : i32
      %dma_start3A_61 = tpu.memref_slice %arg19[%mul3A_52, %dma_start3A_60] : memref<4096x128xf32, #tpu.memory_space<vmem_shared>> -> memref<256x128xf32, #tpu.memory_space<vmem_shared>>
      tpu.enqueue_dma source(%dma_start3A_61 : memref<256x128xf32, #tpu.memory_space<vmem_shared>>) target(%dma_start3A_59 : memref<256x128xf32, #tpu.memory_space<hbm>>) target_semaphore(%run_scoped3A : memref<!tpu.dma_semaphore, #tpu.memory_space<semaphore_mem>>)
      %dma_wait3A_62 = arith.constant 0 : i32
      %dma_wait3A_63 = tpu.memref_slice %arg6[%add3A_57, %dma_wait3A_62] : memref<8192x128xf32, #tpu.memory_space<hbm>> -> memref<256x128xf32, #tpu.memory_space<hbm>>
      %dma_wait3A_64 = arith.constant 0 : i32
      %dma_wait3A_65 = tpu.memref_slice %arg19[%mul3A_52, %dma_wait3A_64] : memref<4096x128xf32, #tpu.memory_space<vmem_shared>> -> memref<256x128xf32, #tpu.memory_space<vmem_shared>>
      tpu.wait_dma2 semaphore(%run_scoped3A : memref<!tpu.dma_semaphore, #tpu.memory_space<semaphore_mem>>) src(%dma_wait3A_65 : memref<256x128xf32, #tpu.memory_space<vmem_shared>>) dst(%dma_wait3A_63 : memref<256x128xf32, #tpu.memory_space<hbm>>)
      tpu.yield
    }) : () -> ()
    return
  }
}

module attributes {stable_mosaic.version = 14 : i64} {
  func.func @_combine_body(%arg0: i32, %arg1: memref<128x128xf32, #tpu.memory_space<vmem>>, %arg2: memref<2x512x128xf32, #tpu.memory_space<vmem>>, %arg3: memref<1x512xf32, #tpu.memory_space<vmem>>, %arg4: memref<128x512xf32, #tpu.memory_space<vmem>>) attributes {dimension_semantics = [#tpu.dimension_semantics<arbitrary>], iteration_bounds = array<i64: 8>, scalar_prefetch = 0 : i64, scratch_operands = 0 : i64, tpu.core_type = #tpu.core_type<tc>, window_params = [{pipeline_mode = #tpu.pipeline_mode<synchronous>, transform_indices = @transform_0, window_bounds = array<i64: 128, 128>}, {transform_indices = @transform_1, window_bounds = array<i64: 2, 512, 128>}, {transform_indices = @transform_2, window_bounds = array<i64: 1, 512>}, {transform_indices = @transform_3, window_bounds = array<i64: 128, 512>}]} {
    %get3A = arith.constant 0 : index
    %get3A_0 = arith.constant 0 : index
    %get3A_1 = arith.constant 0 : index
    %get3A_2 = vector.load %arg2[%get3A, %get3A_0, %get3A_1] : memref<2x512x128xf32, #tpu.memory_space<vmem>>, vector<1x512x128xf32>
    %get3A_3 = vector.shape_cast %get3A_2 : vector<1x512x128xf32> to vector<512x128xf32>
    %get3A_4 = arith.constant 1 : index
    %get3A_5 = arith.constant 0 : index
    %get3A_6 = arith.constant 0 : index
    %get3A_7 = vector.load %arg2[%get3A_4, %get3A_5, %get3A_6] : memref<2x512x128xf32, #tpu.memory_space<vmem>>, vector<1x512x128xf32>
    %get3A_8 = vector.shape_cast %get3A_7 : vector<1x512x128xf32> to vector<512x128xf32>
    %add3A = arith.addf %get3A_3, %get3A_8 : vector<512x128xf32>
    %get3A_9 = arith.constant 0 : index
    %get3A_10 = arith.constant 0 : index
    %get3A_11 = vector.load %arg1[%get3A_9, %get3A_10] : memref<128x128xf32, #tpu.memory_space<vmem>>, vector<128x128xf32>
    %dot_general3A = arith.constant dense<0.000000e+00> : vector<128x512xf32>
    %dot_general3A_12 = tpu.matmul %get3A_11, %add3A, %dot_general3A {dimension_numbers = #tpu.dot_dimension_numbers<[1], [1], [0], [0], [0, 0, 1, 0], [], []>, transpose_lhs_hint = false} : vector<128x128xf32>, vector<512x128xf32>, vector<128x512xf32> -> vector<128x512xf32>
    %get3A_13 = arith.constant 0 : index
    %get3A_14 = arith.constant 0 : index
    %get3A_15 = vector.load %arg3[%get3A_13, %get3A_14] : memref<1x512xf32, #tpu.memory_space<vmem>>, vector<1x512xf32>
    %add3A_16 = vector.broadcast %get3A_15 : vector<1x512xf32> to vector<128x512xf32>
    %add3A_17 = arith.addf %dot_general3A_12, %add3A_16 : vector<128x512xf32>
    %swap3A = arith.constant 0 : index
    %swap3A_18 = arith.constant 0 : index
    %swap3A_19 = vector.load %arg4[%swap3A, %swap3A_18] : memref<128x512xf32, #tpu.memory_space<vmem>>, vector<128x512xf32>
    tpu.vector_store %arg4[%swap3A, %swap3A_18], %add3A_17 {strides = array<i32>} : memref<128x512xf32, #tpu.memory_space<vmem>>, vector<128x512xf32>,
    return
  }
  func.func @transform_0(%arg0: i32) -> (i32, i32) {
    %c0_i32 = arith.constant 0 : i32
    %c0_i32_0 = arith.constant 0 : i32
    %c0_i32_1 = arith.constant 0 : i32
    return %c0_i32, %c0_i32_0 : i32, i32
  }
  func.func @transform_1(%arg0: i32) -> (i32, i32, i32) {
    %c0_i32 = arith.constant 0 : i32
    %c0_i32_0 = arith.constant 0 : i32
    %c0_i32_1 = arith.constant 0 : i32
    return %c0_i32, %arg0, %c0_i32_0 : i32, i32, i32
  }
  func.func @transform_2(%arg0: i32) -> (i32, i32) {
    %c0_i32 = arith.constant 0 : i32
    %c0_i32_0 = arith.constant 0 : i32
    return %c0_i32, %arg0 : i32, i32
  }
  func.func @transform_3(%arg0: i32) -> (i32, i32) {
    %c0_i32 = arith.constant 0 : i32
    %c0_i32_0 = arith.constant 0 : i32
    return %c0_i32, %arg0 : i32, i32
  }
}

</mosaic_0001>

<sc_bundles>
// kernel: kernel.4.cloned.1.call-start
scs
__scs_entry_jumppad:
0x0: {  	(pc) =	sbr.rel $0x88, $3  }
0x1: {  	(tag) =	ssettag $0x0;
	lr =	simm.s32 $0x1  }
0x2: {  	[smem:$0x3F9C] =	sst lr;
	_ =	strace $0xD0000000  }
0x3: {  	_ = 	snop  }
0x4: {  	_ = 	snop  }
0x5: {  	_ = 	snop  }
0x6: {  	_ = 	snop  }
0x7: {  	_ = 	snop  }
__scs_overlays_trampoline_lowered:
0x8: {  	[smem:$0x3FAB] =	sst s0  }
0x9: {  	[smem:$0x3FAC] =	sst s1  }
0xa: {  	[smem:$0x3FAD] =	sst s2  }
0xb: {  	[smem:$0x3FAE] =	sst s3  }
0xc: {  	[smem:$0x3FAF] =	sst s4  }
0xd: {  	[smem:$0x3FB0] =	sst s5  }
0xe: {  	[smem:$0x3FB1] =	sst s6  }
0xf: {  	[smem:$0x3FB2] =	sst s7  }
0x10: {  	[smem:$0x3FB3] =	sst s8  }
0x11: {  	[smem:$0x3FB4] =	sst s9;
	s0 =	simm.s32 @!p0 $0x0  }
0x12: {  	s1 =	sld [smem:$0x3F9A];
	s0 =	simm.s32 @p0 $0x1  }
0x13: {  	[smem:$0x3FB5] =	sst s0;
	s0 =	simm.s32 @!p1 $0x0  }
0x14: {  	s2 =	sld [smem:$0x3F99];
	s0 =	simm.s32 @p1 $0x1  }
0x15: {  	[smem:$0x3FB6] =	sst s0;
	s0 =	simm.s32 @!p2 $0x0  }
0x16: {  	s3 =	sld [smem:$0x3FDB];
	s0 =	simm.s32 @p2 $0x1  }
0x17: {  	s4 =	simm.s32 $0x1BF5;
	[smem:$0x3FB8] =	sst s0  }
0x18: {  	s0 =	sld [smem:$0x3F9B];
	_ =	swait.ge [sflag:s4], $0x0  }
0x19: {  	s7 =	sld [smem:$0x3F9C]  }
0x1a: {  	s8 =	sadd.s32 $0xFFFFE003, lr  }
0x1b: {  	s9 =	sadd.s32 $0xFFFFFEF7, lr;
	s5 =	simm.s32 $0xFFFFFFFF;
	p2 =	slt.u32 s8, $0xFFFFF086  }
0x1c: {  	p1 =	slt.u32 s9, $0xF7A;
	s5 =	simm.s32 @!p2 $0x0  }
0x1d: {  	s5 =	simm.s32 @p1 $0x1;
	p0 =	seq.s32 s7, s2  }
0x1e: {  	s7 =	smul.u32 @!p0 $0xF7A, s2;
	p2 =	seq.s32 @!p0 s5, $0x0  }
0x1f: {  	s9 =	smul.u32 $0xF7A, s1;
	s8 =	simm.s32 @!p0 $0x1BF5;
	p2 =	por !p2, p0  }
0x20: {  	[sflag:s8] =	ssyncset.s32 @!p0 $0xFFFFF086;
	s6 =	sadd.s32 @!p0 s3, s7;
	s7 =	simm.s32 @!p0 $0x108  }
0x21: {  	s3 =	sadd.s32 s3, s9;
	s6 =	sadd.s32 @!p0 $0x88, s6;
	s7 =	simm.s32 @p2 $0x1082  }
0x22: {  	[simem:s7], [sflag:s8] =	dma.local @!p0 [hbm:s6], $0xF7A  }
0x23: {  	s9 =	sor.u32 $0xD0000000, s2;
	s6 =	simm.s32 $0x108;
	_ =	swait.ge @!p0 [sflag:s8], $0x0  }
0x24: {  	s3 =	sadd.s32 $0x88, s3;
	s6 =	simm.s32 @!p1 $0x1082;
	[sflag:s4] =	ssyncset.s32 $0xFFFFF086  }
0x25: {  	[simem:s6], [sflag:s4] =	dma.local [hbm:s3], $0xF7A  }
0x26: {  	[smem:$0x3F9C] =	sst s1;
	(tag) =	ssettag s2;
	_ =	strace s9  }
0x27: {  	s1 =	sld [smem:$0x3FAC]  }
0x28: {  	s2 =	sld [smem:$0x3FAD]  }
0x29: {  	s4 =	sld [smem:$0x3FAF]  }
0x2a: {  	p0 =	seq.s32 s5, $0x0;
	s5 =	sld [smem:$0x3FB0]  }
0x2b: {  	s6 =	sld [smem:$0x3FB1]  }
0x2c: {  	s7 =	sld [smem:$0x3FB2]  }
0x2d: {  	s3 =	simm.s32 $0x108;
	s8 =	sld [smem:$0x3FB3]  }
0x2e: {  	s3 =	simm.s32 @!p0 $0x1082;
	s9 =	sld [smem:$0x3FB4]  }
0x2f: {  	lr =	sadd.s32 s0, s3;
	s0 =	sld [smem:$0x3FAB]  }
0x30: {  	s3 =	sld [smem:$0x3FAE]  }
0x31: {  	[smem:$0x3FB7] =	sst s10  }
0x32: {  	s10 =	sld [smem:$0x3FB5];
	_ =	sdelay $0x3  }
0x33: {  	p0 =	seq.s32 s10, $0x1;
	s10 =	sld [smem:$0x3FB7];
	_ =	sdelay $0x3  }
0x34: {  	[smem:$0x3FB7] =	sst s10  }
0x35: {  	s10 =	sld [smem:$0x3FB6];
	_ =	sdelay $0x3  }
0x36: {  	p1 =	seq.s32 s10, $0x1;
	s10 =	sld [smem:$0x3FB7];
	_ =	sdelay $0x3  }
0x37: {  	[smem:$0x3FB7] =	sst s10  }
0x38: {  	s10 =	sld [smem:$0x3FB8]  }
0x39: {  	_ = 	snop;
	(pc) =	sbr.ind lr, $3  }
0x3a: {  	_ = 	snop  }
0x3b: {  	_ = 	snop  }
0x3c: {  	p2 =	seq.s32 s10, $0x1;
	s10 =	sld [smem:$0x3FB7]  }
0x3d: {  	_ =	shalt  }
0x3e: {  	_ =	shalt  }
0x3f: {  	_ =	shalt  }
0x40: {  	_ =	shalt  }
0x41: {  	_ =	shalt  }
0x42: {  	_ =	shalt  }
0x43: {  	_ =	shalt  }
0x44: {  	_ =	shalt  }
0x45: {  	_ =	shalt  }
0x46: {  	_ =	shalt  }
0x47: {  	_ =	shalt  }
0x48: {  	_ =	shalt  }
0x49: {  	_ =	shalt  }
0x4a: {  	_ =	shalt  }
0x4b: {  	_ =	shalt  }
0x4c: {  	_ =	shalt  }
0x4d: {  	_ =	shalt  }
0x4e: {  	_ =	shalt  }
0x4f: {  	_ =	shalt  }
0x50: {  	_ =	shalt  }
0x51: {  	_ =	shalt  }
0x52: {  	_ =	shalt  }
0x53: {  	_ =	shalt  }
0x54: {  	_ =	shalt  }
0x55: {  	_ =	shalt  }
0x56: {  	_ =	shalt  }
0x57: {  	_ =	shalt  }
0x58: {  	_ =	shalt  }
0x59: {  	_ =	shalt  }
0x5a: {  	_ =	shalt  }
0x5b: {  	_ =	shalt  }
0x5c: {  	_ =	shalt  }
0x5d: {  	_ =	shalt  }
0x5e: {  	_ =	shalt  }
0x5f: {  	_ =	shalt  }
0x60: {  	_ =	shalt  }
0x61: {  	_ =	shalt  }
0x62: {  	_ =	shalt  }
0x63: {  	_ =	shalt  }
0x64: {  	_ =	shalt  }
0x65: {  	_ =	shalt  }
0x66: {  	_ =	shalt  }
0x67: {  	_ =	shalt  }
0x68: {  	_ =	shalt  }
0x69: {  	_ =	shalt  }
0x6a: {  	_ =	shalt  }
0x6b: {  	_ =	shalt  }
0x6c: {  	_ =	shalt  }
0x6d: {  	_ =	shalt  }
0x6e: {  	_ =	shalt  }
0x6f: {  	_ =	shalt  }
0x70: {  	_ =	shalt  }
0x71: {  	_ =	shalt  }
0x72: {  	_ =	shalt  }
0x73: {  	_ =	shalt  }
0x74: {  	_ =	shalt  }
0x75: {  	_ =	shalt  }
0x76: {  	_ =	shalt  }
0x77: {  	_ =	shalt  }
0x78: {  	_ =	shalt  }
0x79: {  	_ =	shalt  }
0x7a: {  	_ =	shalt  }
0x7b: {  	_ =	shalt  }
0x7c: {  	_ =	shalt  }
0x7d: {  	_ =	shalt  }
0x7e: {  	_ =	shalt  }
0x7f: {  	_ =	shalt  }
0x80: {  	_ =	shalt  }
0x81: {  	_ =	shalt  }
0x82: {  	_ =	shalt  }
0x83: {  	_ =	shalt  }
0x84: {  	_ =	shalt  }
0x85: {  	_ =	shalt  }
0x86: {  	_ =	shalt  }
0x87: {  	_ =	shalt  }
.Lfunc_end0:
.L_simem_size_0:
called_computation_lowered:
.L_overlay_start_0:
0x88: {  	s2 =	sld [smem:$0x3FD9]  }
0x89: {  	s3 =	sld [smem:$0x3FFE];
	_ =	sdelay $0x1  }
0x8a: {  	s1 =	srdreg.scid  }
0x8b: {  	s0 =	sand.u32 $0x1, s1  }
0x8c: {  	s17 =	sshll.u32 s0, $0xA;
	s2 =	sadd.s32 s3, s2  }
0x8d: {  	s2 =	sadd.s32 s2, s17  }
0x8e: {  	[smem:$0x3FC3] =	sst s2  }
0x8f: {  	_ = 	snop  }
0x90: {  	s2 =	sld [smem:$0x3FD0];
	(tm) =	ssettm $0x1  }
0x91: {  	s18 =	sld [smem:$0x3FFB];
	_ =	sdelay $0x3  }
0x92: {  	_ =	strace s18  }
0x93: {  	s3 =	sld [smem:$0x3FFC];
	_ =	sdelay $0x3  }
0x94: {  	_ =	strace s3  }
0x95: {  	s3 =	sld [smem:$0x3FFD];
	_ =	sdelay $0x3  }
0x96: {  	_ =	strace s3  }
0x97: {  	_ =	strace $0x8FFFFFFF  }
0x98: {  	s19 =	sld [smem:$0x3FDB];
	_ =	sdelay $0x1  }
0x99: {  	s4 =	simm.s32 $_scs_section_size  }
0x9a: {  	s5 =	simm.s32 $_size__tile_overlayer_lowered;
	s6 =	simm.s32 $_tile_overlayer_lowered  }
0x9b: {  	s22 =	simm.s32 $0x1BFF;
	s21 =	sshll.u32 s6, $0x1;
	s3 =	sadd.s32 s4, s19  }
0x9c: {  	s7 =	simm.s32 $0x0;
	s20 =	sshll.u32 s5, $0x1;
	s5 =	sadd.s32 s21, s3  }
0x9d: {  	[timem:s7], [sflag:s22] =	dma.local [hbm:s5], s20  }
0x9e: {  	_ =	swait.ge [sflag:s22], s20  }
0x9f: {  	s4 =	ssub.s32 $0x0, s20;
	[sflag:s22] =	ssyncset.done $0x0  }
0xa0: {  	[sflag:s22] =	ssyncadd.s32 s4;
	_ =	sdelay $0x1  }
0xa1: {  	s23 =	simm.s32 $0x1B8B  }
0xa2: {  	_ =	swait.ge [sflag:s23], $0x1  }
0xa3: {  	[sflag:s23] =	ssyncset.done $0x0  }
0xa4: {  	s25 =	simm.s32 $0x1B8E;
	s24 =	sld [smem:$0x3FFE];
	[sflag:s23] =	ssyncadd.s32 $0xFFFFFFFF  }
0xa5: {  	s26 =	simm.s32 $execute0_lowered;
	[smem:$0x3FD2] =	sst s25  }
0xa6: {  	s5 =	sshll.u32 s26, $0x1;
	_ =	strace $0x80000046;
	[dreg:$0x1] =	wrdreg $0xFFFFFFFF  }
0xa7: {  	s28 =	simm.s32 $_size_execute0_lowered;
	s3 =	sadd.s32 s3, s5;
	[dreg:$0x0] =	wrdreg $0x0  }
0xa8: {  	s5 =	sshll.u32 s28, $0x1;
	[dreg:$0x2] =	wrdreg s3  }
0xa9: {  	[dreg:$0x3] =	wrdreg s5  }
0xaa: {  	[dreg:$0x4] =	wrdreg $0xC0  }
0xab: {  	_ =	task [dreg:s7], $0x5FFFF  }
0xac: {  	[dreg:$0x1] =	wrdreg $0xFFFFFFFF  }
0xad: {  	[dreg:$0x0] =	wrdreg $0x60  }
0xae: {  	[dreg:$0x2] =	wrdreg s2  }
0xaf: {  	[dreg:$0x3] =	wrdreg s24  }
0xb0: {  	[dreg:$0x4] =	wrdreg $0xC4800  }
0xb1: {  	[dreg:$0x5] =	wrdreg $0x9  }
0xb2: {  	_ =	task.clear_ibuf [dreg:s7], $0x6FFFF;
	_ =	strace $0x90000046  }
0xb3: {  	s29 =	simm.s32 $0x9;
	_ =	strace $0x80000054  }
0xb4: {  	_ =	swait.ge [sflag:s29], $0x1  }
0xb5: {  	[sflag:s29] =	ssyncadd.s32 $0xFFFFFFFF  }
0xb6: {  	_ =	strace $0x90000054  }
0xb7: {  	_ =	sfence  }
0xb8: {  	s30 =	sld [smem:$0x0];
	_ =	sdelay $0x2  }
0xb9: {  	s31 =	sshll.u32 s1, $0xD;
	s1 =	sshrl.u32 s1, $0x2  }
0xba: {  	s3 =	sand.u32 $0x4000, s31;
	s1 =	sadd.s32 s1, s30  }
0xbb: {  	s0 =	sor.u32 s3, s0;
	s1 =	sshll.u32 s1, $0x11  }
0xbc: {  	s0 =	sor.u32 s1, s0  }
0xbd: {  	s0 =	sadd.s32 $0x8F2B, s0  }
0xbe: {  	[sflag:s0] =	ssyncadd.remote.s32 $0x1  }
0xbf: {  	_ =	sfence.sel $0xFFFF  }
0xc0: {  	[dreg:$0x0] =	wrdreg $0xFFFFFFFF;
	(pc) =	sbr.abs _section_cstart, $3  }
0xc1: {  	[dreg:$0x1] =	wrdreg $0xFFFFFFFF  }
0xc2: {  	_ =	task.clear_ibuf [dreg:s7], $0x2FFFF;
	_ =	strace $0x9FFFFFFF  }
0xc3: {  	(tm) =	ssettm $0x7FFFFFFF  }
tec
execute0_lowered:
.L_overlay_start_1:
0x0: {  	(tag) =	ssettag $0x1  }
0x1: {  	s1 =	rddreg [dreg:$0x0]  }
0x2: {  	s0 =	rddreg [dreg:$0x1]  }
0x3: {  	s2 =	rddreg [dreg:$0x2];
	s3 =	srdreg.scid  }
0x4: {  	s4 =	simm.s32 $0x0;
	s11 =	stileid.u32;
	s15 =	simm.s32 $0xD  }
0x5: {  	s28 =	simm.s32 $0x7;
	s29 =	simm.s32 $0x2;
	s30 =	simm.s32 $0x200  }
0x6: {  	s3 =	sand.u32 $0x1, s3;
	[smem:$0x7FF] =	sst s4;
	s5 =	sadd.s32 $0x1000, s0  }
0x7: {  	s8 =	sadd.s32 $0x6400, s0;
	s18 =	sshll.u32 s11, $0xC;
	s22 =	sshll.u32 s11, $0xF  }
0x8: {  	s6 =	sshll.u32 s3, $0x4;
	_ =	strace $0x80000047;
	s9 =	ssub.s32 $0x2, s3  }
0x9: {  	s14 =	sadd.s32 s22, s2;
	s3 =	sshll.u32 s3, $0x10;
	s22 =	simm.s32 $0x6  }
0xa: {  	s7 =	sor.u32 s11, s6;
	s6 =	sadd.s32 $0xB800, s0;
	s10 =	sshrl.u32 s9, $0x1  }
0xb: {  	s0 =	sadd.s32 s18, s0;
	s24 =	sadd.s32 $0x4000, s14;
	s11 =	simm.s32 $0x8480  }
0xc: {  	s18 =	simm.s32 $0x5;
	[dreg:$0x8] =	wrdreg s14;
	s12 =	smul.u32 $0x1500, s7  }
0xd: {  	s19 =	ssub.s32 s9, s10;
	[dreg:$0x9] =	wrdreg s24;
	s0 =	sadd.s32 s3, s0  }
0xe: {  	s3 =	simm.s32 $0x8;
	s10 =	simm.s32 $0x3;
	s0 =	sadd.s32 $0x10C00, s0  }
0xf: {  	s31 =	smax.u32 s19, $0x1;
	s19 =	simm.s32 $0x9;
	[dreg:$0xc] =	wrdreg s0  }
0x10: {  	s20 =	sshrl.u32 s12, $0x3;
	s25 =	sor.u32 $0x80, s12;
	[dreg:$0xd] =	wrdreg s31  }
0x11: {  	s26 =	sadd.s32 $0x100, s12;
	s16 =	smov.u32 s12;
	[dreg:$0xa] =	wrdreg s25  }
0x12: {  	v0 =	vimm.f32 $0.0e+00;
	v1 =	vimm.s32 $0x0;
	s17 =	sadd.s32 $0x200, s12;
	s21 =	sadd.s32 s8, s20;
	[dreg:$0xb] =	wrdreg s26  }
0x13: {  	v2 =	vimm.s32 $0x1;
	v3 =	vimm.s32 $0x2;
	v4 =	vimm.s32 $0x3;
	s0 =	simm.s32 $0x100;
	s9 =	sadd.s32 s5, s20;
	[dreg:$0x5] =	wrdreg s21  }
0x14: {  	v5 =	vimm.s32 $0x4;
	v6 =	vimm.s32 $0x5;
	v7 =	vimm.s32 $0x6;
	s12 =	simm.s32 $0x280;
	s13 =	sadd.s32 s6, s20;
	[dreg:$0x6] =	wrdreg s9  }
0x15: {  	v8 =	vimm.s32 $0x7;
	v9 =	vimm.s32 $0x8;
	v10 =	vimm.s32 $0x9;
	s25 =	simm.s32 $0x4480;
	s26 =	simm.s32 $0x0;
	[dreg:$0x4] =	wrdreg s13  }
0x16: {  	v11 =	vimm.s32 $0xA;
	v12 =	vimm.s32 $0xB;
	v13 =	vimm.s32 $0xC;
	s23 =	sadd.s32 $0x10, s13;
	s21 =	simm.s32 $0x4;
	s9 =	simm.s32 $0xA  }
0x17: {  	v14 =	vimm.s32 $0xD;
	v15 =	vimm.s32 $0xE;
	v16 =	vimm.s32 $0xF;
	s13 =	simm.s32 $0x0;
	[dreg:$0x7] =	wrdreg s23;
	s23 =	simm.s32 $0x80  }
.LBB2_1:
0x18: {  	[dreg:$0xe] =	wrdreg s13  }
0x19: {  	s7 =	rddreg [dreg:$0x4]  }
0x1a: {  	s13 =	rddreg [dreg:$0x5]  }
0x1b: {  	[tilespmem:s4], [sflag:$0x1] =	stream.linear.gather [hbm4b:s7+s4], $0x80, $0x38;
	[tilespmem:$0x14480] =	vst v63  }
0x1c: {  	s20 =	simm.s32 $0x180;
	s24 =	rddreg [dreg:$0x6]  }
0x1d: {  	[tilespmem:s20], [sflag:$0x4] =	stream.linear.gather [hbm4b:s13+s4], $0x80, $0x38;
	[tilespmem:$0x14480] =	vst v63  }
0x1e: {  	s31 =	simm.s32 $0x300;
	s7 =	simm.s32 $0x0;
	s13 =	simm.s32 $0x200  }
0x1f: {  	[tilespmem:s31], [sflag:$0x4] =	stream.linear.gather [hbm4b:s24+s4], $0x80, $0x38;
	[tilespmem:$0x14480] =	vst v63  }
.LBB2_2:
0x20: {  	p0 =	sne.s32 s13, $0xFE00;
	[tilespmem:s7+$0x44F0] =	vst v0  }
0x21: {  	[tilespmem:s7+$0x4480] =	vst v0  }
0x22: {  	[tilespmem:s7+$0x4490] =	vst v0  }
.Ltmp0:
0x23: {  	[tilespmem:s7+$0x44A0] =	vst v0;
	(pc) =	sbr.rel @p0 .LBB2_2-.Ltmp0, $4  }
0x24: {  	[tilespmem:s7+$0x44B0] =	vst v0  }
0x25: {  	[tilespmem:s7+$0x44C0] =	vst v0  }
0x26: {  	[tilespmem:s7+$0x44D0] =	vst v0  }
0x27: {  	[tilespmem:s7+$0x44E0] =	vst v0;
	s7 =	sshra.s32 s13, $0x2;
	s13 =	sadd.s32 $0x200, s13  }
0x28: {  	[tilespmem:s7+$0x44F0] =	vst v0  }
0x29: {  	[tilespmem:s7+$0x4480] =	vst v0  }
0x2a: {  	[tilespmem:s7+$0x4490] =	vst v0  }
0x2b: {  	[tilespmem:s7+$0x44A0] =	vst v0  }
0x2c: {  	[tilespmem:s7+$0x44B0] =	vst v0  }
0x2d: {  	[tilespmem:s7+$0x44C0] =	vst v0  }
0x2e: {  	[tilespmem:s7+$0x44D0] =	vst v0  }
0x2f: {  	[tilespmem:s7+$0x44E0] =	vst v0;
	s13 =	simm.s32 $0x1  }
0x30: {  	_ =	swait.ge [sflag:s13], $0x80  }
0x31: {  	[sflag:s13] =	ssyncset.done $0x0  }
0x32: {  	s20 =	simm.s32 $0x480;
	[sflag:s13] =	ssyncadd.s32 $0xFFFFFF80  }
0x33: {  	[tilespmem:s20], [sflag:$0x7] =	stream.indirect.gather [hbm4b:s1+s23], $0x80, s26, s23, $0xb8;
	[tilespmem:$0x14480] =	vst v63  }
0x34: {  	s24 =	rddreg [dreg:$0x7]  }
0x35: {  	[tilespmem:s23], [sflag:$0x2] =	stream.linear.gather [hbm4b:s24+s26], $0x80, $0x38;
	[tilespmem:$0x14480] =	vst v63  }
0x36: {  	_ = 	snop  }
0x37: {  	[spmem:s14] =	stream.linear.scatter [tilespmem:s25], [sflag:$0xD], $0x4000, $0x38;
	[tilespmem:$0x14480] =	vst v63  }
0x38: {  	_ =	swait.ge [sflag:s15], $0x4000  }
0x39: {  	[sflag:s15] =	ssyncset.done $0x0  }
0x3a: {  	s31 =	rddreg [dreg:$0x9];
	[sflag:s15] =	ssyncadd.s32 $0xFFFFC000  }
0x3b: {  	[spmem:s31] =	stream.linear.scatter [tilespmem:s25], [sflag:$0xD], $0x4000, $0x38;
	[tilespmem:$0x14480] =	vst v63  }
0x3c: {  	_ =	swait.ge [sflag:s15], $0x4000  }
0x3d: {  	[sflag:s15] =	ssyncset.done $0x0  }
0x3e: {  	[sflag:s15] =	ssyncadd.s32 $0xFFFFC000  }
0x3f: {  	s13 =	simm.s32 $0x0;
	[bflag:$0x0] =	sbarrier.arrive $0xFFFF  }
.LBB2_4:
0x40: {  	_ =	strace $0x80000048  }
0x41: {  	_ =	swait.ge [sflag:s28], $0x4000  }
0x42: {  	[sflag:s28] =	ssyncset.done $0x0  }
0x43: {  	[sflag:s28] =	ssyncadd.s32 $0xFFFFC000  }
0x44: {  	p0 =	seq.s32 s13, $0x0;
	_ =	strace $0x90000048  }
0x45: {  	s7 =	simm.s32 @!p0 $0xB;
	_ =	strace $0x80000049  }
0x46: {  	_ =	swait.ge @!p0 [sflag:s7], $0x4000  }
0x47: {  	[sflag:s7] =	ssyncset.done @!p0 $0x0  }
0x48: {  	[sflag:s7] =	ssyncadd.s32 @!p0 $0xFFFFC000  }
0x49: {  	s31 =	smul.u32 $0x180, s13;
	_ =	swait.ge [sflag:s29], $0x80  }
0x4a: {  	[sflag:s29] =	ssyncset.done $0x0;
	s15 =	rddreg [dreg:$0xa]  }
0x4b: {  	[sflag:s29] =	ssyncadd.s32 $0xFFFFFF80;
	s7 =	sadd.s32 s31, s15  }
0x4c: {  	[tilespmem:s25], [sflag:$0x8] =	stream.indirect.gather [hbm4b:s1+s23], $0x80, s23, s23, $0x2000b8;
	[tilespmem:$0x14480] =	vst v63  }
0x4d: {  	s7 =	sshrl.u32 s7, $0x3  }
0x4e: {  	s14 =	sadd.s32 s8, s7  }
0x4f: {  	[tilespmem:s30], [sflag:$0x5] =	stream.linear.gather [hbm4b:s14+s26], $0x80, $0x200038;
	[tilespmem:$0x14480] =	vst v63  }
0x50: {  	s20 =	simm.s32 $0x380;
	s24 =	rddreg [dreg:$0xb];
	s7 =	sadd.s32 s5, s7  }
0x51: {  	[tilespmem:s20], [sflag:$0x5] =	stream.linear.gather [hbm4b:s7+s26], $0x80, $0x200038;
	[tilespmem:$0x14480] =	vst v63  }
0x52: {  	s7 =	sadd.s32 s31, s24  }
0x53: {  	s14 =	sshrl.u32 s7, $0x3  }
0x54: {  	s7 =	sadd.s32 s6, s14  }
0x55: {  	[tilespmem:s0], [sflag:$0x3] =	stream.linear.gather [hbm4b:s7+s26], $0x80, $0x200038;
	[tilespmem:$0x14480] =	vst v63  }
0x56: {  	_ =	swait.ge [sflag:s21], $0x80  }
0x57: {  	[sflag:s21] =	ssyncset.done $0x0  }
0x58: {  	[sflag:s21] =	ssyncadd.s32 $0xFFFFFF80  }
0x59: {  	_ =	swait.ge [sflag:s21], $0x80  }
0x5a: {  	[sflag:s21] =	ssyncset.done $0x0  }
0x5b: {  	[sflag:s21] =	ssyncadd.s32 $0xFFFFFF80  }
0x5c: {  	_ =	strace $0x90000049  }
0x5d: {  	s20 =	smul.u32 $0x3, s13;
	s24 =	simm.s32 $0x0;
	_ =	strace $0x8000004A  }
.LBB2_5:
0x5e: {  	s7 =	sshll.u32 s24, $0x4  }
0x5f: {  	s7 =	sand.u32 $0x3FFFFFF0, s7  }
0x60: {  	s15 =	sshll.u32 s24, $0xB;
	v17 =	vld [tilespmem:s7+$0x300]  }
0x61: {  	s7 =	sand.u32 $0x3FFFF800, s15  }
0x62: {  	v18 =	vld [tilespmem:s7+$0x480]  }
0x63: {  	v19 =	vld [tilespmem:s7+$0x490]  }
0x64: {  	v20 =	vld [tilespmem:s7+$0x4A0]  }
0x65: {  	v22 =	vld [tilespmem:s7+$0x4B0];
	v21 =	vperm.xlane v17, v1  }
0x66: {  	v23 =	vld [tilespmem:s7+$0x4C0]  }
0x67: {  	v24 =	vld [tilespmem:s7+$0x4D0];
	v18 =	vmul.f32 v18, v21  }
0x68: {  	v25 =	vld [tilespmem:s7+$0x4E0];
	v19 =	vmul.f32 v19, v21  }
0x69: {  	v38 =	vld [tilespmem:s7+$0x4F0];
	[tilespmem:s7+$0x480] =	vst v18;
	v18 =	vmul.f32 v20, v21  }
0x6a: {  	v39 =	vld [tilespmem:s7+$0x500];
	[tilespmem:s7+$0x490] =	vst v19;
	v19 =	vmul.f32 v22, v21  }
0x6b: {  	v40 =	vld [tilespmem:s7+$0x510];
	[tilespmem:s7+$0x4A0] =	vst v18;
	v18 =	vmul.f32 v23, v21  }
0x6c: {  	v41 =	vld [tilespmem:s7+$0x520];
	[tilespmem:s7+$0x4B0] =	vst v19;
	v19 =	vmul.f32 v24, v21  }
0x6d: {  	v26 =	vld [tilespmem:s7+$0x530];
	v42 =	vperm.xlane v17, v2;
	[tilespmem:s7+$0x4C0] =	vst v18;
	v18 =	vmul.f32 v25, v21  }
0x6e: {  	v43 =	vld [tilespmem:s7+$0x540];
	[tilespmem:s7+$0x4D0] =	vst v19;
	v19 =	vmul.f32 v38, v21  }
0x6f: {  	v44 =	vld [tilespmem:s7+$0x550];
	[tilespmem:s7+$0x4E0] =	vst v18;
	v18 =	vmul.f32 v39, v42  }
0x70: {  	v45 =	vld [tilespmem:s7+$0x560];
	[tilespmem:s7+$0x4F0] =	vst v19;
	v19 =	vmul.f32 v40, v42  }
0x71: {  	v46 =	vld [tilespmem:s7+$0x570];
	[tilespmem:s7+$0x500] =	vst v18;
	v18 =	vmul.f32 v41, v42  }
0x72: {  	v47 =	vld [tilespmem:s7+$0x580];
	[tilespmem:s7+$0x510] =	vst v19;
	v19 =	vmul.f32 v26, v42  }
0x73: {  	v48 =	vld [tilespmem:s7+$0x590];
	[tilespmem:s7+$0x520] =	vst v18;
	v18 =	vmul.f32 v43, v42  }
0x74: {  	v49 =	vld [tilespmem:s7+$0x5A0];
	[tilespmem:s7+$0x530] =	vst v19;
	v19 =	vmul.f32 v44, v42  }
0x75: {  	v51 =	vld [tilespmem:s7+$0x5B0];
	v50 =	vperm.xlane v17, v3;
	[tilespmem:s7+$0x540] =	vst v18;
	v18 =	vmul.f32 v45, v42  }
0x76: {  	v52 =	vld [tilespmem:s7+$0x5C0];
	[tilespmem:s7+$0x550] =	vst v19;
	v19 =	vmul.f32 v46, v42  }
0x77: {  	v53 =	vld [tilespmem:s7+$0x5D0];
	[tilespmem:s7+$0x560] =	vst v18;
	v18 =	vmul.f32 v47, v50  }
0x78: {  	v54 =	vld [tilespmem:s7+$0x5E0];
	[tilespmem:s7+$0x570] =	vst v19;
	v19 =	vmul.f32 v48, v50  }
0x79: {  	v55 =	vld [tilespmem:s7+$0x5F0];
	[tilespmem:s7+$0x580] =	vst v18;
	v18 =	vmul.f32 v49, v50  }
0x7a: {  	v56 =	vld [tilespmem:s7+$0x600];
	[tilespmem:s7+$0x590] =	vst v19;
	v19 =	vmul.f32 v51, v50  }
0x7b: {  	v57 =	vld [tilespmem:s7+$0x610];
	[tilespmem:s7+$0x5A0] =	vst v18;
	v18 =	vmul.f32 v52, v50  }
0x7c: {  	v58 =	vld [tilespmem:s7+$0x620];
	[tilespmem:s7+$0x5B0] =	vst v19;
	v19 =	vmul.f32 v53, v50  }
0x7d: {  	v60 =	vld [tilespmem:s7+$0x630];
	v59 =	vperm.xlane v17, v4;
	[tilespmem:s7+$0x5C0] =	vst v18;
	v18 =	vmul.f32 v54, v50  }
0x7e: {  	v61 =	vld [tilespmem:s7+$0x640];
	[tilespmem:s7+$0x5D0] =	vst v19;
	v19 =	vmul.f32 v55, v50  }
0x7f: {  	v62 =	vld [tilespmem:s7+$0x650];
	[tilespmem:s7+$0x5E0] =	vst v18;
	v18 =	vmul.f32 v56, v59  }
0x80: {  	v63 =	vld [tilespmem:s7+$0x660];
	[tilespmem:s7+$0x5F0] =	vst v19;
	v19 =	vmul.f32 v57, v59  }
0x81: {  	v28 =	vld [tilespmem:s7+$0x670];
	[tilespmem:s7+$0x600] =	vst v18;
	v18 =	vmul.f32 v58, v59  }
0x82: {  	v29 =	vld [tilespmem:s7+$0x680];
	[tilespmem:s7+$0x610] =	vst v19;
	v19 =	vmul.f32 v60, v59  }
0x83: {  	v30 =	vld [tilespmem:s7+$0x690];
	[tilespmem:s7+$0x620] =	vst v18;
	v18 =	vmul.f32 v61, v59  }
0x84: {  	v31 =	vld [tilespmem:s7+$0x6A0];
	[tilespmem:s7+$0x630] =	vst v19;
	v19 =	vmul.f32 v62, v59  }
0x85: {  	v33 =	vld [tilespmem:s7+$0x6B0];
	v32 =	vperm.xlane v17, v5;
	[tilespmem:s7+$0x640] =	vst v18;
	v18 =	vmul.f32 v63, v59  }
0x86: {  	v34 =	vld [tilespmem:s7+$0x6C0];
	[tilespmem:s7+$0x650] =	vst v19;
	v19 =	vmul.f32 v28, v59  }
0x87: {  	v35 =	vld [tilespmem:s7+$0x6D0];
	[tilespmem:s7+$0x660] =	vst v18;
	v18 =	vmul.f32 v29, v32  }
0x88: {  	v36 =	vld [tilespmem:s7+$0x6E0];
	[tilespmem:s7+$0x670] =	vst v19;
	v19 =	vmul.f32 v30, v32  }
0x89: {  	v37 =	vld [tilespmem:s7+$0x6F0];
	[tilespmem:s7+$0x680] =	vst v18;
	v18 =	vmul.f32 v31, v32  }
0x8a: {  	v38 =	vld [tilespmem:s7+$0x700];
	[tilespmem:s7+$0x690] =	vst v19;
	v19 =	vmul.f32 v33, v32  }
0x8b: {  	v39 =	vld [tilespmem:s7+$0x710];
	[tilespmem:s7+$0x6A0] =	vst v18;
	v18 =	vmul.f32 v34, v32  }
0x8c: {  	v40 =	vld [tilespmem:s7+$0x720];
	[tilespmem:s7+$0x6B0] =	vst v19;
	v19 =	vmul.f32 v35, v32  }
0x8d: {  	v41 =	vperm.xlane v17, v6;
	v42 =	vld [tilespmem:s7+$0x730];
	[tilespmem:s7+$0x6C0] =	vst v18;
	v18 =	vmul.f32 v36, v32  }
0x8e: {  	v43 =	vld [tilespmem:s7+$0x740];
	[tilespmem:s7+$0x6D0] =	vst v19;
	v19 =	vmul.f32 v37, v32  }
0x8f: {  	v44 =	vld [tilespmem:s7+$0x750];
	[tilespmem:s7+$0x6E0] =	vst v18;
	v18 =	vmul.f32 v38, v41  }
0x90: {  	v45 =	vld [tilespmem:s7+$0x760];
	[tilespmem:s7+$0x6F0] =	vst v19;
	v19 =	vmul.f32 v39, v41  }
0x91: {  	v46 =	vld [tilespmem:s7+$0x770];
	[tilespmem:s7+$0x700] =	vst v18;
	v18 =	vmul.f32 v40, v41  }
0x92: {  	v47 =	vld [tilespmem:s7+$0x780];
	[tilespmem:s7+$0x710] =	vst v19;
	v19 =	vmul.f32 v42, v41  }
0x93: {  	v48 =	vld [tilespmem:s7+$0x790];
	[tilespmem:s7+$0x720] =	vst v18;
	v18 =	vmul.f32 v43, v41  }
0x94: {  	v49 =	vld [tilespmem:s7+$0x7A0];
	[tilespmem:s7+$0x730] =	vst v19;
	v19 =	vmul.f32 v44, v41  }
0x95: {  	v51 =	vld [tilespmem:s7+$0x7B0];
	v50 =	vperm.xlane v17, v7;
	[tilespmem:s7+$0x740] =	vst v18;
	v18 =	vmul.f32 v45, v41  }
0x96: {  	v52 =	vld [tilespmem:s7+$0x7C0];
	[tilespmem:s7+$0x750] =	vst v19;
	v19 =	vmul.f32 v46, v41  }
0x97: {  	v53 =	vld [tilespmem:s7+$0x7D0];
	[tilespmem:s7+$0x760] =	vst v18;
	v18 =	vmul.f32 v47, v50  }
0x98: {  	v54 =	vld [tilespmem:s7+$0x7E0];
	[tilespmem:s7+$0x770] =	vst v19;
	v19 =	vmul.f32 v48, v50  }
0x99: {  	v55 =	vld [tilespmem:s7+$0x7F0];
	[tilespmem:s7+$0x780] =	vst v18;
	v18 =	vmul.f32 v49, v50  }
0x9a: {  	v56 =	vld [tilespmem:s7+$0x800];
	[tilespmem:s7+$0x790] =	vst v19;
	v19 =	vmul.f32 v51, v50  }
0x9b: {  	v57 =	vld [tilespmem:s7+$0x810];
	[tilespmem:s7+$0x7A0] =	vst v18;
	v18 =	vmul.f32 v52, v50  }
0x9c: {  	v58 =	vld [tilespmem:s7+$0x820];
	[tilespmem:s7+$0x7B0] =	vst v19;
	v19 =	vmul.f32 v53, v50  }
0x9d: {  	v60 =	vld [tilespmem:s7+$0x830];
	v59 =	vperm.xlane v17, v8;
	[tilespmem:s7+$0x7C0] =	vst v18;
	v18 =	vmul.f32 v54, v50  }
0x9e: {  	v61 =	vld [tilespmem:s7+$0x840];
	[tilespmem:s7+$0x7D0] =	vst v19;
	v19 =	vmul.f32 v55, v50  }
0x9f: {  	v62 =	vld [tilespmem:s7+$0x850];
	[tilespmem:s7+$0x7E0] =	vst v18;
	v18 =	vmul.f32 v56, v59  }
0xa0: {  	v63 =	vld [tilespmem:s7+$0x860];
	[tilespmem:s7+$0x7F0] =	vst v19;
	v19 =	vmul.f32 v57, v59  }
0xa1: {  	v28 =	vld [tilespmem:s7+$0x870];
	[tilespmem:s7+$0x800] =	vst v18;
	v18 =	vmul.f32 v58, v59  }
0xa2: {  	v29 =	vld [tilespmem:s7+$0x880];
	[tilespmem:s7+$0x810] =	vst v19;
	v19 =	vmul.f32 v60, v59  }
0xa3: {  	v30 =	vld [tilespmem:s7+$0x890];
	[tilespmem:s7+$0x820] =	vst v18;
	v18 =	vmul.f32 v61, v59  }
0xa4: {  	v31 =	vld [tilespmem:s7+$0x8A0];
	[tilespmem:s7+$0x830] =	vst v19;
	v19 =	vmul.f32 v62, v59  }
0xa5: {  	v33 =	vld [tilespmem:s7+$0x8B0];
	v32 =	vperm.xlane v17, v9;
	[tilespmem:s7+$0x840] =	vst v18;
	v18 =	vmul.f32 v63, v59  }
0xa6: {  	v34 =	vld [tilespmem:s7+$0x8C0];
	[tilespmem:s7+$0x850] =	vst v19;
	v19 =	vmul.f32 v28, v59  }
0xa7: {  	v35 =	vld [tilespmem:s7+$0x8D0];
	[tilespmem:s7+$0x860] =	vst v18;
	v18 =	vmul.f32 v29, v32  }
0xa8: {  	v36 =	vld [tilespmem:s7+$0x8E0];
	[tilespmem:s7+$0x870] =	vst v19;
	v19 =	vmul.f32 v30, v32  }
0xa9: {  	v37 =	vld [tilespmem:s7+$0x8F0];
	[tilespmem:s7+$0x880] =	vst v18;
	v18 =	vmul.f32 v31, v32  }
0xaa: {  	v38 =	vld [tilespmem:s7+$0x900];
	[tilespmem:s7+$0x890] =	vst v19;
	v19 =	vmul.f32 v33, v32  }
0xab: {  	v39 =	vld [tilespmem:s7+$0x910];
	[tilespmem:s7+$0x8A0] =	vst v18;
	v18 =	vmul.f32 v34, v32  }
0xac: {  	v40 =	vld [tilespmem:s7+$0x920];
	[tilespmem:s7+$0x8B0] =	vst v19;
	v19 =	vmul.f32 v35, v32  }
0xad: {  	v42 =	vld [tilespmem:s7+$0x930];
	v41 =	vperm.xlane v17, v10;
	[tilespmem:s7+$0x8C0] =	vst v18;
	v18 =	vmul.f32 v36, v32  }
0xae: {  	v43 =	vld [tilespmem:s7+$0x940];
	[tilespmem:s7+$0x8D0] =	vst v19;
	v19 =	vmul.f32 v37, v32  }
0xaf: {  	v44 =	vld [tilespmem:s7+$0x950];
	[tilespmem:s7+$0x8E0] =	vst v18;
	v18 =	vmul.f32 v38, v41  }
0xb0: {  	v45 =	vld [tilespmem:s7+$0x960];
	[tilespmem:s7+$0x8F0] =	vst v19;
	v19 =	vmul.f32 v39, v41  }
0xb1: {  	v46 =	vld [tilespmem:s7+$0x970];
	[tilespmem:s7+$0x900] =	vst v18;
	v18 =	vmul.f32 v40, v41  }
0xb2: {  	v47 =	vld [tilespmem:s7+$0x980];
	[tilespmem:s7+$0x910] =	vst v19;
	v19 =	vmul.f32 v42, v41  }
0xb3: {  	v48 =	vld [tilespmem:s7+$0x990];
	[tilespmem:s7+$0x920] =	vst v18;
	v18 =	vmul.f32 v43, v41  }
0xb4: {  	v49 =	vld [tilespmem:s7+$0x9A0];
	[tilespmem:s7+$0x930] =	vst v19;
	v19 =	vmul.f32 v44, v41  }
0xb5: {  	v51 =	vld [tilespmem:s7+$0x9B0];
	v50 =	vperm.xlane v17, v11;
	[tilespmem:s7+$0x940] =	vst v18;
	v18 =	vmul.f32 v45, v41  }
0xb6: {  	v52 =	vld [tilespmem:s7+$0x9C0];
	[tilespmem:s7+$0x950] =	vst v19;
	v19 =	vmul.f32 v46, v41  }
0xb7: {  	v53 =	vld [tilespmem:s7+$0x9D0];
	[tilespmem:s7+$0x960] =	vst v18;
	v18 =	vmul.f32 v47, v50  }
0xb8: {  	v54 =	vld [tilespmem:s7+$0x9E0];
	[tilespmem:s7+$0x970] =	vst v19;
	v19 =	vmul.f32 v48, v50  }
0xb9: {  	v55 =	vld [tilespmem:s7+$0x9F0];
	[tilespmem:s7+$0x980] =	vst v18;
	v18 =	vmul.f32 v49, v50  }
0xba: {  	v56 =	vld [tilespmem:s7+$0xA00];
	[tilespmem:s7+$0x990] =	vst v19;
	v19 =	vmul.f32 v51, v50  }
0xbb: {  	v57 =	vld [tilespmem:s7+$0xA10];
	[tilespmem:s7+$0x9A0] =	vst v18;
	v18 =	vmul.f32 v52, v50  }
0xbc: {  	v58 =	vld [tilespmem:s7+$0xA20];
	[tilespmem:s7+$0x9B0] =	vst v19;
	v19 =	vmul.f32 v53, v50  }
0xbd: {  	v60 =	vld [tilespmem:s7+$0xA30];
	v59 =	vperm.xlane v17, v12;
	[tilespmem:s7+$0x9C0] =	vst v18;
	v18 =	vmul.f32 v54, v50  }
0xbe: {  	v61 =	vld [tilespmem:s7+$0xA40];
	[tilespmem:s7+$0x9D0] =	vst v19;
	v19 =	vmul.f32 v55, v50  }
0xbf: {  	v62 =	vld [tilespmem:s7+$0xA50];
	[tilespmem:s7+$0x9E0] =	vst v18;
	v18 =	vmul.f32 v56, v59  }
0xc0: {  	v63 =	vld [tilespmem:s7+$0xA60];
	[tilespmem:s7+$0x9F0] =	vst v19;
	v19 =	vmul.f32 v57, v59  }
0xc1: {  	v28 =	vld [tilespmem:s7+$0xA70];
	[tilespmem:s7+$0xA00] =	vst v18;
	v18 =	vmul.f32 v58, v59  }
0xc2: {  	v29 =	vld [tilespmem:s7+$0xA80];
	[tilespmem:s7+$0xA10] =	vst v19;
	v19 =	vmul.f32 v60, v59  }
0xc3: {  	v30 =	vld [tilespmem:s7+$0xA90];
	[tilespmem:s7+$0xA20] =	vst v18;
	v18 =	vmul.f32 v61, v59  }
0xc4: {  	v31 =	vld [tilespmem:s7+$0xAA0];
	[tilespmem:s7+$0xA30] =	vst v19;
	v19 =	vmul.f32 v62, v59  }
0xc5: {  	v33 =	vld [tilespmem:s7+$0xAB0];
	v32 =	vperm.xlane v17, v13;
	[tilespmem:s7+$0xA40] =	vst v18;
	v18 =	vmul.f32 v63, v59  }
0xc6: {  	v34 =	vld [tilespmem:s7+$0xAC0];
	[tilespmem:s7+$0xA50] =	vst v19;
	v19 =	vmul.f32 v28, v59  }
0xc7: {  	v35 =	vld [tilespmem:s7+$0xAD0];
	[tilespmem:s7+$0xA60] =	vst v18;
	v18 =	vmul.f32 v29, v32  }
0xc8: {  	v36 =	vld [tilespmem:s7+$0xAE0];
	[tilespmem:s7+$0xA70] =	vst v19;
	v19 =	vmul.f32 v30, v32  }
0xc9: {  	v37 =	vld [tilespmem:s7+$0xAF0];
	[tilespmem:s7+$0xA80] =	vst v18;
	v18 =	vmul.f32 v31, v32  }
0xca: {  	v38 =	vld [tilespmem:s7+$0xB00];
	[tilespmem:s7+$0xA90] =	vst v19;
	v19 =	vmul.f32 v33, v32  }
0xcb: {  	v39 =	vld [tilespmem:s7+$0xB10];
	[tilespmem:s7+$0xAA0] =	vst v18;
	v18 =	vmul.f32 v34, v32  }
0xcc: {  	v40 =	vld [tilespmem:s7+$0xB20];
	[tilespmem:s7+$0xAB0] =	vst v19;
	v19 =	vmul.f32 v35, v32  }
0xcd: {  	v42 =	vld [tilespmem:s7+$0xB30];
	v41 =	vperm.xlane v17, v14;
	[tilespmem:s7+$0xAC0] =	vst v18;
	v18 =	vmul.f32 v36, v32  }
0xce: {  	v43 =	vld [tilespmem:s7+$0xB40];
	[tilespmem:s7+$0xAD0] =	vst v19;
	v19 =	vmul.f32 v37, v32  }
0xcf: {  	v44 =	vld [tilespmem:s7+$0xB50];
	[tilespmem:s7+$0xAE0] =	vst v18;
	v18 =	vmul.f32 v38, v41  }
0xd0: {  	v45 =	vld [tilespmem:s7+$0xB60];
	[tilespmem:s7+$0xAF0] =	vst v19;
	v19 =	vmul.f32 v39, v41  }
0xd1: {  	v46 =	vld [tilespmem:s7+$0xB70];
	[tilespmem:s7+$0xB00] =	vst v18;
	v18 =	vmul.f32 v40, v41  }
0xd2: {  	v47 =	vld [tilespmem:s7+$0xB80];
	[tilespmem:s7+$0xB10] =	vst v19;
	v19 =	vmul.f32 v42, v41  }
0xd3: {  	v48 =	vld [tilespmem:s7+$0xB90];
	[tilespmem:s7+$0xB20] =	vst v18;
	v18 =	vmul.f32 v43, v41  }
0xd4: {  	v49 =	vld [tilespmem:s7+$0xBA0];
	[tilespmem:s7+$0xB30] =	vst v19;
	v19 =	vmul.f32 v44, v41  }
0xd5: {  	v51 =	vld [tilespmem:s7+$0xBB0];
	v50 =	vperm.xlane v17, v15;
	[tilespmem:s7+$0xB40] =	vst v18;
	v18 =	vmul.f32 v45, v41  }
0xd6: {  	v52 =	vld [tilespmem:s7+$0xBC0];
	[tilespmem:s7+$0xB50] =	vst v19;
	v19 =	vmul.f32 v46, v41  }
0xd7: {  	v53 =	vld [tilespmem:s7+$0xBD0];
	[tilespmem:s7+$0xB60] =	vst v18;
	v18 =	vmul.f32 v47, v50  }
0xd8: {  	v54 =	vld [tilespmem:s7+$0xBE0];
	[tilespmem:s7+$0xB70] =	vst v19;
	v19 =	vmul.f32 v48, v50  }
0xd9: {  	v55 =	vld [tilespmem:s7+$0xBF0];
	[tilespmem:s7+$0xB80] =	vst v18;
	v18 =	vmul.f32 v49, v50  }
0xda: {  	v56 =	vld [tilespmem:s7+$0xC00];
	[tilespmem:s7+$0xB90] =	vst v19;
	v19 =	vmul.f32 v51, v50  }
0xdb: {  	v57 =	vld [tilespmem:s7+$0xC10];
	[tilespmem:s7+$0xBA0] =	vst v18;
	v18 =	vmul.f32 v52, v50  }
0xdc: {  	v58 =	vld [tilespmem:s7+$0xC20];
	[tilespmem:s7+$0xBB0] =	vst v19;
	v19 =	vmul.f32 v53, v50  }
0xdd: {  	v17 =	vperm.xlane v17, v16;
	v59 =	vld [tilespmem:s7+$0xC30];
	[tilespmem:s7+$0xBC0] =	vst v18;
	v18 =	vmul.f32 v54, v50  }
0xde: {  	v60 =	vld [tilespmem:s7+$0xC40];
	[tilespmem:s7+$0xBD0] =	vst v19;
	v19 =	vmul.f32 v55, v50  }
0xdf: {  	v61 =	vld [tilespmem:s7+$0xC50];
	[tilespmem:s7+$0xBE0] =	vst v18;
	v18 =	vmul.f32 v56, v17  }
0xe0: {  	v62 =	vld [tilespmem:s7+$0xC60];
	[tilespmem:s7+$0xBF0] =	vst v19;
	v19 =	vmul.f32 v57, v17  }
0xe1: {  	v63 =	vld [tilespmem:s7+$0xC70];
	[tilespmem:s7+$0xC00] =	vst v18;
	v18 =	vmul.f32 v58, v17  }
0xe2: {  	[tilespmem:s7+$0xC10] =	vst v19;
	v19 =	vmul.f32 v59, v17  }
0xe3: {  	p1 =	sne.s32 s24, $0x7;
	[tilespmem:s7+$0xC20] =	vst v18;
	v18 =	vmul.f32 v60, v17  }
.Ltmp1:
0xe4: {  	[tilespmem:s7+$0xC30] =	vst v19;
	v19 =	vmul.f32 v61, v17;
	(pc) =	sbr.rel @p1 .LBB2_5-.Ltmp1, $4  }
0xe5: {  	[tilespmem:s7+$0xC40] =	vst v18;
	v18 =	vmul.f32 v62, v17  }
0xe6: {  	[tilespmem:s7+$0xC50] =	vst v19;
	v17 =	vmul.f32 v63, v17  }
0xe7: {  	[tilespmem:s7+$0xC60] =	vst v18  }
0xe8: {  	s24 =	sadd.s32 $0x1, s24;
	[tilespmem:s7+$0xC70] =	vst v17  }
0xe9: {  	_ =	strace $0x9000004A  }
0xea: {  	s7 =	simm.s32 $0x180;
	s15 =	simm.s32 $0x480;
	_ =	strace $0x8000004B  }
0xeb: {  	[spmem:s2] =	stream.indirect.scatter.add.f32 [tilespmem:s15], [sflag:$0xA], $0x80, s7, s23, $0x2000b8;
	[tilespmem:$0x14480] =	vst v63  }
0xec: {  	_ =	strace $0x9000004B  }
0xed: {  	_ =	strace $0x8000004C  }
0xee: {  	_ =	swait.ge [sflag:s3], $0x4000  }
0xef: {  	[sflag:s3] =	ssyncset.done $0x0  }
0xf0: {  	[sflag:s3] =	ssyncadd.s32 $0xFFFFC000  }
0xf1: {  	_ =	strace $0x9000004C  }
0xf2: {  	s7 =	simm.s32 @!p0 $0xC;
	_ =	strace $0x8000004D  }
0xf3: {  	_ =	swait.ge @!p0 [sflag:s7], $0x4000  }
0xf4: {  	[sflag:s7] =	ssyncset.done @!p0 $0x0  }
0xf5: {  	[sflag:s7] =	ssyncadd.s32 @!p0 $0xFFFFC000  }
0xf6: {  	_ =	swait.ge [sflag:s10], $0x80  }
0xf7: {  	s7 =	sadd.s32 $0x3, s20;
	p0 =	seq.s32 s13, $0xD;
	[sflag:s10] =	ssyncset.done $0x0  }
0xf8: {  	s7 =	sshll.u32 @!p0 s7, $0x7;
	[sflag:s10] =	ssyncadd.s32 $0xFFFFFF80  }
0xf9: {  	[tilespmem:s11], [sflag:$0x9] =	stream.indirect.gather [hbm4b:s1+s23], $0x80, s0, s23, $0x2000b8;
	[tilespmem:$0x14480] =	vst v63  }
0xfa: {  	s24 =	sadd.s32 s8, s14;
	s7 =	sadd.s32 @!p0 s16, s7  }
0xfb: {  	[tilespmem:s12], [sflag:$0x6] =	stream.linear.gather [hbm4b:s24+s4], $0x80, $0x200038;
	[tilespmem:$0x14480] =	vst v63  }
0xfc: {  	s15 =	sadd.s32 s5, s14;
	s14 =	sshrl.u32 @!p0 s7, $0x3;
	s24 =	simm.s32 $0x400  }
0xfd: {  	[tilespmem:s24], [sflag:$0x6] =	stream.linear.gather [hbm4b:s15+s4], $0x80, $0x200038;
	[tilespmem:$0x14480] =	vst v63  }
0xfe: {  	s20 =	simm.s32 @!p0 $0x0;
	s7 =	sadd.s32 @!p0 s6, s14  }
0xff: {  	[tilespmem:s20], [sflag:$0x1] =	stream.linear.gather @!p0 [hbm4b:s7+s20], $0x80, $0x200038;
	[tilespmem:$0x14480] =	vst v63  }
0x100: {  	_ =	swait.ge [sflag:s18], $0x80  }
0x101: {  	[sflag:s18] =	ssyncset.done $0x0  }
0x102: {  	[sflag:s18] =	ssyncadd.s32 $0xFFFFFF80  }
0x103: {  	_ =	swait.ge [sflag:s18], $0x80  }
0x104: {  	[sflag:s18] =	ssyncset.done $0x0  }
0x105: {  	[sflag:s18] =	ssyncadd.s32 $0xFFFFFF80  }
0x106: {  	_ =	strace $0x9000004D  }
0x107: {  	s20 =	simm.s32 $0x0;
	_ =	strace $0x8000004E  }
.LBB2_7:
0x108: {  	s7 =	sshll.u32 s20, $0x4  }
0x109: {  	s7 =	sand.u32 $0x3FFFFFF0, s7  }
0x10a: {  	s24 =	sshll.u32 s20, $0xB;
	v17 =	vld [tilespmem:s7+$0x380]  }
0x10b: {  	s7 =	sand.u32 $0x3FFFF800, s24  }
0x10c: {  	v18 =	vld [tilespmem:s7+$0x4480]  }
0x10d: {  	v19 =	vld [tilespmem:s7+$0x4490]  }
0x10e: {  	v20 =	vld [tilespmem:s7+$0x44A0]  }
0x10f: {  	v22 =	vld [tilespmem:s7+$0x44B0];
	v21 =	vperm.xlane v17, v1  }
0x110: {  	v23 =	vld [tilespmem:s7+$0x44C0]  }
0x111: {  	v24 =	vld [tilespmem:s7+$0x44D0];
	v18 =	vmul.f32 v18, v21  }
0x112: {  	v25 =	vld [tilespmem:s7+$0x44E0];
	v19 =	vmul.f32 v19, v21  }
0x113: {  	v38 =	vld [tilespmem:s7+$0x44F0];
	[tilespmem:s7+$0x4480] =	vst v18;
	v18 =	vmul.f32 v20, v21  }
0x114: {  	v39 =	vld [tilespmem:s7+$0x4500];
	[tilespmem:s7+$0x4490] =	vst v19;
	v19 =	vmul.f32 v22, v21  }
0x115: {  	v40 =	vld [tilespmem:s7+$0x4510];
	[tilespmem:s7+$0x44A0] =	vst v18;
	v18 =	vmul.f32 v23, v21  }
0x116: {  	v41 =	vld [tilespmem:s7+$0x4520];
	[tilespmem:s7+$0x44B0] =	vst v19;
	v19 =	vmul.f32 v24, v21  }
0x117: {  	v26 =	vld [tilespmem:s7+$0x4530];
	v42 =	vperm.xlane v17, v2;
	[tilespmem:s7+$0x44C0] =	vst v18;
	v18 =	vmul.f32 v25, v21  }
0x118: {  	v43 =	vld [tilespmem:s7+$0x4540];
	[tilespmem:s7+$0x44D0] =	vst v19;
	v19 =	vmul.f32 v38, v21  }
0x119: {  	v44 =	vld [tilespmem:s7+$0x4550];
	[tilespmem:s7+$0x44E0] =	vst v18;
	v18 =	vmul.f32 v39, v42  }
0x11a: {  	v45 =	vld [tilespmem:s7+$0x4560];
	[tilespmem:s7+$0x44F0] =	vst v19;
	v19 =	vmul.f32 v40, v42  }
0x11b: {  	v46 =	vld [tilespmem:s7+$0x4570];
	[tilespmem:s7+$0x4500] =	vst v18;
	v18 =	vmul.f32 v41, v42  }
0x11c: {  	v47 =	vld [tilespmem:s7+$0x4580];
	[tilespmem:s7+$0x4510] =	vst v19;
	v19 =	vmul.f32 v26, v42  }
0x11d: {  	v48 =	vld [tilespmem:s7+$0x4590];
	[tilespmem:s7+$0x4520] =	vst v18;
	v18 =	vmul.f32 v43, v42  }
0x11e: {  	v49 =	vld [tilespmem:s7+$0x45A0];
	[tilespmem:s7+$0x4530] =	vst v19;
	v19 =	vmul.f32 v44, v42  }
0x11f: {  	v51 =	vld [tilespmem:s7+$0x45B0];
	v50 =	vperm.xlane v17, v3;
	[tilespmem:s7+$0x4540] =	vst v18;
	v18 =	vmul.f32 v45, v42  }
0x120: {  	v52 =	vld [tilespmem:s7+$0x45C0];
	[tilespmem:s7+$0x4550] =	vst v19;
	v19 =	vmul.f32 v46, v42  }
0x121: {  	v53 =	vld [tilespmem:s7+$0x45D0];
	[tilespmem:s7+$0x4560] =	vst v18;
	v18 =	vmul.f32 v47, v50  }
0x122: {  	v54 =	vld [tilespmem:s7+$0x45E0];
	[tilespmem:s7+$0x4570] =	vst v19;
	v19 =	vmul.f32 v48, v50  }
0x123: {  	v55 =	vld [tilespmem:s7+$0x45F0];
	[tilespmem:s7+$0x4580] =	vst v18;
	v18 =	vmul.f32 v49, v50  }
0x124: {  	v56 =	vld [tilespmem:s7+$0x4600];
	[tilespmem:s7+$0x4590] =	vst v19;
	v19 =	vmul.f32 v51, v50  }
0x125: {  	v57 =	vld [tilespmem:s7+$0x4610];
	[tilespmem:s7+$0x45A0] =	vst v18;
	v18 =	vmul.f32 v52, v50  }
0x126: {  	v58 =	vld [tilespmem:s7+$0x4620];
	[tilespmem:s7+$0x45B0] =	vst v19;
	v19 =	vmul.f32 v53, v50  }
0x127: {  	v60 =	vld [tilespmem:s7+$0x4630];
	v59 =	vperm.xlane v17, v4;
	[tilespmem:s7+$0x45C0] =	vst v18;
	v18 =	vmul.f32 v54, v50  }
0x128: {  	v61 =	vld [tilespmem:s7+$0x4640];
	[tilespmem:s7+$0x45D0] =	vst v19;
	v19 =	vmul.f32 v55, v50  }
0x129: {  	v62 =	vld [tilespmem:s7+$0x4650];
	[tilespmem:s7+$0x45E0] =	vst v18;
	v18 =	vmul.f32 v56, v59  }
0x12a: {  	v63 =	vld [tilespmem:s7+$0x4660];
	[tilespmem:s7+$0x45F0] =	vst v19;
	v19 =	vmul.f32 v57, v59  }
0x12b: {  	v28 =	vld [tilespmem:s7+$0x4670];
	[tilespmem:s7+$0x4600] =	vst v18;
	v18 =	vmul.f32 v58, v59  }
0x12c: {  	v29 =	vld [tilespmem:s7+$0x4680];
	[tilespmem:s7+$0x4610] =	vst v19;
	v19 =	vmul.f32 v60, v59  }
0x12d: {  	v30 =	vld [tilespmem:s7+$0x4690];
	[tilespmem:s7+$0x4620] =	vst v18;
	v18 =	vmul.f32 v61, v59  }
0x12e: {  	v31 =	vld [tilespmem:s7+$0x46A0];
	[tilespmem:s7+$0x4630] =	vst v19;
	v19 =	vmul.f32 v62, v59  }
0x12f: {  	v33 =	vld [tilespmem:s7+$0x46B0];
	v32 =	vperm.xlane v17, v5;
	[tilespmem:s7+$0x4640] =	vst v18;
	v18 =	vmul.f32 v63, v59  }
0x130: {  	v34 =	vld [tilespmem:s7+$0x46C0];
	[tilespmem:s7+$0x4650] =	vst v19;
	v19 =	vmul.f32 v28, v59  }
0x131: {  	v35 =	vld [tilespmem:s7+$0x46D0];
	[tilespmem:s7+$0x4660] =	vst v18;
	v18 =	vmul.f32 v29, v32  }
0x132: {  	v36 =	vld [tilespmem:s7+$0x46E0];
	[tilespmem:s7+$0x4670] =	vst v19;
	v19 =	vmul.f32 v30, v32  }
0x133: {  	v37 =	vld [tilespmem:s7+$0x46F0];
	[tilespmem:s7+$0x4680] =	vst v18;
	v18 =	vmul.f32 v31, v32  }
0x134: {  	v38 =	vld [tilespmem:s7+$0x4700];
	[tilespmem:s7+$0x4690] =	vst v19;
	v19 =	vmul.f32 v33, v32  }
0x135: {  	v39 =	vld [tilespmem:s7+$0x4710];
	[tilespmem:s7+$0x46A0] =	vst v18;
	v18 =	vmul.f32 v34, v32  }
0x136: {  	v40 =	vld [tilespmem:s7+$0x4720];
	[tilespmem:s7+$0x46B0] =	vst v19;
	v19 =	vmul.f32 v35, v32  }
0x137: {  	v41 =	vperm.xlane v17, v6;
	v42 =	vld [tilespmem:s7+$0x4730];
	[tilespmem:s7+$0x46C0] =	vst v18;
	v18 =	vmul.f32 v36, v32  }
0x138: {  	v43 =	vld [tilespmem:s7+$0x4740];
	[tilespmem:s7+$0x46D0] =	vst v19;
	v19 =	vmul.f32 v37, v32  }
0x139: {  	v44 =	vld [tilespmem:s7+$0x4750];
	[tilespmem:s7+$0x46E0] =	vst v18;
	v18 =	vmul.f32 v38, v41  }
0x13a: {  	v45 =	vld [tilespmem:s7+$0x4760];
	[tilespmem:s7+$0x46F0] =	vst v19;
	v19 =	vmul.f32 v39, v41  }
0x13b: {  	v46 =	vld [tilespmem:s7+$0x4770];
	[tilespmem:s7+$0x4700] =	vst v18;
	v18 =	vmul.f32 v40, v41  }
0x13c: {  	v47 =	vld [tilespmem:s7+$0x4780];
	[tilespmem:s7+$0x4710] =	vst v19;
	v19 =	vmul.f32 v42, v41  }
0x13d: {  	v48 =	vld [tilespmem:s7+$0x4790];
	[tilespmem:s7+$0x4720] =	vst v18;
	v18 =	vmul.f32 v43, v41  }
0x13e: {  	v49 =	vld [tilespmem:s7+$0x47A0];
	[tilespmem:s7+$0x4730] =	vst v19;
	v19 =	vmul.f32 v44, v41  }
0x13f: {  	v51 =	vld [tilespmem:s7+$0x47B0];
	v50 =	vperm.xlane v17, v7;
	[tilespmem:s7+$0x4740] =	vst v18;
	v18 =	vmul.f32 v45, v41  }
0x140: {  	v52 =	vld [tilespmem:s7+$0x47C0];
	[tilespmem:s7+$0x4750] =	vst v19;
	v19 =	vmul.f32 v46, v41  }
0x141: {  	v53 =	vld [tilespmem:s7+$0x47D0];
	[tilespmem:s7+$0x4760] =	vst v18;
	v18 =	vmul.f32 v47, v50  }
0x142: {  	v54 =	vld [tilespmem:s7+$0x47E0];
	[tilespmem:s7+$0x4770] =	vst v19;
	v19 =	vmul.f32 v48, v50  }
0x143: {  	v55 =	vld [tilespmem:s7+$0x47F0];
	[tilespmem:s7+$0x4780] =	vst v18;
	v18 =	vmul.f32 v49, v50  }
0x144: {  	v56 =	vld [tilespmem:s7+$0x4800];
	[tilespmem:s7+$0x4790] =	vst v19;
	v19 =	vmul.f32 v51, v50  }
0x145: {  	v57 =	vld [tilespmem:s7+$0x4810];
	[tilespmem:s7+$0x47A0] =	vst v18;
	v18 =	vmul.f32 v52, v50  }
0x146: {  	v58 =	vld [tilespmem:s7+$0x4820];
	[tilespmem:s7+$0x47B0] =	vst v19;
	v19 =	vmul.f32 v53, v50  }
0x147: {  	v60 =	vld [tilespmem:s7+$0x4830];
	v59 =	vperm.xlane v17, v8;
	[tilespmem:s7+$0x47C0] =	vst v18;
	v18 =	vmul.f32 v54, v50  }
0x148: {  	v61 =	vld [tilespmem:s7+$0x4840];
	[tilespmem:s7+$0x47D0] =	vst v19;
	v19 =	vmul.f32 v55, v50  }
0x149: {  	v62 =	vld [tilespmem:s7+$0x4850];
	[tilespmem:s7+$0x47E0] =	vst v18;
	v18 =	vmul.f32 v56, v59  }
0x14a: {  	v63 =	vld [tilespmem:s7+$0x4860];
	[tilespmem:s7+$0x47F0] =	vst v19;
	v19 =	vmul.f32 v57, v59  }
0x14b: {  	v28 =	vld [tilespmem:s7+$0x4870];
	[tilespmem:s7+$0x4800] =	vst v18;
	v18 =	vmul.f32 v58, v59  }
0x14c: {  	v29 =	vld [tilespmem:s7+$0x4880];
	[tilespmem:s7+$0x4810] =	vst v19;
	v19 =	vmul.f32 v60, v59  }
0x14d: {  	v30 =	vld [tilespmem:s7+$0x4890];
	[tilespmem:s7+$0x4820] =	vst v18;
	v18 =	vmul.f32 v61, v59  }
0x14e: {  	v31 =	vld [tilespmem:s7+$0x48A0];
	[tilespmem:s7+$0x4830] =	vst v19;
	v19 =	vmul.f32 v62, v59  }
0x14f: {  	v33 =	vld [tilespmem:s7+$0x48B0];
	v32 =	vperm.xlane v17, v9;
	[tilespmem:s7+$0x4840] =	vst v18;
	v18 =	vmul.f32 v63, v59  }
0x150: {  	v34 =	vld [tilespmem:s7+$0x48C0];
	[tilespmem:s7+$0x4850] =	vst v19;
	v19 =	vmul.f32 v28, v59  }
0x151: {  	v35 =	vld [tilespmem:s7+$0x48D0];
	[tilespmem:s7+$0x4860] =	vst v18;
	v18 =	vmul.f32 v29, v32  }
0x152: {  	v36 =	vld [tilespmem:s7+$0x48E0];
	[tilespmem:s7+$0x4870] =	vst v19;
	v19 =	vmul.f32 v30, v32  }
0x153: {  	v37 =	vld [tilespmem:s7+$0x48F0];
	[tilespmem:s7+$0x4880] =	vst v18;
	v18 =	vmul.f32 v31, v32  }
0x154: {  	v38 =	vld [tilespmem:s7+$0x4900];
	[tilespmem:s7+$0x4890] =	vst v19;
	v19 =	vmul.f32 v33, v32  }
0x155: {  	v39 =	vld [tilespmem:s7+$0x4910];
	[tilespmem:s7+$0x48A0] =	vst v18;
	v18 =	vmul.f32 v34, v32  }
0x156: {  	v40 =	vld [tilespmem:s7+$0x4920];
	[tilespmem:s7+$0x48B0] =	vst v19;
	v19 =	vmul.f32 v35, v32  }
0x157: {  	v42 =	vld [tilespmem:s7+$0x4930];
	v41 =	vperm.xlane v17, v10;
	[tilespmem:s7+$0x48C0] =	vst v18;
	v18 =	vmul.f32 v36, v32  }
0x158: {  	v43 =	vld [tilespmem:s7+$0x4940];
	[tilespmem:s7+$0x48D0] =	vst v19;
	v19 =	vmul.f32 v37, v32  }
0x159: {  	v44 =	vld [tilespmem:s7+$0x4950];
	[tilespmem:s7+$0x48E0] =	vst v18;
	v18 =	vmul.f32 v38, v41  }
0x15a: {  	v45 =	vld [tilespmem:s7+$0x4960];
	[tilespmem:s7+$0x48F0] =	vst v19;
	v19 =	vmul.f32 v39, v41  }
0x15b: {  	v46 =	vld [tilespmem:s7+$0x4970];
	[tilespmem:s7+$0x4900] =	vst v18;
	v18 =	vmul.f32 v40, v41  }
0x15c: {  	v47 =	vld [tilespmem:s7+$0x4980];
	[tilespmem:s7+$0x4910] =	vst v19;
	v19 =	vmul.f32 v42, v41  }
0x15d: {  	v48 =	vld [tilespmem:s7+$0x4990];
	[tilespmem:s7+$0x4920] =	vst v18;
	v18 =	vmul.f32 v43, v41  }
0x15e: {  	v49 =	vld [tilespmem:s7+$0x49A0];
	[tilespmem:s7+$0x4930] =	vst v19;
	v19 =	vmul.f32 v44, v41  }
0x15f: {  	v51 =	vld [tilespmem:s7+$0x49B0];
	v50 =	vperm.xlane v17, v11;
	[tilespmem:s7+$0x4940] =	vst v18;
	v18 =	vmul.f32 v45, v41  }
0x160: {  	v52 =	vld [tilespmem:s7+$0x49C0];
	[tilespmem:s7+$0x4950] =	vst v19;
	v19 =	vmul.f32 v46, v41  }
0x161: {  	v53 =	vld [tilespmem:s7+$0x49D0];
	[tilespmem:s7+$0x4960] =	vst v18;
	v18 =	vmul.f32 v47, v50  }
0x162: {  	v54 =	vld [tilespmem:s7+$0x49E0];
	[tilespmem:s7+$0x4970] =	vst v19;
	v19 =	vmul.f32 v48, v50  }
0x163: {  	v55 =	vld [tilespmem:s7+$0x49F0];
	[tilespmem:s7+$0x4980] =	vst v18;
	v18 =	vmul.f32 v49, v50  }
0x164: {  	v56 =	vld [tilespmem:s7+$0x4A00];
	[tilespmem:s7+$0x4990] =	vst v19;
	v19 =	vmul.f32 v51, v50  }
0x165: {  	v57 =	vld [tilespmem:s7+$0x4A10];
	[tilespmem:s7+$0x49A0] =	vst v18;
	v18 =	vmul.f32 v52, v50  }
0x166: {  	v58 =	vld [tilespmem:s7+$0x4A20];
	[tilespmem:s7+$0x49B0] =	vst v19;
	v19 =	vmul.f32 v53, v50  }
0x167: {  	v60 =	vld [tilespmem:s7+$0x4A30];
	v59 =	vperm.xlane v17, v12;
	[tilespmem:s7+$0x49C0] =	vst v18;
	v18 =	vmul.f32 v54, v50  }
0x168: {  	v61 =	vld [tilespmem:s7+$0x4A40];
	[tilespmem:s7+$0x49D0] =	vst v19;
	v19 =	vmul.f32 v55, v50  }
0x169: {  	v62 =	vld [tilespmem:s7+$0x4A50];
	[tilespmem:s7+$0x49E0] =	vst v18;
	v18 =	vmul.f32 v56, v59  }
0x16a: {  	v63 =	vld [tilespmem:s7+$0x4A60];
	[tilespmem:s7+$0x49F0] =	vst v19;
	v19 =	vmul.f32 v57, v59  }
0x16b: {  	v28 =	vld [tilespmem:s7+$0x4A70];
	[tilespmem:s7+$0x4A00] =	vst v18;
	v18 =	vmul.f32 v58, v59  }
0x16c: {  	v29 =	vld [tilespmem:s7+$0x4A80];
	[tilespmem:s7+$0x4A10] =	vst v19;
	v19 =	vmul.f32 v60, v59  }
0x16d: {  	v30 =	vld [tilespmem:s7+$0x4A90];
	[tilespmem:s7+$0x4A20] =	vst v18;
	v18 =	vmul.f32 v61, v59  }
0x16e: {  	v31 =	vld [tilespmem:s7+$0x4AA0];
	[tilespmem:s7+$0x4A30] =	vst v19;
	v19 =	vmul.f32 v62, v59  }
0x16f: {  	v33 =	vld [tilespmem:s7+$0x4AB0];
	v32 =	vperm.xlane v17, v13;
	[tilespmem:s7+$0x4A40] =	vst v18;
	v18 =	vmul.f32 v63, v59  }
0x170: {  	v34 =	vld [tilespmem:s7+$0x4AC0];
	[tilespmem:s7+$0x4A50] =	vst v19;
	v19 =	vmul.f32 v28, v59  }
0x171: {  	v35 =	vld [tilespmem:s7+$0x4AD0];
	[tilespmem:s7+$0x4A60] =	vst v18;
	v18 =	vmul.f32 v29, v32  }
0x172: {  	v36 =	vld [tilespmem:s7+$0x4AE0];
	[tilespmem:s7+$0x4A70] =	vst v19;
	v19 =	vmul.f32 v30, v32  }
0x173: {  	v37 =	vld [tilespmem:s7+$0x4AF0];
	[tilespmem:s7+$0x4A80] =	vst v18;
	v18 =	vmul.f32 v31, v32  }
0x174: {  	v38 =	vld [tilespmem:s7+$0x4B00];
	[tilespmem:s7+$0x4A90] =	vst v19;
	v19 =	vmul.f32 v33, v32  }
0x175: {  	v39 =	vld [tilespmem:s7+$0x4B10];
	[tilespmem:s7+$0x4AA0] =	vst v18;
	v18 =	vmul.f32 v34, v32  }
0x176: {  	v40 =	vld [tilespmem:s7+$0x4B20];
	[tilespmem:s7+$0x4AB0] =	vst v19;
	v19 =	vmul.f32 v35, v32  }
0x177: {  	v42 =	vld [tilespmem:s7+$0x4B30];
	v41 =	vperm.xlane v17, v14;
	[tilespmem:s7+$0x4AC0] =	vst v18;
	v18 =	vmul.f32 v36, v32  }
0x178: {  	v43 =	vld [tilespmem:s7+$0x4B40];
	[tilespmem:s7+$0x4AD0] =	vst v19;
	v19 =	vmul.f32 v37, v32  }
0x179: {  	v44 =	vld [tilespmem:s7+$0x4B50];
	[tilespmem:s7+$0x4AE0] =	vst v18;
	v18 =	vmul.f32 v38, v41  }
0x17a: {  	v45 =	vld [tilespmem:s7+$0x4B60];
	[tilespmem:s7+$0x4AF0] =	vst v19;
	v19 =	vmul.f32 v39, v41  }
0x17b: {  	v46 =	vld [tilespmem:s7+$0x4B70];
	[tilespmem:s7+$0x4B00] =	vst v18;
	v18 =	vmul.f32 v40, v41  }
0x17c: {  	v47 =	vld [tilespmem:s7+$0x4B80];
	[tilespmem:s7+$0x4B10] =	vst v19;
	v19 =	vmul.f32 v42, v41  }
0x17d: {  	v48 =	vld [tilespmem:s7+$0x4B90];
	[tilespmem:s7+$0x4B20] =	vst v18;
	v18 =	vmul.f32 v43, v41  }
0x17e: {  	v49 =	vld [tilespmem:s7+$0x4BA0];
	[tilespmem:s7+$0x4B30] =	vst v19;
	v19 =	vmul.f32 v44, v41  }
0x17f: {  	v51 =	vld [tilespmem:s7+$0x4BB0];
	v50 =	vperm.xlane v17, v15;
	[tilespmem:s7+$0x4B40] =	vst v18;
	v18 =	vmul.f32 v45, v41  }
0x180: {  	v52 =	vld [tilespmem:s7+$0x4BC0];
	[tilespmem:s7+$0x4B50] =	vst v19;
	v19 =	vmul.f32 v46, v41  }
0x181: {  	v53 =	vld [tilespmem:s7+$0x4BD0];
	[tilespmem:s7+$0x4B60] =	vst v18;
	v18 =	vmul.f32 v47, v50  }
0x182: {  	v54 =	vld [tilespmem:s7+$0x4BE0];
	[tilespmem:s7+$0x4B70] =	vst v19;
	v19 =	vmul.f32 v48, v50  }
0x183: {  	v55 =	vld [tilespmem:s7+$0x4BF0];
	[tilespmem:s7+$0x4B80] =	vst v18;
	v18 =	vmul.f32 v49, v50  }
0x184: {  	v56 =	vld [tilespmem:s7+$0x4C00];
	[tilespmem:s7+$0x4B90] =	vst v19;
	v19 =	vmul.f32 v51, v50  }
0x185: {  	v57 =	vld [tilespmem:s7+$0x4C10];
	[tilespmem:s7+$0x4BA0] =	vst v18;
	v18 =	vmul.f32 v52, v50  }
0x186: {  	v58 =	vld [tilespmem:s7+$0x4C20];
	[tilespmem:s7+$0x4BB0] =	vst v19;
	v19 =	vmul.f32 v53, v50  }
0x187: {  	v17 =	vperm.xlane v17, v16;
	v59 =	vld [tilespmem:s7+$0x4C30];
	[tilespmem:s7+$0x4BC0] =	vst v18;
	v18 =	vmul.f32 v54, v50  }
0x188: {  	v60 =	vld [tilespmem:s7+$0x4C40];
	[tilespmem:s7+$0x4BD0] =	vst v19;
	v19 =	vmul.f32 v55, v50  }
0x189: {  	v61 =	vld [tilespmem:s7+$0x4C50];
	[tilespmem:s7+$0x4BE0] =	vst v18;
	v18 =	vmul.f32 v56, v17  }
0x18a: {  	v62 =	vld [tilespmem:s7+$0x4C60];
	[tilespmem:s7+$0x4BF0] =	vst v19;
	v19 =	vmul.f32 v57, v17  }
0x18b: {  	v63 =	vld [tilespmem:s7+$0x4C70];
	[tilespmem:s7+$0x4C00] =	vst v18;
	v18 =	vmul.f32 v58, v17  }
0x18c: {  	[tilespmem:s7+$0x4C10] =	vst v19;
	v19 =	vmul.f32 v59, v17  }
0x18d: {  	p1 =	sne.s32 s20, $0x7;
	[tilespmem:s7+$0x4C20] =	vst v18;
	v18 =	vmul.f32 v60, v17  }
.Ltmp2:
0x18e: {  	[tilespmem:s7+$0x4C30] =	vst v19;
	v19 =	vmul.f32 v61, v17;
	(pc) =	sbr.rel @p1 .LBB2_7-.Ltmp2, $4  }
0x18f: {  	[tilespmem:s7+$0x4C40] =	vst v18;
	v18 =	vmul.f32 v62, v17  }
0x190: {  	[tilespmem:s7+$0x4C50] =	vst v19;
	v17 =	vmul.f32 v63, v17  }
0x191: {  	[tilespmem:s7+$0x4C60] =	vst v18  }
0x192: {  	s20 =	sadd.s32 $0x1, s20;
	[tilespmem:s7+$0x4C70] =	vst v17  }
0x193: {  	_ =	strace $0x9000004E  }
0x194: {  	_ =	strace $0x8000004F  }
0x195: {  	[spmem:s2] =	stream.indirect.scatter.add.f32 [tilespmem:s25], [sflag:$0xB], $0x80, s30, s23, $0x2000b8;
	[tilespmem:$0x14480] =	vst v63  }
0x196: {  	_ =	strace $0x9000004F  }
0x197: {  	_ =	strace $0x80000050  }
0x198: {  	_ =	swait.ge [sflag:s19], $0x4000  }
0x199: {  	[sflag:s19] =	ssyncset.done $0x0  }
0x19a: {  	[sflag:s19] =	ssyncadd.s32 $0xFFFFC000  }
0x19b: {  	_ =	strace $0x90000050  }
0x19c: {  	_ =	strace $0x80000051  }
0x19d: {  	_ =	swait.ge [sflag:s9], $0x4000  }
0x19e: {  	[sflag:s9] =	ssyncset.done $0x0  }
0x19f: {  	s7 =	simm.s32 @!p0 $0x1;
	[sflag:s9] =	ssyncadd.s32 $0xFFFFC000  }
0x1a0: {  	_ =	swait.ge @!p0 [sflag:s7], $0x80  }
0x1a1: {  	s20 =	simm.s32 @!p0 $0x0;
	[sflag:s7] =	ssyncset.done @!p0 $0x0  }
0x1a2: {  	s24 =	simm.s32 @!p0 $0x480;
	[sflag:s7] =	ssyncadd.s32 @!p0 $0xFFFFFF80;
	s7 =	simm.s32 @!p0 $0x80  }
0x1a3: {  	[tilespmem:s24], [sflag:$0x7] =	stream.indirect.gather @!p0 [hbm4b:s1+s7], $0x80, s20, s7, $0x2000b8;
	[tilespmem:$0x14480] =	vst v63  }
0x1a4: {  	s15 =	simm.s32 @!p0 $0x180;
	s24 =	sadd.s32 @!p0 s8, s14  }
0x1a5: {  	[tilespmem:s15], [sflag:$0x4] =	stream.linear.gather @!p0 [hbm4b:s24+s20], $0x80, $0x200038;
	[tilespmem:$0x14480] =	vst v63  }
0x1a6: {  	s14 =	sadd.s32 @!p0 s5, s14;
	s15 =	simm.s32 @!p0 $0x300  }
0x1a7: {  	[tilespmem:s15], [sflag:$0x4] =	stream.linear.gather @!p0 [hbm4b:s14+s20], $0x80, $0x200038;
	[tilespmem:$0x14480] =	vst v63  }
0x1a8: {  	s14 =	sadd.s32 @!p0 s31, s17  }
0x1a9: {  	s14 =	sshrl.u32 @!p0 s14, $0x3  }
0x1aa: {  	s14 =	sadd.s32 @!p0 s6, s14  }
0x1ab: {  	[tilespmem:s7], [sflag:$0x2] =	stream.linear.gather @!p0 [hbm4b:s14+s20], $0x80, $0x200038;
	[tilespmem:$0x14480] =	vst v63  }
0x1ac: {  	_ =	swait.ge [sflag:s22], $0x80  }
0x1ad: {  	[sflag:s22] =	ssyncset.done $0x0  }
0x1ae: {  	[sflag:s22] =	ssyncadd.s32 $0xFFFFFF80  }
0x1af: {  	_ =	swait.ge [sflag:s22], $0x80  }
0x1b0: {  	[sflag:s22] =	ssyncset.done $0x0  }
0x1b1: {  	[sflag:s22] =	ssyncadd.s32 $0xFFFFFF80  }
0x1b2: {  	_ =	strace $0x90000051  }
0x1b3: {  	s14 =	simm.s32 $0x0;
	_ =	strace $0x80000052  }
.LBB2_9:
0x1b4: {  	s7 =	sshll.u32 s14, $0x4  }
0x1b5: {  	s7 =	sand.u32 $0x3FFFFFF0, s7  }
0x1b6: {  	s31 =	sshll.u32 s14, $0xB;
	v17 =	vld [tilespmem:s7+$0x400]  }
0x1b7: {  	s7 =	sand.u32 $0x3FFFF800, s31  }
0x1b8: {  	v18 =	vld [tilespmem:s7+$0x8480]  }
0x1b9: {  	v19 =	vld [tilespmem:s7+$0x8490]  }
0x1ba: {  	v20 =	vld [tilespmem:s7+$0x84A0]  }
0x1bb: {  	v22 =	vld [tilespmem:s7+$0x84B0];
	v21 =	vperm.xlane v17, v1  }
0x1bc: {  	v23 =	vld [tilespmem:s7+$0x84C0]  }
0x1bd: {  	v24 =	vld [tilespmem:s7+$0x84D0];
	v18 =	vmul.f32 v18, v21  }
0x1be: {  	v25 =	vld [tilespmem:s7+$0x84E0];
	v19 =	vmul.f32 v19, v21  }
0x1bf: {  	v38 =	vld [tilespmem:s7+$0x84F0];
	[tilespmem:s7+$0x8480] =	vst v18;
	v18 =	vmul.f32 v20, v21  }
0x1c0: {  	v39 =	vld [tilespmem:s7+$0x8500];
	[tilespmem:s7+$0x8490] =	vst v19;
	v19 =	vmul.f32 v22, v21  }
0x1c1: {  	v40 =	vld [tilespmem:s7+$0x8510];
	[tilespmem:s7+$0x84A0] =	vst v18;
	v18 =	vmul.f32 v23, v21  }
0x1c2: {  	v41 =	vld [tilespmem:s7+$0x8520];
	[tilespmem:s7+$0x84B0] =	vst v19;
	v19 =	vmul.f32 v24, v21  }
0x1c3: {  	v26 =	vld [tilespmem:s7+$0x8530];
	v42 =	vperm.xlane v17, v2;
	[tilespmem:s7+$0x84C0] =	vst v18;
	v18 =	vmul.f32 v25, v21  }
0x1c4: {  	v43 =	vld [tilespmem:s7+$0x8540];
	[tilespmem:s7+$0x84D0] =	vst v19;
	v19 =	vmul.f32 v38, v21  }
0x1c5: {  	v44 =	vld [tilespmem:s7+$0x8550];
	[tilespmem:s7+$0x84E0] =	vst v18;
	v18 =	vmul.f32 v39, v42  }
0x1c6: {  	v45 =	vld [tilespmem:s7+$0x8560];
	[tilespmem:s7+$0x84F0] =	vst v19;
	v19 =	vmul.f32 v40, v42  }
0x1c7: {  	v46 =	vld [tilespmem:s7+$0x8570];
	[tilespmem:s7+$0x8500] =	vst v18;
	v18 =	vmul.f32 v41, v42  }
0x1c8: {  	v47 =	vld [tilespmem:s7+$0x8580];
	[tilespmem:s7+$0x8510] =	vst v19;
	v19 =	vmul.f32 v26, v42  }
0x1c9: {  	v48 =	vld [tilespmem:s7+$0x8590];
	[tilespmem:s7+$0x8520] =	vst v18;
	v18 =	vmul.f32 v43, v42  }
0x1ca: {  	v49 =	vld [tilespmem:s7+$0x85A0];
	[tilespmem:s7+$0x8530] =	vst v19;
	v19 =	vmul.f32 v44, v42  }
0x1cb: {  	v51 =	vld [tilespmem:s7+$0x85B0];
	v50 =	vperm.xlane v17, v3;
	[tilespmem:s7+$0x8540] =	vst v18;
	v18 =	vmul.f32 v45, v42  }
0x1cc: {  	v52 =	vld [tilespmem:s7+$0x85C0];
	[tilespmem:s7+$0x8550] =	vst v19;
	v19 =	vmul.f32 v46, v42  }
0x1cd: {  	v53 =	vld [tilespmem:s7+$0x85D0];
	[tilespmem:s7+$0x8560] =	vst v18;
	v18 =	vmul.f32 v47, v50  }
0x1ce: {  	v54 =	vld [tilespmem:s7+$0x85E0];
	[tilespmem:s7+$0x8570] =	vst v19;
	v19 =	vmul.f32 v48, v50  }
0x1cf: {  	v55 =	vld [tilespmem:s7+$0x85F0];
	[tilespmem:s7+$0x8580] =	vst v18;
	v18 =	vmul.f32 v49, v50  }
0x1d0: {  	v56 =	vld [tilespmem:s7+$0x8600];
	[tilespmem:s7+$0x8590] =	vst v19;
	v19 =	vmul.f32 v51, v50  }
0x1d1: {  	v57 =	vld [tilespmem:s7+$0x8610];
	[tilespmem:s7+$0x85A0] =	vst v18;
	v18 =	vmul.f32 v52, v50  }
0x1d2: {  	v58 =	vld [tilespmem:s7+$0x8620];
	[tilespmem:s7+$0x85B0] =	vst v19;
	v19 =	vmul.f32 v53, v50  }
0x1d3: {  	v60 =	vld [tilespmem:s7+$0x8630];
	v59 =	vperm.xlane v17, v4;
	[tilespmem:s7+$0x85C0] =	vst v18;
	v18 =	vmul.f32 v54, v50  }
0x1d4: {  	v61 =	vld [tilespmem:s7+$0x8640];
	[tilespmem:s7+$0x85D0] =	vst v19;
	v19 =	vmul.f32 v55, v50  }
0x1d5: {  	v62 =	vld [tilespmem:s7+$0x8650];
	[tilespmem:s7+$0x85E0] =	vst v18;
	v18 =	vmul.f32 v56, v59  }
0x1d6: {  	v63 =	vld [tilespmem:s7+$0x8660];
	[tilespmem:s7+$0x85F0] =	vst v19;
	v19 =	vmul.f32 v57, v59  }
0x1d7: {  	v28 =	vld [tilespmem:s7+$0x8670];
	[tilespmem:s7+$0x8600] =	vst v18;
	v18 =	vmul.f32 v58, v59  }
0x1d8: {  	v29 =	vld [tilespmem:s7+$0x8680];
	[tilespmem:s7+$0x8610] =	vst v19;
	v19 =	vmul.f32 v60, v59  }
0x1d9: {  	v30 =	vld [tilespmem:s7+$0x8690];
	[tilespmem:s7+$0x8620] =	vst v18;
	v18 =	vmul.f32 v61, v59  }
0x1da: {  	v31 =	vld [tilespmem:s7+$0x86A0];
	[tilespmem:s7+$0x8630] =	vst v19;
	v19 =	vmul.f32 v62, v59  }
0x1db: {  	v33 =	vld [tilespmem:s7+$0x86B0];
	v32 =	vperm.xlane v17, v5;
	[tilespmem:s7+$0x8640] =	vst v18;
	v18 =	vmul.f32 v63, v59  }
0x1dc: {  	v34 =	vld [tilespmem:s7+$0x86C0];
	[tilespmem:s7+$0x8650] =	vst v19;
	v19 =	vmul.f32 v28, v59  }
0x1dd: {  	v35 =	vld [tilespmem:s7+$0x86D0];
	[tilespmem:s7+$0x8660] =	vst v18;
	v18 =	vmul.f32 v29, v32  }
0x1de: {  	v36 =	vld [tilespmem:s7+$0x86E0];
	[tilespmem:s7+$0x8670] =	vst v19;
	v19 =	vmul.f32 v30, v32  }
0x1df: {  	v37 =	vld [tilespmem:s7+$0x86F0];
	[tilespmem:s7+$0x8680] =	vst v18;
	v18 =	vmul.f32 v31, v32  }
0x1e0: {  	v38 =	vld [tilespmem:s7+$0x8700];
	[tilespmem:s7+$0x8690] =	vst v19;
	v19 =	vmul.f32 v33, v32  }
0x1e1: {  	v39 =	vld [tilespmem:s7+$0x8710];
	[tilespmem:s7+$0x86A0] =	vst v18;
	v18 =	vmul.f32 v34, v32  }
0x1e2: {  	v40 =	vld [tilespmem:s7+$0x8720];
	[tilespmem:s7+$0x86B0] =	vst v19;
	v19 =	vmul.f32 v35, v32  }
0x1e3: {  	v41 =	vperm.xlane v17, v6;
	v42 =	vld [tilespmem:s7+$0x8730];
	[tilespmem:s7+$0x86C0] =	vst v18;
	v18 =	vmul.f32 v36, v32  }
0x1e4: {  	v43 =	vld [tilespmem:s7+$0x8740];
	[tilespmem:s7+$0x86D0] =	vst v19;
	v19 =	vmul.f32 v37, v32  }
0x1e5: {  	v44 =	vld [tilespmem:s7+$0x8750];
	[tilespmem:s7+$0x86E0] =	vst v18;
	v18 =	vmul.f32 v38, v41  }
0x1e6: {  	v45 =	vld [tilespmem:s7+$0x8760];
	[tilespmem:s7+$0x86F0] =	vst v19;
	v19 =	vmul.f32 v39, v41  }
0x1e7: {  	v46 =	vld [tilespmem:s7+$0x8770];
	[tilespmem:s7+$0x8700] =	vst v18;
	v18 =	vmul.f32 v40, v41  }
0x1e8: {  	v47 =	vld [tilespmem:s7+$0x8780];
	[tilespmem:s7+$0x8710] =	vst v19;
	v19 =	vmul.f32 v42, v41  }
0x1e9: {  	v48 =	vld [tilespmem:s7+$0x8790];
	[tilespmem:s7+$0x8720] =	vst v18;
	v18 =	vmul.f32 v43, v41  }
0x1ea: {  	v49 =	vld [tilespmem:s7+$0x87A0];
	[tilespmem:s7+$0x8730] =	vst v19;
	v19 =	vmul.f32 v44, v41  }
0x1eb: {  	v51 =	vld [tilespmem:s7+$0x87B0];
	v50 =	vperm.xlane v17, v7;
	[tilespmem:s7+$0x8740] =	vst v18;
	v18 =	vmul.f32 v45, v41  }
0x1ec: {  	v52 =	vld [tilespmem:s7+$0x87C0];
	[tilespmem:s7+$0x8750] =	vst v19;
	v19 =	vmul.f32 v46, v41  }
0x1ed: {  	v53 =	vld [tilespmem:s7+$0x87D0];
	[tilespmem:s7+$0x8760] =	vst v18;
	v18 =	vmul.f32 v47, v50  }
0x1ee: {  	v54 =	vld [tilespmem:s7+$0x87E0];
	[tilespmem:s7+$0x8770] =	vst v19;
	v19 =	vmul.f32 v48, v50  }
0x1ef: {  	v55 =	vld [tilespmem:s7+$0x87F0];
	[tilespmem:s7+$0x8780] =	vst v18;
	v18 =	vmul.f32 v49, v50  }
0x1f0: {  	v56 =	vld [tilespmem:s7+$0x8800];
	[tilespmem:s7+$0x8790] =	vst v19;
	v19 =	vmul.f32 v51, v50  }
0x1f1: {  	v57 =	vld [tilespmem:s7+$0x8810];
	[tilespmem:s7+$0x87A0] =	vst v18;
	v18 =	vmul.f32 v52, v50  }
0x1f2: {  	v58 =	vld [tilespmem:s7+$0x8820];
	[tilespmem:s7+$0x87B0] =	vst v19;
	v19 =	vmul.f32 v53, v50  }
0x1f3: {  	v60 =	vld [tilespmem:s7+$0x8830];
	v59 =	vperm.xlane v17, v8;
	[tilespmem:s7+$0x87C0] =	vst v18;
	v18 =	vmul.f32 v54, v50  }
0x1f4: {  	v61 =	vld [tilespmem:s7+$0x8840];
	[tilespmem:s7+$0x87D0] =	vst v19;
	v19 =	vmul.f32 v55, v50  }
0x1f5: {  	v62 =	vld [tilespmem:s7+$0x8850];
	[tilespmem:s7+$0x87E0] =	vst v18;
	v18 =	vmul.f32 v56, v59  }
0x1f6: {  	v63 =	vld [tilespmem:s7+$0x8860];
	[tilespmem:s7+$0x87F0] =	vst v19;
	v19 =	vmul.f32 v57, v59  }
0x1f7: {  	v28 =	vld [tilespmem:s7+$0x8870];
	[tilespmem:s7+$0x8800] =	vst v18;
	v18 =	vmul.f32 v58, v59  }
0x1f8: {  	v29 =	vld [tilespmem:s7+$0x8880];
	[tilespmem:s7+$0x8810] =	vst v19;
	v19 =	vmul.f32 v60, v59  }
0x1f9: {  	v30 =	vld [tilespmem:s7+$0x8890];
	[tilespmem:s7+$0x8820] =	vst v18;
	v18 =	vmul.f32 v61, v59  }
0x1fa: {  	v31 =	vld [tilespmem:s7+$0x88A0];
	[tilespmem:s7+$0x8830] =	vst v19;
	v19 =	vmul.f32 v62, v59  }
0x1fb: {  	v33 =	vld [tilespmem:s7+$0x88B0];
	v32 =	vperm.xlane v17, v9;
	[tilespmem:s7+$0x8840] =	vst v18;
	v18 =	vmul.f32 v63, v59  }
0x1fc: {  	v34 =	vld [tilespmem:s7+$0x88C0];
	[tilespmem:s7+$0x8850] =	vst v19;
	v19 =	vmul.f32 v28, v59  }
0x1fd: {  	v35 =	vld [tilespmem:s7+$0x88D0];
	[tilespmem:s7+$0x8860] =	vst v18;
	v18 =	vmul.f32 v29, v32  }
0x1fe: {  	v36 =	vld [tilespmem:s7+$0x88E0];
	[tilespmem:s7+$0x8870] =	vst v19;
	v19 =	vmul.f32 v30, v32  }
0x1ff: {  	v37 =	vld [tilespmem:s7+$0x88F0];
	[tilespmem:s7+$0x8880] =	vst v18;
	v18 =	vmul.f32 v31, v32  }
0x200: {  	v38 =	vld [tilespmem:s7+$0x8900];
	[tilespmem:s7+$0x8890] =	vst v19;
	v19 =	vmul.f32 v33, v32  }
0x201: {  	v39 =	vld [tilespmem:s7+$0x8910];
	[tilespmem:s7+$0x88A0] =	vst v18;
	v18 =	vmul.f32 v34, v32  }
0x202: {  	v40 =	vld [tilespmem:s7+$0x8920];
	[tilespmem:s7+$0x88B0] =	vst v19;
	v19 =	vmul.f32 v35, v32  }
0x203: {  	v42 =	vld [tilespmem:s7+$0x8930];
	v41 =	vperm.xlane v17, v10;
	[tilespmem:s7+$0x88C0] =	vst v18;
	v18 =	vmul.f32 v36, v32  }
0x204: {  	v43 =	vld [tilespmem:s7+$0x8940];
	[tilespmem:s7+$0x88D0] =	vst v19;
	v19 =	vmul.f32 v37, v32  }
0x205: {  	v44 =	vld [tilespmem:s7+$0x8950];
	[tilespmem:s7+$0x88E0] =	vst v18;
	v18 =	vmul.f32 v38, v41  }
0x206: {  	v45 =	vld [tilespmem:s7+$0x8960];
	[tilespmem:s7+$0x88F0] =	vst v19;
	v19 =	vmul.f32 v39, v41  }
0x207: {  	v46 =	vld [tilespmem:s7+$0x8970];
	[tilespmem:s7+$0x8900] =	vst v18;
	v18 =	vmul.f32 v40, v41  }
0x208: {  	v47 =	vld [tilespmem:s7+$0x8980];
	[tilespmem:s7+$0x8910] =	vst v19;
	v19 =	vmul.f32 v42, v41  }
0x209: {  	v48 =	vld [tilespmem:s7+$0x8990];
	[tilespmem:s7+$0x8920] =	vst v18;
	v18 =	vmul.f32 v43, v41  }
0x20a: {  	v49 =	vld [tilespmem:s7+$0x89A0];
	[tilespmem:s7+$0x8930] =	vst v19;
	v19 =	vmul.f32 v44, v41  }
0x20b: {  	v51 =	vld [tilespmem:s7+$0x89B0];
	v50 =	vperm.xlane v17, v11;
	[tilespmem:s7+$0x8940] =	vst v18;
	v18 =	vmul.f32 v45, v41  }
0x20c: {  	v52 =	vld [tilespmem:s7+$0x89C0];
	[tilespmem:s7+$0x8950] =	vst v19;
	v19 =	vmul.f32 v46, v41  }
0x20d: {  	v53 =	vld [tilespmem:s7+$0x89D0];
	[tilespmem:s7+$0x8960] =	vst v18;
	v18 =	vmul.f32 v47, v50  }
0x20e: {  	v54 =	vld [tilespmem:s7+$0x89E0];
	[tilespmem:s7+$0x8970] =	vst v19;
	v19 =	vmul.f32 v48, v50  }
0x20f: {  	v55 =	vld [tilespmem:s7+$0x89F0];
	[tilespmem:s7+$0x8980] =	vst v18;
	v18 =	vmul.f32 v49, v50  }
0x210: {  	v56 =	vld [tilespmem:s7+$0x8A00];
	[tilespmem:s7+$0x8990] =	vst v19;
	v19 =	vmul.f32 v51, v50  }
0x211: {  	v57 =	vld [tilespmem:s7+$0x8A10];
	[tilespmem:s7+$0x89A0] =	vst v18;
	v18 =	vmul.f32 v52, v50  }
0x212: {  	v58 =	vld [tilespmem:s7+$0x8A20];
	[tilespmem:s7+$0x89B0] =	vst v19;
	v19 =	vmul.f32 v53, v50  }
0x213: {  	v60 =	vld [tilespmem:s7+$0x8A30];
	v59 =	vperm.xlane v17, v12;
	[tilespmem:s7+$0x89C0] =	vst v18;
	v18 =	vmul.f32 v54, v50  }
0x214: {  	v61 =	vld [tilespmem:s7+$0x8A40];
	[tilespmem:s7+$0x89D0] =	vst v19;
	v19 =	vmul.f32 v55, v50  }
0x215: {  	v62 =	vld [tilespmem:s7+$0x8A50];
	[tilespmem:s7+$0x89E0] =	vst v18;
	v18 =	vmul.f32 v56, v59  }
0x216: {  	v63 =	vld [tilespmem:s7+$0x8A60];
	[tilespmem:s7+$0x89F0] =	vst v19;
	v19 =	vmul.f32 v57, v59  }
0x217: {  	v28 =	vld [tilespmem:s7+$0x8A70];
	[tilespmem:s7+$0x8A00] =	vst v18;
	v18 =	vmul.f32 v58, v59  }
0x218: {  	v29 =	vld [tilespmem:s7+$0x8A80];
	[tilespmem:s7+$0x8A10] =	vst v19;
	v19 =	vmul.f32 v60, v59  }
0x219: {  	v30 =	vld [tilespmem:s7+$0x8A90];
	[tilespmem:s7+$0x8A20] =	vst v18;
	v18 =	vmul.f32 v61, v59  }
0x21a: {  	v31 =	vld [tilespmem:s7+$0x8AA0];
	[tilespmem:s7+$0x8A30] =	vst v19;
	v19 =	vmul.f32 v62, v59  }
0x21b: {  	v33 =	vld [tilespmem:s7+$0x8AB0];
	v32 =	vperm.xlane v17, v13;
	[tilespmem:s7+$0x8A40] =	vst v18;
	v18 =	vmul.f32 v63, v59  }
0x21c: {  	v34 =	vld [tilespmem:s7+$0x8AC0];
	[tilespmem:s7+$0x8A50] =	vst v19;
	v19 =	vmul.f32 v28, v59  }
0x21d: {  	v35 =	vld [tilespmem:s7+$0x8AD0];
	[tilespmem:s7+$0x8A60] =	vst v18;
	v18 =	vmul.f32 v29, v32  }
0x21e: {  	v36 =	vld [tilespmem:s7+$0x8AE0];
	[tilespmem:s7+$0x8A70] =	vst v19;
	v19 =	vmul.f32 v30, v32  }
0x21f: {  	v37 =	vld [tilespmem:s7+$0x8AF0];
	[tilespmem:s7+$0x8A80] =	vst v18;
	v18 =	vmul.f32 v31, v32  }
0x220: {  	v38 =	vld [tilespmem:s7+$0x8B00];
	[tilespmem:s7+$0x8A90] =	vst v19;
	v19 =	vmul.f32 v33, v32  }
0x221: {  	v39 =	vld [tilespmem:s7+$0x8B10];
	[tilespmem:s7+$0x8AA0] =	vst v18;
	v18 =	vmul.f32 v34, v32  }
0x222: {  	v40 =	vld [tilespmem:s7+$0x8B20];
	[tilespmem:s7+$0x8AB0] =	vst v19;
	v19 =	vmul.f32 v35, v32  }
0x223: {  	v42 =	vld [tilespmem:s7+$0x8B30];
	v41 =	vperm.xlane v17, v14;
	[tilespmem:s7+$0x8AC0] =	vst v18;
	v18 =	vmul.f32 v36, v32  }
0x224: {  	v43 =	vld [tilespmem:s7+$0x8B40];
	[tilespmem:s7+$0x8AD0] =	vst v19;
	v19 =	vmul.f32 v37, v32  }
0x225: {  	v44 =	vld [tilespmem:s7+$0x8B50];
	[tilespmem:s7+$0x8AE0] =	vst v18;
	v18 =	vmul.f32 v38, v41  }
0x226: {  	v45 =	vld [tilespmem:s7+$0x8B60];
	[tilespmem:s7+$0x8AF0] =	vst v19;
	v19 =	vmul.f32 v39, v41  }
0x227: {  	v46 =	vld [tilespmem:s7+$0x8B70];
	[tilespmem:s7+$0x8B00] =	vst v18;
	v18 =	vmul.f32 v40, v41  }
0x228: {  	v47 =	vld [tilespmem:s7+$0x8B80];
	[tilespmem:s7+$0x8B10] =	vst v19;
	v19 =	vmul.f32 v42, v41  }
0x229: {  	v48 =	vld [tilespmem:s7+$0x8B90];
	[tilespmem:s7+$0x8B20] =	vst v18;
	v18 =	vmul.f32 v43, v41  }
0x22a: {  	v49 =	vld [tilespmem:s7+$0x8BA0];
	[tilespmem:s7+$0x8B30] =	vst v19;
	v19 =	vmul.f32 v44, v41  }
0x22b: {  	v51 =	vld [tilespmem:s7+$0x8BB0];
	v50 =	vperm.xlane v17, v15;
	[tilespmem:s7+$0x8B40] =	vst v18;
	v18 =	vmul.f32 v45, v41  }
0x22c: {  	v52 =	vld [tilespmem:s7+$0x8BC0];
	[tilespmem:s7+$0x8B50] =	vst v19;
	v19 =	vmul.f32 v46, v41  }
0x22d: {  	v53 =	vld [tilespmem:s7+$0x8BD0];
	[tilespmem:s7+$0x8B60] =	vst v18;
	v18 =	vmul.f32 v47, v50  }
0x22e: {  	v54 =	vld [tilespmem:s7+$0x8BE0];
	[tilespmem:s7+$0x8B70] =	vst v19;
	v19 =	vmul.f32 v48, v50  }
0x22f: {  	v55 =	vld [tilespmem:s7+$0x8BF0];
	[tilespmem:s7+$0x8B80] =	vst v18;
	v18 =	vmul.f32 v49, v50  }
0x230: {  	v56 =	vld [tilespmem:s7+$0x8C00];
	[tilespmem:s7+$0x8B90] =	vst v19;
	v19 =	vmul.f32 v51, v50  }
0x231: {  	v57 =	vld [tilespmem:s7+$0x8C10];
	[tilespmem:s7+$0x8BA0] =	vst v18;
	v18 =	vmul.f32 v52, v50  }
0x232: {  	v58 =	vld [tilespmem:s7+$0x8C20];
	[tilespmem:s7+$0x8BB0] =	vst v19;
	v19 =	vmul.f32 v53, v50  }
0x233: {  	v17 =	vperm.xlane v17, v16;
	v59 =	vld [tilespmem:s7+$0x8C30];
	[tilespmem:s7+$0x8BC0] =	vst v18;
	v18 =	vmul.f32 v54, v50  }
0x234: {  	v60 =	vld [tilespmem:s7+$0x8C40];
	[tilespmem:s7+$0x8BD0] =	vst v19;
	v19 =	vmul.f32 v55, v50  }
0x235: {  	v61 =	vld [tilespmem:s7+$0x8C50];
	[tilespmem:s7+$0x8BE0] =	vst v18;
	v18 =	vmul.f32 v56, v17  }
0x236: {  	v62 =	vld [tilespmem:s7+$0x8C60];
	[tilespmem:s7+$0x8BF0] =	vst v19;
	v19 =	vmul.f32 v57, v17  }
0x237: {  	v63 =	vld [tilespmem:s7+$0x8C70];
	[tilespmem:s7+$0x8C00] =	vst v18;
	v18 =	vmul.f32 v58, v17  }
0x238: {  	[tilespmem:s7+$0x8C10] =	vst v19;
	v19 =	vmul.f32 v59, v17  }
0x239: {  	p0 =	sne.s32 s14, $0x7;
	[tilespmem:s7+$0x8C20] =	vst v18;
	v18 =	vmul.f32 v60, v17  }
.Ltmp3:
0x23a: {  	[tilespmem:s7+$0x8C30] =	vst v19;
	v19 =	vmul.f32 v61, v17;
	(pc) =	sbr.rel @p0 .LBB2_9-.Ltmp3, $4  }
0x23b: {  	[tilespmem:s7+$0x8C40] =	vst v18;
	v18 =	vmul.f32 v62, v17  }
0x23c: {  	[tilespmem:s7+$0x8C50] =	vst v19;
	v17 =	vmul.f32 v63, v17  }
0x23d: {  	[tilespmem:s7+$0x8C60] =	vst v18  }
0x23e: {  	s14 =	sadd.s32 $0x1, s14;
	[tilespmem:s7+$0x8C70] =	vst v17  }
0x23f: {  	s13 =	sadd.s32 $0x1, s13  }
0x240: {  	p0 =	sne.s32 s13, $0xE  }
.Ltmp4:
0x241: {  	_ = 	snop;
	(pc) =	sbr.rel @p0 .LBB2_4-.Ltmp4, $4  }
0x242: {  	_ =	strace $0x90000052  }
0x243: {  	_ =	strace $0x80000053  }
0x244: {  	[spmem:s2] =	stream.indirect.scatter.add.f32 [tilespmem:s11], [sflag:$0xC], $0x80, s12, s23, $0x2000b8;
	[tilespmem:$0x14480] =	vst v63  }
0x245: {  	_ =	strace $0x90000053  }
0x246: {  	s7 =	simm.s32 $0xB  }
0x247: {  	_ =	swait.ge [sflag:s7], $0x4000  }
0x248: {  	[sflag:s7] =	ssyncset.done $0x0  }
0x249: {  	s15 =	simm.s32 $0xC;
	[sflag:s7] =	ssyncadd.s32 $0xFFFFC000  }
0x24a: {  	_ =	swait.ge [sflag:s15], $0x4000  }
0x24b: {  	[sflag:s15] =	ssyncset.done $0x0  }
0x24c: {  	[sflag:s15] =	ssyncadd.s32 $0xFFFFC000  }
0x24d: {  	s20 =	stileid.u32;
	[bflag:$0x0] =	sbarrier.arrive $0xFFFF  }
0x24e: {  	s7 =	sshll.u32 s20, $0x6;
	s14 =	rddreg [dreg:$0x8]  }
0x24f: {  	s7 =	sor.u32 $0x1C0D, s7;
	s15 =	rddreg [dreg:$0xc];
	s13 =	sshrl.u32 s14, $0x3  }
0x250: {  	[hbm:s15], [sflag:s7] =	dma.local [spmem:s13], $0x1000  }
0x251: {  	s15 =	simm.s32 $0xD  }
0x252: {  	_ =	swait.ge [sflag:s15], $0x1000  }
0x253: {  	s24 =	rddreg [dreg:$0xe]  }
0x254: {  	s31 =	rddreg [dreg:$0xd];
	s13 =	sadd.s32 $0x1, s24  }
0x255: {  	p0 =	sne.s32 s13, s31  }
.Ltmp5:
0x256: {  	_ = 	snop;
	(pc) =	sbr.rel @p0 .LBB2_1-.Ltmp5, $3  }
0x257: {  	_ =	sdelay $0x1  }
0x258: {  	[sflag:s15] =	ssyncset.done $0x0  }
0x259: {  	[sflag:s15] =	ssyncadd.s32 $0xFFFFF000  }
0x25a: {  	_ =	sfence.sel $0x180000  }
0x25b: {  	[bflag:$0x0] =	sbarrier.arrive $0xFFFF  }
0x25c: {  	_ =	strace $0x90000047  }
0x25d: {  	s0 =	stileid.u32;
	[bflag:$0x2] =	sbarrier.arrive $0xFFFF  }
0x25e: {  	p0 =	sne.s32 s0, $0x0;
	s0 =	rddreg [dreg:$0x3]  }
0x25f: {  	s0 =	sadd.s32 @!p0 $0x100000, s0  }
0x260: {  	[sflag:s0] =	ssyncadd.tile.s32 @!p0 $0x1;
	_ =	shalt  }
.Lfunc_end2:
_tile_overlayer_lowered:
.L_overlay_start_2:
0x261: {  	(tag) =	ssettag $0x2  }
0x262: {  	s0 =	rddreg [dreg:$0x0];
	s2 =	stileid.u32  }
0x263: {  	s1 =	rddreg [dreg:$0x1];
	p0 =	sne.s32 s2, $0x0  }
0x264: {  	s3 =	rddreg [dreg:$0x2];
	[bflag:$0x3] =	sbarrier.arrive $0xFFFF;
	s2 =	simm.s32 @!p0 $0x1C0D  }
0x265: {  	[timem:s3], [sflag:s2] =	dma.local @!p0 [hbm:s0], s1  }
0x266: {  	s0 =	simm.s32 @!p0 $0xD  }
0x267: {  	_ =	swait.ge @!p0 [sflag:s0], s1  }
0x268: {  	s1 =	ssub.s32 @!p0 $0x0, s1;
	[sflag:s0] =	ssyncset.done @!p0 $0x0  }
0x269: {  	[sflag:s0] =	ssyncadd.s32 @!p0 s1  }
0x26a: {  	[bflag:$0x3] =	sbarrier.arrive $0xFFFF  }
0x26b: {  	_ =	shalt  }

</sc_bundles>
